<compile_context>
chip_gen: v7x
topology: tpu7x:2x2x1
jax: 0.10.2.dev20260603
libtpu: 0.0.44.dev20260713+nightly
codegen_flags: <defaults>
</compile_context>

<pallas_src>
import functools

import jax
import jax.numpy as jnp
from jax import lax
from jax.experimental import pallas as pl
from jax.experimental.pallas import tpu as pltpu
from jax.experimental.pallas import tpu_sc as plsc

N = 10000
E = 160000
DEG = 16
NH = 128
IN = 4

NC = 2
NS = 16
NW = NC * NS

EPW = E // NW
S1_C = 488
S1_CHUNKS = [(i * S1_C, S1_C) for i in range(EPW // S1_C)]
if EPW % S1_C:
    S1_CHUNKS.append((EPW - EPW % S1_C, EPW % S1_C))

_sc_mesh = plsc.VectorSubcoreMesh(core_axis_name="c", subcore_axis_name="s")


@functools.partial(
    pl.kernel,
    out_type=jax.ShapeDtypeStruct((E, NH), jnp.float32),
    mesh=_sc_mesh,
    scratch_types=[
        pltpu.VMEM((S1_C,), jnp.int32),
        pltpu.VMEM((S1_C,), jnp.int32),
        pltpu.VMEM((S1_C,), jnp.int32),
        pltpu.VMEM((S1_C,), jnp.int32),
        pltpu.VMEM((S1_C, NH), jnp.float32),
        pltpu.VMEM((S1_C, NH), jnp.float32),
        pltpu.SemaphoreType.DMA,
        pltpu.SemaphoreType.DMA,
        pltpu.SemaphoreType.DMA,
        pltpu.SemaphoreType.DMA,
        pltpu.SemaphoreType.DMA,
        pltpu.SemaphoreType.DMA,
    ],
)
def _s1_gather(a_hbm, b_hbm, recv_hbm, send_hbm, out_hbm,
               idx_r0, idx_r1, idx_s0, idx_s1, rows0, rows1,
               si0, si1, sg0, sg1, so0, so1):
    wid = lax.axis_index("s") * NC + lax.axis_index("c")
    base = wid * EPW
    idx_r = (idx_r0, idx_r1)
    idx_s = (idx_s0, idx_s1)
    rows = (rows0, rows1)
    si = (si0, si1)
    sg = (sg0, sg1)
    so = (so0, so1)
    nck = len(S1_CHUNKS)
    d_i = [None] * nck
    d_g = [None] * nck
    d_o = [None] * nck

    def issue_idx(j, s):
        off, c = S1_CHUNKS[j]
        return (
            pltpu.async_copy(recv_hbm.at[pl.ds(base + off, c)],
                             idx_r[s].at[pl.ds(0, c)], si[s]),
            pltpu.async_copy(send_hbm.at[pl.ds(base + off, c)],
                             idx_s[s].at[pl.ds(0, c)], si[s]),
        )

    for j in range(nck):
        s = j % 2
        s2 = 1 - s
        cj = S1_CHUNKS[j][1]
        if j == 0:
            d_i[0] = issue_idx(0, 0)
            d_i[0][0].wait()
            d_i[0][1].wait()
            d_g[0] = pltpu.async_copy(
                a_hbm.at[idx_r[0].at[pl.ds(0, cj)]],
                rows[0].at[pl.ds(0, cj)], sg[0])
            if nck > 1:
                d_i[1] = issue_idx(1, 1)
        d_g[j].wait()
        d_h = pltpu.async_copy(
            b_hbm.at[idx_s[s].at[pl.ds(0, cj)]],
            rows[s].at[pl.ds(0, cj)], sg[s], add=True)
        if j + 1 < nck:
            cn = S1_CHUNKS[j + 1][1]
            if j >= 1:
                d_o[j - 1].wait()
            d_i[j + 1][0].wait()
            d_i[j + 1][1].wait()
            d_g[j + 1] = pltpu.async_copy(
                a_hbm.at[idx_r[s2].at[pl.ds(0, cn)]],
                rows[s2].at[pl.ds(0, cn)], sg[s2])
        d_h.wait()
        if j + 2 < len(S1_CHUNKS):
            d_i[j + 2] = issue_idx(j + 2, s)
        off = S1_CHUNKS[j][0]
        d_o[j] = pltpu.async_copy(
            rows[s].at[pl.ds(0, cj)],
            out_hbm.at[pl.ds(base + off, cj)], so[s])
    if nck >= 2:
        d_o[nck - 2].wait()
    d_o[nck - 1].wait()


NPAD = 10240
NPW = NPAD // NW
S2_Q = 4
S2_QN = NPW // S2_Q


@functools.partial(
    pl.kernel,
    out_type=jax.ShapeDtypeStruct((NPAD, NH), jnp.float32),
    mesh=_sc_mesh,
    scratch_types=[
        pltpu.VMEM((DEG * NPW,), jnp.int32),
        pltpu.VMEM((NPW, NH), jnp.float32),
        pltpu.SemaphoreType.DMA,
        pltpu.SemaphoreType.DMA,
        pltpu.SemaphoreType.DMA,
        pltpu.SemaphoreType.DMA,
    ],
)
def _s2_aggregate(msgs_hbm, e2nw_hbm, out_hbm,
                  idx2, acc, sq0, sq1, sq2, sq3):
    wid = lax.axis_index("s") * NC + lax.axis_index("c")
    nbase = wid * NPW
    sq = (sq0, sq1, sq2, sq3)
    pltpu.sync_copy(e2nw_hbm.at[pl.ds(wid * DEG * NPW, DEG * NPW)], idx2)
    d_prev = [None] * S2_Q
    for k in range(DEG):
        for q in range(S2_Q):
            if k > 0:
                d_prev[q].wait()
            d_prev[q] = pltpu.async_copy(
                msgs_hbm.at[idx2.at[pl.ds(k * NPW + q * S2_QN, S2_QN)]],
                acc.at[pl.ds(q * S2_QN, S2_QN)], sq[q], add=(k > 0))
    for q in range(S2_Q):
        d_prev[q].wait()
    pltpu.sync_copy(acc, out_hbm.at[pl.ds(nbase, NPW)])


P1_BN = 400


def _p1_body(h_ref, w1rT_ref, w1sT_ref, b1_ref, a_ref, b_ref):
    h = h_ref[...]
    a_ref[...] = jnp.dot(h, w1rT_ref[...], preferred_element_type=jnp.float32)
    b_ref[...] = jnp.dot(h, w1sT_ref[...], preferred_element_type=jnp.float32) + b1_ref[...]


def _p1(h, w1rT, w1sT, b1):
    grid = N // P1_BN
    return pl.pallas_call(
        _p1_body,
        grid=(grid,),
        in_specs=[
            pl.BlockSpec((P1_BN, NH), lambda i: (i, 0)),
            pl.BlockSpec((NH, NH), lambda i: (0, 0)),
            pl.BlockSpec((NH, NH), lambda i: (0, 0)),
            pl.BlockSpec((1, NH), lambda i: (0, 0)),
        ],
        out_specs=[
            pl.BlockSpec((P1_BN, NH), lambda i: (i, 0)),
            pl.BlockSpec((P1_BN, NH), lambda i: (i, 0)),
        ],
        out_shape=[
            jax.ShapeDtypeStruct((N, NH), jnp.float32),
            jax.ShapeDtypeStruct((N, NH), jnp.float32),
        ],
    )(h, w1rT, w1sT, b1)


P2_BE = 2000


def _p2_body(pre1_ref, e1_ref, w2T_ref, b2_ref, out_ref):
    msg = jnp.tanh(pre1_ref[...])
    msg = jnp.dot(msg, w2T_ref[...], preferred_element_type=jnp.float32) + b2_ref[...]
    out_ref[...] = jnp.tanh(msg) * e1_ref[...]


def _p2(pre1, e1, w2T, b2):
    grid = E // P2_BE
    return pl.pallas_call(
        _p2_body,
        grid=(grid,),
        in_specs=[
            pl.BlockSpec((P2_BE, NH), lambda i: (i, 0)),
            pl.BlockSpec((P2_BE, 1), lambda i: (i, 0)),
            pl.BlockSpec((NH, NH), lambda i: (0, 0)),
            pl.BlockSpec((1, NH), lambda i: (0, 0)),
        ],
        out_specs=pl.BlockSpec((P2_BE, NH), lambda i: (i, 0)),
        out_shape=jax.ShapeDtypeStruct((E, NH), jnp.float32),
    )(pre1, e1, w2T, b2)


P3_BN = 400


def _p3_body(inc_ref, h_ref, x_ref,
             irT_ref, iiT_ref, inT_ref, ib_ref,
             hrT_ref, hiT_ref, hhT_ref,
             o1T_ref, o2T_ref, o3T_ref, ob_ref, ob3_ref,
             newh_ref, pred_ref):
    agg = inc_ref[...] * (1.0 / float(N - 1))
    x = x_ref[...]
    h = h_ref[...]
    inp_r = jnp.dot(x, irT_ref[...], preferred_element_type=jnp.float32) + ib_ref[0, :1, :]
    inp_i = jnp.dot(x, iiT_ref[...], preferred_element_type=jnp.float32) + ib_ref[0, 1:2, :]
    inp_n = jnp.dot(x, inT_ref[...], preferred_element_type=jnp.float32) + ib_ref[0, 2:3, :]
    r = jax.nn.sigmoid(inp_r + jnp.dot(agg, hrT_ref[...], preferred_element_type=jnp.float32))
    ii = jax.nn.sigmoid(inp_i + jnp.dot(agg, hiT_ref[...], preferred_element_type=jnp.float32))
    nn = jnp.tanh(inp_n + r * jnp.dot(agg, hhT_ref[...], preferred_element_type=jnp.float32))
    new_h = (1.0 - ii) * nn + ii * h
    newh_ref[...] = new_h
    p = jax.nn.relu(jnp.dot(new_h, o1T_ref[...], preferred_element_type=jnp.float32) + ob_ref[0, :1, :])
    p = jax.nn.relu(jnp.dot(p, o2T_ref[...], preferred_element_type=jnp.float32) + ob_ref[0, 1:2, :])
    p3 = jnp.dot(p, o3T_ref[...], preferred_element_type=jnp.float32) + ob3_ref[...]
    pred_ref[...] = x + p3


def _p3(incoming, h, x, irT, iiT, inT, ib, hrT, hiT, hhT, o1T, o2T, o3T, ob, ob3):
    grid = N // P3_BN
    full = lambda i: (0, 0)
    return pl.pallas_call(
        _p3_body,
        grid=(grid,),
        in_specs=[
            pl.BlockSpec((P3_BN, NH), lambda i: (i, 0)),
            pl.BlockSpec((P3_BN, NH), lambda i: (i, 0)),
            pl.BlockSpec((P3_BN, IN), lambda i: (i, 0)),
            pl.BlockSpec((IN, NH), full),
            pl.BlockSpec((IN, NH), full),
            pl.BlockSpec((IN, NH), full),
            pl.BlockSpec((1, 3, NH), lambda i: (0, 0, 0)),
            pl.BlockSpec((NH, NH), full),
            pl.BlockSpec((NH, NH), full),
            pl.BlockSpec((NH, NH), full),
            pl.BlockSpec((NH, NH), full),
            pl.BlockSpec((NH, NH), full),
            pl.BlockSpec((NH, IN), full),
            pl.BlockSpec((1, 2, NH), lambda i: (0, 0, 0)),
            pl.BlockSpec((1, IN), full),
        ],
        out_specs=[
            pl.BlockSpec((P3_BN, NH), lambda i: (i, 0)),
            pl.BlockSpec((P3_BN, IN), lambda i: (i, 0)),
        ],
        out_shape=[
            jax.ShapeDtypeStruct((N, NH), jnp.float32),
            jax.ShapeDtypeStruct((N, IN), jnp.float32),
        ],
    )(incoming, h, x, irT, iiT, inT, ib, hrT, hiT, hhT, o1T, o2T, o3T, ob, ob3)


def kernel(inputs, hidden, edges, node_masks, send_edges, recv_edges,
           edge2node_inds,
           msg_fc1_w, msg_fc1_b, msg_fc2_w, msg_fc2_b,
           hidden_r_w, hidden_i_w, hidden_h_w,
           input_r_w, input_r_b, input_i_w, input_i_b, input_n_w, input_n_b,
           out_fc1_w, out_fc1_b, out_fc2_w, out_fc2_b, out_fc3_w, out_fc3_b):
    h = hidden[0]
    x = inputs[0]
    e1 = edges[0, :, 1:2]

    w1rT = jnp.transpose(msg_fc1_w[1][:, :NH])
    w1sT = jnp.transpose(msg_fc1_w[1][:, NH:])
    b1 = msg_fc1_b[1][None, :]
    w2T = jnp.transpose(msg_fc2_w[1])
    b2 = msg_fc2_b[1][None, :]

    a_tab, b_tab = _p1(h, w1rT, w1sT, b1)

    pre1 = _s1_gather(a_tab, b_tab, recv_edges, send_edges)

    msgs = _p2(pre1, e1, w2T, b2)

    e2nw = (jnp.pad(edge2node_inds, ((0, NPAD - N), (0, 0)))
            .T.reshape(DEG, NW, NPW).transpose(1, 0, 2)
            .reshape(-1))
    incoming = _s2_aggregate(msgs, e2nw)

    ib = jnp.stack([input_r_b, input_i_b, input_n_b])[None]
    ob = jnp.stack([out_fc1_b, out_fc2_b])[None]
    new_h, pred = _p3(
        incoming, h, x,
        jnp.transpose(input_r_w), jnp.transpose(input_i_w), jnp.transpose(input_n_w), ib,
        jnp.transpose(hidden_r_w), jnp.transpose(hidden_i_w), jnp.transpose(hidden_h_w),
        jnp.transpose(out_fc1_w), jnp.transpose(out_fc2_w), jnp.transpose(out_fc3_w), ob,
        out_fc3_b[None, :],
    )

    pred_all = pred[None]
    hidden_out = new_h[None]
    return (pred_all, hidden_out)

# --- scband reference (transcript-rebuilt; emitter-appended) ---
"""Pipeline reference for scband-dnri-dynamic-vars-52201032515962 (READ-ONLY COPY).

The authoritative reference and input builder live on the scoring server;
editing this copy changes nothing except your own understanding.
"""

import jax, jax.numpy as jnp
import numpy as np

N = 10000
E = 160000
DEG = 16
NH = 128
IN = 4
ET = 2


def setup_inputs(seed: int = 0) -> dict:
    key = jax.random.key(seed)
    ks = jax.random.split(key, 32)
    s = 0.05
    inp = {}
    inp['inputs'] = jax.random.normal(ks[0], (1, N, IN), dtype=jnp.float32)
    inp['hidden'] = jax.random.normal(ks[1], (1, N, NH), dtype=jnp.float32)
    inp['edges'] = jax.random.uniform(ks[2], (1, E, ET), dtype=jnp.float32)
    inp['node_masks'] = jnp.ones((N,), dtype=jnp.int32)
    inp['send_edges'] = jax.random.randint(ks[3], (E,), 0, N, dtype=jnp.int32)
    inp['recv_edges'] = jnp.sort(jax.random.randint(ks[4], (E,), 0, N, dtype=jnp.int32))
    inp['edge2node_inds'] = jax.random.randint(ks[5], (N, DEG), 0, E, dtype=jnp.int32)
    inp['msg_fc1_w'] = jax.random.normal(ks[6], (ET, NH, 2 * NH), dtype=jnp.float32) * s
    inp['msg_fc1_b'] = jnp.full((ET, NH), 0.1, dtype=jnp.float32)
    inp['msg_fc2_w'] = jax.random.normal(ks[7], (ET, NH, NH), dtype=jnp.float32) * s
    inp['msg_fc2_b'] = jnp.full((ET, NH), 0.1, dtype=jnp.float32)
    inp['hidden_r_w'] = jax.random.normal(ks[8], (NH, NH), dtype=jnp.float32) * s
    inp['hidden_i_w'] = jax.random.normal(ks[9], (NH, NH), dtype=jnp.float32) * s
    inp['hidden_h_w'] = jax.random.normal(ks[10], (NH, NH), dtype=jnp.float32) * s
    inp['input_r_w'] = jax.random.normal(ks[11], (NH, IN), dtype=jnp.float32) * s
    inp['input_r_b'] = jnp.full((NH,), 0.1, dtype=jnp.float32)
    inp['input_i_w'] = jax.random.normal(ks[12], (NH, IN), dtype=jnp.float32) * s
    inp['input_i_b'] = jnp.full((NH,), 0.1, dtype=jnp.float32)
    inp['input_n_w'] = jax.random.normal(ks[13], (NH, IN), dtype=jnp.float32) * s
    inp['input_n_b'] = jnp.full((NH,), 0.1, dtype=jnp.float32)
    inp['out_fc1_w'] = jax.random.normal(ks[14], (NH, NH), dtype=jnp.float32) * s
    inp['out_fc1_b'] = jnp.full((NH,), 0.1, dtype=jnp.float32)
    inp['out_fc2_w'] = jax.random.normal(ks[15], (NH, NH), dtype=jnp.float32) * s
    inp['out_fc2_b'] = jnp.full((NH,), 0.1, dtype=jnp.float32)
    inp['out_fc3_w'] = jax.random.normal(ks[16], (IN, NH), dtype=jnp.float32) * s
    inp['out_fc3_b'] = jnp.full((IN,), 0.1, dtype=jnp.float32)
    return inp


def reference(inputs, hidden, edges, node_masks, send_edges, recv_edges, edge2node_inds,
              msg_fc1_w, msg_fc1_b, msg_fc2_w, msg_fc2_b,
              hidden_r_w, hidden_i_w, hidden_h_w,
              input_r_w, input_r_b, input_i_w, input_i_b, input_n_w, input_n_b,
              out_fc1_w, out_fc1_b, out_fc2_w, out_fc2_b, out_fc3_w, out_fc3_b):
    node_inds = jnp.nonzero(node_masks, size=node_masks.shape[0])[0]
    current_hidden = hidden[:, node_inds]
    current_inputs = inputs[:, node_inds]
    num_vars = current_hidden.shape[1]
    # message passing (skip_first_edge_type=True -> start at edge type 1)
    receivers = current_hidden[:, recv_edges]
    senders = current_hidden[:, send_edges]
    pre_msg = jnp.concatenate([receivers, senders], axis=-1)
    all_msgs = jnp.zeros((pre_msg.shape[0], pre_msg.shape[1], NH), dtype=jnp.float32)
    norm = float(ET) - 1.0
    for i in range(1, ET):
        msg = jnp.tanh(pre_msg @ msg_fc1_w[i].T + msg_fc1_b[i])
        msg = jnp.tanh(msg @ msg_fc2_w[i].T + msg_fc2_b[i])
        msg = msg * edges[:, :, i:i + 1]
        all_msgs = all_msgs + msg / norm
    # gather incoming messages per node and sum over DEG incoming edges
    incoming = jnp.take(all_msgs, edge2node_inds, axis=1).sum(axis=2)
    agg_msgs = incoming / (num_vars - 1)
    # GRU-style update
    inp_r = current_inputs @ input_r_w.T + input_r_b
    inp_i = current_inputs @ input_i_w.T + input_i_b
    inp_n = current_inputs @ input_n_w.T + input_n_b
    r = jax.nn.sigmoid(inp_r + agg_msgs @ hidden_r_w.T)
    ii = jax.nn.sigmoid(inp_i + agg_msgs @ hidden_i_w.T)
    n = jnp.tanh(inp_n + r * (agg_msgs @ hidden_h_w.T))
    new_hidden = (1 - ii) * n + ii * current_hidden
    # output MLP (dropout p=0 -> identity)
    pred = jax.nn.relu(new_hidden @ out_fc1_w.T + out_fc1_b)
    pred = jax.nn.relu(pred @ out_fc2_w.T + out_fc2_b)
    pred = pred @ out_fc3_w.T + out_fc3_b
    pred = current_inputs + pred
    hidden_out = hidden.at[:, node_inds].set(new_hidden)
    pred_all = jnp.zeros((inputs.shape[0], inputs.shape[1], inputs.shape[2]), dtype=jnp.float32)
    pred_all = pred_all.at[0, node_inds].set(pred[0])
    return (pred_all, hidden_out)

if __name__ == "__main__":
    import jax
    _d = setup_inputs()
    print(jax.jit(kernel)(*tuple(_d.values())))

</pallas_src>

<mosaic_0001>
#map = affine_map<(d0, d1) -> (0, 0)>
#map1 = affine_map<(d0, d1) -> (0)>
module attributes {stable_mosaic.version = 14 : i64} {
  func.func @_s1_gather(%arg0: i32, %arg1: i32, %arg2: memref<10000x128xf32, #tpu.memory_space<hbm>>, %arg3: memref<10000x128xf32, #tpu.memory_space<hbm>>, %arg4: memref<160000xi32, #tpu.memory_space<hbm>>, %arg5: memref<160000xi32, #tpu.memory_space<hbm>>, %arg6: memref<160000x128xf32, #tpu.memory_space<hbm>>, %arg7: memref<488xi32, #tpu.memory_space<vmem>>, %arg8: memref<488xi32, #tpu.memory_space<vmem>>, %arg9: memref<488xi32, #tpu.memory_space<vmem>>, %arg10: memref<488xi32, #tpu.memory_space<vmem>>, %arg11: memref<488x128xf32, #tpu.memory_space<vmem>>, %arg12: memref<488x128xf32, #tpu.memory_space<vmem>>, %arg13: memref<!tpu.dma_semaphore, #tpu.memory_space<semaphore_mem>>, %arg14: memref<!tpu.dma_semaphore, #tpu.memory_space<semaphore_mem>>, %arg15: memref<!tpu.dma_semaphore, #tpu.memory_space<semaphore_mem>>, %arg16: memref<!tpu.dma_semaphore, #tpu.memory_space<semaphore_mem>>, %arg17: memref<!tpu.dma_semaphore, #tpu.memory_space<semaphore_mem>>, %arg18: memref<!tpu.dma_semaphore, #tpu.memory_space<semaphore_mem>>) attributes {dimension_semantics = [#tpu.dimension_semantics<core_parallel>, #tpu.dimension_semantics<subcore_parallel>], iteration_bounds = array<i64: 2, 16>, scalar_prefetch = 0 : i64, scratch_operands = 12 : i64, tpu.core_type = #tpu.core_type<sc_vector_subcore>, window_params = [{transform_indices = #map}, {transform_indices = #map}, {transform_indices = #map1}, {transform_indices = #map1}, {transform_indices = #map}]} {
    %mul3A = arith.constant 2 : i32
    %mul3A_0 = arith.muli %arg1, %mul3A : i32
    %add3A = arith.addi %mul3A_0, %arg0 : i32
    %mul3A_1 = arith.constant 5000 : i32
    %mul3A_2 = arith.muli %add3A, %mul3A_1 : i32
    %add3A_3 = arith.constant 0 : i32
    %add3A_4 = arith.addi %mul3A_2, %add3A_3 : i32
    %dma_start3A = arith.constant 0 : i32
    %dma_start3A_5 = tpu.memref_slice %arg7[%dma_start3A] : memref<488xi32, #tpu.memory_space<vmem>> -> memref<488xi32, #tpu.memory_space<vmem>>
    %dma_start3A_6 = tpu.memref_slice %arg4[%add3A_4] : memref<160000xi32, #tpu.memory_space<hbm>> -> memref<488xi32, #tpu.memory_space<hbm>>
    %dma_start3A_7 = arith.constant 0 : i32
    %dma_start3A_8 = tpu.memref_slice %arg7[%dma_start3A_7] : memref<488xi32, #tpu.memory_space<vmem>> -> memref<488xi32, #tpu.memory_space<vmem>>
    %dma_start3A_9 = tpu.memref_slice %arg4[%add3A_4] : memref<160000xi32, #tpu.memory_space<hbm>> -> memref<488xi32, #tpu.memory_space<hbm>>
    tpu.enqueue_dma source(%dma_start3A_9 : memref<488xi32, #tpu.memory_space<hbm>>) target(%dma_start3A_8 : memref<488xi32, #tpu.memory_space<vmem>>) target_semaphore(%arg13 : memref<!tpu.dma_semaphore, #tpu.memory_space<semaphore_mem>>)
    %add3A_10 = arith.constant 0 : i32
    %add3A_11 = arith.addi %mul3A_2, %add3A_10 : i32
    %dma_start3A_12 = arith.constant 0 : i32
    %dma_start3A_13 = tpu.memref_slice %arg9[%dma_start3A_12] : memref<488xi32, #tpu.memory_space<vmem>> -> memref<488xi32, #tpu.memory_space<vmem>>
    %dma_start3A_14 = tpu.memref_slice %arg5[%add3A_11] : memref<160000xi32, #tpu.memory_space<hbm>> -> memref<488xi32, #tpu.memory_space<hbm>>
    %dma_start3A_15 = arith.constant 0 : i32
    %dma_start3A_16 = tpu.memref_slice %arg9[%dma_start3A_15] : memref<488xi32, #tpu.memory_space<vmem>> -> memref<488xi32, #tpu.memory_space<vmem>>
    %dma_start3A_17 = tpu.memref_slice %arg5[%add3A_11] : memref<160000xi32, #tpu.memory_space<hbm>> -> memref<488xi32, #tpu.memory_space<hbm>>
    tpu.enqueue_dma source(%dma_start3A_17 : memref<488xi32, #tpu.memory_space<hbm>>) target(%dma_start3A_16 : memref<488xi32, #tpu.memory_space<vmem>>) target_semaphore(%arg13 : memref<!tpu.dma_semaphore, #tpu.memory_space<semaphore_mem>>)
    %dma_wait3A = arith.constant 0 : i32
    %dma_wait3A_18 = tpu.memref_slice %arg7[%dma_wait3A] : memref<488xi32, #tpu.memory_space<vmem>> -> memref<488xi32, #tpu.memory_space<vmem>>
    %dma_wait3A_19 = tpu.memref_slice %arg4[%add3A_4] : memref<160000xi32, #tpu.memory_space<hbm>> -> memref<488xi32, #tpu.memory_space<hbm>>
    %dma_wait3A_20 = arith.constant 0 : i32
    %dma_wait3A_21 = tpu.memref_slice %arg7[%dma_wait3A_20] : memref<488xi32, #tpu.memory_space<vmem>> -> memref<488xi32, #tpu.memory_space<vmem>>
    %dma_wait3A_22 = tpu.memref_slice %arg4[%add3A_4] : memref<160000xi32, #tpu.memory_space<hbm>> -> memref<488xi32, #tpu.memory_space<hbm>>
    tpu.wait_dma2 semaphore(%arg13 : memref<!tpu.dma_semaphore, #tpu.memory_space<semaphore_mem>>) src(%dma_wait3A_22 : memref<488xi32, #tpu.memory_space<hbm>>) dst(%dma_wait3A_21 : memref<488xi32, #tpu.memory_space<vmem>>)
    %dma_wait3A_23 = arith.constant 0 : i32
    %dma_wait3A_24 = tpu.memref_slice %arg9[%dma_wait3A_23] : memref<488xi32, #tpu.memory_space<vmem>> -> memref<488xi32, #tpu.memory_space<vmem>>
    %dma_wait3A_25 = tpu.memref_slice %arg5[%add3A_11] : memref<160000xi32, #tpu.memory_space<hbm>> -> memref<488xi32, #tpu.memory_space<hbm>>
    %dma_wait3A_26 = arith.constant 0 : i32
    %dma_wait3A_27 = tpu.memref_slice %arg9[%dma_wait3A_26] : memref<488xi32, #tpu.memory_space<vmem>> -> memref<488xi32, #tpu.memory_space<vmem>>
    %dma_wait3A_28 = tpu.memref_slice %arg5[%add3A_11] : memref<160000xi32, #tpu.memory_space<hbm>> -> memref<488xi32, #tpu.memory_space<hbm>>
    tpu.wait_dma2 semaphore(%arg13 : memref<!tpu.dma_semaphore, #tpu.memory_space<semaphore_mem>>) src(%dma_wait3A_28 : memref<488xi32, #tpu.memory_space<hbm>>) dst(%dma_wait3A_27 : memref<488xi32, #tpu.memory_space<vmem>>)
    %dma_start3A_29 = arith.constant 0 : i32
    %dma_start3A_30 = arith.constant 0 : i32
    %dma_start3A_31 = tpu.memref_slice %arg11[%dma_start3A_29, %dma_start3A_30] : memref<488x128xf32, #tpu.memory_space<vmem>> -> memref<488x128xf32, #tpu.memory_space<vmem>>
    %dma_start3A_32 = arith.constant 0 : i32
    %dma_start3A_33 = tpu.memref_slice %arg7[%dma_start3A_32] : memref<488xi32, #tpu.memory_space<vmem>> -> memref<488xi32, #tpu.memory_space<vmem>>
    %dma_start3A_34 = arith.constant 0 : i32
    %dma_start3A_35 = arith.constant 0 : i32
    %dma_start3A_36 = tpu.memref_slice %arg2[%dma_start3A_34, %dma_start3A_35] : memref<10000x128xf32, #tpu.memory_space<hbm>> -> memref<10000x128xf32, #tpu.memory_space<hbm>>
    tpu.enqueue_indirect_dma source(%dma_start3A_36 : memref<10000x128xf32, #tpu.memory_space<hbm>>) target(%dma_start3A_31 : memref<488x128xf32, #tpu.memory_space<vmem>>) offsets(%dma_start3A_33 : memref<488xi32, #tpu.memory_space<vmem>>) semaphore(%arg15 : memref<!tpu.dma_semaphore, #tpu.memory_space<semaphore_mem>>)
    %add3A_37 = arith.constant 488 : i32
    %add3A_38 = arith.addi %mul3A_2, %add3A_37 : i32
    %dma_start3A_39 = arith.constant 0 : i32
    %dma_start3A_40 = tpu.memref_slice %arg8[%dma_start3A_39] : memref<488xi32, #tpu.memory_space<vmem>> -> memref<488xi32, #tpu.memory_space<vmem>>
    %dma_start3A_41 = tpu.memref_slice %arg4[%add3A_38] : memref<160000xi32, #tpu.memory_space<hbm>> -> memref<488xi32, #tpu.memory_space<hbm>>
    %dma_start3A_42 = arith.constant 0 : i32
    %dma_start3A_43 = tpu.memref_slice %arg8[%dma_start3A_42] : memref<488xi32, #tpu.memory_space<vmem>> -> memref<488xi32, #tpu.memory_space<vmem>>
    %dma_start3A_44 = tpu.memref_slice %arg4[%add3A_38] : memref<160000xi32, #tpu.memory_space<hbm>> -> memref<488xi32, #tpu.memory_space<hbm>>
    tpu.enqueue_dma source(%dma_start3A_44 : memref<488xi32, #tpu.memory_space<hbm>>) target(%dma_start3A_43 : memref<488xi32, #tpu.memory_space<vmem>>) target_semaphore(%arg14 : memref<!tpu.dma_semaphore, #tpu.memory_space<semaphore_mem>>)
    %add3A_45 = arith.constant 488 : i32
    %add3A_46 = arith.addi %mul3A_2, %add3A_45 : i32
    %dma_start3A_47 = arith.constant 0 : i32
    %dma_start3A_48 = tpu.memref_slice %arg10[%dma_start3A_47] : memref<488xi32, #tpu.memory_space<vmem>> -> memref<488xi32, #tpu.memory_space<vmem>>
    %dma_start3A_49 = tpu.memref_slice %arg5[%add3A_46] : memref<160000xi32, #tpu.memory_space<hbm>> -> memref<488xi32, #tpu.memory_space<hbm>>
    %dma_start3A_50 = arith.constant 0 : i32
    %dma_start3A_51 = tpu.memref_slice %arg10[%dma_start3A_50] : memref<488xi32, #tpu.memory_space<vmem>> -> memref<488xi32, #tpu.memory_space<vmem>>
    %dma_start3A_52 = tpu.memref_slice %arg5[%add3A_46] : memref<160000xi32, #tpu.memory_space<hbm>> -> memref<488xi32, #tpu.memory_space<hbm>>
    tpu.enqueue_dma source(%dma_start3A_52 : memref<488xi32, #tpu.memory_space<hbm>>) target(%dma_start3A_51 : memref<488xi32, #tpu.memory_space<vmem>>) target_semaphore(%arg14 : memref<!tpu.dma_semaphore, #tpu.memory_space<semaphore_mem>>)
    %dma_wait3A_53 = arith.constant 0 : i32
    %dma_wait3A_54 = arith.constant 0 : i32
    %dma_wait3A_55 = tpu.memref_slice %arg11[%dma_wait3A_53, %dma_wait3A_54] : memref<488x128xf32, #tpu.memory_space<vmem>> -> memref<488x128xf32, #tpu.memory_space<vmem>>
    %dma_wait3A_56 = arith.constant 0 : i32
    %dma_wait3A_57 = tpu.memref_slice %arg7[%dma_wait3A_56] : memref<488xi32, #tpu.memory_space<vmem>> -> memref<488xi32, #tpu.memory_space<vmem>>
    %dma_wait3A_58 = arith.constant 0 : i32
    %dma_wait3A_59 = arith.constant 0 : i32
    %dma_wait3A_60 = tpu.memref_slice %arg2[%dma_wait3A_58, %dma_wait3A_59] : memref<10000x128xf32, #tpu.memory_space<hbm>> -> memref<10000x128xf32, #tpu.memory_space<hbm>>
    tpu.wait_indirect_dma semaphore(%arg15 : memref<!tpu.dma_semaphore, #tpu.memory_space<semaphore_mem>>) src(%dma_wait3A_60 : memref<10000x128xf32, #tpu.memory_space<hbm>>) dst(%dma_wait3A_55 : memref<488x128xf32, #tpu.memory_space<vmem>>)
    %dma_start3A_61 = arith.constant 0 : i32
    %dma_start3A_62 = arith.constant 0 : i32
    %dma_start3A_63 = tpu.memref_slice %arg11[%dma_start3A_61, %dma_start3A_62] : memref<488x128xf32, #tpu.memory_space<vmem>> -> memref<488x128xf32, #tpu.memory_space<vmem>>
    %dma_start3A_64 = arith.constant 0 : i32
    %dma_start3A_65 = tpu.memref_slice %arg9[%dma_start3A_64] : memref<488xi32, #tpu.memory_space<vmem>> -> memref<488xi32, #tpu.memory_space<vmem>>
    %dma_start3A_66 = arith.constant 0 : i32
    %dma_start3A_67 = arith.constant 0 : i32
    %dma_start3A_68 = tpu.memref_slice %arg3[%dma_start3A_66, %dma_start3A_67] : memref<10000x128xf32, #tpu.memory_space<hbm>> -> memref<10000x128xf32, #tpu.memory_space<hbm>>
    tpu.enqueue_indirect_dma source(%dma_start3A_68 : memref<10000x128xf32, #tpu.memory_space<hbm>>) target(%dma_start3A_63 : memref<488x128xf32, #tpu.memory_space<vmem>>) offsets(%dma_start3A_65 : memref<488xi32, #tpu.memory_space<vmem>>) semaphore(%arg15 : memref<!tpu.dma_semaphore, #tpu.memory_space<semaphore_mem>>) {add = true}
    %dma_wait3A_69 = arith.constant 0 : i32
    %dma_wait3A_70 = tpu.memref_slice %arg8[%dma_wait3A_69] : memref<488xi32, #tpu.memory_space<vmem>> -> memref<488xi32, #tpu.memory_space<vmem>>
    %dma_wait3A_71 = tpu.memref_slice %arg4[%add3A_38] : memref<160000xi32, #tpu.memory_space<hbm>> -> memref<488xi32, #tpu.memory_space<hbm>>
    %dma_wait3A_72 = arith.constant 0 : i32
    %dma_wait3A_73 = tpu.memref_slice %arg8[%dma_wait3A_72] : memref<488xi32, #tpu.memory_space<vmem>> -> memref<488xi32, #tpu.memory_space<vmem>>
    %dma_wait3A_74 = tpu.memref_slice %arg4[%add3A_38] : memref<160000xi32, #tpu.memory_space<hbm>> -> memref<488xi32, #tpu.memory_space<hbm>>
    tpu.wait_dma2 semaphore(%arg14 : memref<!tpu.dma_semaphore, #tpu.memory_space<semaphore_mem>>) src(%dma_wait3A_74 : memref<488xi32, #tpu.memory_space<hbm>>) dst(%dma_wait3A_73 : memref<488xi32, #tpu.memory_space<vmem>>)
    %dma_wait3A_75 = arith.constant 0 : i32
    %dma_wait3A_76 = tpu.memref_slice %arg10[%dma_wait3A_75] : memref<488xi32, #tpu.memory_space<vmem>> -> memref<488xi32, #tpu.memory_space<vmem>>
    %dma_wait3A_77 = tpu.memref_slice %arg5[%add3A_46] : memref<160000xi32, #tpu.memory_space<hbm>> -> memref<488xi32, #tpu.memory_space<hbm>>
    %dma_wait3A_78 = arith.constant 0 : i32
    %dma_wait3A_79 = tpu.memref_slice %arg10[%dma_wait3A_78] : memref<488xi32, #tpu.memory_space<vmem>> -> memref<488xi32, #tpu.memory_space<vmem>>
    %dma_wait3A_80 = tpu.memref_slice %arg5[%add3A_46] : memref<160000xi32, #tpu.memory_space<hbm>> -> memref<488xi32, #tpu.memory_space<hbm>>
    tpu.wait_dma2 semaphore(%arg14 : memref<!tpu.dma_semaphore, #tpu.memory_space<semaphore_mem>>) src(%dma_wait3A_80 : memref<488xi32, #tpu.memory_space<hbm>>) dst(%dma_wait3A_79 : memref<488xi32, #tpu.memory_space<vmem>>)
    %dma_start3A_81 = arith.constant 0 : i32
    %dma_start3A_82 = arith.constant 0 : i32
    %dma_start3A_83 = tpu.memref_slice %arg12[%dma_start3A_81, %dma_start3A_82] : memref<488x128xf32, #tpu.memory_space<vmem>> -> memref<488x128xf32, #tpu.memory_space<vmem>>
    %dma_start3A_84 = arith.constant 0 : i32
    %dma_start3A_85 = tpu.memref_slice %arg8[%dma_start3A_84] : memref<488xi32, #tpu.memory_space<vmem>> -> memref<488xi32, #tpu.memory_space<vmem>>
    %dma_start3A_86 = arith.constant 0 : i32
    %dma_start3A_87 = arith.constant 0 : i32
    %dma_start3A_88 = tpu.memref_slice %arg2[%dma_start3A_86, %dma_start3A_87] : memref<10000x128xf32, #tpu.memory_space<hbm>> -> memref<10000x128xf32, #tpu.memory_space<hbm>>
    tpu.enqueue_indirect_dma source(%dma_start3A_88 : memref<10000x128xf32, #tpu.memory_space<hbm>>) target(%dma_start3A_83 : memref<488x128xf32, #tpu.memory_space<vmem>>) offsets(%dma_start3A_85 : memref<488xi32, #tpu.memory_space<vmem>>) semaphore(%arg16 : memref<!tpu.dma_semaphore, #tpu.memory_space<semaphore_mem>>)
    %dma_wait3A_89 = arith.constant 0 : i32
    %dma_wait3A_90 = arith.constant 0 : i32
    %dma_wait3A_91 = tpu.memref_slice %arg11[%dma_wait3A_89, %dma_wait3A_90] : memref<488x128xf32, #tpu.memory_space<vmem>> -> memref<488x128xf32, #tpu.memory_space<vmem>>
    %dma_wait3A_92 = arith.constant 0 : i32
    %dma_wait3A_93 = tpu.memref_slice %arg9[%dma_wait3A_92] : memref<488xi32, #tpu.memory_space<vmem>> -> memref<488xi32, #tpu.memory_space<vmem>>
    %dma_wait3A_94 = arith.constant 0 : i32
    %dma_wait3A_95 = arith.constant 0 : i32
    %dma_wait3A_96 = tpu.memref_slice %arg3[%dma_wait3A_94, %dma_wait3A_95] : memref<10000x128xf32, #tpu.memory_space<hbm>> -> memref<10000x128xf32, #tpu.memory_space<hbm>>
    tpu.wait_indirect_dma semaphore(%arg15 : memref<!tpu.dma_semaphore, #tpu.memory_space<semaphore_mem>>) src(%dma_wait3A_96 : memref<10000x128xf32, #tpu.memory_space<hbm>>) dst(%dma_wait3A_91 : memref<488x128xf32, #tpu.memory_space<vmem>>)
    %add3A_97 = arith.constant 976 : i32
    %add3A_98 = arith.addi %mul3A_2, %add3A_97 : i32
    %dma_start3A_99 = arith.constant 0 : i32
    %dma_start3A_100 = tpu.memref_slice %arg7[%dma_start3A_99] : memref<488xi32, #tpu.memory_space<vmem>> -> memref<488xi32, #tpu.memory_space<vmem>>
    %dma_start3A_101 = tpu.memref_slice %arg4[%add3A_98] : memref<160000xi32, #tpu.memory_space<hbm>> -> memref<488xi32, #tpu.memory_space<hbm>>
    %dma_start3A_102 = arith.constant 0 : i32
    %dma_start3A_103 = tpu.memref_slice %arg7[%dma_start3A_102] : memref<488xi32, #tpu.memory_space<vmem>> -> memref<488xi32, #tpu.memory_space<vmem>>
    %dma_start3A_104 = tpu.memref_slice %arg4[%add3A_98] : memref<160000xi32, #tpu.memory_space<hbm>> -> memref<488xi32, #tpu.memory_space<hbm>>
    tpu.enqueue_dma source(%dma_start3A_104 : memref<488xi32, #tpu.memory_space<hbm>>) target(%dma_start3A_103 : memref<488xi32, #tpu.memory_space<vmem>>) target_semaphore(%arg13 : memref<!tpu.dma_semaphore, #tpu.memory_space<semaphore_mem>>)
    %add3A_105 = arith.constant 976 : i32
    %add3A_106 = arith.addi %mul3A_2, %add3A_105 : i32
    %dma_start3A_107 = arith.constant 0 : i32
    %dma_start3A_108 = tpu.memref_slice %arg9[%dma_start3A_107] : memref<488xi32, #tpu.memory_space<vmem>> -> memref<488xi32, #tpu.memory_space<vmem>>
    %dma_start3A_109 = tpu.memref_slice %arg5[%add3A_106] : memref<160000xi32, #tpu.memory_space<hbm>> -> memref<488xi32, #tpu.memory_space<hbm>>
    %dma_start3A_110 = arith.constant 0 : i32
    %dma_start3A_111 = tpu.memref_slice %arg9[%dma_start3A_110] : memref<488xi32, #tpu.memory_space<vmem>> -> memref<488xi32, #tpu.memory_space<vmem>>
    %dma_start3A_112 = tpu.memref_slice %arg5[%add3A_106] : memref<160000xi32, #tpu.memory_space<hbm>> -> memref<488xi32, #tpu.memory_space<hbm>>
    tpu.enqueue_dma source(%dma_start3A_112 : memref<488xi32, #tpu.memory_space<hbm>>) target(%dma_start3A_111 : memref<488xi32, #tpu.memory_space<vmem>>) target_semaphore(%arg13 : memref<!tpu.dma_semaphore, #tpu.memory_space<semaphore_mem>>)
    %add3A_113 = arith.constant 0 : i32
    %add3A_114 = arith.addi %mul3A_2, %add3A_113 : i32
    %dma_start3A_115 = arith.constant 0 : i32
    %dma_start3A_116 = arith.constant 0 : i32
    %dma_start3A_117 = tpu.memref_slice %arg11[%dma_start3A_115, %dma_start3A_116] : memref<488x128xf32, #tpu.memory_space<vmem>> -> memref<488x128xf32, #tpu.memory_space<vmem>>
    %dma_start3A_118 = arith.constant 0 : i32
    %dma_start3A_119 = tpu.memref_slice %arg6[%add3A_114, %dma_start3A_118] : memref<160000x128xf32, #tpu.memory_space<hbm>> -> memref<488x128xf32, #tpu.memory_space<hbm>>
    %dma_start3A_120 = arith.constant 0 : i32
    %dma_start3A_121 = tpu.memref_slice %arg6[%add3A_114, %dma_start3A_120] : memref<160000x128xf32, #tpu.memory_space<hbm>> -> memref<488x128xf32, #tpu.memory_space<hbm>>
    %dma_start3A_122 = arith.constant 0 : i32
    %dma_start3A_123 = arith.constant 0 : i32
    %dma_start3A_124 = tpu.memref_slice %arg11[%dma_start3A_122, %dma_start3A_123] : memref<488x128xf32, #tpu.memory_space<vmem>> -> memref<488x128xf32, #tpu.memory_space<vmem>>
    tpu.enqueue_dma source(%dma_start3A_124 : memref<488x128xf32, #tpu.memory_space<vmem>>) target(%dma_start3A_121 : memref<488x128xf32, #tpu.memory_space<hbm>>) target_semaphore(%arg17 : memref<!tpu.dma_semaphore, #tpu.memory_space<semaphore_mem>>)
    %dma_wait3A_125 = arith.constant 0 : i32
    %dma_wait3A_126 = arith.constant 0 : i32
    %dma_wait3A_127 = tpu.memref_slice %arg12[%dma_wait3A_125, %dma_wait3A_126] : memref<488x128xf32, #tpu.memory_space<vmem>> -> memref<488x128xf32, #tpu.memory_space<vmem>>
    %dma_wait3A_128 = arith.constant 0 : i32
    %dma_wait3A_129 = tpu.memref_slice %arg8[%dma_wait3A_128] : memref<488xi32, #tpu.memory_space<vmem>> -> memref<488xi32, #tpu.memory_space<vmem>>
    %dma_wait3A_130 = arith.constant 0 : i32
    %dma_wait3A_131 = arith.constant 0 : i32
    %dma_wait3A_132 = tpu.memref_slice %arg2[%dma_wait3A_130, %dma_wait3A_131] : memref<10000x128xf32, #tpu.memory_space<hbm>> -> memref<10000x128xf32, #tpu.memory_space<hbm>>
    tpu.wait_indirect_dma semaphore(%arg16 : memref<!tpu.dma_semaphore, #tpu.memory_space<semaphore_mem>>) src(%dma_wait3A_132 : memref<10000x128xf32, #tpu.memory_space<hbm>>) dst(%dma_wait3A_127 : memref<488x128xf32, #tpu.memory_space<vmem>>)
    %dma_start3A_133 = arith.constant 0 : i32
    %dma_start3A_134 = arith.constant 0 : i32
    %dma_start3A_135 = tpu.memref_slice %arg12[%dma_start3A_133, %dma_start3A_134] : memref<488x128xf32, #tpu.memory_space<vmem>> -> memref<488x128xf32, #tpu.memory_space<vmem>>
    %dma_start3A_136 = arith.constant 0 : i32
    %dma_start3A_137 = tpu.memref_slice %arg10[%dma_start3A_136] : memref<488xi32, #tpu.memory_space<vmem>> -> memref<488xi32, #tpu.memory_space<vmem>>
    %dma_start3A_138 = arith.constant 0 : i32
    %dma_start3A_139 = arith.constant 0 : i32
    %dma_start3A_140 = tpu.memref_slice %arg3[%dma_start3A_138, %dma_start3A_139] : memref<10000x128xf32, #tpu.memory_space<hbm>> -> memref<10000x128xf32, #tpu.memory_space<hbm>>
    tpu.enqueue_indirect_dma source(%dma_start3A_140 : memref<10000x128xf32, #tpu.memory_space<hbm>>) target(%dma_start3A_135 : memref<488x128xf32, #tpu.memory_space<vmem>>) offsets(%dma_start3A_137 : memref<488xi32, #tpu.memory_space<vmem>>) semaphore(%arg16 : memref<!tpu.dma_semaphore, #tpu.memory_space<semaphore_mem>>) {add = true}
    %dma_wait3A_141 = arith.constant 0 : i32
    %dma_wait3A_142 = arith.constant 0 : i32
    %dma_wait3A_143 = tpu.memref_slice %arg11[%dma_wait3A_141, %dma_wait3A_142] : memref<488x128xf32, #tpu.memory_space<vmem>> -> memref<488x128xf32, #tpu.memory_space<vmem>>
    %dma_wait3A_144 = arith.constant 0 : i32
    %dma_wait3A_145 = tpu.memref_slice %arg6[%add3A_114, %dma_wait3A_144] : memref<160000x128xf32, #tpu.memory_space<hbm>> -> memref<488x128xf32, #tpu.memory_space<hbm>>
    %dma_wait3A_146 = arith.constant 0 : i32
    %dma_wait3A_147 = tpu.memref_slice %arg6[%add3A_114, %dma_wait3A_146] : memref<160000x128xf32, #tpu.memory_space<hbm>> -> memref<488x128xf32, #tpu.memory_space<hbm>>
    %dma_wait3A_148 = arith.constant 0 : i32
    %dma_wait3A_149 = arith.constant 0 : i32
    %dma_wait3A_150 = tpu.memref_slice %arg11[%dma_wait3A_148, %dma_wait3A_149] : memref<488x128xf32, #tpu.memory_space<vmem>> -> memref<488x128xf32, #tpu.memory_space<vmem>>
    tpu.wait_dma2 semaphore(%arg17 : memref<!tpu.dma_semaphore, #tpu.memory_space<semaphore_mem>>) src(%dma_wait3A_150 : memref<488x128xf32, #tpu.memory_space<vmem>>) dst(%dma_wait3A_147 : memref<488x128xf32, #tpu.memory_space<hbm>>)
    %dma_wait3A_151 = arith.constant 0 : i32
    %dma_wait3A_152 = tpu.memref_slice %arg7[%dma_wait3A_151] : memref<488xi32, #tpu.memory_space<vmem>> -> memref<488xi32, #tpu.memory_space<vmem>>
    %dma_wait3A_153 = tpu.memref_slice %arg4[%add3A_98] : memref<160000xi32, #tpu.memory_space<hbm>> -> memref<488xi32, #tpu.memory_space<hbm>>
    %dma_wait3A_154 = arith.constant 0 : i32
    %dma_wait3A_155 = tpu.memref_slice %arg7[%dma_wait3A_154] : memref<488xi32, #tpu.memory_space<vmem>> -> memref<488xi32, #tpu.memory_space<vmem>>
    %dma_wait3A_156 = tpu.memref_slice %arg4[%add3A_98] : memref<160000xi32, #tpu.memory_space<hbm>> -> memref<488xi32, #tpu.memory_space<hbm>>
    tpu.wait_dma2 semaphore(%arg13 : memref<!tpu.dma_semaphore, #tpu.memory_space<semaphore_mem>>) src(%dma_wait3A_156 : memref<488xi32, #tpu.memory_space<hbm>>) dst(%dma_wait3A_155 : memref<488xi32, #tpu.memory_space<vmem>>)
    %dma_wait3A_157 = arith.constant 0 : i32
    %dma_wait3A_158 = tpu.memref_slice %arg9[%dma_wait3A_157] : memref<488xi32, #tpu.memory_space<vmem>> -> memref<488xi32, #tpu.memory_space<vmem>>
    %dma_wait3A_159 = tpu.memref_slice %arg5[%add3A_106] : memref<160000xi32, #tpu.memory_space<hbm>> -> memref<488xi32, #tpu.memory_space<hbm>>
    %dma_wait3A_160 = arith.constant 0 : i32
    %dma_wait3A_161 = tpu.memref_slice %arg9[%dma_wait3A_160] : memref<488xi32, #tpu.memory_space<vmem>> -> memref<488xi32, #tpu.memory_space<vmem>>
    %dma_wait3A_162 = tpu.memref_slice %arg5[%add3A_106] : memref<160000xi32, #tpu.memory_space<hbm>> -> memref<488xi32, #tpu.memory_space<hbm>>
    tpu.wait_dma2 semaphore(%arg13 : memref<!tpu.dma_semaphore, #tpu.memory_space<semaphore_mem>>) src(%dma_wait3A_162 : memref<488xi32, #tpu.memory_space<hbm>>) dst(%dma_wait3A_161 : memref<488xi32, #tpu.memory_space<vmem>>)
    %dma_start3A_163 = arith.constant 0 : i32
    %dma_start3A_164 = arith.constant 0 : i32
    %dma_start3A_165 = tpu.memref_slice %arg11[%dma_start3A_163, %dma_start3A_164] : memref<488x128xf32, #tpu.memory_space<vmem>> -> memref<488x128xf32, #tpu.memory_space<vmem>>
    %dma_start3A_166 = arith.constant 0 : i32
    %dma_start3A_167 = tpu.memref_slice %arg7[%dma_start3A_166] : memref<488xi32, #tpu.memory_space<vmem>> -> memref<488xi32, #tpu.memory_space<vmem>>
    %dma_start3A_168 = arith.constant 0 : i32
    %dma_start3A_169 = arith.constant 0 : i32
    %dma_start3A_170 = tpu.memref_slice %arg2[%dma_start3A_168, %dma_start3A_169] : memref<10000x128xf32, #tpu.memory_space<hbm>> -> memref<10000x128xf32, #tpu.memory_space<hbm>>
    tpu.enqueue_indirect_dma source(%dma_start3A_170 : memref<10000x128xf32, #tpu.memory_space<hbm>>) target(%dma_start3A_165 : memref<488x128xf32, #tpu.memory_space<vmem>>) offsets(%dma_start3A_167 : memref<488xi32, #tpu.memory_space<vmem>>) semaphore(%arg15 : memref<!tpu.dma_semaphore, #tpu.memory_space<semaphore_mem>>)
    %dma_wait3A_171 = arith.constant 0 : i32
    %dma_wait3A_172 = arith.constant 0 : i32
    %dma_wait3A_173 = tpu.memref_slice %arg12[%dma_wait3A_171, %dma_wait3A_172] : memref<488x128xf32, #tpu.memory_space<vmem>> -> memref<488x128xf32, #tpu.memory_space<vmem>>
    %dma_wait3A_174 = arith.constant 0 : i32
    %dma_wait3A_175 = tpu.memref_slice %arg10[%dma_wait3A_174] : memref<488xi32, #tpu.memory_space<vmem>> -> memref<488xi32, #tpu.memory_space<vmem>>
    %dma_wait3A_176 = arith.constant 0 : i32
    %dma_wait3A_177 = arith.constant 0 : i32
    %dma_wait3A_178 = tpu.memref_slice %arg3[%dma_wait3A_176, %dma_wait3A_177] : memref<10000x128xf32, #tpu.memory_space<hbm>> -> memref<10000x128xf32, #tpu.memory_space<hbm>>
    tpu.wait_indirect_dma semaphore(%arg16 : memref<!tpu.dma_semaphore, #tpu.memory_space<semaphore_mem>>) src(%dma_wait3A_178 : memref<10000x128xf32, #tpu.memory_space<hbm>>) dst(%dma_wait3A_173 : memref<488x128xf32, #tpu.memory_space<vmem>>)
    %add3A_179 = arith.constant 1464 : i32
    %add3A_180 = arith.addi %mul3A_2, %add3A_179 : i32
    %dma_start3A_181 = arith.constant 0 : i32
    %dma_start3A_182 = tpu.memref_slice %arg8[%dma_start3A_181] : memref<488xi32, #tpu.memory_space<vmem>> -> memref<488xi32, #tpu.memory_space<vmem>>
    %dma_start3A_183 = tpu.memref_slice %arg4[%add3A_180] : memref<160000xi32, #tpu.memory_space<hbm>> -> memref<488xi32, #tpu.memory_space<hbm>>
    %dma_start3A_184 = arith.constant 0 : i32
    %dma_start3A_185 = tpu.memref_slice %arg8[%dma_start3A_184] : memref<488xi32, #tpu.memory_space<vmem>> -> memref<488xi32, #tpu.memory_space<vmem>>
    %dma_start3A_186 = tpu.memref_slice %arg4[%add3A_180] : memref<160000xi32, #tpu.memory_space<hbm>> -> memref<488xi32, #tpu.memory_space<hbm>>
    tpu.enqueue_dma source(%dma_start3A_186 : memref<488xi32, #tpu.memory_space<hbm>>) target(%dma_start3A_185 : memref<488xi32, #tpu.memory_space<vmem>>) target_semaphore(%arg14 : memref<!tpu.dma_semaphore, #tpu.memory_space<semaphore_mem>>)
    %add3A_187 = arith.constant 1464 : i32
    %add3A_188 = arith.addi %mul3A_2, %add3A_187 : i32
    %dma_start3A_189 = arith.constant 0 : i32
    %dma_start3A_190 = tpu.memref_slice %arg10[%dma_start3A_189] : memref<488xi32, #tpu.memory_space<vmem>> -> memref<488xi32, #tpu.memory_space<vmem>>
    %dma_start3A_191 = tpu.memref_slice %arg5[%add3A_188] : memref<160000xi32, #tpu.memory_space<hbm>> -> memref<488xi32, #tpu.memory_space<hbm>>
    %dma_start3A_192 = arith.constant 0 : i32
    %dma_start3A_193 = tpu.memref_slice %arg10[%dma_start3A_192] : memref<488xi32, #tpu.memory_space<vmem>> -> memref<488xi32, #tpu.memory_space<vmem>>
    %dma_start3A_194 = tpu.memref_slice %arg5[%add3A_188] : memref<160000xi32, #tpu.memory_space<hbm>> -> memref<488xi32, #tpu.memory_space<hbm>>
    tpu.enqueue_dma source(%dma_start3A_194 : memref<488xi32, #tpu.memory_space<hbm>>) target(%dma_start3A_193 : memref<488xi32, #tpu.memory_space<vmem>>) target_semaphore(%arg14 : memref<!tpu.dma_semaphore, #tpu.memory_space<semaphore_mem>>)
    %add3A_195 = arith.constant 488 : i32
    %add3A_196 = arith.addi %mul3A_2, %add3A_195 : i32
    %dma_start3A_197 = arith.constant 0 : i32
    %dma_start3A_198 = arith.constant 0 : i32
    %dma_start3A_199 = tpu.memref_slice %arg12[%dma_start3A_197, %dma_start3A_198] : memref<488x128xf32, #tpu.memory_space<vmem>> -> memref<488x128xf32, #tpu.memory_space<vmem>>
    %dma_start3A_200 = arith.constant 0 : i32
    %dma_start3A_201 = tpu.memref_slice %arg6[%add3A_196, %dma_start3A_200] : memref<160000x128xf32, #tpu.memory_space<hbm>> -> memref<488x128xf32, #tpu.memory_space<hbm>>
    %dma_start3A_202 = arith.constant 0 : i32
    %dma_start3A_203 = tpu.memref_slice %arg6[%add3A_196, %dma_start3A_202] : memref<160000x128xf32, #tpu.memory_space<hbm>> -> memref<488x128xf32, #tpu.memory_space<hbm>>
    %dma_start3A_204 = arith.constant 0 : i32
    %dma_start3A_205 = arith.constant 0 : i32
    %dma_start3A_206 = tpu.memref_slice %arg12[%dma_start3A_204, %dma_start3A_205] : memref<488x128xf32, #tpu.memory_space<vmem>> -> memref<488x128xf32, #tpu.memory_space<vmem>>
    tpu.enqueue_dma source(%dma_start3A_206 : memref<488x128xf32, #tpu.memory_space<vmem>>) target(%dma_start3A_203 : memref<488x128xf32, #tpu.memory_space<hbm>>) target_semaphore(%arg18 : memref<!tpu.dma_semaphore, #tpu.memory_space<semaphore_mem>>)
    %dma_wait3A_207 = arith.constant 0 : i32
    %dma_wait3A_208 = arith.constant 0 : i32
    %dma_wait3A_209 = tpu.memref_slice %arg11[%dma_wait3A_207, %dma_wait3A_208] : memref<488x128xf32, #tpu.memory_space<vmem>> -> memref<488x128xf32, #tpu.memory_space<vmem>>
    %dma_wait3A_210 = arith.constant 0 : i32
    %dma_wait3A_211 = tpu.memref_slice %arg7[%dma_wait3A_210] : memref<488xi32, #tpu.memory_space<vmem>> -> memref<488xi32, #tpu.memory_space<vmem>>
    %dma_wait3A_212 = arith.constant 0 : i32
    %dma_wait3A_213 = arith.constant 0 : i32
    %dma_wait3A_214 = tpu.memref_slice %arg2[%dma_wait3A_212, %dma_wait3A_213] : memref<10000x128xf32, #tpu.memory_space<hbm>> -> memref<10000x128xf32, #tpu.memory_space<hbm>>
    tpu.wait_indirect_dma semaphore(%arg15 : memref<!tpu.dma_semaphore, #tpu.memory_space<semaphore_mem>>) src(%dma_wait3A_214 : memref<10000x128xf32, #tpu.memory_space<hbm>>) dst(%dma_wait3A_209 : memref<488x128xf32, #tpu.memory_space<vmem>>)
    %dma_start3A_215 = arith.constant 0 : i32
    %dma_start3A_216 = arith.constant 0 : i32
    %dma_start3A_217 = tpu.memref_slice %arg11[%dma_start3A_215, %dma_start3A_216] : memref<488x128xf32, #tpu.memory_space<vmem>> -> memref<488x128xf32, #tpu.memory_space<vmem>>
    %dma_start3A_218 = arith.constant 0 : i32
    %dma_start3A_219 = tpu.memref_slice %arg9[%dma_start3A_218] : memref<488xi32, #tpu.memory_space<vmem>> -> memref<488xi32, #tpu.memory_space<vmem>>
    %dma_start3A_220 = arith.constant 0 : i32
    %dma_start3A_221 = arith.constant 0 : i32
    %dma_start3A_222 = tpu.memref_slice %arg3[%dma_start3A_220, %dma_start3A_221] : memref<10000x128xf32, #tpu.memory_space<hbm>> -> memref<10000x128xf32, #tpu.memory_space<hbm>>
    tpu.enqueue_indirect_dma source(%dma_start3A_222 : memref<10000x128xf32, #tpu.memory_space<hbm>>) target(%dma_start3A_217 : memref<488x128xf32, #tpu.memory_space<vmem>>) offsets(%dma_start3A_219 : memref<488xi32, #tpu.memory_space<vmem>>) semaphore(%arg15 : memref<!tpu.dma_semaphore, #tpu.memory_space<semaphore_mem>>) {add = true}
    %dma_wait3A_223 = arith.constant 0 : i32
    %dma_wait3A_224 = arith.constant 0 : i32
    %dma_wait3A_225 = tpu.memref_slice %arg12[%dma_wait3A_223, %dma_wait3A_224] : memref<488x128xf32, #tpu.memory_space<vmem>> -> memref<488x128xf32, #tpu.memory_space<vmem>>
    %dma_wait3A_226 = arith.constant 0 : i32
    %dma_wait3A_227 = tpu.memref_slice %arg6[%add3A_196, %dma_wait3A_226] : memref<160000x128xf32, #tpu.memory_space<hbm>> -> memref<488x128xf32, #tpu.memory_space<hbm>>
    %dma_wait3A_228 = arith.constant 0 : i32
    %dma_wait3A_229 = tpu.memref_slice %arg6[%add3A_196, %dma_wait3A_228] : memref<160000x128xf32, #tpu.memory_space<hbm>> -> memref<488x128xf32, #tpu.memory_space<hbm>>
    %dma_wait3A_230 = arith.constant 0 : i32
    %dma_wait3A_231 = arith.constant 0 : i32
    %dma_wait3A_232 = tpu.memref_slice %arg12[%dma_wait3A_230, %dma_wait3A_231] : memref<488x128xf32, #tpu.memory_space<vmem>> -> memref<488x128xf32, #tpu.memory_space<vmem>>
    tpu.wait_dma2 semaphore(%arg18 : memref<!tpu.dma_semaphore, #tpu.memory_space<semaphore_mem>>) src(%dma_wait3A_232 : memref<488x128xf32, #tpu.memory_space<vmem>>) dst(%dma_wait3A_229 : memref<488x128xf32, #tpu.memory_space<hbm>>)
    %dma_wait3A_233 = arith.constant 0 : i32
    %dma_wait3A_234 = tpu.memref_slice %arg8[%dma_wait3A_233] : memref<488xi32, #tpu.memory_space<vmem>> -> memref<488xi32, #tpu.memory_space<vmem>>
    %dma_wait3A_235 = tpu.memref_slice %arg4[%add3A_180] : memref<160000xi32, #tpu.memory_space<hbm>> -> memref<488xi32, #tpu.memory_space<hbm>>
    %dma_wait3A_236 = arith.constant 0 : i32
    %dma_wait3A_237 = tpu.memref_slice %arg8[%dma_wait3A_236] : memref<488xi32, #tpu.memory_space<vmem>> -> memref<488xi32, #tpu.memory_space<vmem>>
    %dma_wait3A_238 = tpu.memref_slice %arg4[%add3A_180] : memref<160000xi32, #tpu.memory_space<hbm>> -> memref<488xi32, #tpu.memory_space<hbm>>
    tpu.wait_dma2 semaphore(%arg14 : memref<!tpu.dma_semaphore, #tpu.memory_space<semaphore_mem>>) src(%dma_wait3A_238 : memref<488xi32, #tpu.memory_space<hbm>>) dst(%dma_wait3A_237 : memref<488xi32, #tpu.memory_space<vmem>>)
    %dma_wait3A_239 = arith.constant 0 : i32
    %dma_wait3A_240 = tpu.memref_slice %arg10[%dma_wait3A_239] : memref<488xi32, #tpu.memory_space<vmem>> -> memref<488xi32, #tpu.memory_space<vmem>>
    %dma_wait3A_241 = tpu.memref_slice %arg5[%add3A_188] : memref<160000xi32, #tpu.memory_space<hbm>> -> memref<488xi32, #tpu.memory_space<hbm>>
    %dma_wait3A_242 = arith.constant 0 : i32
    %dma_wait3A_243 = tpu.memref_slice %arg10[%dma_wait3A_242] : memref<488xi32, #tpu.memory_space<vmem>> -> memref<488xi32, #tpu.memory_space<vmem>>
    %dma_wait3A_244 = tpu.memref_slice %arg5[%add3A_188] : memref<160000xi32, #tpu.memory_space<hbm>> -> memref<488xi32, #tpu.memory_space<hbm>>
    tpu.wait_dma2 semaphore(%arg14 : memref<!tpu.dma_semaphore, #tpu.memory_space<semaphore_mem>>) src(%dma_wait3A_244 : memref<488xi32, #tpu.memory_space<hbm>>) dst(%dma_wait3A_243 : memref<488xi32, #tpu.memory_space<vmem>>)
    %dma_start3A_245 = arith.constant 0 : i32
    %dma_start3A_246 = arith.constant 0 : i32
    %dma_start3A_247 = tpu.memref_slice %arg12[%dma_start3A_245, %dma_start3A_246] : memref<488x128xf32, #tpu.memory_space<vmem>> -> memref<488x128xf32, #tpu.memory_space<vmem>>
    %dma_start3A_248 = arith.constant 0 : i32
    %dma_start3A_249 = tpu.memref_slice %arg8[%dma_start3A_248] : memref<488xi32, #tpu.memory_space<vmem>> -> memref<488xi32, #tpu.memory_space<vmem>>
    %dma_start3A_250 = arith.constant 0 : i32
    %dma_start3A_251 = arith.constant 0 : i32
    %dma_start3A_252 = tpu.memref_slice %arg2[%dma_start3A_250, %dma_start3A_251] : memref<10000x128xf32, #tpu.memory_space<hbm>> -> memref<10000x128xf32, #tpu.memory_space<hbm>>
    tpu.enqueue_indirect_dma source(%dma_start3A_252 : memref<10000x128xf32, #tpu.memory_space<hbm>>) target(%dma_start3A_247 : memref<488x128xf32, #tpu.memory_space<vmem>>) offsets(%dma_start3A_249 : memref<488xi32, #tpu.memory_space<vmem>>) semaphore(%arg16 : memref<!tpu.dma_semaphore, #tpu.memory_space<semaphore_mem>>)
    %dma_wait3A_253 = arith.constant 0 : i32
    %dma_wait3A_254 = arith.constant 0 : i32
    %dma_wait3A_255 = tpu.memref_slice %arg11[%dma_wait3A_253, %dma_wait3A_254] : memref<488x128xf32, #tpu.memory_space<vmem>> -> memref<488x128xf32, #tpu.memory_space<vmem>>
    %dma_wait3A_256 = arith.constant 0 : i32
    %dma_wait3A_257 = tpu.memref_slice %arg9[%dma_wait3A_256] : memref<488xi32, #tpu.memory_space<vmem>> -> memref<488xi32, #tpu.memory_space<vmem>>
    %dma_wait3A_258 = arith.constant 0 : i32
    %dma_wait3A_259 = arith.constant 0 : i32
    %dma_wait3A_260 = tpu.memref_slice %arg3[%dma_wait3A_258, %dma_wait3A_259] : memref<10000x128xf32, #tpu.memory_space<hbm>> -> memref<10000x128xf32, #tpu.memory_space<hbm>>
    tpu.wait_indirect_dma semaphore(%arg15 : memref<!tpu.dma_semaphore, #tpu.memory_space<semaphore_mem>>) src(%dma_wait3A_260 : memref<10000x128xf32, #tpu.memory_space<hbm>>) dst(%dma_wait3A_255 : memref<488x128xf32, #tpu.memory_space<vmem>>)
    %add3A_261 = arith.constant 1952 : i32
    %add3A_262 = arith.addi %mul3A_2, %add3A_261 : i32
    %dma_start3A_263 = arith.constant 0 : i32
    %dma_start3A_264 = tpu.memref_slice %arg7[%dma_start3A_263] : memref<488xi32, #tpu.memory_space<vmem>> -> memref<488xi32, #tpu.memory_space<vmem>>
    %dma_start3A_265 = tpu.memref_slice %arg4[%add3A_262] : memref<160000xi32, #tpu.memory_space<hbm>> -> memref<488xi32, #tpu.memory_space<hbm>>
    %dma_start3A_266 = arith.constant 0 : i32
    %dma_start3A_267 = tpu.memref_slice %arg7[%dma_start3A_266] : memref<488xi32, #tpu.memory_space<vmem>> -> memref<488xi32, #tpu.memory_space<vmem>>
    %dma_start3A_268 = tpu.memref_slice %arg4[%add3A_262] : memref<160000xi32, #tpu.memory_space<hbm>> -> memref<488xi32, #tpu.memory_space<hbm>>
    tpu.enqueue_dma source(%dma_start3A_268 : memref<488xi32, #tpu.memory_space<hbm>>) target(%dma_start3A_267 : memref<488xi32, #tpu.memory_space<vmem>>) target_semaphore(%arg13 : memref<!tpu.dma_semaphore, #tpu.memory_space<semaphore_mem>>)
    %add3A_269 = arith.constant 1952 : i32
    %add3A_270 = arith.addi %mul3A_2, %add3A_269 : i32
    %dma_start3A_271 = arith.constant 0 : i32
    %dma_start3A_272 = tpu.memref_slice %arg9[%dma_start3A_271] : memref<488xi32, #tpu.memory_space<vmem>> -> memref<488xi32, #tpu.memory_space<vmem>>
    %dma_start3A_273 = tpu.memref_slice %arg5[%add3A_270] : memref<160000xi32, #tpu.memory_space<hbm>> -> memref<488xi32, #tpu.memory_space<hbm>>
    %dma_start3A_274 = arith.constant 0 : i32
    %dma_start3A_275 = tpu.memref_slice %arg9[%dma_start3A_274] : memref<488xi32, #tpu.memory_space<vmem>> -> memref<488xi32, #tpu.memory_space<vmem>>
    %dma_start3A_276 = tpu.memref_slice %arg5[%add3A_270] : memref<160000xi32, #tpu.memory_space<hbm>> -> memref<488xi32, #tpu.memory_space<hbm>>
    tpu.enqueue_dma source(%dma_start3A_276 : memref<488xi32, #tpu.memory_space<hbm>>) target(%dma_start3A_275 : memref<488xi32, #tpu.memory_space<vmem>>) target_semaphore(%arg13 : memref<!tpu.dma_semaphore, #tpu.memory_space<semaphore_mem>>)
    %add3A_277 = arith.constant 976 : i32
    %add3A_278 = arith.addi %mul3A_2, %add3A_277 : i32
    %dma_start3A_279 = arith.constant 0 : i32
    %dma_start3A_280 = arith.constant 0 : i32
    %dma_start3A_281 = tpu.memref_slice %arg11[%dma_start3A_279, %dma_start3A_280] : memref<488x128xf32, #tpu.memory_space<vmem>> -> memref<488x128xf32, #tpu.memory_space<vmem>>
    %dma_start3A_282 = arith.constant 0 : i32
    %dma_start3A_283 = tpu.memref_slice %arg6[%add3A_278, %dma_start3A_282] : memref<160000x128xf32, #tpu.memory_space<hbm>> -> memref<488x128xf32, #tpu.memory_space<hbm>>
    %dma_start3A_284 = arith.constant 0 : i32
    %dma_start3A_285 = tpu.memref_slice %arg6[%add3A_278, %dma_start3A_284] : memref<160000x128xf32, #tpu.memory_space<hbm>> -> memref<488x128xf32, #tpu.memory_space<hbm>>
    %dma_start3A_286 = arith.constant 0 : i32
    %dma_start3A_287 = arith.constant 0 : i32
    %dma_start3A_288 = tpu.memref_slice %arg11[%dma_start3A_286, %dma_start3A_287] : memref<488x128xf32, #tpu.memory_space<vmem>> -> memref<488x128xf32, #tpu.memory_space<vmem>>
    tpu.enqueue_dma source(%dma_start3A_288 : memref<488x128xf32, #tpu.memory_space<vmem>>) target(%dma_start3A_285 : memref<488x128xf32, #tpu.memory_space<hbm>>) target_semaphore(%arg17 : memref<!tpu.dma_semaphore, #tpu.memory_space<semaphore_mem>>)
    %dma_wait3A_289 = arith.constant 0 : i32
    %dma_wait3A_290 = arith.constant 0 : i32
    %dma_wait3A_291 = tpu.memref_slice %arg12[%dma_wait3A_289, %dma_wait3A_290] : memref<488x128xf32, #tpu.memory_space<vmem>> -> memref<488x128xf32, #tpu.memory_space<vmem>>
    %dma_wait3A_292 = arith.constant 0 : i32
    %dma_wait3A_293 = tpu.memref_slice %arg8[%dma_wait3A_292] : memref<488xi32, #tpu.memory_space<vmem>> -> memref<488xi32, #tpu.memory_space<vmem>>
    %dma_wait3A_294 = arith.constant 0 : i32
    %dma_wait3A_295 = arith.constant 0 : i32
    %dma_wait3A_296 = tpu.memref_slice %arg2[%dma_wait3A_294, %dma_wait3A_295] : memref<10000x128xf32, #tpu.memory_space<hbm>> -> memref<10000x128xf32, #tpu.memory_space<hbm>>
    tpu.wait_indirect_dma semaphore(%arg16 : memref<!tpu.dma_semaphore, #tpu.memory_space<semaphore_mem>>) src(%dma_wait3A_296 : memref<10000x128xf32, #tpu.memory_space<hbm>>) dst(%dma_wait3A_291 : memref<488x128xf32, #tpu.memory_space<vmem>>)
    %dma_start3A_297 = arith.constant 0 : i32
    %dma_start3A_298 = arith.constant 0 : i32
    %dma_start3A_299 = tpu.memref_slice %arg12[%dma_start3A_297, %dma_start3A_298] : memref<488x128xf32, #tpu.memory_space<vmem>> -> memref<488x128xf32, #tpu.memory_space<vmem>>
    %dma_start3A_300 = arith.constant 0 : i32
    %dma_start3A_301 = tpu.memref_slice %arg10[%dma_start3A_300] : memref<488xi32, #tpu.memory_space<vmem>> -> memref<488xi32, #tpu.memory_space<vmem>>
    %dma_start3A_302 = arith.constant 0 : i32
    %dma_start3A_303 = arith.constant 0 : i32
    %dma_start3A_304 = tpu.memref_slice %arg3[%dma_start3A_302, %dma_start3A_303] : memref<10000x128xf32, #tpu.memory_space<hbm>> -> memref<10000x128xf32, #tpu.memory_space<hbm>>
    tpu.enqueue_indirect_dma source(%dma_start3A_304 : memref<10000x128xf32, #tpu.memory_space<hbm>>) target(%dma_start3A_299 : memref<488x128xf32, #tpu.memory_space<vmem>>) offsets(%dma_start3A_301 : memref<488xi32, #tpu.memory_space<vmem>>) semaphore(%arg16 : memref<!tpu.dma_semaphore, #tpu.memory_space<semaphore_mem>>) {add = true}
    %dma_wait3A_305 = arith.constant 0 : i32
    %dma_wait3A_306 = arith.constant 0 : i32
    %dma_wait3A_307 = tpu.memref_slice %arg11[%dma_wait3A_305, %dma_wait3A_306] : memref<488x128xf32, #tpu.memory_space<vmem>> -> memref<488x128xf32, #tpu.memory_space<vmem>>
    %dma_wait3A_308 = arith.constant 0 : i32
    %dma_wait3A_309 = tpu.memref_slice %arg6[%add3A_278, %dma_wait3A_308] : memref<160000x128xf32, #tpu.memory_space<hbm>> -> memref<488x128xf32, #tpu.memory_space<hbm>>
    %dma_wait3A_310 = arith.constant 0 : i32
    %dma_wait3A_311 = tpu.memref_slice %arg6[%add3A_278, %dma_wait3A_310] : memref<160000x128xf32, #tpu.memory_space<hbm>> -> memref<488x128xf32, #tpu.memory_space<hbm>>
    %dma_wait3A_312 = arith.constant 0 : i32
    %dma_wait3A_313 = arith.constant 0 : i32
    %dma_wait3A_314 = tpu.memref_slice %arg11[%dma_wait3A_312, %dma_wait3A_313] : memref<488x128xf32, #tpu.memory_space<vmem>> -> memref<488x128xf32, #tpu.memory_space<vmem>>
    tpu.wait_dma2 semaphore(%arg17 : memref<!tpu.dma_semaphore, #tpu.memory_space<semaphore_mem>>) src(%dma_wait3A_314 : memref<488x128xf32, #tpu.memory_space<vmem>>) dst(%dma_wait3A_311 : memref<488x128xf32, #tpu.memory_space<hbm>>)
    %dma_wait3A_315 = arith.constant 0 : i32
    %dma_wait3A_316 = tpu.memref_slice %arg7[%dma_wait3A_315] : memref<488xi32, #tpu.memory_space<vmem>> -> memref<488xi32, #tpu.memory_space<vmem>>
    %dma_wait3A_317 = tpu.memref_slice %arg4[%add3A_262] : memref<160000xi32, #tpu.memory_space<hbm>> -> memref<488xi32, #tpu.memory_space<hbm>>
    %dma_wait3A_318 = arith.constant 0 : i32
    %dma_wait3A_319 = tpu.memref_slice %arg7[%dma_wait3A_318] : memref<488xi32, #tpu.memory_space<vmem>> -> memref<488xi32, #tpu.memory_space<vmem>>
    %dma_wait3A_320 = tpu.memref_slice %arg4[%add3A_262] : memref<160000xi32, #tpu.memory_space<hbm>> -> memref<488xi32, #tpu.memory_space<hbm>>
    tpu.wait_dma2 semaphore(%arg13 : memref<!tpu.dma_semaphore, #tpu.memory_space<semaphore_mem>>) src(%dma_wait3A_320 : memref<488xi32, #tpu.memory_space<hbm>>) dst(%dma_wait3A_319 : memref<488xi32, #tpu.memory_space<vmem>>)
    %dma_wait3A_321 = arith.constant 0 : i32
    %dma_wait3A_322 = tpu.memref_slice %arg9[%dma_wait3A_321] : memref<488xi32, #tpu.memory_space<vmem>> -> memref<488xi32, #tpu.memory_space<vmem>>
    %dma_wait3A_323 = tpu.memref_slice %arg5[%add3A_270] : memref<160000xi32, #tpu.memory_space<hbm>> -> memref<488xi32, #tpu.memory_space<hbm>>
    %dma_wait3A_324 = arith.constant 0 : i32
    %dma_wait3A_325 = tpu.memref_slice %arg9[%dma_wait3A_324] : memref<488xi32, #tpu.memory_space<vmem>> -> memref<488xi32, #tpu.memory_space<vmem>>
    %dma_wait3A_326 = tpu.memref_slice %arg5[%add3A_270] : memref<160000xi32, #tpu.memory_space<hbm>> -> memref<488xi32, #tpu.memory_space<hbm>>
    tpu.wait_dma2 semaphore(%arg13 : memref<!tpu.dma_semaphore, #tpu.memory_space<semaphore_mem>>) src(%dma_wait3A_326 : memref<488xi32, #tpu.memory_space<hbm>>) dst(%dma_wait3A_325 : memref<488xi32, #tpu.memory_space<vmem>>)
    %dma_start3A_327 = arith.constant 0 : i32
    %dma_start3A_328 = arith.constant 0 : i32
    %dma_start3A_329 = tpu.memref_slice %arg11[%dma_start3A_327, %dma_start3A_328] : memref<488x128xf32, #tpu.memory_space<vmem>> -> memref<488x128xf32, #tpu.memory_space<vmem>>
    %dma_start3A_330 = arith.constant 0 : i32
    %dma_start3A_331 = tpu.memref_slice %arg7[%dma_start3A_330] : memref<488xi32, #tpu.memory_space<vmem>> -> memref<488xi32, #tpu.memory_space<vmem>>
    %dma_start3A_332 = arith.constant 0 : i32
    %dma_start3A_333 = arith.constant 0 : i32
    %dma_start3A_334 = tpu.memref_slice %arg2[%dma_start3A_332, %dma_start3A_333] : memref<10000x128xf32, #tpu.memory_space<hbm>> -> memref<10000x128xf32, #tpu.memory_space<hbm>>
    tpu.enqueue_indirect_dma source(%dma_start3A_334 : memref<10000x128xf32, #tpu.memory_space<hbm>>) target(%dma_start3A_329 : memref<488x128xf32, #tpu.memory_space<vmem>>) offsets(%dma_start3A_331 : memref<488xi32, #tpu.memory_space<vmem>>) semaphore(%arg15 : memref<!tpu.dma_semaphore, #tpu.memory_space<semaphore_mem>>)
    %dma_wait3A_335 = arith.constant 0 : i32
    %dma_wait3A_336 = arith.constant 0 : i32
    %dma_wait3A_337 = tpu.memref_slice %arg12[%dma_wait3A_335, %dma_wait3A_336] : memref<488x128xf32, #tpu.memory_space<vmem>> -> memref<488x128xf32, #tpu.memory_space<vmem>>
    %dma_wait3A_338 = arith.constant 0 : i32
    %dma_wait3A_339 = tpu.memref_slice %arg10[%dma_wait3A_338] : memref<488xi32, #tpu.memory_space<vmem>> -> memref<488xi32, #tpu.memory_space<vmem>>
    %dma_wait3A_340 = arith.constant 0 : i32
    %dma_wait3A_341 = arith.constant 0 : i32
    %dma_wait3A_342 = tpu.memref_slice %arg3[%dma_wait3A_340, %dma_wait3A_341] : memref<10000x128xf32, #tpu.memory_space<hbm>> -> memref<10000x128xf32, #tpu.memory_space<hbm>>
    tpu.wait_indirect_dma semaphore(%arg16 : memref<!tpu.dma_semaphore, #tpu.memory_space<semaphore_mem>>) src(%dma_wait3A_342 : memref<10000x128xf32, #tpu.memory_space<hbm>>) dst(%dma_wait3A_337 : memref<488x128xf32, #tpu.memory_space<vmem>>)
    %add3A_343 = arith.constant 2440 : i32
    %add3A_344 = arith.addi %mul3A_2, %add3A_343 : i32
    %dma_start3A_345 = arith.constant 0 : i32
    %dma_start3A_346 = tpu.memref_slice %arg8[%dma_start3A_345] : memref<488xi32, #tpu.memory_space<vmem>> -> memref<488xi32, #tpu.memory_space<vmem>>
    %dma_start3A_347 = tpu.memref_slice %arg4[%add3A_344] : memref<160000xi32, #tpu.memory_space<hbm>> -> memref<488xi32, #tpu.memory_space<hbm>>
    %dma_start3A_348 = arith.constant 0 : i32
    %dma_start3A_349 = tpu.memref_slice %arg8[%dma_start3A_348] : memref<488xi32, #tpu.memory_space<vmem>> -> memref<488xi32, #tpu.memory_space<vmem>>
    %dma_start3A_350 = tpu.memref_slice %arg4[%add3A_344] : memref<160000xi32, #tpu.memory_space<hbm>> -> memref<488xi32, #tpu.memory_space<hbm>>
    tpu.enqueue_dma source(%dma_start3A_350 : memref<488xi32, #tpu.memory_space<hbm>>) target(%dma_start3A_349 : memref<488xi32, #tpu.memory_space<vmem>>) target_semaphore(%arg14 : memref<!tpu.dma_semaphore, #tpu.memory_space<semaphore_mem>>)
    %add3A_351 = arith.constant 2440 : i32
    %add3A_352 = arith.addi %mul3A_2, %add3A_351 : i32
    %dma_start3A_353 = arith.constant 0 : i32
    %dma_start3A_354 = tpu.memref_slice %arg10[%dma_start3A_353] : memref<488xi32, #tpu.memory_space<vmem>> -> memref<488xi32, #tpu.memory_space<vmem>>
    %dma_start3A_355 = tpu.memref_slice %arg5[%add3A_352] : memref<160000xi32, #tpu.memory_space<hbm>> -> memref<488xi32, #tpu.memory_space<hbm>>
    %dma_start3A_356 = arith.constant 0 : i32
    %dma_start3A_357 = tpu.memref_slice %arg10[%dma_start3A_356] : memref<488xi32, #tpu.memory_space<vmem>> -> memref<488xi32, #tpu.memory_space<vmem>>
    %dma_start3A_358 = tpu.memref_slice %arg5[%add3A_352] : memref<160000xi32, #tpu.memory_space<hbm>> -> memref<488xi32, #tpu.memory_space<hbm>>
    tpu.enqueue_dma source(%dma_start3A_358 : memref<488xi32, #tpu.memory_space<hbm>>) target(%dma_start3A_357 : memref<488xi32, #tpu.memory_space<vmem>>) target_semaphore(%arg14 : memref<!tpu.dma_semaphore, #tpu.memory_space<semaphore_mem>>)
    %add3A_359 = arith.constant 1464 : i32
    %add3A_360 = arith.addi %mul3A_2, %add3A_359 : i32
    %dma_start3A_361 = arith.constant 0 : i32
    %dma_start3A_362 = arith.constant 0 : i32
    %dma_start3A_363 = tpu.memref_slice %arg12[%dma_start3A_361, %dma_start3A_362] : memref<488x128xf32, #tpu.memory_space<vmem>> -> memref<488x128xf32, #tpu.memory_space<vmem>>
    %dma_start3A_364 = arith.constant 0 : i32
    %dma_start3A_365 = tpu.memref_slice %arg6[%add3A_360, %dma_start3A_364] : memref<160000x128xf32, #tpu.memory_space<hbm>> -> memref<488x128xf32, #tpu.memory_space<hbm>>
    %dma_start3A_366 = arith.constant 0 : i32
    %dma_start3A_367 = tpu.memref_slice %arg6[%add3A_360, %dma_start3A_366] : memref<160000x128xf32, #tpu.memory_space<hbm>> -> memref<488x128xf32, #tpu.memory_space<hbm>>
    %dma_start3A_368 = arith.constant 0 : i32
    %dma_start3A_369 = arith.constant 0 : i32
    %dma_start3A_370 = tpu.memref_slice %arg12[%dma_start3A_368, %dma_start3A_369] : memref<488x128xf32, #tpu.memory_space<vmem>> -> memref<488x128xf32, #tpu.memory_space<vmem>>
    tpu.enqueue_dma source(%dma_start3A_370 : memref<488x128xf32, #tpu.memory_space<vmem>>) target(%dma_start3A_367 : memref<488x128xf32, #tpu.memory_space<hbm>>) target_semaphore(%arg18 : memref<!tpu.dma_semaphore, #tpu.memory_space<semaphore_mem>>)
    %dma_wait3A_371 = arith.constant 0 : i32
    %dma_wait3A_372 = arith.constant 0 : i32
    %dma_wait3A_373 = tpu.memref_slice %arg11[%dma_wait3A_371, %dma_wait3A_372] : memref<488x128xf32, #tpu.memory_space<vmem>> -> memref<488x128xf32, #tpu.memory_space<vmem>>
    %dma_wait3A_374 = arith.constant 0 : i32
    %dma_wait3A_375 = tpu.memref_slice %arg7[%dma_wait3A_374] : memref<488xi32, #tpu.memory_space<vmem>> -> memref<488xi32, #tpu.memory_space<vmem>>
    %dma_wait3A_376 = arith.constant 0 : i32
    %dma_wait3A_377 = arith.constant 0 : i32
    %dma_wait3A_378 = tpu.memref_slice %arg2[%dma_wait3A_376, %dma_wait3A_377] : memref<10000x128xf32, #tpu.memory_space<hbm>> -> memref<10000x128xf32, #tpu.memory_space<hbm>>
    tpu.wait_indirect_dma semaphore(%arg15 : memref<!tpu.dma_semaphore, #tpu.memory_space<semaphore_mem>>) src(%dma_wait3A_378 : memref<10000x128xf32, #tpu.memory_space<hbm>>) dst(%dma_wait3A_373 : memref<488x128xf32, #tpu.memory_space<vmem>>)
    %dma_start3A_379 = arith.constant 0 : i32
    %dma_start3A_380 = arith.constant 0 : i32
    %dma_start3A_381 = tpu.memref_slice %arg11[%dma_start3A_379, %dma_start3A_380] : memref<488x128xf32, #tpu.memory_space<vmem>> -> memref<488x128xf32, #tpu.memory_space<vmem>>
    %dma_start3A_382 = arith.constant 0 : i32
    %dma_start3A_383 = tpu.memref_slice %arg9[%dma_start3A_382] : memref<488xi32, #tpu.memory_space<vmem>> -> memref<488xi32, #tpu.memory_space<vmem>>
    %dma_start3A_384 = arith.constant 0 : i32
    %dma_start3A_385 = arith.constant 0 : i32
    %dma_start3A_386 = tpu.memref_slice %arg3[%dma_start3A_384, %dma_start3A_385] : memref<10000x128xf32, #tpu.memory_space<hbm>> -> memref<10000x128xf32, #tpu.memory_space<hbm>>
    tpu.enqueue_indirect_dma source(%dma_start3A_386 : memref<10000x128xf32, #tpu.memory_space<hbm>>) target(%dma_start3A_381 : memref<488x128xf32, #tpu.memory_space<vmem>>) offsets(%dma_start3A_383 : memref<488xi32, #tpu.memory_space<vmem>>) semaphore(%arg15 : memref<!tpu.dma_semaphore, #tpu.memory_space<semaphore_mem>>) {add = true}
    %dma_wait3A_387 = arith.constant 0 : i32
    %dma_wait3A_388 = arith.constant 0 : i32
    %dma_wait3A_389 = tpu.memref_slice %arg12[%dma_wait3A_387, %dma_wait3A_388] : memref<488x128xf32, #tpu.memory_space<vmem>> -> memref<488x128xf32, #tpu.memory_space<vmem>>
    %dma_wait3A_390 = arith.constant 0 : i32
    %dma_wait3A_391 = tpu.memref_slice %arg6[%add3A_360, %dma_wait3A_390] : memref<160000x128xf32, #tpu.memory_space<hbm>> -> memref<488x128xf32, #tpu.memory_space<hbm>>
    %dma_wait3A_392 = arith.constant 0 : i32
    %dma_wait3A_393 = tpu.memref_slice %arg6[%add3A_360, %dma_wait3A_392] : memref<160000x128xf32, #tpu.memory_space<hbm>> -> memref<488x128xf32, #tpu.memory_space<hbm>>
    %dma_wait3A_394 = arith.constant 0 : i32
    %dma_wait3A_395 = arith.constant 0 : i32
    %dma_wait3A_396 = tpu.memref_slice %arg12[%dma_wait3A_394, %dma_wait3A_395] : memref<488x128xf32, #tpu.memory_space<vmem>> -> memref<488x128xf32, #tpu.memory_space<vmem>>
    tpu.wait_dma2 semaphore(%arg18 : memref<!tpu.dma_semaphore, #tpu.memory_space<semaphore_mem>>) src(%dma_wait3A_396 : memref<488x128xf32, #tpu.memory_space<vmem>>) dst(%dma_wait3A_393 : memref<488x128xf32, #tpu.memory_space<hbm>>)
    %dma_wait3A_397 = arith.constant 0 : i32
    %dma_wait3A_398 = tpu.memref_slice %arg8[%dma_wait3A_397] : memref<488xi32, #tpu.memory_space<vmem>> -> memref<488xi32, #tpu.memory_space<vmem>>
    %dma_wait3A_399 = tpu.memref_slice %arg4[%add3A_344] : memref<160000xi32, #tpu.memory_space<hbm>> -> memref<488xi32, #tpu.memory_space<hbm>>
    %dma_wait3A_400 = arith.constant 0 : i32
    %dma_wait3A_401 = tpu.memref_slice %arg8[%dma_wait3A_400] : memref<488xi32, #tpu.memory_space<vmem>> -> memref<488xi32, #tpu.memory_space<vmem>>
    %dma_wait3A_402 = tpu.memref_slice %arg4[%add3A_344] : memref<160000xi32, #tpu.memory_space<hbm>> -> memref<488xi32, #tpu.memory_space<hbm>>
    tpu.wait_dma2 semaphore(%arg14 : memref<!tpu.dma_semaphore, #tpu.memory_space<semaphore_mem>>) src(%dma_wait3A_402 : memref<488xi32, #tpu.memory_space<hbm>>) dst(%dma_wait3A_401 : memref<488xi32, #tpu.memory_space<vmem>>)
    %dma_wait3A_403 = arith.constant 0 : i32
    %dma_wait3A_404 = tpu.memref_slice %arg10[%dma_wait3A_403] : memref<488xi32, #tpu.memory_space<vmem>> -> memref<488xi32, #tpu.memory_space<vmem>>
    %dma_wait3A_405 = tpu.memref_slice %arg5[%add3A_352] : memref<160000xi32, #tpu.memory_space<hbm>> -> memref<488xi32, #tpu.memory_space<hbm>>
    %dma_wait3A_406 = arith.constant 0 : i32
    %dma_wait3A_407 = tpu.memref_slice %arg10[%dma_wait3A_406] : memref<488xi32, #tpu.memory_space<vmem>> -> memref<488xi32, #tpu.memory_space<vmem>>
    %dma_wait3A_408 = tpu.memref_slice %arg5[%add3A_352] : memref<160000xi32, #tpu.memory_space<hbm>> -> memref<488xi32, #tpu.memory_space<hbm>>
    tpu.wait_dma2 semaphore(%arg14 : memref<!tpu.dma_semaphore, #tpu.memory_space<semaphore_mem>>) src(%dma_wait3A_408 : memref<488xi32, #tpu.memory_space<hbm>>) dst(%dma_wait3A_407 : memref<488xi32, #tpu.memory_space<vmem>>)
    %dma_start3A_409 = arith.constant 0 : i32
    %dma_start3A_410 = arith.constant 0 : i32
    %dma_start3A_411 = tpu.memref_slice %arg12[%dma_start3A_409, %dma_start3A_410] : memref<488x128xf32, #tpu.memory_space<vmem>> -> memref<488x128xf32, #tpu.memory_space<vmem>>
    %dma_start3A_412 = arith.constant 0 : i32
    %dma_start3A_413 = tpu.memref_slice %arg8[%dma_start3A_412] : memref<488xi32, #tpu.memory_space<vmem>> -> memref<488xi32, #tpu.memory_space<vmem>>
    %dma_start3A_414 = arith.constant 0 : i32
    %dma_start3A_415 = arith.constant 0 : i32
    %dma_start3A_416 = tpu.memref_slice %arg2[%dma_start3A_414, %dma_start3A_415] : memref<10000x128xf32, #tpu.memory_space<hbm>> -> memref<10000x128xf32, #tpu.memory_space<hbm>>
    tpu.enqueue_indirect_dma source(%dma_start3A_416 : memref<10000x128xf32, #tpu.memory_space<hbm>>) target(%dma_start3A_411 : memref<488x128xf32, #tpu.memory_space<vmem>>) offsets(%dma_start3A_413 : memref<488xi32, #tpu.memory_space<vmem>>) semaphore(%arg16 : memref<!tpu.dma_semaphore, #tpu.memory_space<semaphore_mem>>)
    %dma_wait3A_417 = arith.constant 0 : i32
    %dma_wait3A_418 = arith.constant 0 : i32
    %dma_wait3A_419 = tpu.memref_slice %arg11[%dma_wait3A_417, %dma_wait3A_418] : memref<488x128xf32, #tpu.memory_space<vmem>> -> memref<488x128xf32, #tpu.memory_space<vmem>>
    %dma_wait3A_420 = arith.constant 0 : i32
    %dma_wait3A_421 = tpu.memref_slice %arg9[%dma_wait3A_420] : memref<488xi32, #tpu.memory_space<vmem>> -> memref<488xi32, #tpu.memory_space<vmem>>
    %dma_wait3A_422 = arith.constant 0 : i32
    %dma_wait3A_423 = arith.constant 0 : i32
    %dma_wait3A_424 = tpu.memref_slice %arg3[%dma_wait3A_422, %dma_wait3A_423] : memref<10000x128xf32, #tpu.memory_space<hbm>> -> memref<10000x128xf32, #tpu.memory_space<hbm>>
    tpu.wait_indirect_dma semaphore(%arg15 : memref<!tpu.dma_semaphore, #tpu.memory_space<semaphore_mem>>) src(%dma_wait3A_424 : memref<10000x128xf32, #tpu.memory_space<hbm>>) dst(%dma_wait3A_419 : memref<488x128xf32, #tpu.memory_space<vmem>>)
    %add3A_425 = arith.constant 2928 : i32
    %add3A_426 = arith.addi %mul3A_2, %add3A_425 : i32
    %dma_start3A_427 = arith.constant 0 : i32
    %dma_start3A_428 = tpu.memref_slice %arg7[%dma_start3A_427] : memref<488xi32, #tpu.memory_space<vmem>> -> memref<488xi32, #tpu.memory_space<vmem>>
    %dma_start3A_429 = tpu.memref_slice %arg4[%add3A_426] : memref<160000xi32, #tpu.memory_space<hbm>> -> memref<488xi32, #tpu.memory_space<hbm>>
    %dma_start3A_430 = arith.constant 0 : i32
    %dma_start3A_431 = tpu.memref_slice %arg7[%dma_start3A_430] : memref<488xi32, #tpu.memory_space<vmem>> -> memref<488xi32, #tpu.memory_space<vmem>>
    %dma_start3A_432 = tpu.memref_slice %arg4[%add3A_426] : memref<160000xi32, #tpu.memory_space<hbm>> -> memref<488xi32, #tpu.memory_space<hbm>>
    tpu.enqueue_dma source(%dma_start3A_432 : memref<488xi32, #tpu.memory_space<hbm>>) target(%dma_start3A_431 : memref<488xi32, #tpu.memory_space<vmem>>) target_semaphore(%arg13 : memref<!tpu.dma_semaphore, #tpu.memory_space<semaphore_mem>>)
    %add3A_433 = arith.constant 2928 : i32
    %add3A_434 = arith.addi %mul3A_2, %add3A_433 : i32
    %dma_start3A_435 = arith.constant 0 : i32
    %dma_start3A_436 = tpu.memref_slice %arg9[%dma_start3A_435] : memref<488xi32, #tpu.memory_space<vmem>> -> memref<488xi32, #tpu.memory_space<vmem>>
    %dma_start3A_437 = tpu.memref_slice %arg5[%add3A_434] : memref<160000xi32, #tpu.memory_space<hbm>> -> memref<488xi32, #tpu.memory_space<hbm>>
    %dma_start3A_438 = arith.constant 0 : i32
    %dma_start3A_439 = tpu.memref_slice %arg9[%dma_start3A_438] : memref<488xi32, #tpu.memory_space<vmem>> -> memref<488xi32, #tpu.memory_space<vmem>>
    %dma_start3A_440 = tpu.memref_slice %arg5[%add3A_434] : memref<160000xi32, #tpu.memory_space<hbm>> -> memref<488xi32, #tpu.memory_space<hbm>>
    tpu.enqueue_dma source(%dma_start3A_440 : memref<488xi32, #tpu.memory_space<hbm>>) target(%dma_start3A_439 : memref<488xi32, #tpu.memory_space<vmem>>) target_semaphore(%arg13 : memref<!tpu.dma_semaphore, #tpu.memory_space<semaphore_mem>>)
    %add3A_441 = arith.constant 1952 : i32
    %add3A_442 = arith.addi %mul3A_2, %add3A_441 : i32
    %dma_start3A_443 = arith.constant 0 : i32
    %dma_start3A_444 = arith.constant 0 : i32
    %dma_start3A_445 = tpu.memref_slice %arg11[%dma_start3A_443, %dma_start3A_444] : memref<488x128xf32, #tpu.memory_space<vmem>> -> memref<488x128xf32, #tpu.memory_space<vmem>>
    %dma_start3A_446 = arith.constant 0 : i32
    %dma_start3A_447 = tpu.memref_slice %arg6[%add3A_442, %dma_start3A_446] : memref<160000x128xf32, #tpu.memory_space<hbm>> -> memref<488x128xf32, #tpu.memory_space<hbm>>
    %dma_start3A_448 = arith.constant 0 : i32
    %dma_start3A_449 = tpu.memref_slice %arg6[%add3A_442, %dma_start3A_448] : memref<160000x128xf32, #tpu.memory_space<hbm>> -> memref<488x128xf32, #tpu.memory_space<hbm>>
    %dma_start3A_450 = arith.constant 0 : i32
    %dma_start3A_451 = arith.constant 0 : i32
    %dma_start3A_452 = tpu.memref_slice %arg11[%dma_start3A_450, %dma_start3A_451] : memref<488x128xf32, #tpu.memory_space<vmem>> -> memref<488x128xf32, #tpu.memory_space<vmem>>
    tpu.enqueue_dma source(%dma_start3A_452 : memref<488x128xf32, #tpu.memory_space<vmem>>) target(%dma_start3A_449 : memref<488x128xf32, #tpu.memory_space<hbm>>) target_semaphore(%arg17 : memref<!tpu.dma_semaphore, #tpu.memory_space<semaphore_mem>>)
    %dma_wait3A_453 = arith.constant 0 : i32
    %dma_wait3A_454 = arith.constant 0 : i32
    %dma_wait3A_455 = tpu.memref_slice %arg12[%dma_wait3A_453, %dma_wait3A_454] : memref<488x128xf32, #tpu.memory_space<vmem>> -> memref<488x128xf32, #tpu.memory_space<vmem>>
    %dma_wait3A_456 = arith.constant 0 : i32
    %dma_wait3A_457 = tpu.memref_slice %arg8[%dma_wait3A_456] : memref<488xi32, #tpu.memory_space<vmem>> -> memref<488xi32, #tpu.memory_space<vmem>>
    %dma_wait3A_458 = arith.constant 0 : i32
    %dma_wait3A_459 = arith.constant 0 : i32
    %dma_wait3A_460 = tpu.memref_slice %arg2[%dma_wait3A_458, %dma_wait3A_459] : memref<10000x128xf32, #tpu.memory_space<hbm>> -> memref<10000x128xf32, #tpu.memory_space<hbm>>
    tpu.wait_indirect_dma semaphore(%arg16 : memref<!tpu.dma_semaphore, #tpu.memory_space<semaphore_mem>>) src(%dma_wait3A_460 : memref<10000x128xf32, #tpu.memory_space<hbm>>) dst(%dma_wait3A_455 : memref<488x128xf32, #tpu.memory_space<vmem>>)
    %dma_start3A_461 = arith.constant 0 : i32
    %dma_start3A_462 = arith.constant 0 : i32
    %dma_start3A_463 = tpu.memref_slice %arg12[%dma_start3A_461, %dma_start3A_462] : memref<488x128xf32, #tpu.memory_space<vmem>> -> memref<488x128xf32, #tpu.memory_space<vmem>>
    %dma_start3A_464 = arith.constant 0 : i32
    %dma_start3A_465 = tpu.memref_slice %arg10[%dma_start3A_464] : memref<488xi32, #tpu.memory_space<vmem>> -> memref<488xi32, #tpu.memory_space<vmem>>
    %dma_start3A_466 = arith.constant 0 : i32
    %dma_start3A_467 = arith.constant 0 : i32
    %dma_start3A_468 = tpu.memref_slice %arg3[%dma_start3A_466, %dma_start3A_467] : memref<10000x128xf32, #tpu.memory_space<hbm>> -> memref<10000x128xf32, #tpu.memory_space<hbm>>
    tpu.enqueue_indirect_dma source(%dma_start3A_468 : memref<10000x128xf32, #tpu.memory_space<hbm>>) target(%dma_start3A_463 : memref<488x128xf32, #tpu.memory_space<vmem>>) offsets(%dma_start3A_465 : memref<488xi32, #tpu.memory_space<vmem>>) semaphore(%arg16 : memref<!tpu.dma_semaphore, #tpu.memory_space<semaphore_mem>>) {add = true}
    %dma_wait3A_469 = arith.constant 0 : i32
    %dma_wait3A_470 = arith.constant 0 : i32
    %dma_wait3A_471 = tpu.memref_slice %arg11[%dma_wait3A_469, %dma_wait3A_470] : memref<488x128xf32, #tpu.memory_space<vmem>> -> memref<488x128xf32, #tpu.memory_space<vmem>>
    %dma_wait3A_472 = arith.constant 0 : i32
    %dma_wait3A_473 = tpu.memref_slice %arg6[%add3A_442, %dma_wait3A_472] : memref<160000x128xf32, #tpu.memory_space<hbm>> -> memref<488x128xf32, #tpu.memory_space<hbm>>
    %dma_wait3A_474 = arith.constant 0 : i32
    %dma_wait3A_475 = tpu.memref_slice %arg6[%add3A_442, %dma_wait3A_474] : memref<160000x128xf32, #tpu.memory_space<hbm>> -> memref<488x128xf32, #tpu.memory_space<hbm>>
    %dma_wait3A_476 = arith.constant 0 : i32
    %dma_wait3A_477 = arith.constant 0 : i32
    %dma_wait3A_478 = tpu.memref_slice %arg11[%dma_wait3A_476, %dma_wait3A_477] : memref<488x128xf32, #tpu.memory_space<vmem>> -> memref<488x128xf32, #tpu.memory_space<vmem>>
    tpu.wait_dma2 semaphore(%arg17 : memref<!tpu.dma_semaphore, #tpu.memory_space<semaphore_mem>>) src(%dma_wait3A_478 : memref<488x128xf32, #tpu.memory_space<vmem>>) dst(%dma_wait3A_475 : memref<488x128xf32, #tpu.memory_space<hbm>>)
    %dma_wait3A_479 = arith.constant 0 : i32
    %dma_wait3A_480 = tpu.memref_slice %arg7[%dma_wait3A_479] : memref<488xi32, #tpu.memory_space<vmem>> -> memref<488xi32, #tpu.memory_space<vmem>>
    %dma_wait3A_481 = tpu.memref_slice %arg4[%add3A_426] : memref<160000xi32, #tpu.memory_space<hbm>> -> memref<488xi32, #tpu.memory_space<hbm>>
    %dma_wait3A_482 = arith.constant 0 : i32
    %dma_wait3A_483 = tpu.memref_slice %arg7[%dma_wait3A_482] : memref<488xi32, #tpu.memory_space<vmem>> -> memref<488xi32, #tpu.memory_space<vmem>>
    %dma_wait3A_484 = tpu.memref_slice %arg4[%add3A_426] : memref<160000xi32, #tpu.memory_space<hbm>> -> memref<488xi32, #tpu.memory_space<hbm>>
    tpu.wait_dma2 semaphore(%arg13 : memref<!tpu.dma_semaphore, #tpu.memory_space<semaphore_mem>>) src(%dma_wait3A_484 : memref<488xi32, #tpu.memory_space<hbm>>) dst(%dma_wait3A_483 : memref<488xi32, #tpu.memory_space<vmem>>)
    %dma_wait3A_485 = arith.constant 0 : i32
    %dma_wait3A_486 = tpu.memref_slice %arg9[%dma_wait3A_485] : memref<488xi32, #tpu.memory_space<vmem>> -> memref<488xi32, #tpu.memory_space<vmem>>
    %dma_wait3A_487 = tpu.memref_slice %arg5[%add3A_434] : memref<160000xi32, #tpu.memory_space<hbm>> -> memref<488xi32, #tpu.memory_space<hbm>>
    %dma_wait3A_488 = arith.constant 0 : i32
    %dma_wait3A_489 = tpu.memref_slice %arg9[%dma_wait3A_488] : memref<488xi32, #tpu.memory_space<vmem>> -> memref<488xi32, #tpu.memory_space<vmem>>
    %dma_wait3A_490 = tpu.memref_slice %arg5[%add3A_434] : memref<160000xi32, #tpu.memory_space<hbm>> -> memref<488xi32, #tpu.memory_space<hbm>>
    tpu.wait_dma2 semaphore(%arg13 : memref<!tpu.dma_semaphore, #tpu.memory_space<semaphore_mem>>) src(%dma_wait3A_490 : memref<488xi32, #tpu.memory_space<hbm>>) dst(%dma_wait3A_489 : memref<488xi32, #tpu.memory_space<vmem>>)
    %dma_start3A_491 = arith.constant 0 : i32
    %dma_start3A_492 = arith.constant 0 : i32
    %dma_start3A_493 = tpu.memref_slice %arg11[%dma_start3A_491, %dma_start3A_492] : memref<488x128xf32, #tpu.memory_space<vmem>> -> memref<488x128xf32, #tpu.memory_space<vmem>>
    %dma_start3A_494 = arith.constant 0 : i32
    %dma_start3A_495 = tpu.memref_slice %arg7[%dma_start3A_494] : memref<488xi32, #tpu.memory_space<vmem>> -> memref<488xi32, #tpu.memory_space<vmem>>
    %dma_start3A_496 = arith.constant 0 : i32
    %dma_start3A_497 = arith.constant 0 : i32
    %dma_start3A_498 = tpu.memref_slice %arg2[%dma_start3A_496, %dma_start3A_497] : memref<10000x128xf32, #tpu.memory_space<hbm>> -> memref<10000x128xf32, #tpu.memory_space<hbm>>
    tpu.enqueue_indirect_dma source(%dma_start3A_498 : memref<10000x128xf32, #tpu.memory_space<hbm>>) target(%dma_start3A_493 : memref<488x128xf32, #tpu.memory_space<vmem>>) offsets(%dma_start3A_495 : memref<488xi32, #tpu.memory_space<vmem>>) semaphore(%arg15 : memref<!tpu.dma_semaphore, #tpu.memory_space<semaphore_mem>>)
    %dma_wait3A_499 = arith.constant 0 : i32
    %dma_wait3A_500 = arith.constant 0 : i32
    %dma_wait3A_501 = tpu.memref_slice %arg12[%dma_wait3A_499, %dma_wait3A_500] : memref<488x128xf32, #tpu.memory_space<vmem>> -> memref<488x128xf32, #tpu.memory_space<vmem>>
    %dma_wait3A_502 = arith.constant 0 : i32
    %dma_wait3A_503 = tpu.memref_slice %arg10[%dma_wait3A_502] : memref<488xi32, #tpu.memory_space<vmem>> -> memref<488xi32, #tpu.memory_space<vmem>>
    %dma_wait3A_504 = arith.constant 0 : i32
    %dma_wait3A_505 = arith.constant 0 : i32
    %dma_wait3A_506 = tpu.memref_slice %arg3[%dma_wait3A_504, %dma_wait3A_505] : memref<10000x128xf32, #tpu.memory_space<hbm>> -> memref<10000x128xf32, #tpu.memory_space<hbm>>
    tpu.wait_indirect_dma semaphore(%arg16 : memref<!tpu.dma_semaphore, #tpu.memory_space<semaphore_mem>>) src(%dma_wait3A_506 : memref<10000x128xf32, #tpu.memory_space<hbm>>) dst(%dma_wait3A_501 : memref<488x128xf32, #tpu.memory_space<vmem>>)
    %add3A_507 = arith.constant 3416 : i32
    %add3A_508 = arith.addi %mul3A_2, %add3A_507 : i32
    %dma_start3A_509 = arith.constant 0 : i32
    %dma_start3A_510 = tpu.memref_slice %arg8[%dma_start3A_509] : memref<488xi32, #tpu.memory_space<vmem>> -> memref<488xi32, #tpu.memory_space<vmem>>
    %dma_start3A_511 = tpu.memref_slice %arg4[%add3A_508] : memref<160000xi32, #tpu.memory_space<hbm>> -> memref<488xi32, #tpu.memory_space<hbm>>
    %dma_start3A_512 = arith.constant 0 : i32
    %dma_start3A_513 = tpu.memref_slice %arg8[%dma_start3A_512] : memref<488xi32, #tpu.memory_space<vmem>> -> memref<488xi32, #tpu.memory_space<vmem>>
    %dma_start3A_514 = tpu.memref_slice %arg4[%add3A_508] : memref<160000xi32, #tpu.memory_space<hbm>> -> memref<488xi32, #tpu.memory_space<hbm>>
    tpu.enqueue_dma source(%dma_start3A_514 : memref<488xi32, #tpu.memory_space<hbm>>) target(%dma_start3A_513 : memref<488xi32, #tpu.memory_space<vmem>>) target_semaphore(%arg14 : memref<!tpu.dma_semaphore, #tpu.memory_space<semaphore_mem>>)
    %add3A_515 = arith.constant 3416 : i32
    %add3A_516 = arith.addi %mul3A_2, %add3A_515 : i32
    %dma_start3A_517 = arith.constant 0 : i32
    %dma_start3A_518 = tpu.memref_slice %arg10[%dma_start3A_517] : memref<488xi32, #tpu.memory_space<vmem>> -> memref<488xi32, #tpu.memory_space<vmem>>
    %dma_start3A_519 = tpu.memref_slice %arg5[%add3A_516] : memref<160000xi32, #tpu.memory_space<hbm>> -> memref<488xi32, #tpu.memory_space<hbm>>
    %dma_start3A_520 = arith.constant 0 : i32
    %dma_start3A_521 = tpu.memref_slice %arg10[%dma_start3A_520] : memref<488xi32, #tpu.memory_space<vmem>> -> memref<488xi32, #tpu.memory_space<vmem>>
    %dma_start3A_522 = tpu.memref_slice %arg5[%add3A_516] : memref<160000xi32, #tpu.memory_space<hbm>> -> memref<488xi32, #tpu.memory_space<hbm>>
    tpu.enqueue_dma source(%dma_start3A_522 : memref<488xi32, #tpu.memory_space<hbm>>) target(%dma_start3A_521 : memref<488xi32, #tpu.memory_space<vmem>>) target_semaphore(%arg14 : memref<!tpu.dma_semaphore, #tpu.memory_space<semaphore_mem>>)
    %add3A_523 = arith.constant 2440 : i32
    %add3A_524 = arith.addi %mul3A_2, %add3A_523 : i32
    %dma_start3A_525 = arith.constant 0 : i32
    %dma_start3A_526 = arith.constant 0 : i32
    %dma_start3A_527 = tpu.memref_slice %arg12[%dma_start3A_525, %dma_start3A_526] : memref<488x128xf32, #tpu.memory_space<vmem>> -> memref<488x128xf32, #tpu.memory_space<vmem>>
    %dma_start3A_528 = arith.constant 0 : i32
    %dma_start3A_529 = tpu.memref_slice %arg6[%add3A_524, %dma_start3A_528] : memref<160000x128xf32, #tpu.memory_space<hbm>> -> memref<488x128xf32, #tpu.memory_space<hbm>>
    %dma_start3A_530 = arith.constant 0 : i32
    %dma_start3A_531 = tpu.memref_slice %arg6[%add3A_524, %dma_start3A_530] : memref<160000x128xf32, #tpu.memory_space<hbm>> -> memref<488x128xf32, #tpu.memory_space<hbm>>
    %dma_start3A_532 = arith.constant 0 : i32
    %dma_start3A_533 = arith.constant 0 : i32
    %dma_start3A_534 = tpu.memref_slice %arg12[%dma_start3A_532, %dma_start3A_533] : memref<488x128xf32, #tpu.memory_space<vmem>> -> memref<488x128xf32, #tpu.memory_space<vmem>>
    tpu.enqueue_dma source(%dma_start3A_534 : memref<488x128xf32, #tpu.memory_space<vmem>>) target(%dma_start3A_531 : memref<488x128xf32, #tpu.memory_space<hbm>>) target_semaphore(%arg18 : memref<!tpu.dma_semaphore, #tpu.memory_space<semaphore_mem>>)
    %dma_wait3A_535 = arith.constant 0 : i32
    %dma_wait3A_536 = arith.constant 0 : i32
    %dma_wait3A_537 = tpu.memref_slice %arg11[%dma_wait3A_535, %dma_wait3A_536] : memref<488x128xf32, #tpu.memory_space<vmem>> -> memref<488x128xf32, #tpu.memory_space<vmem>>
    %dma_wait3A_538 = arith.constant 0 : i32
    %dma_wait3A_539 = tpu.memref_slice %arg7[%dma_wait3A_538] : memref<488xi32, #tpu.memory_space<vmem>> -> memref<488xi32, #tpu.memory_space<vmem>>
    %dma_wait3A_540 = arith.constant 0 : i32
    %dma_wait3A_541 = arith.constant 0 : i32
    %dma_wait3A_542 = tpu.memref_slice %arg2[%dma_wait3A_540, %dma_wait3A_541] : memref<10000x128xf32, #tpu.memory_space<hbm>> -> memref<10000x128xf32, #tpu.memory_space<hbm>>
    tpu.wait_indirect_dma semaphore(%arg15 : memref<!tpu.dma_semaphore, #tpu.memory_space<semaphore_mem>>) src(%dma_wait3A_542 : memref<10000x128xf32, #tpu.memory_space<hbm>>) dst(%dma_wait3A_537 : memref<488x128xf32, #tpu.memory_space<vmem>>)
    %dma_start3A_543 = arith.constant 0 : i32
    %dma_start3A_544 = arith.constant 0 : i32
    %dma_start3A_545 = tpu.memref_slice %arg11[%dma_start3A_543, %dma_start3A_544] : memref<488x128xf32, #tpu.memory_space<vmem>> -> memref<488x128xf32, #tpu.memory_space<vmem>>
    %dma_start3A_546 = arith.constant 0 : i32
    %dma_start3A_547 = tpu.memref_slice %arg9[%dma_start3A_546] : memref<488xi32, #tpu.memory_space<vmem>> -> memref<488xi32, #tpu.memory_space<vmem>>
    %dma_start3A_548 = arith.constant 0 : i32
    %dma_start3A_549 = arith.constant 0 : i32
    %dma_start3A_550 = tpu.memref_slice %arg3[%dma_start3A_548, %dma_start3A_549] : memref<10000x128xf32, #tpu.memory_space<hbm>> -> memref<10000x128xf32, #tpu.memory_space<hbm>>
    tpu.enqueue_indirect_dma source(%dma_start3A_550 : memref<10000x128xf32, #tpu.memory_space<hbm>>) target(%dma_start3A_545 : memref<488x128xf32, #tpu.memory_space<vmem>>) offsets(%dma_start3A_547 : memref<488xi32, #tpu.memory_space<vmem>>) semaphore(%arg15 : memref<!tpu.dma_semaphore, #tpu.memory_space<semaphore_mem>>) {add = true}
    %dma_wait3A_551 = arith.constant 0 : i32
    %dma_wait3A_552 = arith.constant 0 : i32
    %dma_wait3A_553 = tpu.memref_slice %arg12[%dma_wait3A_551, %dma_wait3A_552] : memref<488x128xf32, #tpu.memory_space<vmem>> -> memref<488x128xf32, #tpu.memory_space<vmem>>
    %dma_wait3A_554 = arith.constant 0 : i32
    %dma_wait3A_555 = tpu.memref_slice %arg6[%add3A_524, %dma_wait3A_554] : memref<160000x128xf32, #tpu.memory_space<hbm>> -> memref<488x128xf32, #tpu.memory_space<hbm>>
    %dma_wait3A_556 = arith.constant 0 : i32
    %dma_wait3A_557 = tpu.memref_slice %arg6[%add3A_524, %dma_wait3A_556] : memref<160000x128xf32, #tpu.memory_space<hbm>> -> memref<488x128xf32, #tpu.memory_space<hbm>>
    %dma_wait3A_558 = arith.constant 0 : i32
    %dma_wait3A_559 = arith.constant 0 : i32
    %dma_wait3A_560 = tpu.memref_slice %arg12[%dma_wait3A_558, %dma_wait3A_559] : memref<488x128xf32, #tpu.memory_space<vmem>> -> memref<488x128xf32, #tpu.memory_space<vmem>>
    tpu.wait_dma2 semaphore(%arg18 : memref<!tpu.dma_semaphore, #tpu.memory_space<semaphore_mem>>) src(%dma_wait3A_560 : memref<488x128xf32, #tpu.memory_space<vmem>>) dst(%dma_wait3A_557 : memref<488x128xf32, #tpu.memory_space<hbm>>)
    %dma_wait3A_561 = arith.constant 0 : i32
    %dma_wait3A_562 = tpu.memref_slice %arg8[%dma_wait3A_561] : memref<488xi32, #tpu.memory_space<vmem>> -> memref<488xi32, #tpu.memory_space<vmem>>
    %dma_wait3A_563 = tpu.memref_slice %arg4[%add3A_508] : memref<160000xi32, #tpu.memory_space<hbm>> -> memref<488xi32, #tpu.memory_space<hbm>>
    %dma_wait3A_564 = arith.constant 0 : i32
    %dma_wait3A_565 = tpu.memref_slice %arg8[%dma_wait3A_564] : memref<488xi32, #tpu.memory_space<vmem>> -> memref<488xi32, #tpu.memory_space<vmem>>
    %dma_wait3A_566 = tpu.memref_slice %arg4[%add3A_508] : memref<160000xi32, #tpu.memory_space<hbm>> -> memref<488xi32, #tpu.memory_space<hbm>>
    tpu.wait_dma2 semaphore(%arg14 : memref<!tpu.dma_semaphore, #tpu.memory_space<semaphore_mem>>) src(%dma_wait3A_566 : memref<488xi32, #tpu.memory_space<hbm>>) dst(%dma_wait3A_565 : memref<488xi32, #tpu.memory_space<vmem>>)
    %dma_wait3A_567 = arith.constant 0 : i32
    %dma_wait3A_568 = tpu.memref_slice %arg10[%dma_wait3A_567] : memref<488xi32, #tpu.memory_space<vmem>> -> memref<488xi32, #tpu.memory_space<vmem>>
    %dma_wait3A_569 = tpu.memref_slice %arg5[%add3A_516] : memref<160000xi32, #tpu.memory_space<hbm>> -> memref<488xi32, #tpu.memory_space<hbm>>
    %dma_wait3A_570 = arith.constant 0 : i32
    %dma_wait3A_571 = tpu.memref_slice %arg10[%dma_wait3A_570] : memref<488xi32, #tpu.memory_space<vmem>> -> memref<488xi32, #tpu.memory_space<vmem>>
    %dma_wait3A_572 = tpu.memref_slice %arg5[%add3A_516] : memref<160000xi32, #tpu.memory_space<hbm>> -> memref<488xi32, #tpu.memory_space<hbm>>
    tpu.wait_dma2 semaphore(%arg14 : memref<!tpu.dma_semaphore, #tpu.memory_space<semaphore_mem>>) src(%dma_wait3A_572 : memref<488xi32, #tpu.memory_space<hbm>>) dst(%dma_wait3A_571 : memref<488xi32, #tpu.memory_space<vmem>>)
    %dma_start3A_573 = arith.constant 0 : i32
    %dma_start3A_574 = arith.constant 0 : i32
    %dma_start3A_575 = tpu.memref_slice %arg12[%dma_start3A_573, %dma_start3A_574] : memref<488x128xf32, #tpu.memory_space<vmem>> -> memref<488x128xf32, #tpu.memory_space<vmem>>
    %dma_start3A_576 = arith.constant 0 : i32
    %dma_start3A_577 = tpu.memref_slice %arg8[%dma_start3A_576] : memref<488xi32, #tpu.memory_space<vmem>> -> memref<488xi32, #tpu.memory_space<vmem>>
    %dma_start3A_578 = arith.constant 0 : i32
    %dma_start3A_579 = arith.constant 0 : i32
    %dma_start3A_580 = tpu.memref_slice %arg2[%dma_start3A_578, %dma_start3A_579] : memref<10000x128xf32, #tpu.memory_space<hbm>> -> memref<10000x128xf32, #tpu.memory_space<hbm>>
    tpu.enqueue_indirect_dma source(%dma_start3A_580 : memref<10000x128xf32, #tpu.memory_space<hbm>>) target(%dma_start3A_575 : memref<488x128xf32, #tpu.memory_space<vmem>>) offsets(%dma_start3A_577 : memref<488xi32, #tpu.memory_space<vmem>>) semaphore(%arg16 : memref<!tpu.dma_semaphore, #tpu.memory_space<semaphore_mem>>)
    %dma_wait3A_581 = arith.constant 0 : i32
    %dma_wait3A_582 = arith.constant 0 : i32
    %dma_wait3A_583 = tpu.memref_slice %arg11[%dma_wait3A_581, %dma_wait3A_582] : memref<488x128xf32, #tpu.memory_space<vmem>> -> memref<488x128xf32, #tpu.memory_space<vmem>>
    %dma_wait3A_584 = arith.constant 0 : i32
    %dma_wait3A_585 = tpu.memref_slice %arg9[%dma_wait3A_584] : memref<488xi32, #tpu.memory_space<vmem>> -> memref<488xi32, #tpu.memory_space<vmem>>
    %dma_wait3A_586 = arith.constant 0 : i32
    %dma_wait3A_587 = arith.constant 0 : i32
    %dma_wait3A_588 = tpu.memref_slice %arg3[%dma_wait3A_586, %dma_wait3A_587] : memref<10000x128xf32, #tpu.memory_space<hbm>> -> memref<10000x128xf32, #tpu.memory_space<hbm>>
    tpu.wait_indirect_dma semaphore(%arg15 : memref<!tpu.dma_semaphore, #tpu.memory_space<semaphore_mem>>) src(%dma_wait3A_588 : memref<10000x128xf32, #tpu.memory_space<hbm>>) dst(%dma_wait3A_583 : memref<488x128xf32, #tpu.memory_space<vmem>>)
    %add3A_589 = arith.constant 3904 : i32
    %add3A_590 = arith.addi %mul3A_2, %add3A_589 : i32
    %dma_start3A_591 = arith.constant 0 : i32
    %dma_start3A_592 = tpu.memref_slice %arg7[%dma_start3A_591] : memref<488xi32, #tpu.memory_space<vmem>> -> memref<488xi32, #tpu.memory_space<vmem>>
    %dma_start3A_593 = tpu.memref_slice %arg4[%add3A_590] : memref<160000xi32, #tpu.memory_space<hbm>> -> memref<488xi32, #tpu.memory_space<hbm>>
    %dma_start3A_594 = arith.constant 0 : i32
    %dma_start3A_595 = tpu.memref_slice %arg7[%dma_start3A_594] : memref<488xi32, #tpu.memory_space<vmem>> -> memref<488xi32, #tpu.memory_space<vmem>>
    %dma_start3A_596 = tpu.memref_slice %arg4[%add3A_590] : memref<160000xi32, #tpu.memory_space<hbm>> -> memref<488xi32, #tpu.memory_space<hbm>>
    tpu.enqueue_dma source(%dma_start3A_596 : memref<488xi32, #tpu.memory_space<hbm>>) target(%dma_start3A_595 : memref<488xi32, #tpu.memory_space<vmem>>) target_semaphore(%arg13 : memref<!tpu.dma_semaphore, #tpu.memory_space<semaphore_mem>>)
    %add3A_597 = arith.constant 3904 : i32
    %add3A_598 = arith.addi %mul3A_2, %add3A_597 : i32
    %dma_start3A_599 = arith.constant 0 : i32
    %dma_start3A_600 = tpu.memref_slice %arg9[%dma_start3A_599] : memref<488xi32, #tpu.memory_space<vmem>> -> memref<488xi32, #tpu.memory_space<vmem>>
    %dma_start3A_601 = tpu.memref_slice %arg5[%add3A_598] : memref<160000xi32, #tpu.memory_space<hbm>> -> memref<488xi32, #tpu.memory_space<hbm>>
    %dma_start3A_602 = arith.constant 0 : i32
    %dma_start3A_603 = tpu.memref_slice %arg9[%dma_start3A_602] : memref<488xi32, #tpu.memory_space<vmem>> -> memref<488xi32, #tpu.memory_space<vmem>>
    %dma_start3A_604 = tpu.memref_slice %arg5[%add3A_598] : memref<160000xi32, #tpu.memory_space<hbm>> -> memref<488xi32, #tpu.memory_space<hbm>>
    tpu.enqueue_dma source(%dma_start3A_604 : memref<488xi32, #tpu.memory_space<hbm>>) target(%dma_start3A_603 : memref<488xi32, #tpu.memory_space<vmem>>) target_semaphore(%arg13 : memref<!tpu.dma_semaphore, #tpu.memory_space<semaphore_mem>>)
    %add3A_605 = arith.constant 2928 : i32
    %add3A_606 = arith.addi %mul3A_2, %add3A_605 : i32
    %dma_start3A_607 = arith.constant 0 : i32
    %dma_start3A_608 = arith.constant 0 : i32
    %dma_start3A_609 = tpu.memref_slice %arg11[%dma_start3A_607, %dma_start3A_608] : memref<488x128xf32, #tpu.memory_space<vmem>> -> memref<488x128xf32, #tpu.memory_space<vmem>>
    %dma_start3A_610 = arith.constant 0 : i32
    %dma_start3A_611 = tpu.memref_slice %arg6[%add3A_606, %dma_start3A_610] : memref<160000x128xf32, #tpu.memory_space<hbm>> -> memref<488x128xf32, #tpu.memory_space<hbm>>
    %dma_start3A_612 = arith.constant 0 : i32
    %dma_start3A_613 = tpu.memref_slice %arg6[%add3A_606, %dma_start3A_612] : memref<160000x128xf32, #tpu.memory_space<hbm>> -> memref<488x128xf32, #tpu.memory_space<hbm>>
    %dma_start3A_614 = arith.constant 0 : i32
    %dma_start3A_615 = arith.constant 0 : i32
    %dma_start3A_616 = tpu.memref_slice %arg11[%dma_start3A_614, %dma_start3A_615] : memref<488x128xf32, #tpu.memory_space<vmem>> -> memref<488x128xf32, #tpu.memory_space<vmem>>
    tpu.enqueue_dma source(%dma_start3A_616 : memref<488x128xf32, #tpu.memory_space<vmem>>) target(%dma_start3A_613 : memref<488x128xf32, #tpu.memory_space<hbm>>) target_semaphore(%arg17 : memref<!tpu.dma_semaphore, #tpu.memory_space<semaphore_mem>>)
    %dma_wait3A_617 = arith.constant 0 : i32
    %dma_wait3A_618 = arith.constant 0 : i32
    %dma_wait3A_619 = tpu.memref_slice %arg12[%dma_wait3A_617, %dma_wait3A_618] : memref<488x128xf32, #tpu.memory_space<vmem>> -> memref<488x128xf32, #tpu.memory_space<vmem>>
    %dma_wait3A_620 = arith.constant 0 : i32
    %dma_wait3A_621 = tpu.memref_slice %arg8[%dma_wait3A_620] : memref<488xi32, #tpu.memory_space<vmem>> -> memref<488xi32, #tpu.memory_space<vmem>>
    %dma_wait3A_622 = arith.constant 0 : i32
    %dma_wait3A_623 = arith.constant 0 : i32
    %dma_wait3A_624 = tpu.memref_slice %arg2[%dma_wait3A_622, %dma_wait3A_623] : memref<10000x128xf32, #tpu.memory_space<hbm>> -> memref<10000x128xf32, #tpu.memory_space<hbm>>
    tpu.wait_indirect_dma semaphore(%arg16 : memref<!tpu.dma_semaphore, #tpu.memory_space<semaphore_mem>>) src(%dma_wait3A_624 : memref<10000x128xf32, #tpu.memory_space<hbm>>) dst(%dma_wait3A_619 : memref<488x128xf32, #tpu.memory_space<vmem>>)
    %dma_start3A_625 = arith.constant 0 : i32
    %dma_start3A_626 = arith.constant 0 : i32
    %dma_start3A_627 = tpu.memref_slice %arg12[%dma_start3A_625, %dma_start3A_626] : memref<488x128xf32, #tpu.memory_space<vmem>> -> memref<488x128xf32, #tpu.memory_space<vmem>>
    %dma_start3A_628 = arith.constant 0 : i32
    %dma_start3A_629 = tpu.memref_slice %arg10[%dma_start3A_628] : memref<488xi32, #tpu.memory_space<vmem>> -> memref<488xi32, #tpu.memory_space<vmem>>
    %dma_start3A_630 = arith.constant 0 : i32
    %dma_start3A_631 = arith.constant 0 : i32
    %dma_start3A_632 = tpu.memref_slice %arg3[%dma_start3A_630, %dma_start3A_631] : memref<10000x128xf32, #tpu.memory_space<hbm>> -> memref<10000x128xf32, #tpu.memory_space<hbm>>
    tpu.enqueue_indirect_dma source(%dma_start3A_632 : memref<10000x128xf32, #tpu.memory_space<hbm>>) target(%dma_start3A_627 : memref<488x128xf32, #tpu.memory_space<vmem>>) offsets(%dma_start3A_629 : memref<488xi32, #tpu.memory_space<vmem>>) semaphore(%arg16 : memref<!tpu.dma_semaphore, #tpu.memory_space<semaphore_mem>>) {add = true}
    %dma_wait3A_633 = arith.constant 0 : i32
    %dma_wait3A_634 = arith.constant 0 : i32
    %dma_wait3A_635 = tpu.memref_slice %arg11[%dma_wait3A_633, %dma_wait3A_634] : memref<488x128xf32, #tpu.memory_space<vmem>> -> memref<488x128xf32, #tpu.memory_space<vmem>>
    %dma_wait3A_636 = arith.constant 0 : i32
    %dma_wait3A_637 = tpu.memref_slice %arg6[%add3A_606, %dma_wait3A_636] : memref<160000x128xf32, #tpu.memory_space<hbm>> -> memref<488x128xf32, #tpu.memory_space<hbm>>
    %dma_wait3A_638 = arith.constant 0 : i32
    %dma_wait3A_639 = tpu.memref_slice %arg6[%add3A_606, %dma_wait3A_638] : memref<160000x128xf32, #tpu.memory_space<hbm>> -> memref<488x128xf32, #tpu.memory_space<hbm>>
    %dma_wait3A_640 = arith.constant 0 : i32
    %dma_wait3A_641 = arith.constant 0 : i32
    %dma_wait3A_642 = tpu.memref_slice %arg11[%dma_wait3A_640, %dma_wait3A_641] : memref<488x128xf32, #tpu.memory_space<vmem>> -> memref<488x128xf32, #tpu.memory_space<vmem>>
    tpu.wait_dma2 semaphore(%arg17 : memref<!tpu.dma_semaphore, #tpu.memory_space<semaphore_mem>>) src(%dma_wait3A_642 : memref<488x128xf32, #tpu.memory_space<vmem>>) dst(%dma_wait3A_639 : memref<488x128xf32, #tpu.memory_space<hbm>>)
    %dma_wait3A_643 = arith.constant 0 : i32
    %dma_wait3A_644 = tpu.memref_slice %arg7[%dma_wait3A_643] : memref<488xi32, #tpu.memory_space<vmem>> -> memref<488xi32, #tpu.memory_space<vmem>>
    %dma_wait3A_645 = tpu.memref_slice %arg4[%add3A_590] : memref<160000xi32, #tpu.memory_space<hbm>> -> memref<488xi32, #tpu.memory_space<hbm>>
    %dma_wait3A_646 = arith.constant 0 : i32
    %dma_wait3A_647 = tpu.memref_slice %arg7[%dma_wait3A_646] : memref<488xi32, #tpu.memory_space<vmem>> -> memref<488xi32, #tpu.memory_space<vmem>>
    %dma_wait3A_648 = tpu.memref_slice %arg4[%add3A_590] : memref<160000xi32, #tpu.memory_space<hbm>> -> memref<488xi32, #tpu.memory_space<hbm>>
    tpu.wait_dma2 semaphore(%arg13 : memref<!tpu.dma_semaphore, #tpu.memory_space<semaphore_mem>>) src(%dma_wait3A_648 : memref<488xi32, #tpu.memory_space<hbm>>) dst(%dma_wait3A_647 : memref<488xi32, #tpu.memory_space<vmem>>)
    %dma_wait3A_649 = arith.constant 0 : i32
    %dma_wait3A_650 = tpu.memref_slice %arg9[%dma_wait3A_649] : memref<488xi32, #tpu.memory_space<vmem>> -> memref<488xi32, #tpu.memory_space<vmem>>
    %dma_wait3A_651 = tpu.memref_slice %arg5[%add3A_598] : memref<160000xi32, #tpu.memory_space<hbm>> -> memref<488xi32, #tpu.memory_space<hbm>>
    %dma_wait3A_652 = arith.constant 0 : i32
    %dma_wait3A_653 = tpu.memref_slice %arg9[%dma_wait3A_652] : memref<488xi32, #tpu.memory_space<vmem>> -> memref<488xi32, #tpu.memory_space<vmem>>
    %dma_wait3A_654 = tpu.memref_slice %arg5[%add3A_598] : memref<160000xi32, #tpu.memory_space<hbm>> -> memref<488xi32, #tpu.memory_space<hbm>>
    tpu.wait_dma2 semaphore(%arg13 : memref<!tpu.dma_semaphore, #tpu.memory_space<semaphore_mem>>) src(%dma_wait3A_654 : memref<488xi32, #tpu.memory_space<hbm>>) dst(%dma_wait3A_653 : memref<488xi32, #tpu.memory_space<vmem>>)
    %dma_start3A_655 = arith.constant 0 : i32
    %dma_start3A_656 = arith.constant 0 : i32
    %dma_start3A_657 = tpu.memref_slice %arg11[%dma_start3A_655, %dma_start3A_656] : memref<488x128xf32, #tpu.memory_space<vmem>> -> memref<488x128xf32, #tpu.memory_space<vmem>>
    %dma_start3A_658 = arith.constant 0 : i32
    %dma_start3A_659 = tpu.memref_slice %arg7[%dma_start3A_658] : memref<488xi32, #tpu.memory_space<vmem>> -> memref<488xi32, #tpu.memory_space<vmem>>
    %dma_start3A_660 = arith.constant 0 : i32
    %dma_start3A_661 = arith.constant 0 : i32
    %dma_start3A_662 = tpu.memref_slice %arg2[%dma_start3A_660, %dma_start3A_661] : memref<10000x128xf32, #tpu.memory_space<hbm>> -> memref<10000x128xf32, #tpu.memory_space<hbm>>
    tpu.enqueue_indirect_dma source(%dma_start3A_662 : memref<10000x128xf32, #tpu.memory_space<hbm>>) target(%dma_start3A_657 : memref<488x128xf32, #tpu.memory_space<vmem>>) offsets(%dma_start3A_659 : memref<488xi32, #tpu.memory_space<vmem>>) semaphore(%arg15 : memref<!tpu.dma_semaphore, #tpu.memory_space<semaphore_mem>>)
    %dma_wait3A_663 = arith.constant 0 : i32
    %dma_wait3A_664 = arith.constant 0 : i32
    %dma_wait3A_665 = tpu.memref_slice %arg12[%dma_wait3A_663, %dma_wait3A_664] : memref<488x128xf32, #tpu.memory_space<vmem>> -> memref<488x128xf32, #tpu.memory_space<vmem>>
    %dma_wait3A_666 = arith.constant 0 : i32
    %dma_wait3A_667 = tpu.memref_slice %arg10[%dma_wait3A_666] : memref<488xi32, #tpu.memory_space<vmem>> -> memref<488xi32, #tpu.memory_space<vmem>>
    %dma_wait3A_668 = arith.constant 0 : i32
    %dma_wait3A_669 = arith.constant 0 : i32
    %dma_wait3A_670 = tpu.memref_slice %arg3[%dma_wait3A_668, %dma_wait3A_669] : memref<10000x128xf32, #tpu.memory_space<hbm>> -> memref<10000x128xf32, #tpu.memory_space<hbm>>
    tpu.wait_indirect_dma semaphore(%arg16 : memref<!tpu.dma_semaphore, #tpu.memory_space<semaphore_mem>>) src(%dma_wait3A_670 : memref<10000x128xf32, #tpu.memory_space<hbm>>) dst(%dma_wait3A_665 : memref<488x128xf32, #tpu.memory_space<vmem>>)
    %add3A_671 = arith.constant 4392 : i32
    %add3A_672 = arith.addi %mul3A_2, %add3A_671 : i32
    %dma_start3A_673 = arith.constant 0 : i32
    %dma_start3A_674 = tpu.memref_slice %arg8[%dma_start3A_673] : memref<488xi32, #tpu.memory_space<vmem>> -> memref<488xi32, #tpu.memory_space<vmem>>
    %dma_start3A_675 = tpu.memref_slice %arg4[%add3A_672] : memref<160000xi32, #tpu.memory_space<hbm>> -> memref<488xi32, #tpu.memory_space<hbm>>
    %dma_start3A_676 = arith.constant 0 : i32
    %dma_start3A_677 = tpu.memref_slice %arg8[%dma_start3A_676] : memref<488xi32, #tpu.memory_space<vmem>> -> memref<488xi32, #tpu.memory_space<vmem>>
    %dma_start3A_678 = tpu.memref_slice %arg4[%add3A_672] : memref<160000xi32, #tpu.memory_space<hbm>> -> memref<488xi32, #tpu.memory_space<hbm>>
    tpu.enqueue_dma source(%dma_start3A_678 : memref<488xi32, #tpu.memory_space<hbm>>) target(%dma_start3A_677 : memref<488xi32, #tpu.memory_space<vmem>>) target_semaphore(%arg14 : memref<!tpu.dma_semaphore, #tpu.memory_space<semaphore_mem>>)
    %add3A_679 = arith.constant 4392 : i32
    %add3A_680 = arith.addi %mul3A_2, %add3A_679 : i32
    %dma_start3A_681 = arith.constant 0 : i32
    %dma_start3A_682 = tpu.memref_slice %arg10[%dma_start3A_681] : memref<488xi32, #tpu.memory_space<vmem>> -> memref<488xi32, #tpu.memory_space<vmem>>
    %dma_start3A_683 = tpu.memref_slice %arg5[%add3A_680] : memref<160000xi32, #tpu.memory_space<hbm>> -> memref<488xi32, #tpu.memory_space<hbm>>
    %dma_start3A_684 = arith.constant 0 : i32
    %dma_start3A_685 = tpu.memref_slice %arg10[%dma_start3A_684] : memref<488xi32, #tpu.memory_space<vmem>> -> memref<488xi32, #tpu.memory_space<vmem>>
    %dma_start3A_686 = tpu.memref_slice %arg5[%add3A_680] : memref<160000xi32, #tpu.memory_space<hbm>> -> memref<488xi32, #tpu.memory_space<hbm>>
    tpu.enqueue_dma source(%dma_start3A_686 : memref<488xi32, #tpu.memory_space<hbm>>) target(%dma_start3A_685 : memref<488xi32, #tpu.memory_space<vmem>>) target_semaphore(%arg14 : memref<!tpu.dma_semaphore, #tpu.memory_space<semaphore_mem>>)
    %add3A_687 = arith.constant 3416 : i32
    %add3A_688 = arith.addi %mul3A_2, %add3A_687 : i32
    %dma_start3A_689 = arith.constant 0 : i32
    %dma_start3A_690 = arith.constant 0 : i32
    %dma_start3A_691 = tpu.memref_slice %arg12[%dma_start3A_689, %dma_start3A_690] : memref<488x128xf32, #tpu.memory_space<vmem>> -> memref<488x128xf32, #tpu.memory_space<vmem>>
    %dma_start3A_692 = arith.constant 0 : i32
    %dma_start3A_693 = tpu.memref_slice %arg6[%add3A_688, %dma_start3A_692] : memref<160000x128xf32, #tpu.memory_space<hbm>> -> memref<488x128xf32, #tpu.memory_space<hbm>>
    %dma_start3A_694 = arith.constant 0 : i32
    %dma_start3A_695 = tpu.memref_slice %arg6[%add3A_688, %dma_start3A_694] : memref<160000x128xf32, #tpu.memory_space<hbm>> -> memref<488x128xf32, #tpu.memory_space<hbm>>
    %dma_start3A_696 = arith.constant 0 : i32
    %dma_start3A_697 = arith.constant 0 : i32
    %dma_start3A_698 = tpu.memref_slice %arg12[%dma_start3A_696, %dma_start3A_697] : memref<488x128xf32, #tpu.memory_space<vmem>> -> memref<488x128xf32, #tpu.memory_space<vmem>>
    tpu.enqueue_dma source(%dma_start3A_698 : memref<488x128xf32, #tpu.memory_space<vmem>>) target(%dma_start3A_695 : memref<488x128xf32, #tpu.memory_space<hbm>>) target_semaphore(%arg18 : memref<!tpu.dma_semaphore, #tpu.memory_space<semaphore_mem>>)
    %dma_wait3A_699 = arith.constant 0 : i32
    %dma_wait3A_700 = arith.constant 0 : i32
    %dma_wait3A_701 = tpu.memref_slice %arg11[%dma_wait3A_699, %dma_wait3A_700] : memref<488x128xf32, #tpu.memory_space<vmem>> -> memref<488x128xf32, #tpu.memory_space<vmem>>
    %dma_wait3A_702 = arith.constant 0 : i32
    %dma_wait3A_703 = tpu.memref_slice %arg7[%dma_wait3A_702] : memref<488xi32, #tpu.memory_space<vmem>> -> memref<488xi32, #tpu.memory_space<vmem>>
    %dma_wait3A_704 = arith.constant 0 : i32
    %dma_wait3A_705 = arith.constant 0 : i32
    %dma_wait3A_706 = tpu.memref_slice %arg2[%dma_wait3A_704, %dma_wait3A_705] : memref<10000x128xf32, #tpu.memory_space<hbm>> -> memref<10000x128xf32, #tpu.memory_space<hbm>>
    tpu.wait_indirect_dma semaphore(%arg15 : memref<!tpu.dma_semaphore, #tpu.memory_space<semaphore_mem>>) src(%dma_wait3A_706 : memref<10000x128xf32, #tpu.memory_space<hbm>>) dst(%dma_wait3A_701 : memref<488x128xf32, #tpu.memory_space<vmem>>)
    %dma_start3A_707 = arith.constant 0 : i32
    %dma_start3A_708 = arith.constant 0 : i32
    %dma_start3A_709 = tpu.memref_slice %arg11[%dma_start3A_707, %dma_start3A_708] : memref<488x128xf32, #tpu.memory_space<vmem>> -> memref<488x128xf32, #tpu.memory_space<vmem>>
    %dma_start3A_710 = arith.constant 0 : i32
    %dma_start3A_711 = tpu.memref_slice %arg9[%dma_start3A_710] : memref<488xi32, #tpu.memory_space<vmem>> -> memref<488xi32, #tpu.memory_space<vmem>>
    %dma_start3A_712 = arith.constant 0 : i32
    %dma_start3A_713 = arith.constant 0 : i32
    %dma_start3A_714 = tpu.memref_slice %arg3[%dma_start3A_712, %dma_start3A_713] : memref<10000x128xf32, #tpu.memory_space<hbm>> -> memref<10000x128xf32, #tpu.memory_space<hbm>>
    tpu.enqueue_indirect_dma source(%dma_start3A_714 : memref<10000x128xf32, #tpu.memory_space<hbm>>) target(%dma_start3A_709 : memref<488x128xf32, #tpu.memory_space<vmem>>) offsets(%dma_start3A_711 : memref<488xi32, #tpu.memory_space<vmem>>) semaphore(%arg15 : memref<!tpu.dma_semaphore, #tpu.memory_space<semaphore_mem>>) {add = true}
    %dma_wait3A_715 = arith.constant 0 : i32
    %dma_wait3A_716 = arith.constant 0 : i32
    %dma_wait3A_717 = tpu.memref_slice %arg12[%dma_wait3A_715, %dma_wait3A_716] : memref<488x128xf32, #tpu.memory_space<vmem>> -> memref<488x128xf32, #tpu.memory_space<vmem>>
    %dma_wait3A_718 = arith.constant 0 : i32
    %dma_wait3A_719 = tpu.memref_slice %arg6[%add3A_688, %dma_wait3A_718] : memref<160000x128xf32, #tpu.memory_space<hbm>> -> memref<488x128xf32, #tpu.memory_space<hbm>>
    %dma_wait3A_720 = arith.constant 0 : i32
    %dma_wait3A_721 = tpu.memref_slice %arg6[%add3A_688, %dma_wait3A_720] : memref<160000x128xf32, #tpu.memory_space<hbm>> -> memref<488x128xf32, #tpu.memory_space<hbm>>
    %dma_wait3A_722 = arith.constant 0 : i32
    %dma_wait3A_723 = arith.constant 0 : i32
    %dma_wait3A_724 = tpu.memref_slice %arg12[%dma_wait3A_722, %dma_wait3A_723] : memref<488x128xf32, #tpu.memory_space<vmem>> -> memref<488x128xf32, #tpu.memory_space<vmem>>
    tpu.wait_dma2 semaphore(%arg18 : memref<!tpu.dma_semaphore, #tpu.memory_space<semaphore_mem>>) src(%dma_wait3A_724 : memref<488x128xf32, #tpu.memory_space<vmem>>) dst(%dma_wait3A_721 : memref<488x128xf32, #tpu.memory_space<hbm>>)
    %dma_wait3A_725 = arith.constant 0 : i32
    %dma_wait3A_726 = tpu.memref_slice %arg8[%dma_wait3A_725] : memref<488xi32, #tpu.memory_space<vmem>> -> memref<488xi32, #tpu.memory_space<vmem>>
    %dma_wait3A_727 = tpu.memref_slice %arg4[%add3A_672] : memref<160000xi32, #tpu.memory_space<hbm>> -> memref<488xi32, #tpu.memory_space<hbm>>
    %dma_wait3A_728 = arith.constant 0 : i32
    %dma_wait3A_729 = tpu.memref_slice %arg8[%dma_wait3A_728] : memref<488xi32, #tpu.memory_space<vmem>> -> memref<488xi32, #tpu.memory_space<vmem>>
    %dma_wait3A_730 = tpu.memref_slice %arg4[%add3A_672] : memref<160000xi32, #tpu.memory_space<hbm>> -> memref<488xi32, #tpu.memory_space<hbm>>
    tpu.wait_dma2 semaphore(%arg14 : memref<!tpu.dma_semaphore, #tpu.memory_space<semaphore_mem>>) src(%dma_wait3A_730 : memref<488xi32, #tpu.memory_space<hbm>>) dst(%dma_wait3A_729 : memref<488xi32, #tpu.memory_space<vmem>>)
    %dma_wait3A_731 = arith.constant 0 : i32
    %dma_wait3A_732 = tpu.memref_slice %arg10[%dma_wait3A_731] : memref<488xi32, #tpu.memory_space<vmem>> -> memref<488xi32, #tpu.memory_space<vmem>>
    %dma_wait3A_733 = tpu.memref_slice %arg5[%add3A_680] : memref<160000xi32, #tpu.memory_space<hbm>> -> memref<488xi32, #tpu.memory_space<hbm>>
    %dma_wait3A_734 = arith.constant 0 : i32
    %dma_wait3A_735 = tpu.memref_slice %arg10[%dma_wait3A_734] : memref<488xi32, #tpu.memory_space<vmem>> -> memref<488xi32, #tpu.memory_space<vmem>>
    %dma_wait3A_736 = tpu.memref_slice %arg5[%add3A_680] : memref<160000xi32, #tpu.memory_space<hbm>> -> memref<488xi32, #tpu.memory_space<hbm>>
    tpu.wait_dma2 semaphore(%arg14 : memref<!tpu.dma_semaphore, #tpu.memory_space<semaphore_mem>>) src(%dma_wait3A_736 : memref<488xi32, #tpu.memory_space<hbm>>) dst(%dma_wait3A_735 : memref<488xi32, #tpu.memory_space<vmem>>)
    %dma_start3A_737 = arith.constant 0 : i32
    %dma_start3A_738 = arith.constant 0 : i32
    %dma_start3A_739 = tpu.memref_slice %arg12[%dma_start3A_737, %dma_start3A_738] : memref<488x128xf32, #tpu.memory_space<vmem>> -> memref<488x128xf32, #tpu.memory_space<vmem>>
    %dma_start3A_740 = arith.constant 0 : i32
    %dma_start3A_741 = tpu.memref_slice %arg8[%dma_start3A_740] : memref<488xi32, #tpu.memory_space<vmem>> -> memref<488xi32, #tpu.memory_space<vmem>>
    %dma_start3A_742 = arith.constant 0 : i32
    %dma_start3A_743 = arith.constant 0 : i32
    %dma_start3A_744 = tpu.memref_slice %arg2[%dma_start3A_742, %dma_start3A_743] : memref<10000x128xf32, #tpu.memory_space<hbm>> -> memref<10000x128xf32, #tpu.memory_space<hbm>>
    tpu.enqueue_indirect_dma source(%dma_start3A_744 : memref<10000x128xf32, #tpu.memory_space<hbm>>) target(%dma_start3A_739 : memref<488x128xf32, #tpu.memory_space<vmem>>) offsets(%dma_start3A_741 : memref<488xi32, #tpu.memory_space<vmem>>) semaphore(%arg16 : memref<!tpu.dma_semaphore, #tpu.memory_space<semaphore_mem>>)
    %dma_wait3A_745 = arith.constant 0 : i32
    %dma_wait3A_746 = arith.constant 0 : i32
    %dma_wait3A_747 = tpu.memref_slice %arg11[%dma_wait3A_745, %dma_wait3A_746] : memref<488x128xf32, #tpu.memory_space<vmem>> -> memref<488x128xf32, #tpu.memory_space<vmem>>
    %dma_wait3A_748 = arith.constant 0 : i32
    %dma_wait3A_749 = tpu.memref_slice %arg9[%dma_wait3A_748] : memref<488xi32, #tpu.memory_space<vmem>> -> memref<488xi32, #tpu.memory_space<vmem>>
    %dma_wait3A_750 = arith.constant 0 : i32
    %dma_wait3A_751 = arith.constant 0 : i32
    %dma_wait3A_752 = tpu.memref_slice %arg3[%dma_wait3A_750, %dma_wait3A_751] : memref<10000x128xf32, #tpu.memory_space<hbm>> -> memref<10000x128xf32, #tpu.memory_space<hbm>>
    tpu.wait_indirect_dma semaphore(%arg15 : memref<!tpu.dma_semaphore, #tpu.memory_space<semaphore_mem>>) src(%dma_wait3A_752 : memref<10000x128xf32, #tpu.memory_space<hbm>>) dst(%dma_wait3A_747 : memref<488x128xf32, #tpu.memory_space<vmem>>)
    %add3A_753 = arith.constant 4880 : i32
    %add3A_754 = arith.addi %mul3A_2, %add3A_753 : i32
    %dma_start3A_755 = arith.constant 0 : i32
    %dma_start3A_756 = tpu.memref_slice %arg7[%dma_start3A_755] : memref<488xi32, #tpu.memory_space<vmem>> -> memref<120xi32, #tpu.memory_space<vmem>>
    %dma_start3A_757 = tpu.memref_slice %arg4[%add3A_754] : memref<160000xi32, #tpu.memory_space<hbm>> -> memref<120xi32, #tpu.memory_space<hbm>>
    %dma_start3A_758 = arith.constant 0 : i32
    %dma_start3A_759 = tpu.memref_slice %arg7[%dma_start3A_758] : memref<488xi32, #tpu.memory_space<vmem>> -> memref<120xi32, #tpu.memory_space<vmem>>
    %dma_start3A_760 = tpu.memref_slice %arg4[%add3A_754] : memref<160000xi32, #tpu.memory_space<hbm>> -> memref<120xi32, #tpu.memory_space<hbm>>
    tpu.enqueue_dma source(%dma_start3A_760 : memref<120xi32, #tpu.memory_space<hbm>>) target(%dma_start3A_759 : memref<120xi32, #tpu.memory_space<vmem>>) target_semaphore(%arg13 : memref<!tpu.dma_semaphore, #tpu.memory_space<semaphore_mem>>)
    %add3A_761 = arith.constant 4880 : i32
    %add3A_762 = arith.addi %mul3A_2, %add3A_761 : i32
    %dma_start3A_763 = arith.constant 0 : i32
    %dma_start3A_764 = tpu.memref_slice %arg9[%dma_start3A_763] : memref<488xi32, #tpu.memory_space<vmem>> -> memref<120xi32, #tpu.memory_space<vmem>>
    %dma_start3A_765 = tpu.memref_slice %arg5[%add3A_762] : memref<160000xi32, #tpu.memory_space<hbm>> -> memref<120xi32, #tpu.memory_space<hbm>>
    %dma_start3A_766 = arith.constant 0 : i32
    %dma_start3A_767 = tpu.memref_slice %arg9[%dma_start3A_766] : memref<488xi32, #tpu.memory_space<vmem>> -> memref<120xi32, #tpu.memory_space<vmem>>
    %dma_start3A_768 = tpu.memref_slice %arg5[%add3A_762] : memref<160000xi32, #tpu.memory_space<hbm>> -> memref<120xi32, #tpu.memory_space<hbm>>
    tpu.enqueue_dma source(%dma_start3A_768 : memref<120xi32, #tpu.memory_space<hbm>>) target(%dma_start3A_767 : memref<120xi32, #tpu.memory_space<vmem>>) target_semaphore(%arg13 : memref<!tpu.dma_semaphore, #tpu.memory_space<semaphore_mem>>)
    %add3A_769 = arith.constant 3904 : i32
    %add3A_770 = arith.addi %mul3A_2, %add3A_769 : i32
    %dma_start3A_771 = arith.constant 0 : i32
    %dma_start3A_772 = arith.constant 0 : i32
    %dma_start3A_773 = tpu.memref_slice %arg11[%dma_start3A_771, %dma_start3A_772] : memref<488x128xf32, #tpu.memory_space<vmem>> -> memref<488x128xf32, #tpu.memory_space<vmem>>
    %dma_start3A_774 = arith.constant 0 : i32
    %dma_start3A_775 = tpu.memref_slice %arg6[%add3A_770, %dma_start3A_774] : memref<160000x128xf32, #tpu.memory_space<hbm>> -> memref<488x128xf32, #tpu.memory_space<hbm>>
    %dma_start3A_776 = arith.constant 0 : i32
    %dma_start3A_777 = tpu.memref_slice %arg6[%add3A_770, %dma_start3A_776] : memref<160000x128xf32, #tpu.memory_space<hbm>> -> memref<488x128xf32, #tpu.memory_space<hbm>>
    %dma_start3A_778 = arith.constant 0 : i32
    %dma_start3A_779 = arith.constant 0 : i32
    %dma_start3A_780 = tpu.memref_slice %arg11[%dma_start3A_778, %dma_start3A_779] : memref<488x128xf32, #tpu.memory_space<vmem>> -> memref<488x128xf32, #tpu.memory_space<vmem>>
    tpu.enqueue_dma source(%dma_start3A_780 : memref<488x128xf32, #tpu.memory_space<vmem>>) target(%dma_start3A_777 : memref<488x128xf32, #tpu.memory_space<hbm>>) target_semaphore(%arg17 : memref<!tpu.dma_semaphore, #tpu.memory_space<semaphore_mem>>)
    %dma_wait3A_781 = arith.constant 0 : i32
    %dma_wait3A_782 = arith.constant 0 : i32
    %dma_wait3A_783 = tpu.memref_slice %arg12[%dma_wait3A_781, %dma_wait3A_782] : memref<488x128xf32, #tpu.memory_space<vmem>> -> memref<488x128xf32, #tpu.memory_space<vmem>>
    %dma_wait3A_784 = arith.constant 0 : i32
    %dma_wait3A_785 = tpu.memref_slice %arg8[%dma_wait3A_784] : memref<488xi32, #tpu.memory_space<vmem>> -> memref<488xi32, #tpu.memory_space<vmem>>
    %dma_wait3A_786 = arith.constant 0 : i32
    %dma_wait3A_787 = arith.constant 0 : i32
    %dma_wait3A_788 = tpu.memref_slice %arg2[%dma_wait3A_786, %dma_wait3A_787] : memref<10000x128xf32, #tpu.memory_space<hbm>> -> memref<10000x128xf32, #tpu.memory_space<hbm>>
    tpu.wait_indirect_dma semaphore(%arg16 : memref<!tpu.dma_semaphore, #tpu.memory_space<semaphore_mem>>) src(%dma_wait3A_788 : memref<10000x128xf32, #tpu.memory_space<hbm>>) dst(%dma_wait3A_783 : memref<488x128xf32, #tpu.memory_space<vmem>>)
    %dma_start3A_789 = arith.constant 0 : i32
    %dma_start3A_790 = arith.constant 0 : i32
    %dma_start3A_791 = tpu.memref_slice %arg12[%dma_start3A_789, %dma_start3A_790] : memref<488x128xf32, #tpu.memory_space<vmem>> -> memref<488x128xf32, #tpu.memory_space<vmem>>
    %dma_start3A_792 = arith.constant 0 : i32
    %dma_start3A_793 = tpu.memref_slice %arg10[%dma_start3A_792] : memref<488xi32, #tpu.memory_space<vmem>> -> memref<488xi32, #tpu.memory_space<vmem>>
    %dma_start3A_794 = arith.constant 0 : i32
    %dma_start3A_795 = arith.constant 0 : i32
    %dma_start3A_796 = tpu.memref_slice %arg3[%dma_start3A_794, %dma_start3A_795] : memref<10000x128xf32, #tpu.memory_space<hbm>> -> memref<10000x128xf32, #tpu.memory_space<hbm>>
    tpu.enqueue_indirect_dma source(%dma_start3A_796 : memref<10000x128xf32, #tpu.memory_space<hbm>>) target(%dma_start3A_791 : memref<488x128xf32, #tpu.memory_space<vmem>>) offsets(%dma_start3A_793 : memref<488xi32, #tpu.memory_space<vmem>>) semaphore(%arg16 : memref<!tpu.dma_semaphore, #tpu.memory_space<semaphore_mem>>) {add = true}
    %dma_wait3A_797 = arith.constant 0 : i32
    %dma_wait3A_798 = arith.constant 0 : i32
    %dma_wait3A_799 = tpu.memref_slice %arg11[%dma_wait3A_797, %dma_wait3A_798] : memref<488x128xf32, #tpu.memory_space<vmem>> -> memref<488x128xf32, #tpu.memory_space<vmem>>
    %dma_wait3A_800 = arith.constant 0 : i32
    %dma_wait3A_801 = tpu.memref_slice %arg6[%add3A_770, %dma_wait3A_800] : memref<160000x128xf32, #tpu.memory_space<hbm>> -> memref<488x128xf32, #tpu.memory_space<hbm>>
    %dma_wait3A_802 = arith.constant 0 : i32
    %dma_wait3A_803 = tpu.memref_slice %arg6[%add3A_770, %dma_wait3A_802] : memref<160000x128xf32, #tpu.memory_space<hbm>> -> memref<488x128xf32, #tpu.memory_space<hbm>>
    %dma_wait3A_804 = arith.constant 0 : i32
    %dma_wait3A_805 = arith.constant 0 : i32
    %dma_wait3A_806 = tpu.memref_slice %arg11[%dma_wait3A_804, %dma_wait3A_805] : memref<488x128xf32, #tpu.memory_space<vmem>> -> memref<488x128xf32, #tpu.memory_space<vmem>>
    tpu.wait_dma2 semaphore(%arg17 : memref<!tpu.dma_semaphore, #tpu.memory_space<semaphore_mem>>) src(%dma_wait3A_806 : memref<488x128xf32, #tpu.memory_space<vmem>>) dst(%dma_wait3A_803 : memref<488x128xf32, #tpu.memory_space<hbm>>)
    %dma_wait3A_807 = arith.constant 0 : i32
    %dma_wait3A_808 = tpu.memref_slice %arg7[%dma_wait3A_807] : memref<488xi32, #tpu.memory_space<vmem>> -> memref<120xi32, #tpu.memory_space<vmem>>
    %dma_wait3A_809 = tpu.memref_slice %arg4[%add3A_754] : memref<160000xi32, #tpu.memory_space<hbm>> -> memref<120xi32, #tpu.memory_space<hbm>>
    %dma_wait3A_810 = arith.constant 0 : i32
    %dma_wait3A_811 = tpu.memref_slice %arg7[%dma_wait3A_810] : memref<488xi32, #tpu.memory_space<vmem>> -> memref<120xi32, #tpu.memory_space<vmem>>
    %dma_wait3A_812 = tpu.memref_slice %arg4[%add3A_754] : memref<160000xi32, #tpu.memory_space<hbm>> -> memref<120xi32, #tpu.memory_space<hbm>>
    tpu.wait_dma2 semaphore(%arg13 : memref<!tpu.dma_semaphore, #tpu.memory_space<semaphore_mem>>) src(%dma_wait3A_812 : memref<120xi32, #tpu.memory_space<hbm>>) dst(%dma_wait3A_811 : memref<120xi32, #tpu.memory_space<vmem>>)
    %dma_wait3A_813 = arith.constant 0 : i32
    %dma_wait3A_814 = tpu.memref_slice %arg9[%dma_wait3A_813] : memref<488xi32, #tpu.memory_space<vmem>> -> memref<120xi32, #tpu.memory_space<vmem>>
    %dma_wait3A_815 = tpu.memref_slice %arg5[%add3A_762] : memref<160000xi32, #tpu.memory_space<hbm>> -> memref<120xi32, #tpu.memory_space<hbm>>
    %dma_wait3A_816 = arith.constant 0 : i32
    %dma_wait3A_817 = tpu.memref_slice %arg9[%dma_wait3A_816] : memref<488xi32, #tpu.memory_space<vmem>> -> memref<120xi32, #tpu.memory_space<vmem>>
    %dma_wait3A_818 = tpu.memref_slice %arg5[%add3A_762] : memref<160000xi32, #tpu.memory_space<hbm>> -> memref<120xi32, #tpu.memory_space<hbm>>
    tpu.wait_dma2 semaphore(%arg13 : memref<!tpu.dma_semaphore, #tpu.memory_space<semaphore_mem>>) src(%dma_wait3A_818 : memref<120xi32, #tpu.memory_space<hbm>>) dst(%dma_wait3A_817 : memref<120xi32, #tpu.memory_space<vmem>>)
    %dma_start3A_819 = arith.constant 0 : i32
    %dma_start3A_820 = arith.constant 0 : i32
    %dma_start3A_821 = tpu.memref_slice %arg11[%dma_start3A_819, %dma_start3A_820] : memref<488x128xf32, #tpu.memory_space<vmem>> -> memref<120x128xf32, #tpu.memory_space<vmem>>
    %dma_start3A_822 = arith.constant 0 : i32
    %dma_start3A_823 = tpu.memref_slice %arg7[%dma_start3A_822] : memref<488xi32, #tpu.memory_space<vmem>> -> memref<120xi32, #tpu.memory_space<vmem>>
    %dma_start3A_824 = arith.constant 0 : i32
    %dma_start3A_825 = arith.constant 0 : i32
    %dma_start3A_826 = tpu.memref_slice %arg2[%dma_start3A_824, %dma_start3A_825] : memref<10000x128xf32, #tpu.memory_space<hbm>> -> memref<10000x128xf32, #tpu.memory_space<hbm>>
    tpu.enqueue_indirect_dma source(%dma_start3A_826 : memref<10000x128xf32, #tpu.memory_space<hbm>>) target(%dma_start3A_821 : memref<120x128xf32, #tpu.memory_space<vmem>>) offsets(%dma_start3A_823 : memref<120xi32, #tpu.memory_space<vmem>>) semaphore(%arg15 : memref<!tpu.dma_semaphore, #tpu.memory_space<semaphore_mem>>)
    %dma_wait3A_827 = arith.constant 0 : i32
    %dma_wait3A_828 = arith.constant 0 : i32
    %dma_wait3A_829 = tpu.memref_slice %arg12[%dma_wait3A_827, %dma_wait3A_828] : memref<488x128xf32, #tpu.memory_space<vmem>> -> memref<488x128xf32, #tpu.memory_space<vmem>>
    %dma_wait3A_830 = arith.constant 0 : i32
    %dma_wait3A_831 = tpu.memref_slice %arg10[%dma_wait3A_830] : memref<488xi32, #tpu.memory_space<vmem>> -> memref<488xi32, #tpu.memory_space<vmem>>
    %dma_wait3A_832 = arith.constant 0 : i32
    %dma_wait3A_833 = arith.constant 0 : i32
    %dma_wait3A_834 = tpu.memref_slice %arg3[%dma_wait3A_832, %dma_wait3A_833] : memref<10000x128xf32, #tpu.memory_space<hbm>> -> memref<10000x128xf32, #tpu.memory_space<hbm>>
    tpu.wait_indirect_dma semaphore(%arg16 : memref<!tpu.dma_semaphore, #tpu.memory_space<semaphore_mem>>) src(%dma_wait3A_834 : memref<10000x128xf32, #tpu.memory_space<hbm>>) dst(%dma_wait3A_829 : memref<488x128xf32, #tpu.memory_space<vmem>>)
    %add3A_835 = arith.constant 4392 : i32
    %add3A_836 = arith.addi %mul3A_2, %add3A_835 : i32
    %dma_start3A_837 = arith.constant 0 : i32
    %dma_start3A_838 = arith.constant 0 : i32
    %dma_start3A_839 = tpu.memref_slice %arg12[%dma_start3A_837, %dma_start3A_838] : memref<488x128xf32, #tpu.memory_space<vmem>> -> memref<488x128xf32, #tpu.memory_space<vmem>>
    %dma_start3A_840 = arith.constant 0 : i32
    %dma_start3A_841 = tpu.memref_slice %arg6[%add3A_836, %dma_start3A_840] : memref<160000x128xf32, #tpu.memory_space<hbm>> -> memref<488x128xf32, #tpu.memory_space<hbm>>
    %dma_start3A_842 = arith.constant 0 : i32
    %dma_start3A_843 = tpu.memref_slice %arg6[%add3A_836, %dma_start3A_842] : memref<160000x128xf32, #tpu.memory_space<hbm>> -> memref<488x128xf32, #tpu.memory_space<hbm>>
    %dma_start3A_844 = arith.constant 0 : i32
    %dma_start3A_845 = arith.constant 0 : i32
    %dma_start3A_846 = tpu.memref_slice %arg12[%dma_start3A_844, %dma_start3A_845] : memref<488x128xf32, #tpu.memory_space<vmem>> -> memref<488x128xf32, #tpu.memory_space<vmem>>
    tpu.enqueue_dma source(%dma_start3A_846 : memref<488x128xf32, #tpu.memory_space<vmem>>) target(%dma_start3A_843 : memref<488x128xf32, #tpu.memory_space<hbm>>) target_semaphore(%arg18 : memref<!tpu.dma_semaphore, #tpu.memory_space<semaphore_mem>>)
    %dma_wait3A_847 = arith.constant 0 : i32
    %dma_wait3A_848 = arith.constant 0 : i32
    %dma_wait3A_849 = tpu.memref_slice %arg11[%dma_wait3A_847, %dma_wait3A_848] : memref<488x128xf32, #tpu.memory_space<vmem>> -> memref<120x128xf32, #tpu.memory_space<vmem>>
    %dma_wait3A_850 = arith.constant 0 : i32
    %dma_wait3A_851 = tpu.memref_slice %arg7[%dma_wait3A_850] : memref<488xi32, #tpu.memory_space<vmem>> -> memref<120xi32, #tpu.memory_space<vmem>>
    %dma_wait3A_852 = arith.constant 0 : i32
    %dma_wait3A_853 = arith.constant 0 : i32
    %dma_wait3A_854 = tpu.memref_slice %arg2[%dma_wait3A_852, %dma_wait3A_853] : memref<10000x128xf32, #tpu.memory_space<hbm>> -> memref<10000x128xf32, #tpu.memory_space<hbm>>
    tpu.wait_indirect_dma semaphore(%arg15 : memref<!tpu.dma_semaphore, #tpu.memory_space<semaphore_mem>>) src(%dma_wait3A_854 : memref<10000x128xf32, #tpu.memory_space<hbm>>) dst(%dma_wait3A_849 : memref<120x128xf32, #tpu.memory_space<vmem>>)
    %dma_start3A_855 = arith.constant 0 : i32
    %dma_start3A_856 = arith.constant 0 : i32
    %dma_start3A_857 = tpu.memref_slice %arg11[%dma_start3A_855, %dma_start3A_856] : memref<488x128xf32, #tpu.memory_space<vmem>> -> memref<120x128xf32, #tpu.memory_space<vmem>>
    %dma_start3A_858 = arith.constant 0 : i32
    %dma_start3A_859 = tpu.memref_slice %arg9[%dma_start3A_858] : memref<488xi32, #tpu.memory_space<vmem>> -> memref<120xi32, #tpu.memory_space<vmem>>
    %dma_start3A_860 = arith.constant 0 : i32
    %dma_start3A_861 = arith.constant 0 : i32
    %dma_start3A_862 = tpu.memref_slice %arg3[%dma_start3A_860, %dma_start3A_861] : memref<10000x128xf32, #tpu.memory_space<hbm>> -> memref<10000x128xf32, #tpu.memory_space<hbm>>
    tpu.enqueue_indirect_dma source(%dma_start3A_862 : memref<10000x128xf32, #tpu.memory_space<hbm>>) target(%dma_start3A_857 : memref<120x128xf32, #tpu.memory_space<vmem>>) offsets(%dma_start3A_859 : memref<120xi32, #tpu.memory_space<vmem>>) semaphore(%arg15 : memref<!tpu.dma_semaphore, #tpu.memory_space<semaphore_mem>>) {add = true}
    %dma_wait3A_863 = arith.constant 0 : i32
    %dma_wait3A_864 = arith.constant 0 : i32
    %dma_wait3A_865 = tpu.memref_slice %arg11[%dma_wait3A_863, %dma_wait3A_864] : memref<488x128xf32, #tpu.memory_space<vmem>> -> memref<120x128xf32, #tpu.memory_space<vmem>>
    %dma_wait3A_866 = arith.constant 0 : i32
    %dma_wait3A_867 = tpu.memref_slice %arg9[%dma_wait3A_866] : memref<488xi32, #tpu.memory_space<vmem>> -> memref<120xi32, #tpu.memory_space<vmem>>
    %dma_wait3A_868 = arith.constant 0 : i32
    %dma_wait3A_869 = arith.constant 0 : i32
    %dma_wait3A_870 = tpu.memref_slice %arg3[%dma_wait3A_868, %dma_wait3A_869] : memref<10000x128xf32, #tpu.memory_space<hbm>> -> memref<10000x128xf32, #tpu.memory_space<hbm>>
    tpu.wait_indirect_dma semaphore(%arg15 : memref<!tpu.dma_semaphore, #tpu.memory_space<semaphore_mem>>) src(%dma_wait3A_870 : memref<10000x128xf32, #tpu.memory_space<hbm>>) dst(%dma_wait3A_865 : memref<120x128xf32, #tpu.memory_space<vmem>>)
    %add3A_871 = arith.constant 4880 : i32
    %add3A_872 = arith.addi %mul3A_2, %add3A_871 : i32
    %dma_start3A_873 = arith.constant 0 : i32
    %dma_start3A_874 = arith.constant 0 : i32
    %dma_start3A_875 = tpu.memref_slice %arg11[%dma_start3A_873, %dma_start3A_874] : memref<488x128xf32, #tpu.memory_space<vmem>> -> memref<120x128xf32, #tpu.memory_space<vmem>>
    %dma_start3A_876 = arith.constant 0 : i32
    %dma_start3A_877 = tpu.memref_slice %arg6[%add3A_872, %dma_start3A_876] : memref<160000x128xf32, #tpu.memory_space<hbm>> -> memref<120x128xf32, #tpu.memory_space<hbm>>
    %dma_start3A_878 = arith.constant 0 : i32
    %dma_start3A_879 = tpu.memref_slice %arg6[%add3A_872, %dma_start3A_878] : memref<160000x128xf32, #tpu.memory_space<hbm>> -> memref<120x128xf32, #tpu.memory_space<hbm>>
    %dma_start3A_880 = arith.constant 0 : i32
    %dma_start3A_881 = arith.constant 0 : i32
    %dma_start3A_882 = tpu.memref_slice %arg11[%dma_start3A_880, %dma_start3A_881] : memref<488x128xf32, #tpu.memory_space<vmem>> -> memref<120x128xf32, #tpu.memory_space<vmem>>
    tpu.enqueue_dma source(%dma_start3A_882 : memref<120x128xf32, #tpu.memory_space<vmem>>) target(%dma_start3A_879 : memref<120x128xf32, #tpu.memory_space<hbm>>) target_semaphore(%arg17 : memref<!tpu.dma_semaphore, #tpu.memory_space<semaphore_mem>>)
    %dma_wait3A_883 = arith.constant 0 : i32
    %dma_wait3A_884 = arith.constant 0 : i32
    %dma_wait3A_885 = tpu.memref_slice %arg12[%dma_wait3A_883, %dma_wait3A_884] : memref<488x128xf32, #tpu.memory_space<vmem>> -> memref<488x128xf32, #tpu.memory_space<vmem>>
    %dma_wait3A_886 = arith.constant 0 : i32
    %dma_wait3A_887 = tpu.memref_slice %arg6[%add3A_836, %dma_wait3A_886] : memref<160000x128xf32, #tpu.memory_space<hbm>> -> memref<488x128xf32, #tpu.memory_space<hbm>>
    %dma_wait3A_888 = arith.constant 0 : i32
    %dma_wait3A_889 = tpu.memref_slice %arg6[%add3A_836, %dma_wait3A_888] : memref<160000x128xf32, #tpu.memory_space<hbm>> -> memref<488x128xf32, #tpu.memory_space<hbm>>
    %dma_wait3A_890 = arith.constant 0 : i32
    %dma_wait3A_891 = arith.constant 0 : i32
    %dma_wait3A_892 = tpu.memref_slice %arg12[%dma_wait3A_890, %dma_wait3A_891] : memref<488x128xf32, #tpu.memory_space<vmem>> -> memref<488x128xf32, #tpu.memory_space<vmem>>
    tpu.wait_dma2 semaphore(%arg18 : memref<!tpu.dma_semaphore, #tpu.memory_space<semaphore_mem>>) src(%dma_wait3A_892 : memref<488x128xf32, #tpu.memory_space<vmem>>) dst(%dma_wait3A_889 : memref<488x128xf32, #tpu.memory_space<hbm>>)
    %dma_wait3A_893 = arith.constant 0 : i32
    %dma_wait3A_894 = arith.constant 0 : i32
    %dma_wait3A_895 = tpu.memref_slice %arg11[%dma_wait3A_893, %dma_wait3A_894] : memref<488x128xf32, #tpu.memory_space<vmem>> -> memref<120x128xf32, #tpu.memory_space<vmem>>
    %dma_wait3A_896 = arith.constant 0 : i32
    %dma_wait3A_897 = tpu.memref_slice %arg6[%add3A_872, %dma_wait3A_896] : memref<160000x128xf32, #tpu.memory_space<hbm>> -> memref<120x128xf32, #tpu.memory_space<hbm>>
    %dma_wait3A_898 = arith.constant 0 : i32
    %dma_wait3A_899 = tpu.memref_slice %arg6[%add3A_872, %dma_wait3A_898] : memref<160000x128xf32, #tpu.memory_space<hbm>> -> memref<120x128xf32, #tpu.memory_space<hbm>>
    %dma_wait3A_900 = arith.constant 0 : i32
    %dma_wait3A_901 = arith.constant 0 : i32
    %dma_wait3A_902 = tpu.memref_slice %arg11[%dma_wait3A_900, %dma_wait3A_901] : memref<488x128xf32, #tpu.memory_space<vmem>> -> memref<120x128xf32, #tpu.memory_space<vmem>>
    tpu.wait_dma2 semaphore(%arg17 : memref<!tpu.dma_semaphore, #tpu.memory_space<semaphore_mem>>) src(%dma_wait3A_902 : memref<120x128xf32, #tpu.memory_space<vmem>>) dst(%dma_wait3A_899 : memref<120x128xf32, #tpu.memory_space<hbm>>)
    return
  }
}

#map = affine_map<(d0, d1) -> (0, 0)>
#map1 = affine_map<(d0, d1) -> (0)>
module attributes {stable_mosaic.version = 14 : i64} {
  func.func @_s2_aggregate(%arg0: i32, %arg1: i32, %arg2: memref<160000x128xf32, #tpu.memory_space<hbm>>, %arg3: memref<163840xi32, #tpu.memory_space<hbm>>, %arg4: memref<10240x128xf32, #tpu.memory_space<hbm>>, %arg5: memref<5120xi32, #tpu.memory_space<vmem>>, %arg6: memref<320x128xf32, #tpu.memory_space<vmem>>, %arg7: memref<!tpu.dma_semaphore, #tpu.memory_space<semaphore_mem>>, %arg8: memref<!tpu.dma_semaphore, #tpu.memory_space<semaphore_mem>>, %arg9: memref<!tpu.dma_semaphore, #tpu.memory_space<semaphore_mem>>, %arg10: memref<!tpu.dma_semaphore, #tpu.memory_space<semaphore_mem>>) attributes {dimension_semantics = [#tpu.dimension_semantics<core_parallel>, #tpu.dimension_semantics<subcore_parallel>], iteration_bounds = array<i64: 2, 16>, scalar_prefetch = 0 : i64, scratch_operands = 6 : i64, tpu.core_type = #tpu.core_type<sc_vector_subcore>, window_params = [{transform_indices = #map}, {transform_indices = #map1}, {transform_indices = #map}]} {
    %mul3A = arith.constant 2 : i32
    %mul3A_0 = arith.muli %arg1, %mul3A : i32
    %add3A = arith.addi %mul3A_0, %arg0 : i32
    %mul3A_1 = arith.constant 320 : i32
    %mul3A_2 = arith.muli %add3A, %mul3A_1 : i32
    %mul3A_3 = arith.constant 16 : i32
    %mul3A_4 = arith.muli %add3A, %mul3A_3 : i32
    %mul3A_5 = arith.constant 320 : i32
    %mul3A_6 = arith.muli %mul3A_4, %mul3A_5 : i32
    "tpu.region"() ({
      %run_scoped3A = tpu.sem_alloc : memref<!tpu.dma_semaphore, #tpu.memory_space<semaphore_mem>>
      %dma_start3A_1029 = tpu.memref_slice %arg3[%mul3A_6] : memref<163840xi32, #tpu.memory_space<hbm>> -> memref<5120xi32, #tpu.memory_space<hbm>>
      %dma_start3A_1030 = tpu.memref_slice %arg3[%mul3A_6] : memref<163840xi32, #tpu.memory_space<hbm>> -> memref<5120xi32, #tpu.memory_space<hbm>>
      tpu.enqueue_dma source(%dma_start3A_1030 : memref<5120xi32, #tpu.memory_space<hbm>>) target(%arg5 : memref<5120xi32, #tpu.memory_space<vmem>>) target_semaphore(%run_scoped3A : memref<!tpu.dma_semaphore, #tpu.memory_space<semaphore_mem>>)
      %dma_wait3A_1031 = tpu.memref_slice %arg3[%mul3A_6] : memref<163840xi32, #tpu.memory_space<hbm>> -> memref<5120xi32, #tpu.memory_space<hbm>>
      %dma_wait3A_1032 = tpu.memref_slice %arg3[%mul3A_6] : memref<163840xi32, #tpu.memory_space<hbm>> -> memref<5120xi32, #tpu.memory_space<hbm>>
      tpu.wait_dma2 semaphore(%run_scoped3A : memref<!tpu.dma_semaphore, #tpu.memory_space<semaphore_mem>>) src(%dma_wait3A_1032 : memref<5120xi32, #tpu.memory_space<hbm>>) dst(%arg5 : memref<5120xi32, #tpu.memory_space<vmem>>)
      tpu.yield
    }) : () -> ()
    %dma_start3A = arith.constant 0 : i32
    %dma_start3A_7 = arith.constant 0 : i32
    %dma_start3A_8 = tpu.memref_slice %arg6[%dma_start3A, %dma_start3A_7] : memref<320x128xf32, #tpu.memory_space<vmem>> -> memref<80x128xf32, #tpu.memory_space<vmem>>
    %dma_start3A_9 = arith.constant 0 : i32
    %dma_start3A_10 = tpu.memref_slice %arg5[%dma_start3A_9] : memref<5120xi32, #tpu.memory_space<vmem>> -> memref<80xi32, #tpu.memory_space<vmem>>
    %dma_start3A_11 = arith.constant 0 : i32
    %dma_start3A_12 = arith.constant 0 : i32
    %dma_start3A_13 = tpu.memref_slice %arg2[%dma_start3A_11, %dma_start3A_12] : memref<160000x128xf32, #tpu.memory_space<hbm>> -> memref<160000x128xf32, #tpu.memory_space<hbm>>
    tpu.enqueue_indirect_dma source(%dma_start3A_13 : memref<160000x128xf32, #tpu.memory_space<hbm>>) target(%dma_start3A_8 : memref<80x128xf32, #tpu.memory_space<vmem>>) offsets(%dma_start3A_10 : memref<80xi32, #tpu.memory_space<vmem>>) semaphore(%arg7 : memref<!tpu.dma_semaphore, #tpu.memory_space<semaphore_mem>>)
    %dma_start3A_14 = arith.constant 80 : i32
    %dma_start3A_15 = arith.constant 0 : i32
    %dma_start3A_16 = tpu.memref_slice %arg6[%dma_start3A_14, %dma_start3A_15] : memref<320x128xf32, #tpu.memory_space<vmem>> -> memref<80x128xf32, #tpu.memory_space<vmem>>
    %dma_start3A_17 = arith.constant 80 : i32
    %dma_start3A_18 = tpu.memref_slice %arg5[%dma_start3A_17] : memref<5120xi32, #tpu.memory_space<vmem>> -> memref<80xi32, #tpu.memory_space<vmem>>
    %dma_start3A_19 = arith.constant 0 : i32
    %dma_start3A_20 = arith.constant 0 : i32
    %dma_start3A_21 = tpu.memref_slice %arg2[%dma_start3A_19, %dma_start3A_20] : memref<160000x128xf32, #tpu.memory_space<hbm>> -> memref<160000x128xf32, #tpu.memory_space<hbm>>
    tpu.enqueue_indirect_dma source(%dma_start3A_21 : memref<160000x128xf32, #tpu.memory_space<hbm>>) target(%dma_start3A_16 : memref<80x128xf32, #tpu.memory_space<vmem>>) offsets(%dma_start3A_18 : memref<80xi32, #tpu.memory_space<vmem>>) semaphore(%arg8 : memref<!tpu.dma_semaphore, #tpu.memory_space<semaphore_mem>>)
    %dma_start3A_22 = arith.constant 160 : i32
    %dma_start3A_23 = arith.constant 0 : i32
    %dma_start3A_24 = tpu.memref_slice %arg6[%dma_start3A_22, %dma_start3A_23] : memref<320x128xf32, #tpu.memory_space<vmem>> -> memref<80x128xf32, #tpu.memory_space<vmem>>
    %dma_start3A_25 = arith.constant 160 : i32
    %dma_start3A_26 = tpu.memref_slice %arg5[%dma_start3A_25] : memref<5120xi32, #tpu.memory_space<vmem>> -> memref<80xi32, #tpu.memory_space<vmem>>
    %dma_start3A_27 = arith.constant 0 : i32
    %dma_start3A_28 = arith.constant 0 : i32
    %dma_start3A_29 = tpu.memref_slice %arg2[%dma_start3A_27, %dma_start3A_28] : memref<160000x128xf32, #tpu.memory_space<hbm>> -> memref<160000x128xf32, #tpu.memory_space<hbm>>
    tpu.enqueue_indirect_dma source(%dma_start3A_29 : memref<160000x128xf32, #tpu.memory_space<hbm>>) target(%dma_start3A_24 : memref<80x128xf32, #tpu.memory_space<vmem>>) offsets(%dma_start3A_26 : memref<80xi32, #tpu.memory_space<vmem>>) semaphore(%arg9 : memref<!tpu.dma_semaphore, #tpu.memory_space<semaphore_mem>>)
    %dma_start3A_30 = arith.constant 240 : i32
    %dma_start3A_31 = arith.constant 0 : i32
    %dma_start3A_32 = tpu.memref_slice %arg6[%dma_start3A_30, %dma_start3A_31] : memref<320x128xf32, #tpu.memory_space<vmem>> -> memref<80x128xf32, #tpu.memory_space<vmem>>
    %dma_start3A_33 = arith.constant 240 : i32
    %dma_start3A_34 = tpu.memref_slice %arg5[%dma_start3A_33] : memref<5120xi32, #tpu.memory_space<vmem>> -> memref<80xi32, #tpu.memory_space<vmem>>
    %dma_start3A_35 = arith.constant 0 : i32
    %dma_start3A_36 = arith.constant 0 : i32
    %dma_start3A_37 = tpu.memref_slice %arg2[%dma_start3A_35, %dma_start3A_36] : memref<160000x128xf32, #tpu.memory_space<hbm>> -> memref<160000x128xf32, #tpu.memory_space<hbm>>
    tpu.enqueue_indirect_dma source(%dma_start3A_37 : memref<160000x128xf32, #tpu.memory_space<hbm>>) target(%dma_start3A_32 : memref<80x128xf32, #tpu.memory_space<vmem>>) offsets(%dma_start3A_34 : memref<80xi32, #tpu.memory_space<vmem>>) semaphore(%arg10 : memref<!tpu.dma_semaphore, #tpu.memory_space<semaphore_mem>>)
    %dma_wait3A = arith.constant 0 : i32
    %dma_wait3A_38 = arith.constant 0 : i32
    %dma_wait3A_39 = tpu.memref_slice %arg6[%dma_wait3A, %dma_wait3A_38] : memref<320x128xf32, #tpu.memory_space<vmem>> -> memref<80x128xf32, #tpu.memory_space<vmem>>
    %dma_wait3A_40 = arith.constant 0 : i32
    %dma_wait3A_41 = tpu.memref_slice %arg5[%dma_wait3A_40] : memref<5120xi32, #tpu.memory_space<vmem>> -> memref<80xi32, #tpu.memory_space<vmem>>
    %dma_wait3A_42 = arith.constant 0 : i32
    %dma_wait3A_43 = arith.constant 0 : i32
    %dma_wait3A_44 = tpu.memref_slice %arg2[%dma_wait3A_42, %dma_wait3A_43] : memref<160000x128xf32, #tpu.memory_space<hbm>> -> memref<160000x128xf32, #tpu.memory_space<hbm>>
    tpu.wait_indirect_dma semaphore(%arg7 : memref<!tpu.dma_semaphore, #tpu.memory_space<semaphore_mem>>) src(%dma_wait3A_44 : memref<160000x128xf32, #tpu.memory_space<hbm>>) dst(%dma_wait3A_39 : memref<80x128xf32, #tpu.memory_space<vmem>>)
    %dma_start3A_45 = arith.constant 0 : i32
    %dma_start3A_46 = arith.constant 0 : i32
    %dma_start3A_47 = tpu.memref_slice %arg6[%dma_start3A_45, %dma_start3A_46] : memref<320x128xf32, #tpu.memory_space<vmem>> -> memref<80x128xf32, #tpu.memory_space<vmem>>
    %dma_start3A_48 = arith.constant 320 : i32
    %dma_start3A_49 = tpu.memref_slice %arg5[%dma_start3A_48] : memref<5120xi32, #tpu.memory_space<vmem>> -> memref<80xi32, #tpu.memory_space<vmem>>
    %dma_start3A_50 = arith.constant 0 : i32
    %dma_start3A_51 = arith.constant 0 : i32
    %dma_start3A_52 = tpu.memref_slice %arg2[%dma_start3A_50, %dma_start3A_51] : memref<160000x128xf32, #tpu.memory_space<hbm>> -> memref<160000x128xf32, #tpu.memory_space<hbm>>
    tpu.enqueue_indirect_dma source(%dma_start3A_52 : memref<160000x128xf32, #tpu.memory_space<hbm>>) target(%dma_start3A_47 : memref<80x128xf32, #tpu.memory_space<vmem>>) offsets(%dma_start3A_49 : memref<80xi32, #tpu.memory_space<vmem>>) semaphore(%arg7 : memref<!tpu.dma_semaphore, #tpu.memory_space<semaphore_mem>>) {add = true}
    %dma_wait3A_53 = arith.constant 80 : i32
    %dma_wait3A_54 = arith.constant 0 : i32
    %dma_wait3A_55 = tpu.memref_slice %arg6[%dma_wait3A_53, %dma_wait3A_54] : memref<320x128xf32, #tpu.memory_space<vmem>> -> memref<80x128xf32, #tpu.memory_space<vmem>>
    %dma_wait3A_56 = arith.constant 80 : i32
    %dma_wait3A_57 = tpu.memref_slice %arg5[%dma_wait3A_56] : memref<5120xi32, #tpu.memory_space<vmem>> -> memref<80xi32, #tpu.memory_space<vmem>>
    %dma_wait3A_58 = arith.constant 0 : i32
    %dma_wait3A_59 = arith.constant 0 : i32
    %dma_wait3A_60 = tpu.memref_slice %arg2[%dma_wait3A_58, %dma_wait3A_59] : memref<160000x128xf32, #tpu.memory_space<hbm>> -> memref<160000x128xf32, #tpu.memory_space<hbm>>
    tpu.wait_indirect_dma semaphore(%arg8 : memref<!tpu.dma_semaphore, #tpu.memory_space<semaphore_mem>>) src(%dma_wait3A_60 : memref<160000x128xf32, #tpu.memory_space<hbm>>) dst(%dma_wait3A_55 : memref<80x128xf32, #tpu.memory_space<vmem>>)
    %dma_start3A_61 = arith.constant 80 : i32
    %dma_start3A_62 = arith.constant 0 : i32
    %dma_start3A_63 = tpu.memref_slice %arg6[%dma_start3A_61, %dma_start3A_62] : memref<320x128xf32, #tpu.memory_space<vmem>> -> memref<80x128xf32, #tpu.memory_space<vmem>>
    %dma_start3A_64 = arith.constant 400 : i32
    %dma_start3A_65 = tpu.memref_slice %arg5[%dma_start3A_64] : memref<5120xi32, #tpu.memory_space<vmem>> -> memref<80xi32, #tpu.memory_space<vmem>>
    %dma_start3A_66 = arith.constant 0 : i32
    %dma_start3A_67 = arith.constant 0 : i32
    %dma_start3A_68 = tpu.memref_slice %arg2[%dma_start3A_66, %dma_start3A_67] : memref<160000x128xf32, #tpu.memory_space<hbm>> -> memref<160000x128xf32, #tpu.memory_space<hbm>>
    tpu.enqueue_indirect_dma source(%dma_start3A_68 : memref<160000x128xf32, #tpu.memory_space<hbm>>) target(%dma_start3A_63 : memref<80x128xf32, #tpu.memory_space<vmem>>) offsets(%dma_start3A_65 : memref<80xi32, #tpu.memory_space<vmem>>) semaphore(%arg8 : memref<!tpu.dma_semaphore, #tpu.memory_space<semaphore_mem>>) {add = true}
    %dma_wait3A_69 = arith.constant 160 : i32
    %dma_wait3A_70 = arith.constant 0 : i32
    %dma_wait3A_71 = tpu.memref_slice %arg6[%dma_wait3A_69, %dma_wait3A_70] : memref<320x128xf32, #tpu.memory_space<vmem>> -> memref<80x128xf32, #tpu.memory_space<vmem>>
    %dma_wait3A_72 = arith.constant 160 : i32
    %dma_wait3A_73 = tpu.memref_slice %arg5[%dma_wait3A_72] : memref<5120xi32, #tpu.memory_space<vmem>> -> memref<80xi32, #tpu.memory_space<vmem>>
    %dma_wait3A_74 = arith.constant 0 : i32
    %dma_wait3A_75 = arith.constant 0 : i32
    %dma_wait3A_76 = tpu.memref_slice %arg2[%dma_wait3A_74, %dma_wait3A_75] : memref<160000x128xf32, #tpu.memory_space<hbm>> -> memref<160000x128xf32, #tpu.memory_space<hbm>>
    tpu.wait_indirect_dma semaphore(%arg9 : memref<!tpu.dma_semaphore, #tpu.memory_space<semaphore_mem>>) src(%dma_wait3A_76 : memref<160000x128xf32, #tpu.memory_space<hbm>>) dst(%dma_wait3A_71 : memref<80x128xf32, #tpu.memory_space<vmem>>)
    %dma_start3A_77 = arith.constant 160 : i32
    %dma_start3A_78 = arith.constant 0 : i32
    %dma_start3A_79 = tpu.memref_slice %arg6[%dma_start3A_77, %dma_start3A_78] : memref<320x128xf32, #tpu.memory_space<vmem>> -> memref<80x128xf32, #tpu.memory_space<vmem>>
    %dma_start3A_80 = arith.constant 480 : i32
    %dma_start3A_81 = tpu.memref_slice %arg5[%dma_start3A_80] : memref<5120xi32, #tpu.memory_space<vmem>> -> memref<80xi32, #tpu.memory_space<vmem>>
    %dma_start3A_82 = arith.constant 0 : i32
    %dma_start3A_83 = arith.constant 0 : i32
    %dma_start3A_84 = tpu.memref_slice %arg2[%dma_start3A_82, %dma_start3A_83] : memref<160000x128xf32, #tpu.memory_space<hbm>> -> memref<160000x128xf32, #tpu.memory_space<hbm>>
    tpu.enqueue_indirect_dma source(%dma_start3A_84 : memref<160000x128xf32, #tpu.memory_space<hbm>>) target(%dma_start3A_79 : memref<80x128xf32, #tpu.memory_space<vmem>>) offsets(%dma_start3A_81 : memref<80xi32, #tpu.memory_space<vmem>>) semaphore(%arg9 : memref<!tpu.dma_semaphore, #tpu.memory_space<semaphore_mem>>) {add = true}
    %dma_wait3A_85 = arith.constant 240 : i32
    %dma_wait3A_86 = arith.constant 0 : i32
    %dma_wait3A_87 = tpu.memref_slice %arg6[%dma_wait3A_85, %dma_wait3A_86] : memref<320x128xf32, #tpu.memory_space<vmem>> -> memref<80x128xf32, #tpu.memory_space<vmem>>
    %dma_wait3A_88 = arith.constant 240 : i32
    %dma_wait3A_89 = tpu.memref_slice %arg5[%dma_wait3A_88] : memref<5120xi32, #tpu.memory_space<vmem>> -> memref<80xi32, #tpu.memory_space<vmem>>
    %dma_wait3A_90 = arith.constant 0 : i32
    %dma_wait3A_91 = arith.constant 0 : i32
    %dma_wait3A_92 = tpu.memref_slice %arg2[%dma_wait3A_90, %dma_wait3A_91] : memref<160000x128xf32, #tpu.memory_space<hbm>> -> memref<160000x128xf32, #tpu.memory_space<hbm>>
    tpu.wait_indirect_dma semaphore(%arg10 : memref<!tpu.dma_semaphore, #tpu.memory_space<semaphore_mem>>) src(%dma_wait3A_92 : memref<160000x128xf32, #tpu.memory_space<hbm>>) dst(%dma_wait3A_87 : memref<80x128xf32, #tpu.memory_space<vmem>>)
    %dma_start3A_93 = arith.constant 240 : i32
    %dma_start3A_94 = arith.constant 0 : i32
    %dma_start3A_95 = tpu.memref_slice %arg6[%dma_start3A_93, %dma_start3A_94] : memref<320x128xf32, #tpu.memory_space<vmem>> -> memref<80x128xf32, #tpu.memory_space<vmem>>
    %dma_start3A_96 = arith.constant 560 : i32
    %dma_start3A_97 = tpu.memref_slice %arg5[%dma_start3A_96] : memref<5120xi32, #tpu.memory_space<vmem>> -> memref<80xi32, #tpu.memory_space<vmem>>
    %dma_start3A_98 = arith.constant 0 : i32
    %dma_start3A_99 = arith.constant 0 : i32
    %dma_start3A_100 = tpu.memref_slice %arg2[%dma_start3A_98, %dma_start3A_99] : memref<160000x128xf32, #tpu.memory_space<hbm>> -> memref<160000x128xf32, #tpu.memory_space<hbm>>
    tpu.enqueue_indirect_dma source(%dma_start3A_100 : memref<160000x128xf32, #tpu.memory_space<hbm>>) target(%dma_start3A_95 : memref<80x128xf32, #tpu.memory_space<vmem>>) offsets(%dma_start3A_97 : memref<80xi32, #tpu.memory_space<vmem>>) semaphore(%arg10 : memref<!tpu.dma_semaphore, #tpu.memory_space<semaphore_mem>>) {add = true}
    %dma_wait3A_101 = arith.constant 0 : i32
    %dma_wait3A_102 = arith.constant 0 : i32
    %dma_wait3A_103 = tpu.memref_slice %arg6[%dma_wait3A_101, %dma_wait3A_102] : memref<320x128xf32, #tpu.memory_space<vmem>> -> memref<80x128xf32, #tpu.memory_space<vmem>>
    %dma_wait3A_104 = arith.constant 320 : i32
    %dma_wait3A_105 = tpu.memref_slice %arg5[%dma_wait3A_104] : memref<5120xi32, #tpu.memory_space<vmem>> -> memref<80xi32, #tpu.memory_space<vmem>>
    %dma_wait3A_106 = arith.constant 0 : i32
    %dma_wait3A_107 = arith.constant 0 : i32
    %dma_wait3A_108 = tpu.memref_slice %arg2[%dma_wait3A_106, %dma_wait3A_107] : memref<160000x128xf32, #tpu.memory_space<hbm>> -> memref<160000x128xf32, #tpu.memory_space<hbm>>
    tpu.wait_indirect_dma semaphore(%arg7 : memref<!tpu.dma_semaphore, #tpu.memory_space<semaphore_mem>>) src(%dma_wait3A_108 : memref<160000x128xf32, #tpu.memory_space<hbm>>) dst(%dma_wait3A_103 : memref<80x128xf32, #tpu.memory_space<vmem>>)
    %dma_start3A_109 = arith.constant 0 : i32
    %dma_start3A_110 = arith.constant 0 : i32
    %dma_start3A_111 = tpu.memref_slice %arg6[%dma_start3A_109, %dma_start3A_110] : memref<320x128xf32, #tpu.memory_space<vmem>> -> memref<80x128xf32, #tpu.memory_space<vmem>>
    %dma_start3A_112 = arith.constant 640 : i32
    %dma_start3A_113 = tpu.memref_slice %arg5[%dma_start3A_112] : memref<5120xi32, #tpu.memory_space<vmem>> -> memref<80xi32, #tpu.memory_space<vmem>>
    %dma_start3A_114 = arith.constant 0 : i32
    %dma_start3A_115 = arith.constant 0 : i32
    %dma_start3A_116 = tpu.memref_slice %arg2[%dma_start3A_114, %dma_start3A_115] : memref<160000x128xf32, #tpu.memory_space<hbm>> -> memref<160000x128xf32, #tpu.memory_space<hbm>>
    tpu.enqueue_indirect_dma source(%dma_start3A_116 : memref<160000x128xf32, #tpu.memory_space<hbm>>) target(%dma_start3A_111 : memref<80x128xf32, #tpu.memory_space<vmem>>) offsets(%dma_start3A_113 : memref<80xi32, #tpu.memory_space<vmem>>) semaphore(%arg7 : memref<!tpu.dma_semaphore, #tpu.memory_space<semaphore_mem>>) {add = true}
    %dma_wait3A_117 = arith.constant 80 : i32
    %dma_wait3A_118 = arith.constant 0 : i32
    %dma_wait3A_119 = tpu.memref_slice %arg6[%dma_wait3A_117, %dma_wait3A_118] : memref<320x128xf32, #tpu.memory_space<vmem>> -> memref<80x128xf32, #tpu.memory_space<vmem>>
    %dma_wait3A_120 = arith.constant 400 : i32
    %dma_wait3A_121 = tpu.memref_slice %arg5[%dma_wait3A_120] : memref<5120xi32, #tpu.memory_space<vmem>> -> memref<80xi32, #tpu.memory_space<vmem>>
    %dma_wait3A_122 = arith.constant 0 : i32
    %dma_wait3A_123 = arith.constant 0 : i32
    %dma_wait3A_124 = tpu.memref_slice %arg2[%dma_wait3A_122, %dma_wait3A_123] : memref<160000x128xf32, #tpu.memory_space<hbm>> -> memref<160000x128xf32, #tpu.memory_space<hbm>>
    tpu.wait_indirect_dma semaphore(%arg8 : memref<!tpu.dma_semaphore, #tpu.memory_space<semaphore_mem>>) src(%dma_wait3A_124 : memref<160000x128xf32, #tpu.memory_space<hbm>>) dst(%dma_wait3A_119 : memref<80x128xf32, #tpu.memory_space<vmem>>)
    %dma_start3A_125 = arith.constant 80 : i32
    %dma_start3A_126 = arith.constant 0 : i32
    %dma_start3A_127 = tpu.memref_slice %arg6[%dma_start3A_125, %dma_start3A_126] : memref<320x128xf32, #tpu.memory_space<vmem>> -> memref<80x128xf32, #tpu.memory_space<vmem>>
    %dma_start3A_128 = arith.constant 720 : i32
    %dma_start3A_129 = tpu.memref_slice %arg5[%dma_start3A_128] : memref<5120xi32, #tpu.memory_space<vmem>> -> memref<80xi32, #tpu.memory_space<vmem>>
    %dma_start3A_130 = arith.constant 0 : i32
    %dma_start3A_131 = arith.constant 0 : i32
    %dma_start3A_132 = tpu.memref_slice %arg2[%dma_start3A_130, %dma_start3A_131] : memref<160000x128xf32, #tpu.memory_space<hbm>> -> memref<160000x128xf32, #tpu.memory_space<hbm>>
    tpu.enqueue_indirect_dma source(%dma_start3A_132 : memref<160000x128xf32, #tpu.memory_space<hbm>>) target(%dma_start3A_127 : memref<80x128xf32, #tpu.memory_space<vmem>>) offsets(%dma_start3A_129 : memref<80xi32, #tpu.memory_space<vmem>>) semaphore(%arg8 : memref<!tpu.dma_semaphore, #tpu.memory_space<semaphore_mem>>) {add = true}
    %dma_wait3A_133 = arith.constant 160 : i32
    %dma_wait3A_134 = arith.constant 0 : i32
    %dma_wait3A_135 = tpu.memref_slice %arg6[%dma_wait3A_133, %dma_wait3A_134] : memref<320x128xf32, #tpu.memory_space<vmem>> -> memref<80x128xf32, #tpu.memory_space<vmem>>
    %dma_wait3A_136 = arith.constant 480 : i32
    %dma_wait3A_137 = tpu.memref_slice %arg5[%dma_wait3A_136] : memref<5120xi32, #tpu.memory_space<vmem>> -> memref<80xi32, #tpu.memory_space<vmem>>
    %dma_wait3A_138 = arith.constant 0 : i32
    %dma_wait3A_139 = arith.constant 0 : i32
    %dma_wait3A_140 = tpu.memref_slice %arg2[%dma_wait3A_138, %dma_wait3A_139] : memref<160000x128xf32, #tpu.memory_space<hbm>> -> memref<160000x128xf32, #tpu.memory_space<hbm>>
    tpu.wait_indirect_dma semaphore(%arg9 : memref<!tpu.dma_semaphore, #tpu.memory_space<semaphore_mem>>) src(%dma_wait3A_140 : memref<160000x128xf32, #tpu.memory_space<hbm>>) dst(%dma_wait3A_135 : memref<80x128xf32, #tpu.memory_space<vmem>>)
    %dma_start3A_141 = arith.constant 160 : i32
    %dma_start3A_142 = arith.constant 0 : i32
    %dma_start3A_143 = tpu.memref_slice %arg6[%dma_start3A_141, %dma_start3A_142] : memref<320x128xf32, #tpu.memory_space<vmem>> -> memref<80x128xf32, #tpu.memory_space<vmem>>
    %dma_start3A_144 = arith.constant 800 : i32
    %dma_start3A_145 = tpu.memref_slice %arg5[%dma_start3A_144] : memref<5120xi32, #tpu.memory_space<vmem>> -> memref<80xi32, #tpu.memory_space<vmem>>
    %dma_start3A_146 = arith.constant 0 : i32
    %dma_start3A_147 = arith.constant 0 : i32
    %dma_start3A_148 = tpu.memref_slice %arg2[%dma_start3A_146, %dma_start3A_147] : memref<160000x128xf32, #tpu.memory_space<hbm>> -> memref<160000x128xf32, #tpu.memory_space<hbm>>
    tpu.enqueue_indirect_dma source(%dma_start3A_148 : memref<160000x128xf32, #tpu.memory_space<hbm>>) target(%dma_start3A_143 : memref<80x128xf32, #tpu.memory_space<vmem>>) offsets(%dma_start3A_145 : memref<80xi32, #tpu.memory_space<vmem>>) semaphore(%arg9 : memref<!tpu.dma_semaphore, #tpu.memory_space<semaphore_mem>>) {add = true}
    %dma_wait3A_149 = arith.constant 240 : i32
    %dma_wait3A_150 = arith.constant 0 : i32
    %dma_wait3A_151 = tpu.memref_slice %arg6[%dma_wait3A_149, %dma_wait3A_150] : memref<320x128xf32, #tpu.memory_space<vmem>> -> memref<80x128xf32, #tpu.memory_space<vmem>>
    %dma_wait3A_152 = arith.constant 560 : i32
    %dma_wait3A_153 = tpu.memref_slice %arg5[%dma_wait3A_152] : memref<5120xi32, #tpu.memory_space<vmem>> -> memref<80xi32, #tpu.memory_space<vmem>>
    %dma_wait3A_154 = arith.constant 0 : i32
    %dma_wait3A_155 = arith.constant 0 : i32
    %dma_wait3A_156 = tpu.memref_slice %arg2[%dma_wait3A_154, %dma_wait3A_155] : memref<160000x128xf32, #tpu.memory_space<hbm>> -> memref<160000x128xf32, #tpu.memory_space<hbm>>
    tpu.wait_indirect_dma semaphore(%arg10 : memref<!tpu.dma_semaphore, #tpu.memory_space<semaphore_mem>>) src(%dma_wait3A_156 : memref<160000x128xf32, #tpu.memory_space<hbm>>) dst(%dma_wait3A_151 : memref<80x128xf32, #tpu.memory_space<vmem>>)
    %dma_start3A_157 = arith.constant 240 : i32
    %dma_start3A_158 = arith.constant 0 : i32
    %dma_start3A_159 = tpu.memref_slice %arg6[%dma_start3A_157, %dma_start3A_158] : memref<320x128xf32, #tpu.memory_space<vmem>> -> memref<80x128xf32, #tpu.memory_space<vmem>>
    %dma_start3A_160 = arith.constant 880 : i32
    %dma_start3A_161 = tpu.memref_slice %arg5[%dma_start3A_160] : memref<5120xi32, #tpu.memory_space<vmem>> -> memref<80xi32, #tpu.memory_space<vmem>>
    %dma_start3A_162 = arith.constant 0 : i32
    %dma_start3A_163 = arith.constant 0 : i32
    %dma_start3A_164 = tpu.memref_slice %arg2[%dma_start3A_162, %dma_start3A_163] : memref<160000x128xf32, #tpu.memory_space<hbm>> -> memref<160000x128xf32, #tpu.memory_space<hbm>>
    tpu.enqueue_indirect_dma source(%dma_start3A_164 : memref<160000x128xf32, #tpu.memory_space<hbm>>) target(%dma_start3A_159 : memref<80x128xf32, #tpu.memory_space<vmem>>) offsets(%dma_start3A_161 : memref<80xi32, #tpu.memory_space<vmem>>) semaphore(%arg10 : memref<!tpu.dma_semaphore, #tpu.memory_space<semaphore_mem>>) {add = true}
    %dma_wait3A_165 = arith.constant 0 : i32
    %dma_wait3A_166 = arith.constant 0 : i32
    %dma_wait3A_167 = tpu.memref_slice %arg6[%dma_wait3A_165, %dma_wait3A_166] : memref<320x128xf32, #tpu.memory_space<vmem>> -> memref<80x128xf32, #tpu.memory_space<vmem>>
    %dma_wait3A_168 = arith.constant 640 : i32
    %dma_wait3A_169 = tpu.memref_slice %arg5[%dma_wait3A_168] : memref<5120xi32, #tpu.memory_space<vmem>> -> memref<80xi32, #tpu.memory_space<vmem>>
    %dma_wait3A_170 = arith.constant 0 : i32
    %dma_wait3A_171 = arith.constant 0 : i32
    %dma_wait3A_172 = tpu.memref_slice %arg2[%dma_wait3A_170, %dma_wait3A_171] : memref<160000x128xf32, #tpu.memory_space<hbm>> -> memref<160000x128xf32, #tpu.memory_space<hbm>>
    tpu.wait_indirect_dma semaphore(%arg7 : memref<!tpu.dma_semaphore, #tpu.memory_space<semaphore_mem>>) src(%dma_wait3A_172 : memref<160000x128xf32, #tpu.memory_space<hbm>>) dst(%dma_wait3A_167 : memref<80x128xf32, #tpu.memory_space<vmem>>)
    %dma_start3A_173 = arith.constant 0 : i32
    %dma_start3A_174 = arith.constant 0 : i32
    %dma_start3A_175 = tpu.memref_slice %arg6[%dma_start3A_173, %dma_start3A_174] : memref<320x128xf32, #tpu.memory_space<vmem>> -> memref<80x128xf32, #tpu.memory_space<vmem>>
    %dma_start3A_176 = arith.constant 960 : i32
    %dma_start3A_177 = tpu.memref_slice %arg5[%dma_start3A_176] : memref<5120xi32, #tpu.memory_space<vmem>> -> memref<80xi32, #tpu.memory_space<vmem>>
    %dma_start3A_178 = arith.constant 0 : i32
    %dma_start3A_179 = arith.constant 0 : i32
    %dma_start3A_180 = tpu.memref_slice %arg2[%dma_start3A_178, %dma_start3A_179] : memref<160000x128xf32, #tpu.memory_space<hbm>> -> memref<160000x128xf32, #tpu.memory_space<hbm>>
    tpu.enqueue_indirect_dma source(%dma_start3A_180 : memref<160000x128xf32, #tpu.memory_space<hbm>>) target(%dma_start3A_175 : memref<80x128xf32, #tpu.memory_space<vmem>>) offsets(%dma_start3A_177 : memref<80xi32, #tpu.memory_space<vmem>>) semaphore(%arg7 : memref<!tpu.dma_semaphore, #tpu.memory_space<semaphore_mem>>) {add = true}
    %dma_wait3A_181 = arith.constant 80 : i32
    %dma_wait3A_182 = arith.constant 0 : i32
    %dma_wait3A_183 = tpu.memref_slice %arg6[%dma_wait3A_181, %dma_wait3A_182] : memref<320x128xf32, #tpu.memory_space<vmem>> -> memref<80x128xf32, #tpu.memory_space<vmem>>
    %dma_wait3A_184 = arith.constant 720 : i32
    %dma_wait3A_185 = tpu.memref_slice %arg5[%dma_wait3A_184] : memref<5120xi32, #tpu.memory_space<vmem>> -> memref<80xi32, #tpu.memory_space<vmem>>
    %dma_wait3A_186 = arith.constant 0 : i32
    %dma_wait3A_187 = arith.constant 0 : i32
    %dma_wait3A_188 = tpu.memref_slice %arg2[%dma_wait3A_186, %dma_wait3A_187] : memref<160000x128xf32, #tpu.memory_space<hbm>> -> memref<160000x128xf32, #tpu.memory_space<hbm>>
    tpu.wait_indirect_dma semaphore(%arg8 : memref<!tpu.dma_semaphore, #tpu.memory_space<semaphore_mem>>) src(%dma_wait3A_188 : memref<160000x128xf32, #tpu.memory_space<hbm>>) dst(%dma_wait3A_183 : memref<80x128xf32, #tpu.memory_space<vmem>>)
    %dma_start3A_189 = arith.constant 80 : i32
    %dma_start3A_190 = arith.constant 0 : i32
    %dma_start3A_191 = tpu.memref_slice %arg6[%dma_start3A_189, %dma_start3A_190] : memref<320x128xf32, #tpu.memory_space<vmem>> -> memref<80x128xf32, #tpu.memory_space<vmem>>
    %dma_start3A_192 = arith.constant 1040 : i32
    %dma_start3A_193 = tpu.memref_slice %arg5[%dma_start3A_192] : memref<5120xi32, #tpu.memory_space<vmem>> -> memref<80xi32, #tpu.memory_space<vmem>>
    %dma_start3A_194 = arith.constant 0 : i32
    %dma_start3A_195 = arith.constant 0 : i32
    %dma_start3A_196 = tpu.memref_slice %arg2[%dma_start3A_194, %dma_start3A_195] : memref<160000x128xf32, #tpu.memory_space<hbm>> -> memref<160000x128xf32, #tpu.memory_space<hbm>>
    tpu.enqueue_indirect_dma source(%dma_start3A_196 : memref<160000x128xf32, #tpu.memory_space<hbm>>) target(%dma_start3A_191 : memref<80x128xf32, #tpu.memory_space<vmem>>) offsets(%dma_start3A_193 : memref<80xi32, #tpu.memory_space<vmem>>) semaphore(%arg8 : memref<!tpu.dma_semaphore, #tpu.memory_space<semaphore_mem>>) {add = true}
    %dma_wait3A_197 = arith.constant 160 : i32
    %dma_wait3A_198 = arith.constant 0 : i32
    %dma_wait3A_199 = tpu.memref_slice %arg6[%dma_wait3A_197, %dma_wait3A_198] : memref<320x128xf32, #tpu.memory_space<vmem>> -> memref<80x128xf32, #tpu.memory_space<vmem>>
    %dma_wait3A_200 = arith.constant 800 : i32
    %dma_wait3A_201 = tpu.memref_slice %arg5[%dma_wait3A_200] : memref<5120xi32, #tpu.memory_space<vmem>> -> memref<80xi32, #tpu.memory_space<vmem>>
    %dma_wait3A_202 = arith.constant 0 : i32
    %dma_wait3A_203 = arith.constant 0 : i32
    %dma_wait3A_204 = tpu.memref_slice %arg2[%dma_wait3A_202, %dma_wait3A_203] : memref<160000x128xf32, #tpu.memory_space<hbm>> -> memref<160000x128xf32, #tpu.memory_space<hbm>>
    tpu.wait_indirect_dma semaphore(%arg9 : memref<!tpu.dma_semaphore, #tpu.memory_space<semaphore_mem>>) src(%dma_wait3A_204 : memref<160000x128xf32, #tpu.memory_space<hbm>>) dst(%dma_wait3A_199 : memref<80x128xf32, #tpu.memory_space<vmem>>)
    %dma_start3A_205 = arith.constant 160 : i32
    %dma_start3A_206 = arith.constant 0 : i32
    %dma_start3A_207 = tpu.memref_slice %arg6[%dma_start3A_205, %dma_start3A_206] : memref<320x128xf32, #tpu.memory_space<vmem>> -> memref<80x128xf32, #tpu.memory_space<vmem>>
    %dma_start3A_208 = arith.constant 1120 : i32
    %dma_start3A_209 = tpu.memref_slice %arg5[%dma_start3A_208] : memref<5120xi32, #tpu.memory_space<vmem>> -> memref<80xi32, #tpu.memory_space<vmem>>
    %dma_start3A_210 = arith.constant 0 : i32
    %dma_start3A_211 = arith.constant 0 : i32
    %dma_start3A_212 = tpu.memref_slice %arg2[%dma_start3A_210, %dma_start3A_211] : memref<160000x128xf32, #tpu.memory_space<hbm>> -> memref<160000x128xf32, #tpu.memory_space<hbm>>
    tpu.enqueue_indirect_dma source(%dma_start3A_212 : memref<160000x128xf32, #tpu.memory_space<hbm>>) target(%dma_start3A_207 : memref<80x128xf32, #tpu.memory_space<vmem>>) offsets(%dma_start3A_209 : memref<80xi32, #tpu.memory_space<vmem>>) semaphore(%arg9 : memref<!tpu.dma_semaphore, #tpu.memory_space<semaphore_mem>>) {add = true}
    %dma_wait3A_213 = arith.constant 240 : i32
    %dma_wait3A_214 = arith.constant 0 : i32
    %dma_wait3A_215 = tpu.memref_slice %arg6[%dma_wait3A_213, %dma_wait3A_214] : memref<320x128xf32, #tpu.memory_space<vmem>> -> memref<80x128xf32, #tpu.memory_space<vmem>>
    %dma_wait3A_216 = arith.constant 880 : i32
    %dma_wait3A_217 = tpu.memref_slice %arg5[%dma_wait3A_216] : memref<5120xi32, #tpu.memory_space<vmem>> -> memref<80xi32, #tpu.memory_space<vmem>>
    %dma_wait3A_218 = arith.constant 0 : i32
    %dma_wait3A_219 = arith.constant 0 : i32
    %dma_wait3A_220 = tpu.memref_slice %arg2[%dma_wait3A_218, %dma_wait3A_219] : memref<160000x128xf32, #tpu.memory_space<hbm>> -> memref<160000x128xf32, #tpu.memory_space<hbm>>
    tpu.wait_indirect_dma semaphore(%arg10 : memref<!tpu.dma_semaphore, #tpu.memory_space<semaphore_mem>>) src(%dma_wait3A_220 : memref<160000x128xf32, #tpu.memory_space<hbm>>) dst(%dma_wait3A_215 : memref<80x128xf32, #tpu.memory_space<vmem>>)
    %dma_start3A_221 = arith.constant 240 : i32
    %dma_start3A_222 = arith.constant 0 : i32
    %dma_start3A_223 = tpu.memref_slice %arg6[%dma_start3A_221, %dma_start3A_222] : memref<320x128xf32, #tpu.memory_space<vmem>> -> memref<80x128xf32, #tpu.memory_space<vmem>>
    %dma_start3A_224 = arith.constant 1200 : i32
    %dma_start3A_225 = tpu.memref_slice %arg5[%dma_start3A_224] : memref<5120xi32, #tpu.memory_space<vmem>> -> memref<80xi32, #tpu.memory_space<vmem>>
    %dma_start3A_226 = arith.constant 0 : i32
    %dma_start3A_227 = arith.constant 0 : i32
    %dma_start3A_228 = tpu.memref_slice %arg2[%dma_start3A_226, %dma_start3A_227] : memref<160000x128xf32, #tpu.memory_space<hbm>> -> memref<160000x128xf32, #tpu.memory_space<hbm>>
    tpu.enqueue_indirect_dma source(%dma_start3A_228 : memref<160000x128xf32, #tpu.memory_space<hbm>>) target(%dma_start3A_223 : memref<80x128xf32, #tpu.memory_space<vmem>>) offsets(%dma_start3A_225 : memref<80xi32, #tpu.memory_space<vmem>>) semaphore(%arg10 : memref<!tpu.dma_semaphore, #tpu.memory_space<semaphore_mem>>) {add = true}
    %dma_wait3A_229 = arith.constant 0 : i32
    %dma_wait3A_230 = arith.constant 0 : i32
    %dma_wait3A_231 = tpu.memref_slice %arg6[%dma_wait3A_229, %dma_wait3A_230] : memref<320x128xf32, #tpu.memory_space<vmem>> -> memref<80x128xf32, #tpu.memory_space<vmem>>
    %dma_wait3A_232 = arith.constant 960 : i32
    %dma_wait3A_233 = tpu.memref_slice %arg5[%dma_wait3A_232] : memref<5120xi32, #tpu.memory_space<vmem>> -> memref<80xi32, #tpu.memory_space<vmem>>
    %dma_wait3A_234 = arith.constant 0 : i32
    %dma_wait3A_235 = arith.constant 0 : i32
    %dma_wait3A_236 = tpu.memref_slice %arg2[%dma_wait3A_234, %dma_wait3A_235] : memref<160000x128xf32, #tpu.memory_space<hbm>> -> memref<160000x128xf32, #tpu.memory_space<hbm>>
    tpu.wait_indirect_dma semaphore(%arg7 : memref<!tpu.dma_semaphore, #tpu.memory_space<semaphore_mem>>) src(%dma_wait3A_236 : memref<160000x128xf32, #tpu.memory_space<hbm>>) dst(%dma_wait3A_231 : memref<80x128xf32, #tpu.memory_space<vmem>>)
    %dma_start3A_237 = arith.constant 0 : i32
    %dma_start3A_238 = arith.constant 0 : i32
    %dma_start3A_239 = tpu.memref_slice %arg6[%dma_start3A_237, %dma_start3A_238] : memref<320x128xf32, #tpu.memory_space<vmem>> -> memref<80x128xf32, #tpu.memory_space<vmem>>
    %dma_start3A_240 = arith.constant 1280 : i32
    %dma_start3A_241 = tpu.memref_slice %arg5[%dma_start3A_240] : memref<5120xi32, #tpu.memory_space<vmem>> -> memref<80xi32, #tpu.memory_space<vmem>>
    %dma_start3A_242 = arith.constant 0 : i32
    %dma_start3A_243 = arith.constant 0 : i32
    %dma_start3A_244 = tpu.memref_slice %arg2[%dma_start3A_242, %dma_start3A_243] : memref<160000x128xf32, #tpu.memory_space<hbm>> -> memref<160000x128xf32, #tpu.memory_space<hbm>>
    tpu.enqueue_indirect_dma source(%dma_start3A_244 : memref<160000x128xf32, #tpu.memory_space<hbm>>) target(%dma_start3A_239 : memref<80x128xf32, #tpu.memory_space<vmem>>) offsets(%dma_start3A_241 : memref<80xi32, #tpu.memory_space<vmem>>) semaphore(%arg7 : memref<!tpu.dma_semaphore, #tpu.memory_space<semaphore_mem>>) {add = true}
    %dma_wait3A_245 = arith.constant 80 : i32
    %dma_wait3A_246 = arith.constant 0 : i32
    %dma_wait3A_247 = tpu.memref_slice %arg6[%dma_wait3A_245, %dma_wait3A_246] : memref<320x128xf32, #tpu.memory_space<vmem>> -> memref<80x128xf32, #tpu.memory_space<vmem>>
    %dma_wait3A_248 = arith.constant 1040 : i32
    %dma_wait3A_249 = tpu.memref_slice %arg5[%dma_wait3A_248] : memref<5120xi32, #tpu.memory_space<vmem>> -> memref<80xi32, #tpu.memory_space<vmem>>
    %dma_wait3A_250 = arith.constant 0 : i32
    %dma_wait3A_251 = arith.constant 0 : i32
    %dma_wait3A_252 = tpu.memref_slice %arg2[%dma_wait3A_250, %dma_wait3A_251] : memref<160000x128xf32, #tpu.memory_space<hbm>> -> memref<160000x128xf32, #tpu.memory_space<hbm>>
    tpu.wait_indirect_dma semaphore(%arg8 : memref<!tpu.dma_semaphore, #tpu.memory_space<semaphore_mem>>) src(%dma_wait3A_252 : memref<160000x128xf32, #tpu.memory_space<hbm>>) dst(%dma_wait3A_247 : memref<80x128xf32, #tpu.memory_space<vmem>>)
    %dma_start3A_253 = arith.constant 80 : i32
    %dma_start3A_254 = arith.constant 0 : i32
    %dma_start3A_255 = tpu.memref_slice %arg6[%dma_start3A_253, %dma_start3A_254] : memref<320x128xf32, #tpu.memory_space<vmem>> -> memref<80x128xf32, #tpu.memory_space<vmem>>
    %dma_start3A_256 = arith.constant 1360 : i32
    %dma_start3A_257 = tpu.memref_slice %arg5[%dma_start3A_256] : memref<5120xi32, #tpu.memory_space<vmem>> -> memref<80xi32, #tpu.memory_space<vmem>>
    %dma_start3A_258 = arith.constant 0 : i32
    %dma_start3A_259 = arith.constant 0 : i32
    %dma_start3A_260 = tpu.memref_slice %arg2[%dma_start3A_258, %dma_start3A_259] : memref<160000x128xf32, #tpu.memory_space<hbm>> -> memref<160000x128xf32, #tpu.memory_space<hbm>>
    tpu.enqueue_indirect_dma source(%dma_start3A_260 : memref<160000x128xf32, #tpu.memory_space<hbm>>) target(%dma_start3A_255 : memref<80x128xf32, #tpu.memory_space<vmem>>) offsets(%dma_start3A_257 : memref<80xi32, #tpu.memory_space<vmem>>) semaphore(%arg8 : memref<!tpu.dma_semaphore, #tpu.memory_space<semaphore_mem>>) {add = true}
    %dma_wait3A_261 = arith.constant 160 : i32
    %dma_wait3A_262 = arith.constant 0 : i32
    %dma_wait3A_263 = tpu.memref_slice %arg6[%dma_wait3A_261, %dma_wait3A_262] : memref<320x128xf32, #tpu.memory_space<vmem>> -> memref<80x128xf32, #tpu.memory_space<vmem>>
    %dma_wait3A_264 = arith.constant 1120 : i32
    %dma_wait3A_265 = tpu.memref_slice %arg5[%dma_wait3A_264] : memref<5120xi32, #tpu.memory_space<vmem>> -> memref<80xi32, #tpu.memory_space<vmem>>
    %dma_wait3A_266 = arith.constant 0 : i32
    %dma_wait3A_267 = arith.constant 0 : i32
    %dma_wait3A_268 = tpu.memref_slice %arg2[%dma_wait3A_266, %dma_wait3A_267] : memref<160000x128xf32, #tpu.memory_space<hbm>> -> memref<160000x128xf32, #tpu.memory_space<hbm>>
    tpu.wait_indirect_dma semaphore(%arg9 : memref<!tpu.dma_semaphore, #tpu.memory_space<semaphore_mem>>) src(%dma_wait3A_268 : memref<160000x128xf32, #tpu.memory_space<hbm>>) dst(%dma_wait3A_263 : memref<80x128xf32, #tpu.memory_space<vmem>>)
    %dma_start3A_269 = arith.constant 160 : i32
    %dma_start3A_270 = arith.constant 0 : i32
    %dma_start3A_271 = tpu.memref_slice %arg6[%dma_start3A_269, %dma_start3A_270] : memref<320x128xf32, #tpu.memory_space<vmem>> -> memref<80x128xf32, #tpu.memory_space<vmem>>
    %dma_start3A_272 = arith.constant 1440 : i32
    %dma_start3A_273 = tpu.memref_slice %arg5[%dma_start3A_272] : memref<5120xi32, #tpu.memory_space<vmem>> -> memref<80xi32, #tpu.memory_space<vmem>>
    %dma_start3A_274 = arith.constant 0 : i32
    %dma_start3A_275 = arith.constant 0 : i32
    %dma_start3A_276 = tpu.memref_slice %arg2[%dma_start3A_274, %dma_start3A_275] : memref<160000x128xf32, #tpu.memory_space<hbm>> -> memref<160000x128xf32, #tpu.memory_space<hbm>>
    tpu.enqueue_indirect_dma source(%dma_start3A_276 : memref<160000x128xf32, #tpu.memory_space<hbm>>) target(%dma_start3A_271 : memref<80x128xf32, #tpu.memory_space<vmem>>) offsets(%dma_start3A_273 : memref<80xi32, #tpu.memory_space<vmem>>) semaphore(%arg9 : memref<!tpu.dma_semaphore, #tpu.memory_space<semaphore_mem>>) {add = true}
    %dma_wait3A_277 = arith.constant 240 : i32
    %dma_wait3A_278 = arith.constant 0 : i32
    %dma_wait3A_279 = tpu.memref_slice %arg6[%dma_wait3A_277, %dma_wait3A_278] : memref<320x128xf32, #tpu.memory_space<vmem>> -> memref<80x128xf32, #tpu.memory_space<vmem>>
    %dma_wait3A_280 = arith.constant 1200 : i32
    %dma_wait3A_281 = tpu.memref_slice %arg5[%dma_wait3A_280] : memref<5120xi32, #tpu.memory_space<vmem>> -> memref<80xi32, #tpu.memory_space<vmem>>
    %dma_wait3A_282 = arith.constant 0 : i32
    %dma_wait3A_283 = arith.constant 0 : i32
    %dma_wait3A_284 = tpu.memref_slice %arg2[%dma_wait3A_282, %dma_wait3A_283] : memref<160000x128xf32, #tpu.memory_space<hbm>> -> memref<160000x128xf32, #tpu.memory_space<hbm>>
    tpu.wait_indirect_dma semaphore(%arg10 : memref<!tpu.dma_semaphore, #tpu.memory_space<semaphore_mem>>) src(%dma_wait3A_284 : memref<160000x128xf32, #tpu.memory_space<hbm>>) dst(%dma_wait3A_279 : memref<80x128xf32, #tpu.memory_space<vmem>>)
    %dma_start3A_285 = arith.constant 240 : i32
    %dma_start3A_286 = arith.constant 0 : i32
    %dma_start3A_287 = tpu.memref_slice %arg6[%dma_start3A_285, %dma_start3A_286] : memref<320x128xf32, #tpu.memory_space<vmem>> -> memref<80x128xf32, #tpu.memory_space<vmem>>
    %dma_start3A_288 = arith.constant 1520 : i32
    %dma_start3A_289 = tpu.memref_slice %arg5[%dma_start3A_288] : memref<5120xi32, #tpu.memory_space<vmem>> -> memref<80xi32, #tpu.memory_space<vmem>>
    %dma_start3A_290 = arith.constant 0 : i32
    %dma_start3A_291 = arith.constant 0 : i32
    %dma_start3A_292 = tpu.memref_slice %arg2[%dma_start3A_290, %dma_start3A_291] : memref<160000x128xf32, #tpu.memory_space<hbm>> -> memref<160000x128xf32, #tpu.memory_space<hbm>>
    tpu.enqueue_indirect_dma source(%dma_start3A_292 : memref<160000x128xf32, #tpu.memory_space<hbm>>) target(%dma_start3A_287 : memref<80x128xf32, #tpu.memory_space<vmem>>) offsets(%dma_start3A_289 : memref<80xi32, #tpu.memory_space<vmem>>) semaphore(%arg10 : memref<!tpu.dma_semaphore, #tpu.memory_space<semaphore_mem>>) {add = true}
    %dma_wait3A_293 = arith.constant 0 : i32
    %dma_wait3A_294 = arith.constant 0 : i32
    %dma_wait3A_295 = tpu.memref_slice %arg6[%dma_wait3A_293, %dma_wait3A_294] : memref<320x128xf32, #tpu.memory_space<vmem>> -> memref<80x128xf32, #tpu.memory_space<vmem>>
    %dma_wait3A_296 = arith.constant 1280 : i32
    %dma_wait3A_297 = tpu.memref_slice %arg5[%dma_wait3A_296] : memref<5120xi32, #tpu.memory_space<vmem>> -> memref<80xi32, #tpu.memory_space<vmem>>
    %dma_wait3A_298 = arith.constant 0 : i32
    %dma_wait3A_299 = arith.constant 0 : i32
    %dma_wait3A_300 = tpu.memref_slice %arg2[%dma_wait3A_298, %dma_wait3A_299] : memref<160000x128xf32, #tpu.memory_space<hbm>> -> memref<160000x128xf32, #tpu.memory_space<hbm>>
    tpu.wait_indirect_dma semaphore(%arg7 : memref<!tpu.dma_semaphore, #tpu.memory_space<semaphore_mem>>) src(%dma_wait3A_300 : memref<160000x128xf32, #tpu.memory_space<hbm>>) dst(%dma_wait3A_295 : memref<80x128xf32, #tpu.memory_space<vmem>>)
    %dma_start3A_301 = arith.constant 0 : i32
    %dma_start3A_302 = arith.constant 0 : i32
    %dma_start3A_303 = tpu.memref_slice %arg6[%dma_start3A_301, %dma_start3A_302] : memref<320x128xf32, #tpu.memory_space<vmem>> -> memref<80x128xf32, #tpu.memory_space<vmem>>
    %dma_start3A_304 = arith.constant 1600 : i32
    %dma_start3A_305 = tpu.memref_slice %arg5[%dma_start3A_304] : memref<5120xi32, #tpu.memory_space<vmem>> -> memref<80xi32, #tpu.memory_space<vmem>>
    %dma_start3A_306 = arith.constant 0 : i32
    %dma_start3A_307 = arith.constant 0 : i32
    %dma_start3A_308 = tpu.memref_slice %arg2[%dma_start3A_306, %dma_start3A_307] : memref<160000x128xf32, #tpu.memory_space<hbm>> -> memref<160000x128xf32, #tpu.memory_space<hbm>>
    tpu.enqueue_indirect_dma source(%dma_start3A_308 : memref<160000x128xf32, #tpu.memory_space<hbm>>) target(%dma_start3A_303 : memref<80x128xf32, #tpu.memory_space<vmem>>) offsets(%dma_start3A_305 : memref<80xi32, #tpu.memory_space<vmem>>) semaphore(%arg7 : memref<!tpu.dma_semaphore, #tpu.memory_space<semaphore_mem>>) {add = true}
    %dma_wait3A_309 = arith.constant 80 : i32
    %dma_wait3A_310 = arith.constant 0 : i32
    %dma_wait3A_311 = tpu.memref_slice %arg6[%dma_wait3A_309, %dma_wait3A_310] : memref<320x128xf32, #tpu.memory_space<vmem>> -> memref<80x128xf32, #tpu.memory_space<vmem>>
    %dma_wait3A_312 = arith.constant 1360 : i32
    %dma_wait3A_313 = tpu.memref_slice %arg5[%dma_wait3A_312] : memref<5120xi32, #tpu.memory_space<vmem>> -> memref<80xi32, #tpu.memory_space<vmem>>
    %dma_wait3A_314 = arith.constant 0 : i32
    %dma_wait3A_315 = arith.constant 0 : i32
    %dma_wait3A_316 = tpu.memref_slice %arg2[%dma_wait3A_314, %dma_wait3A_315] : memref<160000x128xf32, #tpu.memory_space<hbm>> -> memref<160000x128xf32, #tpu.memory_space<hbm>>
    tpu.wait_indirect_dma semaphore(%arg8 : memref<!tpu.dma_semaphore, #tpu.memory_space<semaphore_mem>>) src(%dma_wait3A_316 : memref<160000x128xf32, #tpu.memory_space<hbm>>) dst(%dma_wait3A_311 : memref<80x128xf32, #tpu.memory_space<vmem>>)
    %dma_start3A_317 = arith.constant 80 : i32
    %dma_start3A_318 = arith.constant 0 : i32
    %dma_start3A_319 = tpu.memref_slice %arg6[%dma_start3A_317, %dma_start3A_318] : memref<320x128xf32, #tpu.memory_space<vmem>> -> memref<80x128xf32, #tpu.memory_space<vmem>>
    %dma_start3A_320 = arith.constant 1680 : i32
    %dma_start3A_321 = tpu.memref_slice %arg5[%dma_start3A_320] : memref<5120xi32, #tpu.memory_space<vmem>> -> memref<80xi32, #tpu.memory_space<vmem>>
    %dma_start3A_322 = arith.constant 0 : i32
    %dma_start3A_323 = arith.constant 0 : i32
    %dma_start3A_324 = tpu.memref_slice %arg2[%dma_start3A_322, %dma_start3A_323] : memref<160000x128xf32, #tpu.memory_space<hbm>> -> memref<160000x128xf32, #tpu.memory_space<hbm>>
    tpu.enqueue_indirect_dma source(%dma_start3A_324 : memref<160000x128xf32, #tpu.memory_space<hbm>>) target(%dma_start3A_319 : memref<80x128xf32, #tpu.memory_space<vmem>>) offsets(%dma_start3A_321 : memref<80xi32, #tpu.memory_space<vmem>>) semaphore(%arg8 : memref<!tpu.dma_semaphore, #tpu.memory_space<semaphore_mem>>) {add = true}
    %dma_wait3A_325 = arith.constant 160 : i32
    %dma_wait3A_326 = arith.constant 0 : i32
    %dma_wait3A_327 = tpu.memref_slice %arg6[%dma_wait3A_325, %dma_wait3A_326] : memref<320x128xf32, #tpu.memory_space<vmem>> -> memref<80x128xf32, #tpu.memory_space<vmem>>
    %dma_wait3A_328 = arith.constant 1440 : i32
    %dma_wait3A_329 = tpu.memref_slice %arg5[%dma_wait3A_328] : memref<5120xi32, #tpu.memory_space<vmem>> -> memref<80xi32, #tpu.memory_space<vmem>>
    %dma_wait3A_330 = arith.constant 0 : i32
    %dma_wait3A_331 = arith.constant 0 : i32
    %dma_wait3A_332 = tpu.memref_slice %arg2[%dma_wait3A_330, %dma_wait3A_331] : memref<160000x128xf32, #tpu.memory_space<hbm>> -> memref<160000x128xf32, #tpu.memory_space<hbm>>
    tpu.wait_indirect_dma semaphore(%arg9 : memref<!tpu.dma_semaphore, #tpu.memory_space<semaphore_mem>>) src(%dma_wait3A_332 : memref<160000x128xf32, #tpu.memory_space<hbm>>) dst(%dma_wait3A_327 : memref<80x128xf32, #tpu.memory_space<vmem>>)
    %dma_start3A_333 = arith.constant 160 : i32
    %dma_start3A_334 = arith.constant 0 : i32
    %dma_start3A_335 = tpu.memref_slice %arg6[%dma_start3A_333, %dma_start3A_334] : memref<320x128xf32, #tpu.memory_space<vmem>> -> memref<80x128xf32, #tpu.memory_space<vmem>>
    %dma_start3A_336 = arith.constant 1760 : i32
    %dma_start3A_337 = tpu.memref_slice %arg5[%dma_start3A_336] : memref<5120xi32, #tpu.memory_space<vmem>> -> memref<80xi32, #tpu.memory_space<vmem>>
    %dma_start3A_338 = arith.constant 0 : i32
    %dma_start3A_339 = arith.constant 0 : i32
    %dma_start3A_340 = tpu.memref_slice %arg2[%dma_start3A_338, %dma_start3A_339] : memref<160000x128xf32, #tpu.memory_space<hbm>> -> memref<160000x128xf32, #tpu.memory_space<hbm>>
    tpu.enqueue_indirect_dma source(%dma_start3A_340 : memref<160000x128xf32, #tpu.memory_space<hbm>>) target(%dma_start3A_335 : memref<80x128xf32, #tpu.memory_space<vmem>>) offsets(%dma_start3A_337 : memref<80xi32, #tpu.memory_space<vmem>>) semaphore(%arg9 : memref<!tpu.dma_semaphore, #tpu.memory_space<semaphore_mem>>) {add = true}
    %dma_wait3A_341 = arith.constant 240 : i32
    %dma_wait3A_342 = arith.constant 0 : i32
    %dma_wait3A_343 = tpu.memref_slice %arg6[%dma_wait3A_341, %dma_wait3A_342] : memref<320x128xf32, #tpu.memory_space<vmem>> -> memref<80x128xf32, #tpu.memory_space<vmem>>
    %dma_wait3A_344 = arith.constant 1520 : i32
    %dma_wait3A_345 = tpu.memref_slice %arg5[%dma_wait3A_344] : memref<5120xi32, #tpu.memory_space<vmem>> -> memref<80xi32, #tpu.memory_space<vmem>>
    %dma_wait3A_346 = arith.constant 0 : i32
    %dma_wait3A_347 = arith.constant 0 : i32
    %dma_wait3A_348 = tpu.memref_slice %arg2[%dma_wait3A_346, %dma_wait3A_347] : memref<160000x128xf32, #tpu.memory_space<hbm>> -> memref<160000x128xf32, #tpu.memory_space<hbm>>
    tpu.wait_indirect_dma semaphore(%arg10 : memref<!tpu.dma_semaphore, #tpu.memory_space<semaphore_mem>>) src(%dma_wait3A_348 : memref<160000x128xf32, #tpu.memory_space<hbm>>) dst(%dma_wait3A_343 : memref<80x128xf32, #tpu.memory_space<vmem>>)
    %dma_start3A_349 = arith.constant 240 : i32
    %dma_start3A_350 = arith.constant 0 : i32
    %dma_start3A_351 = tpu.memref_slice %arg6[%dma_start3A_349, %dma_start3A_350] : memref<320x128xf32, #tpu.memory_space<vmem>> -> memref<80x128xf32, #tpu.memory_space<vmem>>
    %dma_start3A_352 = arith.constant 1840 : i32
    %dma_start3A_353 = tpu.memref_slice %arg5[%dma_start3A_352] : memref<5120xi32, #tpu.memory_space<vmem>> -> memref<80xi32, #tpu.memory_space<vmem>>
    %dma_start3A_354 = arith.constant 0 : i32
    %dma_start3A_355 = arith.constant 0 : i32
    %dma_start3A_356 = tpu.memref_slice %arg2[%dma_start3A_354, %dma_start3A_355] : memref<160000x128xf32, #tpu.memory_space<hbm>> -> memref<160000x128xf32, #tpu.memory_space<hbm>>
    tpu.enqueue_indirect_dma source(%dma_start3A_356 : memref<160000x128xf32, #tpu.memory_space<hbm>>) target(%dma_start3A_351 : memref<80x128xf32, #tpu.memory_space<vmem>>) offsets(%dma_start3A_353 : memref<80xi32, #tpu.memory_space<vmem>>) semaphore(%arg10 : memref<!tpu.dma_semaphore, #tpu.memory_space<semaphore_mem>>) {add = true}
    %dma_wait3A_357 = arith.constant 0 : i32
    %dma_wait3A_358 = arith.constant 0 : i32
    %dma_wait3A_359 = tpu.memref_slice %arg6[%dma_wait3A_357, %dma_wait3A_358] : memref<320x128xf32, #tpu.memory_space<vmem>> -> memref<80x128xf32, #tpu.memory_space<vmem>>
    %dma_wait3A_360 = arith.constant 1600 : i32
    %dma_wait3A_361 = tpu.memref_slice %arg5[%dma_wait3A_360] : memref<5120xi32, #tpu.memory_space<vmem>> -> memref<80xi32, #tpu.memory_space<vmem>>
    %dma_wait3A_362 = arith.constant 0 : i32
    %dma_wait3A_363 = arith.constant 0 : i32
    %dma_wait3A_364 = tpu.memref_slice %arg2[%dma_wait3A_362, %dma_wait3A_363] : memref<160000x128xf32, #tpu.memory_space<hbm>> -> memref<160000x128xf32, #tpu.memory_space<hbm>>
    tpu.wait_indirect_dma semaphore(%arg7 : memref<!tpu.dma_semaphore, #tpu.memory_space<semaphore_mem>>) src(%dma_wait3A_364 : memref<160000x128xf32, #tpu.memory_space<hbm>>) dst(%dma_wait3A_359 : memref<80x128xf32, #tpu.memory_space<vmem>>)
    %dma_start3A_365 = arith.constant 0 : i32
    %dma_start3A_366 = arith.constant 0 : i32
    %dma_start3A_367 = tpu.memref_slice %arg6[%dma_start3A_365, %dma_start3A_366] : memref<320x128xf32, #tpu.memory_space<vmem>> -> memref<80x128xf32, #tpu.memory_space<vmem>>
    %dma_start3A_368 = arith.constant 1920 : i32
    %dma_start3A_369 = tpu.memref_slice %arg5[%dma_start3A_368] : memref<5120xi32, #tpu.memory_space<vmem>> -> memref<80xi32, #tpu.memory_space<vmem>>
    %dma_start3A_370 = arith.constant 0 : i32
    %dma_start3A_371 = arith.constant 0 : i32
    %dma_start3A_372 = tpu.memref_slice %arg2[%dma_start3A_370, %dma_start3A_371] : memref<160000x128xf32, #tpu.memory_space<hbm>> -> memref<160000x128xf32, #tpu.memory_space<hbm>>
    tpu.enqueue_indirect_dma source(%dma_start3A_372 : memref<160000x128xf32, #tpu.memory_space<hbm>>) target(%dma_start3A_367 : memref<80x128xf32, #tpu.memory_space<vmem>>) offsets(%dma_start3A_369 : memref<80xi32, #tpu.memory_space<vmem>>) semaphore(%arg7 : memref<!tpu.dma_semaphore, #tpu.memory_space<semaphore_mem>>) {add = true}
    %dma_wait3A_373 = arith.constant 80 : i32
    %dma_wait3A_374 = arith.constant 0 : i32
    %dma_wait3A_375 = tpu.memref_slice %arg6[%dma_wait3A_373, %dma_wait3A_374] : memref<320x128xf32, #tpu.memory_space<vmem>> -> memref<80x128xf32, #tpu.memory_space<vmem>>
    %dma_wait3A_376 = arith.constant 1680 : i32
    %dma_wait3A_377 = tpu.memref_slice %arg5[%dma_wait3A_376] : memref<5120xi32, #tpu.memory_space<vmem>> -> memref<80xi32, #tpu.memory_space<vmem>>
    %dma_wait3A_378 = arith.constant 0 : i32
    %dma_wait3A_379 = arith.constant 0 : i32
    %dma_wait3A_380 = tpu.memref_slice %arg2[%dma_wait3A_378, %dma_wait3A_379] : memref<160000x128xf32, #tpu.memory_space<hbm>> -> memref<160000x128xf32, #tpu.memory_space<hbm>>
    tpu.wait_indirect_dma semaphore(%arg8 : memref<!tpu.dma_semaphore, #tpu.memory_space<semaphore_mem>>) src(%dma_wait3A_380 : memref<160000x128xf32, #tpu.memory_space<hbm>>) dst(%dma_wait3A_375 : memref<80x128xf32, #tpu.memory_space<vmem>>)
    %dma_start3A_381 = arith.constant 80 : i32
    %dma_start3A_382 = arith.constant 0 : i32
    %dma_start3A_383 = tpu.memref_slice %arg6[%dma_start3A_381, %dma_start3A_382] : memref<320x128xf32, #tpu.memory_space<vmem>> -> memref<80x128xf32, #tpu.memory_space<vmem>>
    %dma_start3A_384 = arith.constant 2000 : i32
    %dma_start3A_385 = tpu.memref_slice %arg5[%dma_start3A_384] : memref<5120xi32, #tpu.memory_space<vmem>> -> memref<80xi32, #tpu.memory_space<vmem>>
    %dma_start3A_386 = arith.constant 0 : i32
    %dma_start3A_387 = arith.constant 0 : i32
    %dma_start3A_388 = tpu.memref_slice %arg2[%dma_start3A_386, %dma_start3A_387] : memref<160000x128xf32, #tpu.memory_space<hbm>> -> memref<160000x128xf32, #tpu.memory_space<hbm>>
    tpu.enqueue_indirect_dma source(%dma_start3A_388 : memref<160000x128xf32, #tpu.memory_space<hbm>>) target(%dma_start3A_383 : memref<80x128xf32, #tpu.memory_space<vmem>>) offsets(%dma_start3A_385 : memref<80xi32, #tpu.memory_space<vmem>>) semaphore(%arg8 : memref<!tpu.dma_semaphore, #tpu.memory_space<semaphore_mem>>) {add = true}
    %dma_wait3A_389 = arith.constant 160 : i32
    %dma_wait3A_390 = arith.constant 0 : i32
    %dma_wait3A_391 = tpu.memref_slice %arg6[%dma_wait3A_389, %dma_wait3A_390] : memref<320x128xf32, #tpu.memory_space<vmem>> -> memref<80x128xf32, #tpu.memory_space<vmem>>
    %dma_wait3A_392 = arith.constant 1760 : i32
    %dma_wait3A_393 = tpu.memref_slice %arg5[%dma_wait3A_392] : memref<5120xi32, #tpu.memory_space<vmem>> -> memref<80xi32, #tpu.memory_space<vmem>>
    %dma_wait3A_394 = arith.constant 0 : i32
    %dma_wait3A_395 = arith.constant 0 : i32
    %dma_wait3A_396 = tpu.memref_slice %arg2[%dma_wait3A_394, %dma_wait3A_395] : memref<160000x128xf32, #tpu.memory_space<hbm>> -> memref<160000x128xf32, #tpu.memory_space<hbm>>
    tpu.wait_indirect_dma semaphore(%arg9 : memref<!tpu.dma_semaphore, #tpu.memory_space<semaphore_mem>>) src(%dma_wait3A_396 : memref<160000x128xf32, #tpu.memory_space<hbm>>) dst(%dma_wait3A_391 : memref<80x128xf32, #tpu.memory_space<vmem>>)
    %dma_start3A_397 = arith.constant 160 : i32
    %dma_start3A_398 = arith.constant 0 : i32
    %dma_start3A_399 = tpu.memref_slice %arg6[%dma_start3A_397, %dma_start3A_398] : memref<320x128xf32, #tpu.memory_space<vmem>> -> memref<80x128xf32, #tpu.memory_space<vmem>>
    %dma_start3A_400 = arith.constant 2080 : i32
    %dma_start3A_401 = tpu.memref_slice %arg5[%dma_start3A_400] : memref<5120xi32, #tpu.memory_space<vmem>> -> memref<80xi32, #tpu.memory_space<vmem>>
    %dma_start3A_402 = arith.constant 0 : i32
    %dma_start3A_403 = arith.constant 0 : i32
    %dma_start3A_404 = tpu.memref_slice %arg2[%dma_start3A_402, %dma_start3A_403] : memref<160000x128xf32, #tpu.memory_space<hbm>> -> memref<160000x128xf32, #tpu.memory_space<hbm>>
    tpu.enqueue_indirect_dma source(%dma_start3A_404 : memref<160000x128xf32, #tpu.memory_space<hbm>>) target(%dma_start3A_399 : memref<80x128xf32, #tpu.memory_space<vmem>>) offsets(%dma_start3A_401 : memref<80xi32, #tpu.memory_space<vmem>>) semaphore(%arg9 : memref<!tpu.dma_semaphore, #tpu.memory_space<semaphore_mem>>) {add = true}
    %dma_wait3A_405 = arith.constant 240 : i32
    %dma_wait3A_406 = arith.constant 0 : i32
    %dma_wait3A_407 = tpu.memref_slice %arg6[%dma_wait3A_405, %dma_wait3A_406] : memref<320x128xf32, #tpu.memory_space<vmem>> -> memref<80x128xf32, #tpu.memory_space<vmem>>
    %dma_wait3A_408 = arith.constant 1840 : i32
    %dma_wait3A_409 = tpu.memref_slice %arg5[%dma_wait3A_408] : memref<5120xi32, #tpu.memory_space<vmem>> -> memref<80xi32, #tpu.memory_space<vmem>>
    %dma_wait3A_410 = arith.constant 0 : i32
    %dma_wait3A_411 = arith.constant 0 : i32
    %dma_wait3A_412 = tpu.memref_slice %arg2[%dma_wait3A_410, %dma_wait3A_411] : memref<160000x128xf32, #tpu.memory_space<hbm>> -> memref<160000x128xf32, #tpu.memory_space<hbm>>
    tpu.wait_indirect_dma semaphore(%arg10 : memref<!tpu.dma_semaphore, #tpu.memory_space<semaphore_mem>>) src(%dma_wait3A_412 : memref<160000x128xf32, #tpu.memory_space<hbm>>) dst(%dma_wait3A_407 : memref<80x128xf32, #tpu.memory_space<vmem>>)
    %dma_start3A_413 = arith.constant 240 : i32
    %dma_start3A_414 = arith.constant 0 : i32
    %dma_start3A_415 = tpu.memref_slice %arg6[%dma_start3A_413, %dma_start3A_414] : memref<320x128xf32, #tpu.memory_space<vmem>> -> memref<80x128xf32, #tpu.memory_space<vmem>>
    %dma_start3A_416 = arith.constant 2160 : i32
    %dma_start3A_417 = tpu.memref_slice %arg5[%dma_start3A_416] : memref<5120xi32, #tpu.memory_space<vmem>> -> memref<80xi32, #tpu.memory_space<vmem>>
    %dma_start3A_418 = arith.constant 0 : i32
    %dma_start3A_419 = arith.constant 0 : i32
    %dma_start3A_420 = tpu.memref_slice %arg2[%dma_start3A_418, %dma_start3A_419] : memref<160000x128xf32, #tpu.memory_space<hbm>> -> memref<160000x128xf32, #tpu.memory_space<hbm>>
    tpu.enqueue_indirect_dma source(%dma_start3A_420 : memref<160000x128xf32, #tpu.memory_space<hbm>>) target(%dma_start3A_415 : memref<80x128xf32, #tpu.memory_space<vmem>>) offsets(%dma_start3A_417 : memref<80xi32, #tpu.memory_space<vmem>>) semaphore(%arg10 : memref<!tpu.dma_semaphore, #tpu.memory_space<semaphore_mem>>) {add = true}
    %dma_wait3A_421 = arith.constant 0 : i32
    %dma_wait3A_422 = arith.constant 0 : i32
    %dma_wait3A_423 = tpu.memref_slice %arg6[%dma_wait3A_421, %dma_wait3A_422] : memref<320x128xf32, #tpu.memory_space<vmem>> -> memref<80x128xf32, #tpu.memory_space<vmem>>
    %dma_wait3A_424 = arith.constant 1920 : i32
    %dma_wait3A_425 = tpu.memref_slice %arg5[%dma_wait3A_424] : memref<5120xi32, #tpu.memory_space<vmem>> -> memref<80xi32, #tpu.memory_space<vmem>>
    %dma_wait3A_426 = arith.constant 0 : i32
    %dma_wait3A_427 = arith.constant 0 : i32
    %dma_wait3A_428 = tpu.memref_slice %arg2[%dma_wait3A_426, %dma_wait3A_427] : memref<160000x128xf32, #tpu.memory_space<hbm>> -> memref<160000x128xf32, #tpu.memory_space<hbm>>
    tpu.wait_indirect_dma semaphore(%arg7 : memref<!tpu.dma_semaphore, #tpu.memory_space<semaphore_mem>>) src(%dma_wait3A_428 : memref<160000x128xf32, #tpu.memory_space<hbm>>) dst(%dma_wait3A_423 : memref<80x128xf32, #tpu.memory_space<vmem>>)
    %dma_start3A_429 = arith.constant 0 : i32
    %dma_start3A_430 = arith.constant 0 : i32
    %dma_start3A_431 = tpu.memref_slice %arg6[%dma_start3A_429, %dma_start3A_430] : memref<320x128xf32, #tpu.memory_space<vmem>> -> memref<80x128xf32, #tpu.memory_space<vmem>>
    %dma_start3A_432 = arith.constant 2240 : i32
    %dma_start3A_433 = tpu.memref_slice %arg5[%dma_start3A_432] : memref<5120xi32, #tpu.memory_space<vmem>> -> memref<80xi32, #tpu.memory_space<vmem>>
    %dma_start3A_434 = arith.constant 0 : i32
    %dma_start3A_435 = arith.constant 0 : i32
    %dma_start3A_436 = tpu.memref_slice %arg2[%dma_start3A_434, %dma_start3A_435] : memref<160000x128xf32, #tpu.memory_space<hbm>> -> memref<160000x128xf32, #tpu.memory_space<hbm>>
    tpu.enqueue_indirect_dma source(%dma_start3A_436 : memref<160000x128xf32, #tpu.memory_space<hbm>>) target(%dma_start3A_431 : memref<80x128xf32, #tpu.memory_space<vmem>>) offsets(%dma_start3A_433 : memref<80xi32, #tpu.memory_space<vmem>>) semaphore(%arg7 : memref<!tpu.dma_semaphore, #tpu.memory_space<semaphore_mem>>) {add = true}
    %dma_wait3A_437 = arith.constant 80 : i32
    %dma_wait3A_438 = arith.constant 0 : i32
    %dma_wait3A_439 = tpu.memref_slice %arg6[%dma_wait3A_437, %dma_wait3A_438] : memref<320x128xf32, #tpu.memory_space<vmem>> -> memref<80x128xf32, #tpu.memory_space<vmem>>
    %dma_wait3A_440 = arith.constant 2000 : i32
    %dma_wait3A_441 = tpu.memref_slice %arg5[%dma_wait3A_440] : memref<5120xi32, #tpu.memory_space<vmem>> -> memref<80xi32, #tpu.memory_space<vmem>>
    %dma_wait3A_442 = arith.constant 0 : i32
    %dma_wait3A_443 = arith.constant 0 : i32
    %dma_wait3A_444 = tpu.memref_slice %arg2[%dma_wait3A_442, %dma_wait3A_443] : memref<160000x128xf32, #tpu.memory_space<hbm>> -> memref<160000x128xf32, #tpu.memory_space<hbm>>
    tpu.wait_indirect_dma semaphore(%arg8 : memref<!tpu.dma_semaphore, #tpu.memory_space<semaphore_mem>>) src(%dma_wait3A_444 : memref<160000x128xf32, #tpu.memory_space<hbm>>) dst(%dma_wait3A_439 : memref<80x128xf32, #tpu.memory_space<vmem>>)
    %dma_start3A_445 = arith.constant 80 : i32
    %dma_start3A_446 = arith.constant 0 : i32
    %dma_start3A_447 = tpu.memref_slice %arg6[%dma_start3A_445, %dma_start3A_446] : memref<320x128xf32, #tpu.memory_space<vmem>> -> memref<80x128xf32, #tpu.memory_space<vmem>>
    %dma_start3A_448 = arith.constant 2320 : i32
    %dma_start3A_449 = tpu.memref_slice %arg5[%dma_start3A_448] : memref<5120xi32, #tpu.memory_space<vmem>> -> memref<80xi32, #tpu.memory_space<vmem>>
    %dma_start3A_450 = arith.constant 0 : i32
    %dma_start3A_451 = arith.constant 0 : i32
    %dma_start3A_452 = tpu.memref_slice %arg2[%dma_start3A_450, %dma_start3A_451] : memref<160000x128xf32, #tpu.memory_space<hbm>> -> memref<160000x128xf32, #tpu.memory_space<hbm>>
    tpu.enqueue_indirect_dma source(%dma_start3A_452 : memref<160000x128xf32, #tpu.memory_space<hbm>>) target(%dma_start3A_447 : memref<80x128xf32, #tpu.memory_space<vmem>>) offsets(%dma_start3A_449 : memref<80xi32, #tpu.memory_space<vmem>>) semaphore(%arg8 : memref<!tpu.dma_semaphore, #tpu.memory_space<semaphore_mem>>) {add = true}
    %dma_wait3A_453 = arith.constant 160 : i32
    %dma_wait3A_454 = arith.constant 0 : i32
    %dma_wait3A_455 = tpu.memref_slice %arg6[%dma_wait3A_453, %dma_wait3A_454] : memref<320x128xf32, #tpu.memory_space<vmem>> -> memref<80x128xf32, #tpu.memory_space<vmem>>
    %dma_wait3A_456 = arith.constant 2080 : i32
    %dma_wait3A_457 = tpu.memref_slice %arg5[%dma_wait3A_456] : memref<5120xi32, #tpu.memory_space<vmem>> -> memref<80xi32, #tpu.memory_space<vmem>>
    %dma_wait3A_458 = arith.constant 0 : i32
    %dma_wait3A_459 = arith.constant 0 : i32
    %dma_wait3A_460 = tpu.memref_slice %arg2[%dma_wait3A_458, %dma_wait3A_459] : memref<160000x128xf32, #tpu.memory_space<hbm>> -> memref<160000x128xf32, #tpu.memory_space<hbm>>
    tpu.wait_indirect_dma semaphore(%arg9 : memref<!tpu.dma_semaphore, #tpu.memory_space<semaphore_mem>>) src(%dma_wait3A_460 : memref<160000x128xf32, #tpu.memory_space<hbm>>) dst(%dma_wait3A_455 : memref<80x128xf32, #tpu.memory_space<vmem>>)
    %dma_start3A_461 = arith.constant 160 : i32
    %dma_start3A_462 = arith.constant 0 : i32
    %dma_start3A_463 = tpu.memref_slice %arg6[%dma_start3A_461, %dma_start3A_462] : memref<320x128xf32, #tpu.memory_space<vmem>> -> memref<80x128xf32, #tpu.memory_space<vmem>>
    %dma_start3A_464 = arith.constant 2400 : i32
    %dma_start3A_465 = tpu.memref_slice %arg5[%dma_start3A_464] : memref<5120xi32, #tpu.memory_space<vmem>> -> memref<80xi32, #tpu.memory_space<vmem>>
    %dma_start3A_466 = arith.constant 0 : i32
    %dma_start3A_467 = arith.constant 0 : i32
    %dma_start3A_468 = tpu.memref_slice %arg2[%dma_start3A_466, %dma_start3A_467] : memref<160000x128xf32, #tpu.memory_space<hbm>> -> memref<160000x128xf32, #tpu.memory_space<hbm>>
    tpu.enqueue_indirect_dma source(%dma_start3A_468 : memref<160000x128xf32, #tpu.memory_space<hbm>>) target(%dma_start3A_463 : memref<80x128xf32, #tpu.memory_space<vmem>>) offsets(%dma_start3A_465 : memref<80xi32, #tpu.memory_space<vmem>>) semaphore(%arg9 : memref<!tpu.dma_semaphore, #tpu.memory_space<semaphore_mem>>) {add = true}
    %dma_wait3A_469 = arith.constant 240 : i32
    %dma_wait3A_470 = arith.constant 0 : i32
    %dma_wait3A_471 = tpu.memref_slice %arg6[%dma_wait3A_469, %dma_wait3A_470] : memref<320x128xf32, #tpu.memory_space<vmem>> -> memref<80x128xf32, #tpu.memory_space<vmem>>
    %dma_wait3A_472 = arith.constant 2160 : i32
    %dma_wait3A_473 = tpu.memref_slice %arg5[%dma_wait3A_472] : memref<5120xi32, #tpu.memory_space<vmem>> -> memref<80xi32, #tpu.memory_space<vmem>>
    %dma_wait3A_474 = arith.constant 0 : i32
    %dma_wait3A_475 = arith.constant 0 : i32
    %dma_wait3A_476 = tpu.memref_slice %arg2[%dma_wait3A_474, %dma_wait3A_475] : memref<160000x128xf32, #tpu.memory_space<hbm>> -> memref<160000x128xf32, #tpu.memory_space<hbm>>
    tpu.wait_indirect_dma semaphore(%arg10 : memref<!tpu.dma_semaphore, #tpu.memory_space<semaphore_mem>>) src(%dma_wait3A_476 : memref<160000x128xf32, #tpu.memory_space<hbm>>) dst(%dma_wait3A_471 : memref<80x128xf32, #tpu.memory_space<vmem>>)
    %dma_start3A_477 = arith.constant 240 : i32
    %dma_start3A_478 = arith.constant 0 : i32
    %dma_start3A_479 = tpu.memref_slice %arg6[%dma_start3A_477, %dma_start3A_478] : memref<320x128xf32, #tpu.memory_space<vmem>> -> memref<80x128xf32, #tpu.memory_space<vmem>>
    %dma_start3A_480 = arith.constant 2480 : i32
    %dma_start3A_481 = tpu.memref_slice %arg5[%dma_start3A_480] : memref<5120xi32, #tpu.memory_space<vmem>> -> memref<80xi32, #tpu.memory_space<vmem>>
    %dma_start3A_482 = arith.constant 0 : i32
    %dma_start3A_483 = arith.constant 0 : i32
    %dma_start3A_484 = tpu.memref_slice %arg2[%dma_start3A_482, %dma_start3A_483] : memref<160000x128xf32, #tpu.memory_space<hbm>> -> memref<160000x128xf32, #tpu.memory_space<hbm>>
    tpu.enqueue_indirect_dma source(%dma_start3A_484 : memref<160000x128xf32, #tpu.memory_space<hbm>>) target(%dma_start3A_479 : memref<80x128xf32, #tpu.memory_space<vmem>>) offsets(%dma_start3A_481 : memref<80xi32, #tpu.memory_space<vmem>>) semaphore(%arg10 : memref<!tpu.dma_semaphore, #tpu.memory_space<semaphore_mem>>) {add = true}
    %dma_wait3A_485 = arith.constant 0 : i32
    %dma_wait3A_486 = arith.constant 0 : i32
    %dma_wait3A_487 = tpu.memref_slice %arg6[%dma_wait3A_485, %dma_wait3A_486] : memref<320x128xf32, #tpu.memory_space<vmem>> -> memref<80x128xf32, #tpu.memory_space<vmem>>
    %dma_wait3A_488 = arith.constant 2240 : i32
    %dma_wait3A_489 = tpu.memref_slice %arg5[%dma_wait3A_488] : memref<5120xi32, #tpu.memory_space<vmem>> -> memref<80xi32, #tpu.memory_space<vmem>>
    %dma_wait3A_490 = arith.constant 0 : i32
    %dma_wait3A_491 = arith.constant 0 : i32
    %dma_wait3A_492 = tpu.memref_slice %arg2[%dma_wait3A_490, %dma_wait3A_491] : memref<160000x128xf32, #tpu.memory_space<hbm>> -> memref<160000x128xf32, #tpu.memory_space<hbm>>
    tpu.wait_indirect_dma semaphore(%arg7 : memref<!tpu.dma_semaphore, #tpu.memory_space<semaphore_mem>>) src(%dma_wait3A_492 : memref<160000x128xf32, #tpu.memory_space<hbm>>) dst(%dma_wait3A_487 : memref<80x128xf32, #tpu.memory_space<vmem>>)
    %dma_start3A_493 = arith.constant 0 : i32
    %dma_start3A_494 = arith.constant 0 : i32
    %dma_start3A_495 = tpu.memref_slice %arg6[%dma_start3A_493, %dma_start3A_494] : memref<320x128xf32, #tpu.memory_space<vmem>> -> memref<80x128xf32, #tpu.memory_space<vmem>>
    %dma_start3A_496 = arith.constant 2560 : i32
    %dma_start3A_497 = tpu.memref_slice %arg5[%dma_start3A_496] : memref<5120xi32, #tpu.memory_space<vmem>> -> memref<80xi32, #tpu.memory_space<vmem>>
    %dma_start3A_498 = arith.constant 0 : i32
    %dma_start3A_499 = arith.constant 0 : i32
    %dma_start3A_500 = tpu.memref_slice %arg2[%dma_start3A_498, %dma_start3A_499] : memref<160000x128xf32, #tpu.memory_space<hbm>> -> memref<160000x128xf32, #tpu.memory_space<hbm>>
    tpu.enqueue_indirect_dma source(%dma_start3A_500 : memref<160000x128xf32, #tpu.memory_space<hbm>>) target(%dma_start3A_495 : memref<80x128xf32, #tpu.memory_space<vmem>>) offsets(%dma_start3A_497 : memref<80xi32, #tpu.memory_space<vmem>>) semaphore(%arg7 : memref<!tpu.dma_semaphore, #tpu.memory_space<semaphore_mem>>) {add = true}
    %dma_wait3A_501 = arith.constant 80 : i32
    %dma_wait3A_502 = arith.constant 0 : i32
    %dma_wait3A_503 = tpu.memref_slice %arg6[%dma_wait3A_501, %dma_wait3A_502] : memref<320x128xf32, #tpu.memory_space<vmem>> -> memref<80x128xf32, #tpu.memory_space<vmem>>
    %dma_wait3A_504 = arith.constant 2320 : i32
    %dma_wait3A_505 = tpu.memref_slice %arg5[%dma_wait3A_504] : memref<5120xi32, #tpu.memory_space<vmem>> -> memref<80xi32, #tpu.memory_space<vmem>>
    %dma_wait3A_506 = arith.constant 0 : i32
    %dma_wait3A_507 = arith.constant 0 : i32
    %dma_wait3A_508 = tpu.memref_slice %arg2[%dma_wait3A_506, %dma_wait3A_507] : memref<160000x128xf32, #tpu.memory_space<hbm>> -> memref<160000x128xf32, #tpu.memory_space<hbm>>
    tpu.wait_indirect_dma semaphore(%arg8 : memref<!tpu.dma_semaphore, #tpu.memory_space<semaphore_mem>>) src(%dma_wait3A_508 : memref<160000x128xf32, #tpu.memory_space<hbm>>) dst(%dma_wait3A_503 : memref<80x128xf32, #tpu.memory_space<vmem>>)
    %dma_start3A_509 = arith.constant 80 : i32
    %dma_start3A_510 = arith.constant 0 : i32
    %dma_start3A_511 = tpu.memref_slice %arg6[%dma_start3A_509, %dma_start3A_510] : memref<320x128xf32, #tpu.memory_space<vmem>> -> memref<80x128xf32, #tpu.memory_space<vmem>>
    %dma_start3A_512 = arith.constant 2640 : i32
    %dma_start3A_513 = tpu.memref_slice %arg5[%dma_start3A_512] : memref<5120xi32, #tpu.memory_space<vmem>> -> memref<80xi32, #tpu.memory_space<vmem>>
    %dma_start3A_514 = arith.constant 0 : i32
    %dma_start3A_515 = arith.constant 0 : i32
    %dma_start3A_516 = tpu.memref_slice %arg2[%dma_start3A_514, %dma_start3A_515] : memref<160000x128xf32, #tpu.memory_space<hbm>> -> memref<160000x128xf32, #tpu.memory_space<hbm>>
    tpu.enqueue_indirect_dma source(%dma_start3A_516 : memref<160000x128xf32, #tpu.memory_space<hbm>>) target(%dma_start3A_511 : memref<80x128xf32, #tpu.memory_space<vmem>>) offsets(%dma_start3A_513 : memref<80xi32, #tpu.memory_space<vmem>>) semaphore(%arg8 : memref<!tpu.dma_semaphore, #tpu.memory_space<semaphore_mem>>) {add = true}
    %dma_wait3A_517 = arith.constant 160 : i32
    %dma_wait3A_518 = arith.constant 0 : i32
    %dma_wait3A_519 = tpu.memref_slice %arg6[%dma_wait3A_517, %dma_wait3A_518] : memref<320x128xf32, #tpu.memory_space<vmem>> -> memref<80x128xf32, #tpu.memory_space<vmem>>
    %dma_wait3A_520 = arith.constant 2400 : i32
    %dma_wait3A_521 = tpu.memref_slice %arg5[%dma_wait3A_520] : memref<5120xi32, #tpu.memory_space<vmem>> -> memref<80xi32, #tpu.memory_space<vmem>>
    %dma_wait3A_522 = arith.constant 0 : i32
    %dma_wait3A_523 = arith.constant 0 : i32
    %dma_wait3A_524 = tpu.memref_slice %arg2[%dma_wait3A_522, %dma_wait3A_523] : memref<160000x128xf32, #tpu.memory_space<hbm>> -> memref<160000x128xf32, #tpu.memory_space<hbm>>
    tpu.wait_indirect_dma semaphore(%arg9 : memref<!tpu.dma_semaphore, #tpu.memory_space<semaphore_mem>>) src(%dma_wait3A_524 : memref<160000x128xf32, #tpu.memory_space<hbm>>) dst(%dma_wait3A_519 : memref<80x128xf32, #tpu.memory_space<vmem>>)
    %dma_start3A_525 = arith.constant 160 : i32
    %dma_start3A_526 = arith.constant 0 : i32
    %dma_start3A_527 = tpu.memref_slice %arg6[%dma_start3A_525, %dma_start3A_526] : memref<320x128xf32, #tpu.memory_space<vmem>> -> memref<80x128xf32, #tpu.memory_space<vmem>>
    %dma_start3A_528 = arith.constant 2720 : i32
    %dma_start3A_529 = tpu.memref_slice %arg5[%dma_start3A_528] : memref<5120xi32, #tpu.memory_space<vmem>> -> memref<80xi32, #tpu.memory_space<vmem>>
    %dma_start3A_530 = arith.constant 0 : i32
    %dma_start3A_531 = arith.constant 0 : i32
    %dma_start3A_532 = tpu.memref_slice %arg2[%dma_start3A_530, %dma_start3A_531] : memref<160000x128xf32, #tpu.memory_space<hbm>> -> memref<160000x128xf32, #tpu.memory_space<hbm>>
    tpu.enqueue_indirect_dma source(%dma_start3A_532 : memref<160000x128xf32, #tpu.memory_space<hbm>>) target(%dma_start3A_527 : memref<80x128xf32, #tpu.memory_space<vmem>>) offsets(%dma_start3A_529 : memref<80xi32, #tpu.memory_space<vmem>>) semaphore(%arg9 : memref<!tpu.dma_semaphore, #tpu.memory_space<semaphore_mem>>) {add = true}
    %dma_wait3A_533 = arith.constant 240 : i32
    %dma_wait3A_534 = arith.constant 0 : i32
    %dma_wait3A_535 = tpu.memref_slice %arg6[%dma_wait3A_533, %dma_wait3A_534] : memref<320x128xf32, #tpu.memory_space<vmem>> -> memref<80x128xf32, #tpu.memory_space<vmem>>
    %dma_wait3A_536 = arith.constant 2480 : i32
    %dma_wait3A_537 = tpu.memref_slice %arg5[%dma_wait3A_536] : memref<5120xi32, #tpu.memory_space<vmem>> -> memref<80xi32, #tpu.memory_space<vmem>>
    %dma_wait3A_538 = arith.constant 0 : i32
    %dma_wait3A_539 = arith.constant 0 : i32
    %dma_wait3A_540 = tpu.memref_slice %arg2[%dma_wait3A_538, %dma_wait3A_539] : memref<160000x128xf32, #tpu.memory_space<hbm>> -> memref<160000x128xf32, #tpu.memory_space<hbm>>
    tpu.wait_indirect_dma semaphore(%arg10 : memref<!tpu.dma_semaphore, #tpu.memory_space<semaphore_mem>>) src(%dma_wait3A_540 : memref<160000x128xf32, #tpu.memory_space<hbm>>) dst(%dma_wait3A_535 : memref<80x128xf32, #tpu.memory_space<vmem>>)
    %dma_start3A_541 = arith.constant 240 : i32
    %dma_start3A_542 = arith.constant 0 : i32
    %dma_start3A_543 = tpu.memref_slice %arg6[%dma_start3A_541, %dma_start3A_542] : memref<320x128xf32, #tpu.memory_space<vmem>> -> memref<80x128xf32, #tpu.memory_space<vmem>>
    %dma_start3A_544 = arith.constant 2800 : i32
    %dma_start3A_545 = tpu.memref_slice %arg5[%dma_start3A_544] : memref<5120xi32, #tpu.memory_space<vmem>> -> memref<80xi32, #tpu.memory_space<vmem>>
    %dma_start3A_546 = arith.constant 0 : i32
    %dma_start3A_547 = arith.constant 0 : i32
    %dma_start3A_548 = tpu.memref_slice %arg2[%dma_start3A_546, %dma_start3A_547] : memref<160000x128xf32, #tpu.memory_space<hbm>> -> memref<160000x128xf32, #tpu.memory_space<hbm>>
    tpu.enqueue_indirect_dma source(%dma_start3A_548 : memref<160000x128xf32, #tpu.memory_space<hbm>>) target(%dma_start3A_543 : memref<80x128xf32, #tpu.memory_space<vmem>>) offsets(%dma_start3A_545 : memref<80xi32, #tpu.memory_space<vmem>>) semaphore(%arg10 : memref<!tpu.dma_semaphore, #tpu.memory_space<semaphore_mem>>) {add = true}
    %dma_wait3A_549 = arith.constant 0 : i32
    %dma_wait3A_550 = arith.constant 0 : i32
    %dma_wait3A_551 = tpu.memref_slice %arg6[%dma_wait3A_549, %dma_wait3A_550] : memref<320x128xf32, #tpu.memory_space<vmem>> -> memref<80x128xf32, #tpu.memory_space<vmem>>
    %dma_wait3A_552 = arith.constant 2560 : i32
    %dma_wait3A_553 = tpu.memref_slice %arg5[%dma_wait3A_552] : memref<5120xi32, #tpu.memory_space<vmem>> -> memref<80xi32, #tpu.memory_space<vmem>>
    %dma_wait3A_554 = arith.constant 0 : i32
    %dma_wait3A_555 = arith.constant 0 : i32
    %dma_wait3A_556 = tpu.memref_slice %arg2[%dma_wait3A_554, %dma_wait3A_555] : memref<160000x128xf32, #tpu.memory_space<hbm>> -> memref<160000x128xf32, #tpu.memory_space<hbm>>
    tpu.wait_indirect_dma semaphore(%arg7 : memref<!tpu.dma_semaphore, #tpu.memory_space<semaphore_mem>>) src(%dma_wait3A_556 : memref<160000x128xf32, #tpu.memory_space<hbm>>) dst(%dma_wait3A_551 : memref<80x128xf32, #tpu.memory_space<vmem>>)
    %dma_start3A_557 = arith.constant 0 : i32
    %dma_start3A_558 = arith.constant 0 : i32
    %dma_start3A_559 = tpu.memref_slice %arg6[%dma_start3A_557, %dma_start3A_558] : memref<320x128xf32, #tpu.memory_space<vmem>> -> memref<80x128xf32, #tpu.memory_space<vmem>>
    %dma_start3A_560 = arith.constant 2880 : i32
    %dma_start3A_561 = tpu.memref_slice %arg5[%dma_start3A_560] : memref<5120xi32, #tpu.memory_space<vmem>> -> memref<80xi32, #tpu.memory_space<vmem>>
    %dma_start3A_562 = arith.constant 0 : i32
    %dma_start3A_563 = arith.constant 0 : i32
    %dma_start3A_564 = tpu.memref_slice %arg2[%dma_start3A_562, %dma_start3A_563] : memref<160000x128xf32, #tpu.memory_space<hbm>> -> memref<160000x128xf32, #tpu.memory_space<hbm>>
    tpu.enqueue_indirect_dma source(%dma_start3A_564 : memref<160000x128xf32, #tpu.memory_space<hbm>>) target(%dma_start3A_559 : memref<80x128xf32, #tpu.memory_space<vmem>>) offsets(%dma_start3A_561 : memref<80xi32, #tpu.memory_space<vmem>>) semaphore(%arg7 : memref<!tpu.dma_semaphore, #tpu.memory_space<semaphore_mem>>) {add = true}
    %dma_wait3A_565 = arith.constant 80 : i32
    %dma_wait3A_566 = arith.constant 0 : i32
    %dma_wait3A_567 = tpu.memref_slice %arg6[%dma_wait3A_565, %dma_wait3A_566] : memref<320x128xf32, #tpu.memory_space<vmem>> -> memref<80x128xf32, #tpu.memory_space<vmem>>
    %dma_wait3A_568 = arith.constant 2640 : i32
    %dma_wait3A_569 = tpu.memref_slice %arg5[%dma_wait3A_568] : memref<5120xi32, #tpu.memory_space<vmem>> -> memref<80xi32, #tpu.memory_space<vmem>>
    %dma_wait3A_570 = arith.constant 0 : i32
    %dma_wait3A_571 = arith.constant 0 : i32
    %dma_wait3A_572 = tpu.memref_slice %arg2[%dma_wait3A_570, %dma_wait3A_571] : memref<160000x128xf32, #tpu.memory_space<hbm>> -> memref<160000x128xf32, #tpu.memory_space<hbm>>
    tpu.wait_indirect_dma semaphore(%arg8 : memref<!tpu.dma_semaphore, #tpu.memory_space<semaphore_mem>>) src(%dma_wait3A_572 : memref<160000x128xf32, #tpu.memory_space<hbm>>) dst(%dma_wait3A_567 : memref<80x128xf32, #tpu.memory_space<vmem>>)
    %dma_start3A_573 = arith.constant 80 : i32
    %dma_start3A_574 = arith.constant 0 : i32
    %dma_start3A_575 = tpu.memref_slice %arg6[%dma_start3A_573, %dma_start3A_574] : memref<320x128xf32, #tpu.memory_space<vmem>> -> memref<80x128xf32, #tpu.memory_space<vmem>>
    %dma_start3A_576 = arith.constant 2960 : i32
    %dma_start3A_577 = tpu.memref_slice %arg5[%dma_start3A_576] : memref<5120xi32, #tpu.memory_space<vmem>> -> memref<80xi32, #tpu.memory_space<vmem>>
    %dma_start3A_578 = arith.constant 0 : i32
    %dma_start3A_579 = arith.constant 0 : i32
    %dma_start3A_580 = tpu.memref_slice %arg2[%dma_start3A_578, %dma_start3A_579] : memref<160000x128xf32, #tpu.memory_space<hbm>> -> memref<160000x128xf32, #tpu.memory_space<hbm>>
    tpu.enqueue_indirect_dma source(%dma_start3A_580 : memref<160000x128xf32, #tpu.memory_space<hbm>>) target(%dma_start3A_575 : memref<80x128xf32, #tpu.memory_space<vmem>>) offsets(%dma_start3A_577 : memref<80xi32, #tpu.memory_space<vmem>>) semaphore(%arg8 : memref<!tpu.dma_semaphore, #tpu.memory_space<semaphore_mem>>) {add = true}
    %dma_wait3A_581 = arith.constant 160 : i32
    %dma_wait3A_582 = arith.constant 0 : i32
    %dma_wait3A_583 = tpu.memref_slice %arg6[%dma_wait3A_581, %dma_wait3A_582] : memref<320x128xf32, #tpu.memory_space<vmem>> -> memref<80x128xf32, #tpu.memory_space<vmem>>
    %dma_wait3A_584 = arith.constant 2720 : i32
    %dma_wait3A_585 = tpu.memref_slice %arg5[%dma_wait3A_584] : memref<5120xi32, #tpu.memory_space<vmem>> -> memref<80xi32, #tpu.memory_space<vmem>>
    %dma_wait3A_586 = arith.constant 0 : i32
    %dma_wait3A_587 = arith.constant 0 : i32
    %dma_wait3A_588 = tpu.memref_slice %arg2[%dma_wait3A_586, %dma_wait3A_587] : memref<160000x128xf32, #tpu.memory_space<hbm>> -> memref<160000x128xf32, #tpu.memory_space<hbm>>
    tpu.wait_indirect_dma semaphore(%arg9 : memref<!tpu.dma_semaphore, #tpu.memory_space<semaphore_mem>>) src(%dma_wait3A_588 : memref<160000x128xf32, #tpu.memory_space<hbm>>) dst(%dma_wait3A_583 : memref<80x128xf32, #tpu.memory_space<vmem>>)
    %dma_start3A_589 = arith.constant 160 : i32
    %dma_start3A_590 = arith.constant 0 : i32
    %dma_start3A_591 = tpu.memref_slice %arg6[%dma_start3A_589, %dma_start3A_590] : memref<320x128xf32, #tpu.memory_space<vmem>> -> memref<80x128xf32, #tpu.memory_space<vmem>>
    %dma_start3A_592 = arith.constant 3040 : i32
    %dma_start3A_593 = tpu.memref_slice %arg5[%dma_start3A_592] : memref<5120xi32, #tpu.memory_space<vmem>> -> memref<80xi32, #tpu.memory_space<vmem>>
    %dma_start3A_594 = arith.constant 0 : i32
    %dma_start3A_595 = arith.constant 0 : i32
    %dma_start3A_596 = tpu.memref_slice %arg2[%dma_start3A_594, %dma_start3A_595] : memref<160000x128xf32, #tpu.memory_space<hbm>> -> memref<160000x128xf32, #tpu.memory_space<hbm>>
    tpu.enqueue_indirect_dma source(%dma_start3A_596 : memref<160000x128xf32, #tpu.memory_space<hbm>>) target(%dma_start3A_591 : memref<80x128xf32, #tpu.memory_space<vmem>>) offsets(%dma_start3A_593 : memref<80xi32, #tpu.memory_space<vmem>>) semaphore(%arg9 : memref<!tpu.dma_semaphore, #tpu.memory_space<semaphore_mem>>) {add = true}
    %dma_wait3A_597 = arith.constant 240 : i32
    %dma_wait3A_598 = arith.constant 0 : i32
    %dma_wait3A_599 = tpu.memref_slice %arg6[%dma_wait3A_597, %dma_wait3A_598] : memref<320x128xf32, #tpu.memory_space<vmem>> -> memref<80x128xf32, #tpu.memory_space<vmem>>
    %dma_wait3A_600 = arith.constant 2800 : i32
    %dma_wait3A_601 = tpu.memref_slice %arg5[%dma_wait3A_600] : memref<5120xi32, #tpu.memory_space<vmem>> -> memref<80xi32, #tpu.memory_space<vmem>>
    %dma_wait3A_602 = arith.constant 0 : i32
    %dma_wait3A_603 = arith.constant 0 : i32
    %dma_wait3A_604 = tpu.memref_slice %arg2[%dma_wait3A_602, %dma_wait3A_603] : memref<160000x128xf32, #tpu.memory_space<hbm>> -> memref<160000x128xf32, #tpu.memory_space<hbm>>
    tpu.wait_indirect_dma semaphore(%arg10 : memref<!tpu.dma_semaphore, #tpu.memory_space<semaphore_mem>>) src(%dma_wait3A_604 : memref<160000x128xf32, #tpu.memory_space<hbm>>) dst(%dma_wait3A_599 : memref<80x128xf32, #tpu.memory_space<vmem>>)
    %dma_start3A_605 = arith.constant 240 : i32
    %dma_start3A_606 = arith.constant 0 : i32
    %dma_start3A_607 = tpu.memref_slice %arg6[%dma_start3A_605, %dma_start3A_606] : memref<320x128xf32, #tpu.memory_space<vmem>> -> memref<80x128xf32, #tpu.memory_space<vmem>>
    %dma_start3A_608 = arith.constant 3120 : i32
    %dma_start3A_609 = tpu.memref_slice %arg5[%dma_start3A_608] : memref<5120xi32, #tpu.memory_space<vmem>> -> memref<80xi32, #tpu.memory_space<vmem>>
    %dma_start3A_610 = arith.constant 0 : i32
    %dma_start3A_611 = arith.constant 0 : i32
    %dma_start3A_612 = tpu.memref_slice %arg2[%dma_start3A_610, %dma_start3A_611] : memref<160000x128xf32, #tpu.memory_space<hbm>> -> memref<160000x128xf32, #tpu.memory_space<hbm>>
    tpu.enqueue_indirect_dma source(%dma_start3A_612 : memref<160000x128xf32, #tpu.memory_space<hbm>>) target(%dma_start3A_607 : memref<80x128xf32, #tpu.memory_space<vmem>>) offsets(%dma_start3A_609 : memref<80xi32, #tpu.memory_space<vmem>>) semaphore(%arg10 : memref<!tpu.dma_semaphore, #tpu.memory_space<semaphore_mem>>) {add = true}
    %dma_wait3A_613 = arith.constant 0 : i32
    %dma_wait3A_614 = arith.constant 0 : i32
    %dma_wait3A_615 = tpu.memref_slice %arg6[%dma_wait3A_613, %dma_wait3A_614] : memref<320x128xf32, #tpu.memory_space<vmem>> -> memref<80x128xf32, #tpu.memory_space<vmem>>
    %dma_wait3A_616 = arith.constant 2880 : i32
    %dma_wait3A_617 = tpu.memref_slice %arg5[%dma_wait3A_616] : memref<5120xi32, #tpu.memory_space<vmem>> -> memref<80xi32, #tpu.memory_space<vmem>>
    %dma_wait3A_618 = arith.constant 0 : i32
    %dma_wait3A_619 = arith.constant 0 : i32
    %dma_wait3A_620 = tpu.memref_slice %arg2[%dma_wait3A_618, %dma_wait3A_619] : memref<160000x128xf32, #tpu.memory_space<hbm>> -> memref<160000x128xf32, #tpu.memory_space<hbm>>
    tpu.wait_indirect_dma semaphore(%arg7 : memref<!tpu.dma_semaphore, #tpu.memory_space<semaphore_mem>>) src(%dma_wait3A_620 : memref<160000x128xf32, #tpu.memory_space<hbm>>) dst(%dma_wait3A_615 : memref<80x128xf32, #tpu.memory_space<vmem>>)
    %dma_start3A_621 = arith.constant 0 : i32
    %dma_start3A_622 = arith.constant 0 : i32
    %dma_start3A_623 = tpu.memref_slice %arg6[%dma_start3A_621, %dma_start3A_622] : memref<320x128xf32, #tpu.memory_space<vmem>> -> memref<80x128xf32, #tpu.memory_space<vmem>>
    %dma_start3A_624 = arith.constant 3200 : i32
    %dma_start3A_625 = tpu.memref_slice %arg5[%dma_start3A_624] : memref<5120xi32, #tpu.memory_space<vmem>> -> memref<80xi32, #tpu.memory_space<vmem>>
    %dma_start3A_626 = arith.constant 0 : i32
    %dma_start3A_627 = arith.constant 0 : i32
    %dma_start3A_628 = tpu.memref_slice %arg2[%dma_start3A_626, %dma_start3A_627] : memref<160000x128xf32, #tpu.memory_space<hbm>> -> memref<160000x128xf32, #tpu.memory_space<hbm>>
    tpu.enqueue_indirect_dma source(%dma_start3A_628 : memref<160000x128xf32, #tpu.memory_space<hbm>>) target(%dma_start3A_623 : memref<80x128xf32, #tpu.memory_space<vmem>>) offsets(%dma_start3A_625 : memref<80xi32, #tpu.memory_space<vmem>>) semaphore(%arg7 : memref<!tpu.dma_semaphore, #tpu.memory_space<semaphore_mem>>) {add = true}
    %dma_wait3A_629 = arith.constant 80 : i32
    %dma_wait3A_630 = arith.constant 0 : i32
    %dma_wait3A_631 = tpu.memref_slice %arg6[%dma_wait3A_629, %dma_wait3A_630] : memref<320x128xf32, #tpu.memory_space<vmem>> -> memref<80x128xf32, #tpu.memory_space<vmem>>
    %dma_wait3A_632 = arith.constant 2960 : i32
    %dma_wait3A_633 = tpu.memref_slice %arg5[%dma_wait3A_632] : memref<5120xi32, #tpu.memory_space<vmem>> -> memref<80xi32, #tpu.memory_space<vmem>>
    %dma_wait3A_634 = arith.constant 0 : i32
    %dma_wait3A_635 = arith.constant 0 : i32
    %dma_wait3A_636 = tpu.memref_slice %arg2[%dma_wait3A_634, %dma_wait3A_635] : memref<160000x128xf32, #tpu.memory_space<hbm>> -> memref<160000x128xf32, #tpu.memory_space<hbm>>
    tpu.wait_indirect_dma semaphore(%arg8 : memref<!tpu.dma_semaphore, #tpu.memory_space<semaphore_mem>>) src(%dma_wait3A_636 : memref<160000x128xf32, #tpu.memory_space<hbm>>) dst(%dma_wait3A_631 : memref<80x128xf32, #tpu.memory_space<vmem>>)
    %dma_start3A_637 = arith.constant 80 : i32
    %dma_start3A_638 = arith.constant 0 : i32
    %dma_start3A_639 = tpu.memref_slice %arg6[%dma_start3A_637, %dma_start3A_638] : memref<320x128xf32, #tpu.memory_space<vmem>> -> memref<80x128xf32, #tpu.memory_space<vmem>>
    %dma_start3A_640 = arith.constant 3280 : i32
    %dma_start3A_641 = tpu.memref_slice %arg5[%dma_start3A_640] : memref<5120xi32, #tpu.memory_space<vmem>> -> memref<80xi32, #tpu.memory_space<vmem>>
    %dma_start3A_642 = arith.constant 0 : i32
    %dma_start3A_643 = arith.constant 0 : i32
    %dma_start3A_644 = tpu.memref_slice %arg2[%dma_start3A_642, %dma_start3A_643] : memref<160000x128xf32, #tpu.memory_space<hbm>> -> memref<160000x128xf32, #tpu.memory_space<hbm>>
    tpu.enqueue_indirect_dma source(%dma_start3A_644 : memref<160000x128xf32, #tpu.memory_space<hbm>>) target(%dma_start3A_639 : memref<80x128xf32, #tpu.memory_space<vmem>>) offsets(%dma_start3A_641 : memref<80xi32, #tpu.memory_space<vmem>>) semaphore(%arg8 : memref<!tpu.dma_semaphore, #tpu.memory_space<semaphore_mem>>) {add = true}
    %dma_wait3A_645 = arith.constant 160 : i32
    %dma_wait3A_646 = arith.constant 0 : i32
    %dma_wait3A_647 = tpu.memref_slice %arg6[%dma_wait3A_645, %dma_wait3A_646] : memref<320x128xf32, #tpu.memory_space<vmem>> -> memref<80x128xf32, #tpu.memory_space<vmem>>
    %dma_wait3A_648 = arith.constant 3040 : i32
    %dma_wait3A_649 = tpu.memref_slice %arg5[%dma_wait3A_648] : memref<5120xi32, #tpu.memory_space<vmem>> -> memref<80xi32, #tpu.memory_space<vmem>>
    %dma_wait3A_650 = arith.constant 0 : i32
    %dma_wait3A_651 = arith.constant 0 : i32
    %dma_wait3A_652 = tpu.memref_slice %arg2[%dma_wait3A_650, %dma_wait3A_651] : memref<160000x128xf32, #tpu.memory_space<hbm>> -> memref<160000x128xf32, #tpu.memory_space<hbm>>
    tpu.wait_indirect_dma semaphore(%arg9 : memref<!tpu.dma_semaphore, #tpu.memory_space<semaphore_mem>>) src(%dma_wait3A_652 : memref<160000x128xf32, #tpu.memory_space<hbm>>) dst(%dma_wait3A_647 : memref<80x128xf32, #tpu.memory_space<vmem>>)
    %dma_start3A_653 = arith.constant 160 : i32
    %dma_start3A_654 = arith.constant 0 : i32
    %dma_start3A_655 = tpu.memref_slice %arg6[%dma_start3A_653, %dma_start3A_654] : memref<320x128xf32, #tpu.memory_space<vmem>> -> memref<80x128xf32, #tpu.memory_space<vmem>>
    %dma_start3A_656 = arith.constant 3360 : i32
    %dma_start3A_657 = tpu.memref_slice %arg5[%dma_start3A_656] : memref<5120xi32, #tpu.memory_space<vmem>> -> memref<80xi32, #tpu.memory_space<vmem>>
    %dma_start3A_658 = arith.constant 0 : i32
    %dma_start3A_659 = arith.constant 0 : i32
    %dma_start3A_660 = tpu.memref_slice %arg2[%dma_start3A_658, %dma_start3A_659] : memref<160000x128xf32, #tpu.memory_space<hbm>> -> memref<160000x128xf32, #tpu.memory_space<hbm>>
    tpu.enqueue_indirect_dma source(%dma_start3A_660 : memref<160000x128xf32, #tpu.memory_space<hbm>>) target(%dma_start3A_655 : memref<80x128xf32, #tpu.memory_space<vmem>>) offsets(%dma_start3A_657 : memref<80xi32, #tpu.memory_space<vmem>>) semaphore(%arg9 : memref<!tpu.dma_semaphore, #tpu.memory_space<semaphore_mem>>) {add = true}
    %dma_wait3A_661 = arith.constant 240 : i32
    %dma_wait3A_662 = arith.constant 0 : i32
    %dma_wait3A_663 = tpu.memref_slice %arg6[%dma_wait3A_661, %dma_wait3A_662] : memref<320x128xf32, #tpu.memory_space<vmem>> -> memref<80x128xf32, #tpu.memory_space<vmem>>
    %dma_wait3A_664 = arith.constant 3120 : i32
    %dma_wait3A_665 = tpu.memref_slice %arg5[%dma_wait3A_664] : memref<5120xi32, #tpu.memory_space<vmem>> -> memref<80xi32, #tpu.memory_space<vmem>>
    %dma_wait3A_666 = arith.constant 0 : i32
    %dma_wait3A_667 = arith.constant 0 : i32
    %dma_wait3A_668 = tpu.memref_slice %arg2[%dma_wait3A_666, %dma_wait3A_667] : memref<160000x128xf32, #tpu.memory_space<hbm>> -> memref<160000x128xf32, #tpu.memory_space<hbm>>
    tpu.wait_indirect_dma semaphore(%arg10 : memref<!tpu.dma_semaphore, #tpu.memory_space<semaphore_mem>>) src(%dma_wait3A_668 : memref<160000x128xf32, #tpu.memory_space<hbm>>) dst(%dma_wait3A_663 : memref<80x128xf32, #tpu.memory_space<vmem>>)
    %dma_start3A_669 = arith.constant 240 : i32
    %dma_start3A_670 = arith.constant 0 : i32
    %dma_start3A_671 = tpu.memref_slice %arg6[%dma_start3A_669, %dma_start3A_670] : memref<320x128xf32, #tpu.memory_space<vmem>> -> memref<80x128xf32, #tpu.memory_space<vmem>>
    %dma_start3A_672 = arith.constant 3440 : i32
    %dma_start3A_673 = tpu.memref_slice %arg5[%dma_start3A_672] : memref<5120xi32, #tpu.memory_space<vmem>> -> memref<80xi32, #tpu.memory_space<vmem>>
    %dma_start3A_674 = arith.constant 0 : i32
    %dma_start3A_675 = arith.constant 0 : i32
    %dma_start3A_676 = tpu.memref_slice %arg2[%dma_start3A_674, %dma_start3A_675] : memref<160000x128xf32, #tpu.memory_space<hbm>> -> memref<160000x128xf32, #tpu.memory_space<hbm>>
    tpu.enqueue_indirect_dma source(%dma_start3A_676 : memref<160000x128xf32, #tpu.memory_space<hbm>>) target(%dma_start3A_671 : memref<80x128xf32, #tpu.memory_space<vmem>>) offsets(%dma_start3A_673 : memref<80xi32, #tpu.memory_space<vmem>>) semaphore(%arg10 : memref<!tpu.dma_semaphore, #tpu.memory_space<semaphore_mem>>) {add = true}
    %dma_wait3A_677 = arith.constant 0 : i32
    %dma_wait3A_678 = arith.constant 0 : i32
    %dma_wait3A_679 = tpu.memref_slice %arg6[%dma_wait3A_677, %dma_wait3A_678] : memref<320x128xf32, #tpu.memory_space<vmem>> -> memref<80x128xf32, #tpu.memory_space<vmem>>
    %dma_wait3A_680 = arith.constant 3200 : i32
    %dma_wait3A_681 = tpu.memref_slice %arg5[%dma_wait3A_680] : memref<5120xi32, #tpu.memory_space<vmem>> -> memref<80xi32, #tpu.memory_space<vmem>>
    %dma_wait3A_682 = arith.constant 0 : i32
    %dma_wait3A_683 = arith.constant 0 : i32
    %dma_wait3A_684 = tpu.memref_slice %arg2[%dma_wait3A_682, %dma_wait3A_683] : memref<160000x128xf32, #tpu.memory_space<hbm>> -> memref<160000x128xf32, #tpu.memory_space<hbm>>
    tpu.wait_indirect_dma semaphore(%arg7 : memref<!tpu.dma_semaphore, #tpu.memory_space<semaphore_mem>>) src(%dma_wait3A_684 : memref<160000x128xf32, #tpu.memory_space<hbm>>) dst(%dma_wait3A_679 : memref<80x128xf32, #tpu.memory_space<vmem>>)
    %dma_start3A_685 = arith.constant 0 : i32
    %dma_start3A_686 = arith.constant 0 : i32
    %dma_start3A_687 = tpu.memref_slice %arg6[%dma_start3A_685, %dma_start3A_686] : memref<320x128xf32, #tpu.memory_space<vmem>> -> memref<80x128xf32, #tpu.memory_space<vmem>>
    %dma_start3A_688 = arith.constant 3520 : i32
    %dma_start3A_689 = tpu.memref_slice %arg5[%dma_start3A_688] : memref<5120xi32, #tpu.memory_space<vmem>> -> memref<80xi32, #tpu.memory_space<vmem>>
    %dma_start3A_690 = arith.constant 0 : i32
    %dma_start3A_691 = arith.constant 0 : i32
    %dma_start3A_692 = tpu.memref_slice %arg2[%dma_start3A_690, %dma_start3A_691] : memref<160000x128xf32, #tpu.memory_space<hbm>> -> memref<160000x128xf32, #tpu.memory_space<hbm>>
    tpu.enqueue_indirect_dma source(%dma_start3A_692 : memref<160000x128xf32, #tpu.memory_space<hbm>>) target(%dma_start3A_687 : memref<80x128xf32, #tpu.memory_space<vmem>>) offsets(%dma_start3A_689 : memref<80xi32, #tpu.memory_space<vmem>>) semaphore(%arg7 : memref<!tpu.dma_semaphore, #tpu.memory_space<semaphore_mem>>) {add = true}
    %dma_wait3A_693 = arith.constant 80 : i32
    %dma_wait3A_694 = arith.constant 0 : i32
    %dma_wait3A_695 = tpu.memref_slice %arg6[%dma_wait3A_693, %dma_wait3A_694] : memref<320x128xf32, #tpu.memory_space<vmem>> -> memref<80x128xf32, #tpu.memory_space<vmem>>
    %dma_wait3A_696 = arith.constant 3280 : i32
    %dma_wait3A_697 = tpu.memref_slice %arg5[%dma_wait3A_696] : memref<5120xi32, #tpu.memory_space<vmem>> -> memref<80xi32, #tpu.memory_space<vmem>>
    %dma_wait3A_698 = arith.constant 0 : i32
    %dma_wait3A_699 = arith.constant 0 : i32
    %dma_wait3A_700 = tpu.memref_slice %arg2[%dma_wait3A_698, %dma_wait3A_699] : memref<160000x128xf32, #tpu.memory_space<hbm>> -> memref<160000x128xf32, #tpu.memory_space<hbm>>
    tpu.wait_indirect_dma semaphore(%arg8 : memref<!tpu.dma_semaphore, #tpu.memory_space<semaphore_mem>>) src(%dma_wait3A_700 : memref<160000x128xf32, #tpu.memory_space<hbm>>) dst(%dma_wait3A_695 : memref<80x128xf32, #tpu.memory_space<vmem>>)
    %dma_start3A_701 = arith.constant 80 : i32
    %dma_start3A_702 = arith.constant 0 : i32
    %dma_start3A_703 = tpu.memref_slice %arg6[%dma_start3A_701, %dma_start3A_702] : memref<320x128xf32, #tpu.memory_space<vmem>> -> memref<80x128xf32, #tpu.memory_space<vmem>>
    %dma_start3A_704 = arith.constant 3600 : i32
    %dma_start3A_705 = tpu.memref_slice %arg5[%dma_start3A_704] : memref<5120xi32, #tpu.memory_space<vmem>> -> memref<80xi32, #tpu.memory_space<vmem>>
    %dma_start3A_706 = arith.constant 0 : i32
    %dma_start3A_707 = arith.constant 0 : i32
    %dma_start3A_708 = tpu.memref_slice %arg2[%dma_start3A_706, %dma_start3A_707] : memref<160000x128xf32, #tpu.memory_space<hbm>> -> memref<160000x128xf32, #tpu.memory_space<hbm>>
    tpu.enqueue_indirect_dma source(%dma_start3A_708 : memref<160000x128xf32, #tpu.memory_space<hbm>>) target(%dma_start3A_703 : memref<80x128xf32, #tpu.memory_space<vmem>>) offsets(%dma_start3A_705 : memref<80xi32, #tpu.memory_space<vmem>>) semaphore(%arg8 : memref<!tpu.dma_semaphore, #tpu.memory_space<semaphore_mem>>) {add = true}
    %dma_wait3A_709 = arith.constant 160 : i32
    %dma_wait3A_710 = arith.constant 0 : i32
    %dma_wait3A_711 = tpu.memref_slice %arg6[%dma_wait3A_709, %dma_wait3A_710] : memref<320x128xf32, #tpu.memory_space<vmem>> -> memref<80x128xf32, #tpu.memory_space<vmem>>
    %dma_wait3A_712 = arith.constant 3360 : i32
    %dma_wait3A_713 = tpu.memref_slice %arg5[%dma_wait3A_712] : memref<5120xi32, #tpu.memory_space<vmem>> -> memref<80xi32, #tpu.memory_space<vmem>>
    %dma_wait3A_714 = arith.constant 0 : i32
    %dma_wait3A_715 = arith.constant 0 : i32
    %dma_wait3A_716 = tpu.memref_slice %arg2[%dma_wait3A_714, %dma_wait3A_715] : memref<160000x128xf32, #tpu.memory_space<hbm>> -> memref<160000x128xf32, #tpu.memory_space<hbm>>
    tpu.wait_indirect_dma semaphore(%arg9 : memref<!tpu.dma_semaphore, #tpu.memory_space<semaphore_mem>>) src(%dma_wait3A_716 : memref<160000x128xf32, #tpu.memory_space<hbm>>) dst(%dma_wait3A_711 : memref<80x128xf32, #tpu.memory_space<vmem>>)
    %dma_start3A_717 = arith.constant 160 : i32
    %dma_start3A_718 = arith.constant 0 : i32
    %dma_start3A_719 = tpu.memref_slice %arg6[%dma_start3A_717, %dma_start3A_718] : memref<320x128xf32, #tpu.memory_space<vmem>> -> memref<80x128xf32, #tpu.memory_space<vmem>>
    %dma_start3A_720 = arith.constant 3680 : i32
    %dma_start3A_721 = tpu.memref_slice %arg5[%dma_start3A_720] : memref<5120xi32, #tpu.memory_space<vmem>> -> memref<80xi32, #tpu.memory_space<vmem>>
    %dma_start3A_722 = arith.constant 0 : i32
    %dma_start3A_723 = arith.constant 0 : i32
    %dma_start3A_724 = tpu.memref_slice %arg2[%dma_start3A_722, %dma_start3A_723] : memref<160000x128xf32, #tpu.memory_space<hbm>> -> memref<160000x128xf32, #tpu.memory_space<hbm>>
    tpu.enqueue_indirect_dma source(%dma_start3A_724 : memref<160000x128xf32, #tpu.memory_space<hbm>>) target(%dma_start3A_719 : memref<80x128xf32, #tpu.memory_space<vmem>>) offsets(%dma_start3A_721 : memref<80xi32, #tpu.memory_space<vmem>>) semaphore(%arg9 : memref<!tpu.dma_semaphore, #tpu.memory_space<semaphore_mem>>) {add = true}
    %dma_wait3A_725 = arith.constant 240 : i32
    %dma_wait3A_726 = arith.constant 0 : i32
    %dma_wait3A_727 = tpu.memref_slice %arg6[%dma_wait3A_725, %dma_wait3A_726] : memref<320x128xf32, #tpu.memory_space<vmem>> -> memref<80x128xf32, #tpu.memory_space<vmem>>
    %dma_wait3A_728 = arith.constant 3440 : i32
    %dma_wait3A_729 = tpu.memref_slice %arg5[%dma_wait3A_728] : memref<5120xi32, #tpu.memory_space<vmem>> -> memref<80xi32, #tpu.memory_space<vmem>>
    %dma_wait3A_730 = arith.constant 0 : i32
    %dma_wait3A_731 = arith.constant 0 : i32
    %dma_wait3A_732 = tpu.memref_slice %arg2[%dma_wait3A_730, %dma_wait3A_731] : memref<160000x128xf32, #tpu.memory_space<hbm>> -> memref<160000x128xf32, #tpu.memory_space<hbm>>
    tpu.wait_indirect_dma semaphore(%arg10 : memref<!tpu.dma_semaphore, #tpu.memory_space<semaphore_mem>>) src(%dma_wait3A_732 : memref<160000x128xf32, #tpu.memory_space<hbm>>) dst(%dma_wait3A_727 : memref<80x128xf32, #tpu.memory_space<vmem>>)
    %dma_start3A_733 = arith.constant 240 : i32
    %dma_start3A_734 = arith.constant 0 : i32
    %dma_start3A_735 = tpu.memref_slice %arg6[%dma_start3A_733, %dma_start3A_734] : memref<320x128xf32, #tpu.memory_space<vmem>> -> memref<80x128xf32, #tpu.memory_space<vmem>>
    %dma_start3A_736 = arith.constant 3760 : i32
    %dma_start3A_737 = tpu.memref_slice %arg5[%dma_start3A_736] : memref<5120xi32, #tpu.memory_space<vmem>> -> memref<80xi32, #tpu.memory_space<vmem>>
    %dma_start3A_738 = arith.constant 0 : i32
    %dma_start3A_739 = arith.constant 0 : i32
    %dma_start3A_740 = tpu.memref_slice %arg2[%dma_start3A_738, %dma_start3A_739] : memref<160000x128xf32, #tpu.memory_space<hbm>> -> memref<160000x128xf32, #tpu.memory_space<hbm>>
    tpu.enqueue_indirect_dma source(%dma_start3A_740 : memref<160000x128xf32, #tpu.memory_space<hbm>>) target(%dma_start3A_735 : memref<80x128xf32, #tpu.memory_space<vmem>>) offsets(%dma_start3A_737 : memref<80xi32, #tpu.memory_space<vmem>>) semaphore(%arg10 : memref<!tpu.dma_semaphore, #tpu.memory_space<semaphore_mem>>) {add = true}
    %dma_wait3A_741 = arith.constant 0 : i32
    %dma_wait3A_742 = arith.constant 0 : i32
    %dma_wait3A_743 = tpu.memref_slice %arg6[%dma_wait3A_741, %dma_wait3A_742] : memref<320x128xf32, #tpu.memory_space<vmem>> -> memref<80x128xf32, #tpu.memory_space<vmem>>
    %dma_wait3A_744 = arith.constant 3520 : i32
    %dma_wait3A_745 = tpu.memref_slice %arg5[%dma_wait3A_744] : memref<5120xi32, #tpu.memory_space<vmem>> -> memref<80xi32, #tpu.memory_space<vmem>>
    %dma_wait3A_746 = arith.constant 0 : i32
    %dma_wait3A_747 = arith.constant 0 : i32
    %dma_wait3A_748 = tpu.memref_slice %arg2[%dma_wait3A_746, %dma_wait3A_747] : memref<160000x128xf32, #tpu.memory_space<hbm>> -> memref<160000x128xf32, #tpu.memory_space<hbm>>
    tpu.wait_indirect_dma semaphore(%arg7 : memref<!tpu.dma_semaphore, #tpu.memory_space<semaphore_mem>>) src(%dma_wait3A_748 : memref<160000x128xf32, #tpu.memory_space<hbm>>) dst(%dma_wait3A_743 : memref<80x128xf32, #tpu.memory_space<vmem>>)
    %dma_start3A_749 = arith.constant 0 : i32
    %dma_start3A_750 = arith.constant 0 : i32
    %dma_start3A_751 = tpu.memref_slice %arg6[%dma_start3A_749, %dma_start3A_750] : memref<320x128xf32, #tpu.memory_space<vmem>> -> memref<80x128xf32, #tpu.memory_space<vmem>>
    %dma_start3A_752 = arith.constant 3840 : i32
    %dma_start3A_753 = tpu.memref_slice %arg5[%dma_start3A_752] : memref<5120xi32, #tpu.memory_space<vmem>> -> memref<80xi32, #tpu.memory_space<vmem>>
    %dma_start3A_754 = arith.constant 0 : i32
    %dma_start3A_755 = arith.constant 0 : i32
    %dma_start3A_756 = tpu.memref_slice %arg2[%dma_start3A_754, %dma_start3A_755] : memref<160000x128xf32, #tpu.memory_space<hbm>> -> memref<160000x128xf32, #tpu.memory_space<hbm>>
    tpu.enqueue_indirect_dma source(%dma_start3A_756 : memref<160000x128xf32, #tpu.memory_space<hbm>>) target(%dma_start3A_751 : memref<80x128xf32, #tpu.memory_space<vmem>>) offsets(%dma_start3A_753 : memref<80xi32, #tpu.memory_space<vmem>>) semaphore(%arg7 : memref<!tpu.dma_semaphore, #tpu.memory_space<semaphore_mem>>) {add = true}
    %dma_wait3A_757 = arith.constant 80 : i32
    %dma_wait3A_758 = arith.constant 0 : i32
    %dma_wait3A_759 = tpu.memref_slice %arg6[%dma_wait3A_757, %dma_wait3A_758] : memref<320x128xf32, #tpu.memory_space<vmem>> -> memref<80x128xf32, #tpu.memory_space<vmem>>
    %dma_wait3A_760 = arith.constant 3600 : i32
    %dma_wait3A_761 = tpu.memref_slice %arg5[%dma_wait3A_760] : memref<5120xi32, #tpu.memory_space<vmem>> -> memref<80xi32, #tpu.memory_space<vmem>>
    %dma_wait3A_762 = arith.constant 0 : i32
    %dma_wait3A_763 = arith.constant 0 : i32
    %dma_wait3A_764 = tpu.memref_slice %arg2[%dma_wait3A_762, %dma_wait3A_763] : memref<160000x128xf32, #tpu.memory_space<hbm>> -> memref<160000x128xf32, #tpu.memory_space<hbm>>
    tpu.wait_indirect_dma semaphore(%arg8 : memref<!tpu.dma_semaphore, #tpu.memory_space<semaphore_mem>>) src(%dma_wait3A_764 : memref<160000x128xf32, #tpu.memory_space<hbm>>) dst(%dma_wait3A_759 : memref<80x128xf32, #tpu.memory_space<vmem>>)
    %dma_start3A_765 = arith.constant 80 : i32
    %dma_start3A_766 = arith.constant 0 : i32
    %dma_start3A_767 = tpu.memref_slice %arg6[%dma_start3A_765, %dma_start3A_766] : memref<320x128xf32, #tpu.memory_space<vmem>> -> memref<80x128xf32, #tpu.memory_space<vmem>>
    %dma_start3A_768 = arith.constant 3920 : i32
    %dma_start3A_769 = tpu.memref_slice %arg5[%dma_start3A_768] : memref<5120xi32, #tpu.memory_space<vmem>> -> memref<80xi32, #tpu.memory_space<vmem>>
    %dma_start3A_770 = arith.constant 0 : i32
    %dma_start3A_771 = arith.constant 0 : i32
    %dma_start3A_772 = tpu.memref_slice %arg2[%dma_start3A_770, %dma_start3A_771] : memref<160000x128xf32, #tpu.memory_space<hbm>> -> memref<160000x128xf32, #tpu.memory_space<hbm>>
    tpu.enqueue_indirect_dma source(%dma_start3A_772 : memref<160000x128xf32, #tpu.memory_space<hbm>>) target(%dma_start3A_767 : memref<80x128xf32, #tpu.memory_space<vmem>>) offsets(%dma_start3A_769 : memref<80xi32, #tpu.memory_space<vmem>>) semaphore(%arg8 : memref<!tpu.dma_semaphore, #tpu.memory_space<semaphore_mem>>) {add = true}
    %dma_wait3A_773 = arith.constant 160 : i32
    %dma_wait3A_774 = arith.constant 0 : i32
    %dma_wait3A_775 = tpu.memref_slice %arg6[%dma_wait3A_773, %dma_wait3A_774] : memref<320x128xf32, #tpu.memory_space<vmem>> -> memref<80x128xf32, #tpu.memory_space<vmem>>
    %dma_wait3A_776 = arith.constant 3680 : i32
    %dma_wait3A_777 = tpu.memref_slice %arg5[%dma_wait3A_776] : memref<5120xi32, #tpu.memory_space<vmem>> -> memref<80xi32, #tpu.memory_space<vmem>>
    %dma_wait3A_778 = arith.constant 0 : i32
    %dma_wait3A_779 = arith.constant 0 : i32
    %dma_wait3A_780 = tpu.memref_slice %arg2[%dma_wait3A_778, %dma_wait3A_779] : memref<160000x128xf32, #tpu.memory_space<hbm>> -> memref<160000x128xf32, #tpu.memory_space<hbm>>
    tpu.wait_indirect_dma semaphore(%arg9 : memref<!tpu.dma_semaphore, #tpu.memory_space<semaphore_mem>>) src(%dma_wait3A_780 : memref<160000x128xf32, #tpu.memory_space<hbm>>) dst(%dma_wait3A_775 : memref<80x128xf32, #tpu.memory_space<vmem>>)
    %dma_start3A_781 = arith.constant 160 : i32
    %dma_start3A_782 = arith.constant 0 : i32
    %dma_start3A_783 = tpu.memref_slice %arg6[%dma_start3A_781, %dma_start3A_782] : memref<320x128xf32, #tpu.memory_space<vmem>> -> memref<80x128xf32, #tpu.memory_space<vmem>>
    %dma_start3A_784 = arith.constant 4000 : i32
    %dma_start3A_785 = tpu.memref_slice %arg5[%dma_start3A_784] : memref<5120xi32, #tpu.memory_space<vmem>> -> memref<80xi32, #tpu.memory_space<vmem>>
    %dma_start3A_786 = arith.constant 0 : i32
    %dma_start3A_787 = arith.constant 0 : i32
    %dma_start3A_788 = tpu.memref_slice %arg2[%dma_start3A_786, %dma_start3A_787] : memref<160000x128xf32, #tpu.memory_space<hbm>> -> memref<160000x128xf32, #tpu.memory_space<hbm>>
    tpu.enqueue_indirect_dma source(%dma_start3A_788 : memref<160000x128xf32, #tpu.memory_space<hbm>>) target(%dma_start3A_783 : memref<80x128xf32, #tpu.memory_space<vmem>>) offsets(%dma_start3A_785 : memref<80xi32, #tpu.memory_space<vmem>>) semaphore(%arg9 : memref<!tpu.dma_semaphore, #tpu.memory_space<semaphore_mem>>) {add = true}
    %dma_wait3A_789 = arith.constant 240 : i32
    %dma_wait3A_790 = arith.constant 0 : i32
    %dma_wait3A_791 = tpu.memref_slice %arg6[%dma_wait3A_789, %dma_wait3A_790] : memref<320x128xf32, #tpu.memory_space<vmem>> -> memref<80x128xf32, #tpu.memory_space<vmem>>
    %dma_wait3A_792 = arith.constant 3760 : i32
    %dma_wait3A_793 = tpu.memref_slice %arg5[%dma_wait3A_792] : memref<5120xi32, #tpu.memory_space<vmem>> -> memref<80xi32, #tpu.memory_space<vmem>>
    %dma_wait3A_794 = arith.constant 0 : i32
    %dma_wait3A_795 = arith.constant 0 : i32
    %dma_wait3A_796 = tpu.memref_slice %arg2[%dma_wait3A_794, %dma_wait3A_795] : memref<160000x128xf32, #tpu.memory_space<hbm>> -> memref<160000x128xf32, #tpu.memory_space<hbm>>
    tpu.wait_indirect_dma semaphore(%arg10 : memref<!tpu.dma_semaphore, #tpu.memory_space<semaphore_mem>>) src(%dma_wait3A_796 : memref<160000x128xf32, #tpu.memory_space<hbm>>) dst(%dma_wait3A_791 : memref<80x128xf32, #tpu.memory_space<vmem>>)
    %dma_start3A_797 = arith.constant 240 : i32
    %dma_start3A_798 = arith.constant 0 : i32
    %dma_start3A_799 = tpu.memref_slice %arg6[%dma_start3A_797, %dma_start3A_798] : memref<320x128xf32, #tpu.memory_space<vmem>> -> memref<80x128xf32, #tpu.memory_space<vmem>>
    %dma_start3A_800 = arith.constant 4080 : i32
    %dma_start3A_801 = tpu.memref_slice %arg5[%dma_start3A_800] : memref<5120xi32, #tpu.memory_space<vmem>> -> memref<80xi32, #tpu.memory_space<vmem>>
    %dma_start3A_802 = arith.constant 0 : i32
    %dma_start3A_803 = arith.constant 0 : i32
    %dma_start3A_804 = tpu.memref_slice %arg2[%dma_start3A_802, %dma_start3A_803] : memref<160000x128xf32, #tpu.memory_space<hbm>> -> memref<160000x128xf32, #tpu.memory_space<hbm>>
    tpu.enqueue_indirect_dma source(%dma_start3A_804 : memref<160000x128xf32, #tpu.memory_space<hbm>>) target(%dma_start3A_799 : memref<80x128xf32, #tpu.memory_space<vmem>>) offsets(%dma_start3A_801 : memref<80xi32, #tpu.memory_space<vmem>>) semaphore(%arg10 : memref<!tpu.dma_semaphore, #tpu.memory_space<semaphore_mem>>) {add = true}
    %dma_wait3A_805 = arith.constant 0 : i32
    %dma_wait3A_806 = arith.constant 0 : i32
    %dma_wait3A_807 = tpu.memref_slice %arg6[%dma_wait3A_805, %dma_wait3A_806] : memref<320x128xf32, #tpu.memory_space<vmem>> -> memref<80x128xf32, #tpu.memory_space<vmem>>
    %dma_wait3A_808 = arith.constant 3840 : i32
    %dma_wait3A_809 = tpu.memref_slice %arg5[%dma_wait3A_808] : memref<5120xi32, #tpu.memory_space<vmem>> -> memref<80xi32, #tpu.memory_space<vmem>>
    %dma_wait3A_810 = arith.constant 0 : i32
    %dma_wait3A_811 = arith.constant 0 : i32
    %dma_wait3A_812 = tpu.memref_slice %arg2[%dma_wait3A_810, %dma_wait3A_811] : memref<160000x128xf32, #tpu.memory_space<hbm>> -> memref<160000x128xf32, #tpu.memory_space<hbm>>
    tpu.wait_indirect_dma semaphore(%arg7 : memref<!tpu.dma_semaphore, #tpu.memory_space<semaphore_mem>>) src(%dma_wait3A_812 : memref<160000x128xf32, #tpu.memory_space<hbm>>) dst(%dma_wait3A_807 : memref<80x128xf32, #tpu.memory_space<vmem>>)
    %dma_start3A_813 = arith.constant 0 : i32
    %dma_start3A_814 = arith.constant 0 : i32
    %dma_start3A_815 = tpu.memref_slice %arg6[%dma_start3A_813, %dma_start3A_814] : memref<320x128xf32, #tpu.memory_space<vmem>> -> memref<80x128xf32, #tpu.memory_space<vmem>>
    %dma_start3A_816 = arith.constant 4160 : i32
    %dma_start3A_817 = tpu.memref_slice %arg5[%dma_start3A_816] : memref<5120xi32, #tpu.memory_space<vmem>> -> memref<80xi32, #tpu.memory_space<vmem>>
    %dma_start3A_818 = arith.constant 0 : i32
    %dma_start3A_819 = arith.constant 0 : i32
    %dma_start3A_820 = tpu.memref_slice %arg2[%dma_start3A_818, %dma_start3A_819] : memref<160000x128xf32, #tpu.memory_space<hbm>> -> memref<160000x128xf32, #tpu.memory_space<hbm>>
    tpu.enqueue_indirect_dma source(%dma_start3A_820 : memref<160000x128xf32, #tpu.memory_space<hbm>>) target(%dma_start3A_815 : memref<80x128xf32, #tpu.memory_space<vmem>>) offsets(%dma_start3A_817 : memref<80xi32, #tpu.memory_space<vmem>>) semaphore(%arg7 : memref<!tpu.dma_semaphore, #tpu.memory_space<semaphore_mem>>) {add = true}
    %dma_wait3A_821 = arith.constant 80 : i32
    %dma_wait3A_822 = arith.constant 0 : i32
    %dma_wait3A_823 = tpu.memref_slice %arg6[%dma_wait3A_821, %dma_wait3A_822] : memref<320x128xf32, #tpu.memory_space<vmem>> -> memref<80x128xf32, #tpu.memory_space<vmem>>
    %dma_wait3A_824 = arith.constant 3920 : i32
    %dma_wait3A_825 = tpu.memref_slice %arg5[%dma_wait3A_824] : memref<5120xi32, #tpu.memory_space<vmem>> -> memref<80xi32, #tpu.memory_space<vmem>>
    %dma_wait3A_826 = arith.constant 0 : i32
    %dma_wait3A_827 = arith.constant 0 : i32
    %dma_wait3A_828 = tpu.memref_slice %arg2[%dma_wait3A_826, %dma_wait3A_827] : memref<160000x128xf32, #tpu.memory_space<hbm>> -> memref<160000x128xf32, #tpu.memory_space<hbm>>
    tpu.wait_indirect_dma semaphore(%arg8 : memref<!tpu.dma_semaphore, #tpu.memory_space<semaphore_mem>>) src(%dma_wait3A_828 : memref<160000x128xf32, #tpu.memory_space<hbm>>) dst(%dma_wait3A_823 : memref<80x128xf32, #tpu.memory_space<vmem>>)
    %dma_start3A_829 = arith.constant 80 : i32
    %dma_start3A_830 = arith.constant 0 : i32
    %dma_start3A_831 = tpu.memref_slice %arg6[%dma_start3A_829, %dma_start3A_830] : memref<320x128xf32, #tpu.memory_space<vmem>> -> memref<80x128xf32, #tpu.memory_space<vmem>>
    %dma_start3A_832 = arith.constant 4240 : i32
    %dma_start3A_833 = tpu.memref_slice %arg5[%dma_start3A_832] : memref<5120xi32, #tpu.memory_space<vmem>> -> memref<80xi32, #tpu.memory_space<vmem>>
    %dma_start3A_834 = arith.constant 0 : i32
    %dma_start3A_835 = arith.constant 0 : i32
    %dma_start3A_836 = tpu.memref_slice %arg2[%dma_start3A_834, %dma_start3A_835] : memref<160000x128xf32, #tpu.memory_space<hbm>> -> memref<160000x128xf32, #tpu.memory_space<hbm>>
    tpu.enqueue_indirect_dma source(%dma_start3A_836 : memref<160000x128xf32, #tpu.memory_space<hbm>>) target(%dma_start3A_831 : memref<80x128xf32, #tpu.memory_space<vmem>>) offsets(%dma_start3A_833 : memref<80xi32, #tpu.memory_space<vmem>>) semaphore(%arg8 : memref<!tpu.dma_semaphore, #tpu.memory_space<semaphore_mem>>) {add = true}
    %dma_wait3A_837 = arith.constant 160 : i32
    %dma_wait3A_838 = arith.constant 0 : i32
    %dma_wait3A_839 = tpu.memref_slice %arg6[%dma_wait3A_837, %dma_wait3A_838] : memref<320x128xf32, #tpu.memory_space<vmem>> -> memref<80x128xf32, #tpu.memory_space<vmem>>
    %dma_wait3A_840 = arith.constant 4000 : i32
    %dma_wait3A_841 = tpu.memref_slice %arg5[%dma_wait3A_840] : memref<5120xi32, #tpu.memory_space<vmem>> -> memref<80xi32, #tpu.memory_space<vmem>>
    %dma_wait3A_842 = arith.constant 0 : i32
    %dma_wait3A_843 = arith.constant 0 : i32
    %dma_wait3A_844 = tpu.memref_slice %arg2[%dma_wait3A_842, %dma_wait3A_843] : memref<160000x128xf32, #tpu.memory_space<hbm>> -> memref<160000x128xf32, #tpu.memory_space<hbm>>
    tpu.wait_indirect_dma semaphore(%arg9 : memref<!tpu.dma_semaphore, #tpu.memory_space<semaphore_mem>>) src(%dma_wait3A_844 : memref<160000x128xf32, #tpu.memory_space<hbm>>) dst(%dma_wait3A_839 : memref<80x128xf32, #tpu.memory_space<vmem>>)
    %dma_start3A_845 = arith.constant 160 : i32
    %dma_start3A_846 = arith.constant 0 : i32
    %dma_start3A_847 = tpu.memref_slice %arg6[%dma_start3A_845, %dma_start3A_846] : memref<320x128xf32, #tpu.memory_space<vmem>> -> memref<80x128xf32, #tpu.memory_space<vmem>>
    %dma_start3A_848 = arith.constant 4320 : i32
    %dma_start3A_849 = tpu.memref_slice %arg5[%dma_start3A_848] : memref<5120xi32, #tpu.memory_space<vmem>> -> memref<80xi32, #tpu.memory_space<vmem>>
    %dma_start3A_850 = arith.constant 0 : i32
    %dma_start3A_851 = arith.constant 0 : i32
    %dma_start3A_852 = tpu.memref_slice %arg2[%dma_start3A_850, %dma_start3A_851] : memref<160000x128xf32, #tpu.memory_space<hbm>> -> memref<160000x128xf32, #tpu.memory_space<hbm>>
    tpu.enqueue_indirect_dma source(%dma_start3A_852 : memref<160000x128xf32, #tpu.memory_space<hbm>>) target(%dma_start3A_847 : memref<80x128xf32, #tpu.memory_space<vmem>>) offsets(%dma_start3A_849 : memref<80xi32, #tpu.memory_space<vmem>>) semaphore(%arg9 : memref<!tpu.dma_semaphore, #tpu.memory_space<semaphore_mem>>) {add = true}
    %dma_wait3A_853 = arith.constant 240 : i32
    %dma_wait3A_854 = arith.constant 0 : i32
    %dma_wait3A_855 = tpu.memref_slice %arg6[%dma_wait3A_853, %dma_wait3A_854] : memref<320x128xf32, #tpu.memory_space<vmem>> -> memref<80x128xf32, #tpu.memory_space<vmem>>
    %dma_wait3A_856 = arith.constant 4080 : i32
    %dma_wait3A_857 = tpu.memref_slice %arg5[%dma_wait3A_856] : memref<5120xi32, #tpu.memory_space<vmem>> -> memref<80xi32, #tpu.memory_space<vmem>>
    %dma_wait3A_858 = arith.constant 0 : i32
    %dma_wait3A_859 = arith.constant 0 : i32
    %dma_wait3A_860 = tpu.memref_slice %arg2[%dma_wait3A_858, %dma_wait3A_859] : memref<160000x128xf32, #tpu.memory_space<hbm>> -> memref<160000x128xf32, #tpu.memory_space<hbm>>
    tpu.wait_indirect_dma semaphore(%arg10 : memref<!tpu.dma_semaphore, #tpu.memory_space<semaphore_mem>>) src(%dma_wait3A_860 : memref<160000x128xf32, #tpu.memory_space<hbm>>) dst(%dma_wait3A_855 : memref<80x128xf32, #tpu.memory_space<vmem>>)
    %dma_start3A_861 = arith.constant 240 : i32
    %dma_start3A_862 = arith.constant 0 : i32
    %dma_start3A_863 = tpu.memref_slice %arg6[%dma_start3A_861, %dma_start3A_862] : memref<320x128xf32, #tpu.memory_space<vmem>> -> memref<80x128xf32, #tpu.memory_space<vmem>>
    %dma_start3A_864 = arith.constant 4400 : i32
    %dma_start3A_865 = tpu.memref_slice %arg5[%dma_start3A_864] : memref<5120xi32, #tpu.memory_space<vmem>> -> memref<80xi32, #tpu.memory_space<vmem>>
    %dma_start3A_866 = arith.constant 0 : i32
    %dma_start3A_867 = arith.constant 0 : i32
    %dma_start3A_868 = tpu.memref_slice %arg2[%dma_start3A_866, %dma_start3A_867] : memref<160000x128xf32, #tpu.memory_space<hbm>> -> memref<160000x128xf32, #tpu.memory_space<hbm>>
    tpu.enqueue_indirect_dma source(%dma_start3A_868 : memref<160000x128xf32, #tpu.memory_space<hbm>>) target(%dma_start3A_863 : memref<80x128xf32, #tpu.memory_space<vmem>>) offsets(%dma_start3A_865 : memref<80xi32, #tpu.memory_space<vmem>>) semaphore(%arg10 : memref<!tpu.dma_semaphore, #tpu.memory_space<semaphore_mem>>) {add = true}
    %dma_wait3A_869 = arith.constant 0 : i32
    %dma_wait3A_870 = arith.constant 0 : i32
    %dma_wait3A_871 = tpu.memref_slice %arg6[%dma_wait3A_869, %dma_wait3A_870] : memref<320x128xf32, #tpu.memory_space<vmem>> -> memref<80x128xf32, #tpu.memory_space<vmem>>
    %dma_wait3A_872 = arith.constant 4160 : i32
    %dma_wait3A_873 = tpu.memref_slice %arg5[%dma_wait3A_872] : memref<5120xi32, #tpu.memory_space<vmem>> -> memref<80xi32, #tpu.memory_space<vmem>>
    %dma_wait3A_874 = arith.constant 0 : i32
    %dma_wait3A_875 = arith.constant 0 : i32
    %dma_wait3A_876 = tpu.memref_slice %arg2[%dma_wait3A_874, %dma_wait3A_875] : memref<160000x128xf32, #tpu.memory_space<hbm>> -> memref<160000x128xf32, #tpu.memory_space<hbm>>
    tpu.wait_indirect_dma semaphore(%arg7 : memref<!tpu.dma_semaphore, #tpu.memory_space<semaphore_mem>>) src(%dma_wait3A_876 : memref<160000x128xf32, #tpu.memory_space<hbm>>) dst(%dma_wait3A_871 : memref<80x128xf32, #tpu.memory_space<vmem>>)
    %dma_start3A_877 = arith.constant 0 : i32
    %dma_start3A_878 = arith.constant 0 : i32
    %dma_start3A_879 = tpu.memref_slice %arg6[%dma_start3A_877, %dma_start3A_878] : memref<320x128xf32, #tpu.memory_space<vmem>> -> memref<80x128xf32, #tpu.memory_space<vmem>>
    %dma_start3A_880 = arith.constant 4480 : i32
    %dma_start3A_881 = tpu.memref_slice %arg5[%dma_start3A_880] : memref<5120xi32, #tpu.memory_space<vmem>> -> memref<80xi32, #tpu.memory_space<vmem>>
    %dma_start3A_882 = arith.constant 0 : i32
    %dma_start3A_883 = arith.constant 0 : i32
    %dma_start3A_884 = tpu.memref_slice %arg2[%dma_start3A_882, %dma_start3A_883] : memref<160000x128xf32, #tpu.memory_space<hbm>> -> memref<160000x128xf32, #tpu.memory_space<hbm>>
    tpu.enqueue_indirect_dma source(%dma_start3A_884 : memref<160000x128xf32, #tpu.memory_space<hbm>>) target(%dma_start3A_879 : memref<80x128xf32, #tpu.memory_space<vmem>>) offsets(%dma_start3A_881 : memref<80xi32, #tpu.memory_space<vmem>>) semaphore(%arg7 : memref<!tpu.dma_semaphore, #tpu.memory_space<semaphore_mem>>) {add = true}
    %dma_wait3A_885 = arith.constant 80 : i32
    %dma_wait3A_886 = arith.constant 0 : i32
    %dma_wait3A_887 = tpu.memref_slice %arg6[%dma_wait3A_885, %dma_wait3A_886] : memref<320x128xf32, #tpu.memory_space<vmem>> -> memref<80x128xf32, #tpu.memory_space<vmem>>
    %dma_wait3A_888 = arith.constant 4240 : i32
    %dma_wait3A_889 = tpu.memref_slice %arg5[%dma_wait3A_888] : memref<5120xi32, #tpu.memory_space<vmem>> -> memref<80xi32, #tpu.memory_space<vmem>>
    %dma_wait3A_890 = arith.constant 0 : i32
    %dma_wait3A_891 = arith.constant 0 : i32
    %dma_wait3A_892 = tpu.memref_slice %arg2[%dma_wait3A_890, %dma_wait3A_891] : memref<160000x128xf32, #tpu.memory_space<hbm>> -> memref<160000x128xf32, #tpu.memory_space<hbm>>
    tpu.wait_indirect_dma semaphore(%arg8 : memref<!tpu.dma_semaphore, #tpu.memory_space<semaphore_mem>>) src(%dma_wait3A_892 : memref<160000x128xf32, #tpu.memory_space<hbm>>) dst(%dma_wait3A_887 : memref<80x128xf32, #tpu.memory_space<vmem>>)
    %dma_start3A_893 = arith.constant 80 : i32
    %dma_start3A_894 = arith.constant 0 : i32
    %dma_start3A_895 = tpu.memref_slice %arg6[%dma_start3A_893, %dma_start3A_894] : memref<320x128xf32, #tpu.memory_space<vmem>> -> memref<80x128xf32, #tpu.memory_space<vmem>>
    %dma_start3A_896 = arith.constant 4560 : i32
    %dma_start3A_897 = tpu.memref_slice %arg5[%dma_start3A_896] : memref<5120xi32, #tpu.memory_space<vmem>> -> memref<80xi32, #tpu.memory_space<vmem>>
    %dma_start3A_898 = arith.constant 0 : i32
    %dma_start3A_899 = arith.constant 0 : i32
    %dma_start3A_900 = tpu.memref_slice %arg2[%dma_start3A_898, %dma_start3A_899] : memref<160000x128xf32, #tpu.memory_space<hbm>> -> memref<160000x128xf32, #tpu.memory_space<hbm>>
    tpu.enqueue_indirect_dma source(%dma_start3A_900 : memref<160000x128xf32, #tpu.memory_space<hbm>>) target(%dma_start3A_895 : memref<80x128xf32, #tpu.memory_space<vmem>>) offsets(%dma_start3A_897 : memref<80xi32, #tpu.memory_space<vmem>>) semaphore(%arg8 : memref<!tpu.dma_semaphore, #tpu.memory_space<semaphore_mem>>) {add = true}
    %dma_wait3A_901 = arith.constant 160 : i32
    %dma_wait3A_902 = arith.constant 0 : i32
    %dma_wait3A_903 = tpu.memref_slice %arg6[%dma_wait3A_901, %dma_wait3A_902] : memref<320x128xf32, #tpu.memory_space<vmem>> -> memref<80x128xf32, #tpu.memory_space<vmem>>
    %dma_wait3A_904 = arith.constant 4320 : i32
    %dma_wait3A_905 = tpu.memref_slice %arg5[%dma_wait3A_904] : memref<5120xi32, #tpu.memory_space<vmem>> -> memref<80xi32, #tpu.memory_space<vmem>>
    %dma_wait3A_906 = arith.constant 0 : i32
    %dma_wait3A_907 = arith.constant 0 : i32
    %dma_wait3A_908 = tpu.memref_slice %arg2[%dma_wait3A_906, %dma_wait3A_907] : memref<160000x128xf32, #tpu.memory_space<hbm>> -> memref<160000x128xf32, #tpu.memory_space<hbm>>
    tpu.wait_indirect_dma semaphore(%arg9 : memref<!tpu.dma_semaphore, #tpu.memory_space<semaphore_mem>>) src(%dma_wait3A_908 : memref<160000x128xf32, #tpu.memory_space<hbm>>) dst(%dma_wait3A_903 : memref<80x128xf32, #tpu.memory_space<vmem>>)
    %dma_start3A_909 = arith.constant 160 : i32
    %dma_start3A_910 = arith.constant 0 : i32
    %dma_start3A_911 = tpu.memref_slice %arg6[%dma_start3A_909, %dma_start3A_910] : memref<320x128xf32, #tpu.memory_space<vmem>> -> memref<80x128xf32, #tpu.memory_space<vmem>>
    %dma_start3A_912 = arith.constant 4640 : i32
    %dma_start3A_913 = tpu.memref_slice %arg5[%dma_start3A_912] : memref<5120xi32, #tpu.memory_space<vmem>> -> memref<80xi32, #tpu.memory_space<vmem>>
    %dma_start3A_914 = arith.constant 0 : i32
    %dma_start3A_915 = arith.constant 0 : i32
    %dma_start3A_916 = tpu.memref_slice %arg2[%dma_start3A_914, %dma_start3A_915] : memref<160000x128xf32, #tpu.memory_space<hbm>> -> memref<160000x128xf32, #tpu.memory_space<hbm>>
    tpu.enqueue_indirect_dma source(%dma_start3A_916 : memref<160000x128xf32, #tpu.memory_space<hbm>>) target(%dma_start3A_911 : memref<80x128xf32, #tpu.memory_space<vmem>>) offsets(%dma_start3A_913 : memref<80xi32, #tpu.memory_space<vmem>>) semaphore(%arg9 : memref<!tpu.dma_semaphore, #tpu.memory_space<semaphore_mem>>) {add = true}
    %dma_wait3A_917 = arith.constant 240 : i32
    %dma_wait3A_918 = arith.constant 0 : i32
    %dma_wait3A_919 = tpu.memref_slice %arg6[%dma_wait3A_917, %dma_wait3A_918] : memref<320x128xf32, #tpu.memory_space<vmem>> -> memref<80x128xf32, #tpu.memory_space<vmem>>
    %dma_wait3A_920 = arith.constant 4400 : i32
    %dma_wait3A_921 = tpu.memref_slice %arg5[%dma_wait3A_920] : memref<5120xi32, #tpu.memory_space<vmem>> -> memref<80xi32, #tpu.memory_space<vmem>>
    %dma_wait3A_922 = arith.constant 0 : i32
    %dma_wait3A_923 = arith.constant 0 : i32
    %dma_wait3A_924 = tpu.memref_slice %arg2[%dma_wait3A_922, %dma_wait3A_923] : memref<160000x128xf32, #tpu.memory_space<hbm>> -> memref<160000x128xf32, #tpu.memory_space<hbm>>
    tpu.wait_indirect_dma semaphore(%arg10 : memref<!tpu.dma_semaphore, #tpu.memory_space<semaphore_mem>>) src(%dma_wait3A_924 : memref<160000x128xf32, #tpu.memory_space<hbm>>) dst(%dma_wait3A_919 : memref<80x128xf32, #tpu.memory_space<vmem>>)
    %dma_start3A_925 = arith.constant 240 : i32
    %dma_start3A_926 = arith.constant 0 : i32
    %dma_start3A_927 = tpu.memref_slice %arg6[%dma_start3A_925, %dma_start3A_926] : memref<320x128xf32, #tpu.memory_space<vmem>> -> memref<80x128xf32, #tpu.memory_space<vmem>>
    %dma_start3A_928 = arith.constant 4720 : i32
    %dma_start3A_929 = tpu.memref_slice %arg5[%dma_start3A_928] : memref<5120xi32, #tpu.memory_space<vmem>> -> memref<80xi32, #tpu.memory_space<vmem>>
    %dma_start3A_930 = arith.constant 0 : i32
    %dma_start3A_931 = arith.constant 0 : i32
    %dma_start3A_932 = tpu.memref_slice %arg2[%dma_start3A_930, %dma_start3A_931] : memref<160000x128xf32, #tpu.memory_space<hbm>> -> memref<160000x128xf32, #tpu.memory_space<hbm>>
    tpu.enqueue_indirect_dma source(%dma_start3A_932 : memref<160000x128xf32, #tpu.memory_space<hbm>>) target(%dma_start3A_927 : memref<80x128xf32, #tpu.memory_space<vmem>>) offsets(%dma_start3A_929 : memref<80xi32, #tpu.memory_space<vmem>>) semaphore(%arg10 : memref<!tpu.dma_semaphore, #tpu.memory_space<semaphore_mem>>) {add = true}
    %dma_wait3A_933 = arith.constant 0 : i32
    %dma_wait3A_934 = arith.constant 0 : i32
    %dma_wait3A_935 = tpu.memref_slice %arg6[%dma_wait3A_933, %dma_wait3A_934] : memref<320x128xf32, #tpu.memory_space<vmem>> -> memref<80x128xf32, #tpu.memory_space<vmem>>
    %dma_wait3A_936 = arith.constant 4480 : i32
    %dma_wait3A_937 = tpu.memref_slice %arg5[%dma_wait3A_936] : memref<5120xi32, #tpu.memory_space<vmem>> -> memref<80xi32, #tpu.memory_space<vmem>>
    %dma_wait3A_938 = arith.constant 0 : i32
    %dma_wait3A_939 = arith.constant 0 : i32
    %dma_wait3A_940 = tpu.memref_slice %arg2[%dma_wait3A_938, %dma_wait3A_939] : memref<160000x128xf32, #tpu.memory_space<hbm>> -> memref<160000x128xf32, #tpu.memory_space<hbm>>
    tpu.wait_indirect_dma semaphore(%arg7 : memref<!tpu.dma_semaphore, #tpu.memory_space<semaphore_mem>>) src(%dma_wait3A_940 : memref<160000x128xf32, #tpu.memory_space<hbm>>) dst(%dma_wait3A_935 : memref<80x128xf32, #tpu.memory_space<vmem>>)
    %dma_start3A_941 = arith.constant 0 : i32
    %dma_start3A_942 = arith.constant 0 : i32
    %dma_start3A_943 = tpu.memref_slice %arg6[%dma_start3A_941, %dma_start3A_942] : memref<320x128xf32, #tpu.memory_space<vmem>> -> memref<80x128xf32, #tpu.memory_space<vmem>>
    %dma_start3A_944 = arith.constant 4800 : i32
    %dma_start3A_945 = tpu.memref_slice %arg5[%dma_start3A_944] : memref<5120xi32, #tpu.memory_space<vmem>> -> memref<80xi32, #tpu.memory_space<vmem>>
    %dma_start3A_946 = arith.constant 0 : i32
    %dma_start3A_947 = arith.constant 0 : i32
    %dma_start3A_948 = tpu.memref_slice %arg2[%dma_start3A_946, %dma_start3A_947] : memref<160000x128xf32, #tpu.memory_space<hbm>> -> memref<160000x128xf32, #tpu.memory_space<hbm>>
    tpu.enqueue_indirect_dma source(%dma_start3A_948 : memref<160000x128xf32, #tpu.memory_space<hbm>>) target(%dma_start3A_943 : memref<80x128xf32, #tpu.memory_space<vmem>>) offsets(%dma_start3A_945 : memref<80xi32, #tpu.memory_space<vmem>>) semaphore(%arg7 : memref<!tpu.dma_semaphore, #tpu.memory_space<semaphore_mem>>) {add = true}
    %dma_wait3A_949 = arith.constant 80 : i32
    %dma_wait3A_950 = arith.constant 0 : i32
    %dma_wait3A_951 = tpu.memref_slice %arg6[%dma_wait3A_949, %dma_wait3A_950] : memref<320x128xf32, #tpu.memory_space<vmem>> -> memref<80x128xf32, #tpu.memory_space<vmem>>
    %dma_wait3A_952 = arith.constant 4560 : i32
    %dma_wait3A_953 = tpu.memref_slice %arg5[%dma_wait3A_952] : memref<5120xi32, #tpu.memory_space<vmem>> -> memref<80xi32, #tpu.memory_space<vmem>>
    %dma_wait3A_954 = arith.constant 0 : i32
    %dma_wait3A_955 = arith.constant 0 : i32
    %dma_wait3A_956 = tpu.memref_slice %arg2[%dma_wait3A_954, %dma_wait3A_955] : memref<160000x128xf32, #tpu.memory_space<hbm>> -> memref<160000x128xf32, #tpu.memory_space<hbm>>
    tpu.wait_indirect_dma semaphore(%arg8 : memref<!tpu.dma_semaphore, #tpu.memory_space<semaphore_mem>>) src(%dma_wait3A_956 : memref<160000x128xf32, #tpu.memory_space<hbm>>) dst(%dma_wait3A_951 : memref<80x128xf32, #tpu.memory_space<vmem>>)
    %dma_start3A_957 = arith.constant 80 : i32
    %dma_start3A_958 = arith.constant 0 : i32
    %dma_start3A_959 = tpu.memref_slice %arg6[%dma_start3A_957, %dma_start3A_958] : memref<320x128xf32, #tpu.memory_space<vmem>> -> memref<80x128xf32, #tpu.memory_space<vmem>>
    %dma_start3A_960 = arith.constant 4880 : i32
    %dma_start3A_961 = tpu.memref_slice %arg5[%dma_start3A_960] : memref<5120xi32, #tpu.memory_space<vmem>> -> memref<80xi32, #tpu.memory_space<vmem>>
    %dma_start3A_962 = arith.constant 0 : i32
    %dma_start3A_963 = arith.constant 0 : i32
    %dma_start3A_964 = tpu.memref_slice %arg2[%dma_start3A_962, %dma_start3A_963] : memref<160000x128xf32, #tpu.memory_space<hbm>> -> memref<160000x128xf32, #tpu.memory_space<hbm>>
    tpu.enqueue_indirect_dma source(%dma_start3A_964 : memref<160000x128xf32, #tpu.memory_space<hbm>>) target(%dma_start3A_959 : memref<80x128xf32, #tpu.memory_space<vmem>>) offsets(%dma_start3A_961 : memref<80xi32, #tpu.memory_space<vmem>>) semaphore(%arg8 : memref<!tpu.dma_semaphore, #tpu.memory_space<semaphore_mem>>) {add = true}
    %dma_wait3A_965 = arith.constant 160 : i32
    %dma_wait3A_966 = arith.constant 0 : i32
    %dma_wait3A_967 = tpu.memref_slice %arg6[%dma_wait3A_965, %dma_wait3A_966] : memref<320x128xf32, #tpu.memory_space<vmem>> -> memref<80x128xf32, #tpu.memory_space<vmem>>
    %dma_wait3A_968 = arith.constant 4640 : i32
    %dma_wait3A_969 = tpu.memref_slice %arg5[%dma_wait3A_968] : memref<5120xi32, #tpu.memory_space<vmem>> -> memref<80xi32, #tpu.memory_space<vmem>>
    %dma_wait3A_970 = arith.constant 0 : i32
    %dma_wait3A_971 = arith.constant 0 : i32
    %dma_wait3A_972 = tpu.memref_slice %arg2[%dma_wait3A_970, %dma_wait3A_971] : memref<160000x128xf32, #tpu.memory_space<hbm>> -> memref<160000x128xf32, #tpu.memory_space<hbm>>
    tpu.wait_indirect_dma semaphore(%arg9 : memref<!tpu.dma_semaphore, #tpu.memory_space<semaphore_mem>>) src(%dma_wait3A_972 : memref<160000x128xf32, #tpu.memory_space<hbm>>) dst(%dma_wait3A_967 : memref<80x128xf32, #tpu.memory_space<vmem>>)
    %dma_start3A_973 = arith.constant 160 : i32
    %dma_start3A_974 = arith.constant 0 : i32
    %dma_start3A_975 = tpu.memref_slice %arg6[%dma_start3A_973, %dma_start3A_974] : memref<320x128xf32, #tpu.memory_space<vmem>> -> memref<80x128xf32, #tpu.memory_space<vmem>>
    %dma_start3A_976 = arith.constant 4960 : i32
    %dma_start3A_977 = tpu.memref_slice %arg5[%dma_start3A_976] : memref<5120xi32, #tpu.memory_space<vmem>> -> memref<80xi32, #tpu.memory_space<vmem>>
    %dma_start3A_978 = arith.constant 0 : i32
    %dma_start3A_979 = arith.constant 0 : i32
    %dma_start3A_980 = tpu.memref_slice %arg2[%dma_start3A_978, %dma_start3A_979] : memref<160000x128xf32, #tpu.memory_space<hbm>> -> memref<160000x128xf32, #tpu.memory_space<hbm>>
    tpu.enqueue_indirect_dma source(%dma_start3A_980 : memref<160000x128xf32, #tpu.memory_space<hbm>>) target(%dma_start3A_975 : memref<80x128xf32, #tpu.memory_space<vmem>>) offsets(%dma_start3A_977 : memref<80xi32, #tpu.memory_space<vmem>>) semaphore(%arg9 : memref<!tpu.dma_semaphore, #tpu.memory_space<semaphore_mem>>) {add = true}
    %dma_wait3A_981 = arith.constant 240 : i32
    %dma_wait3A_982 = arith.constant 0 : i32
    %dma_wait3A_983 = tpu.memref_slice %arg6[%dma_wait3A_981, %dma_wait3A_982] : memref<320x128xf32, #tpu.memory_space<vmem>> -> memref<80x128xf32, #tpu.memory_space<vmem>>
    %dma_wait3A_984 = arith.constant 4720 : i32
    %dma_wait3A_985 = tpu.memref_slice %arg5[%dma_wait3A_984] : memref<5120xi32, #tpu.memory_space<vmem>> -> memref<80xi32, #tpu.memory_space<vmem>>
    %dma_wait3A_986 = arith.constant 0 : i32
    %dma_wait3A_987 = arith.constant 0 : i32
    %dma_wait3A_988 = tpu.memref_slice %arg2[%dma_wait3A_986, %dma_wait3A_987] : memref<160000x128xf32, #tpu.memory_space<hbm>> -> memref<160000x128xf32, #tpu.memory_space<hbm>>
    tpu.wait_indirect_dma semaphore(%arg10 : memref<!tpu.dma_semaphore, #tpu.memory_space<semaphore_mem>>) src(%dma_wait3A_988 : memref<160000x128xf32, #tpu.memory_space<hbm>>) dst(%dma_wait3A_983 : memref<80x128xf32, #tpu.memory_space<vmem>>)
    %dma_start3A_989 = arith.constant 240 : i32
    %dma_start3A_990 = arith.constant 0 : i32
    %dma_start3A_991 = tpu.memref_slice %arg6[%dma_start3A_989, %dma_start3A_990] : memref<320x128xf32, #tpu.memory_space<vmem>> -> memref<80x128xf32, #tpu.memory_space<vmem>>
    %dma_start3A_992 = arith.constant 5040 : i32
    %dma_start3A_993 = tpu.memref_slice %arg5[%dma_start3A_992] : memref<5120xi32, #tpu.memory_space<vmem>> -> memref<80xi32, #tpu.memory_space<vmem>>
    %dma_start3A_994 = arith.constant 0 : i32
    %dma_start3A_995 = arith.constant 0 : i32
    %dma_start3A_996 = tpu.memref_slice %arg2[%dma_start3A_994, %dma_start3A_995] : memref<160000x128xf32, #tpu.memory_space<hbm>> -> memref<160000x128xf32, #tpu.memory_space<hbm>>
    tpu.enqueue_indirect_dma source(%dma_start3A_996 : memref<160000x128xf32, #tpu.memory_space<hbm>>) target(%dma_start3A_991 : memref<80x128xf32, #tpu.memory_space<vmem>>) offsets(%dma_start3A_993 : memref<80xi32, #tpu.memory_space<vmem>>) semaphore(%arg10 : memref<!tpu.dma_semaphore, #tpu.memory_space<semaphore_mem>>) {add = true}
    %dma_wait3A_997 = arith.constant 0 : i32
    %dma_wait3A_998 = arith.constant 0 : i32
    %dma_wait3A_999 = tpu.memref_slice %arg6[%dma_wait3A_997, %dma_wait3A_998] : memref<320x128xf32, #tpu.memory_space<vmem>> -> memref<80x128xf32, #tpu.memory_space<vmem>>
    %dma_wait3A_1000 = arith.constant 4800 : i32
    %dma_wait3A_1001 = tpu.memref_slice %arg5[%dma_wait3A_1000] : memref<5120xi32, #tpu.memory_space<vmem>> -> memref<80xi32, #tpu.memory_space<vmem>>
    %dma_wait3A_1002 = arith.constant 0 : i32
    %dma_wait3A_1003 = arith.constant 0 : i32
    %dma_wait3A_1004 = tpu.memref_slice %arg2[%dma_wait3A_1002, %dma_wait3A_1003] : memref<160000x128xf32, #tpu.memory_space<hbm>> -> memref<160000x128xf32, #tpu.memory_space<hbm>>
    tpu.wait_indirect_dma semaphore(%arg7 : memref<!tpu.dma_semaphore, #tpu.memory_space<semaphore_mem>>) src(%dma_wait3A_1004 : memref<160000x128xf32, #tpu.memory_space<hbm>>) dst(%dma_wait3A_999 : memref<80x128xf32, #tpu.memory_space<vmem>>)
    %dma_wait3A_1005 = arith.constant 80 : i32
    %dma_wait3A_1006 = arith.constant 0 : i32
    %dma_wait3A_1007 = tpu.memref_slice %arg6[%dma_wait3A_1005, %dma_wait3A_1006] : memref<320x128xf32, #tpu.memory_space<vmem>> -> memref<80x128xf32, #tpu.memory_space<vmem>>
    %dma_wait3A_1008 = arith.constant 4880 : i32
    %dma_wait3A_1009 = tpu.memref_slice %arg5[%dma_wait3A_1008] : memref<5120xi32, #tpu.memory_space<vmem>> -> memref<80xi32, #tpu.memory_space<vmem>>
    %dma_wait3A_1010 = arith.constant 0 : i32
    %dma_wait3A_1011 = arith.constant 0 : i32
    %dma_wait3A_1012 = tpu.memref_slice %arg2[%dma_wait3A_1010, %dma_wait3A_1011] : memref<160000x128xf32, #tpu.memory_space<hbm>> -> memref<160000x128xf32, #tpu.memory_space<hbm>>
    tpu.wait_indirect_dma semaphore(%arg8 : memref<!tpu.dma_semaphore, #tpu.memory_space<semaphore_mem>>) src(%dma_wait3A_1012 : memref<160000x128xf32, #tpu.memory_space<hbm>>) dst(%dma_wait3A_1007 : memref<80x128xf32, #tpu.memory_space<vmem>>)
    %dma_wait3A_1013 = arith.constant 160 : i32
    %dma_wait3A_1014 = arith.constant 0 : i32
    %dma_wait3A_1015 = tpu.memref_slice %arg6[%dma_wait3A_1013, %dma_wait3A_1014] : memref<320x128xf32, #tpu.memory_space<vmem>> -> memref<80x128xf32, #tpu.memory_space<vmem>>
    %dma_wait3A_1016 = arith.constant 4960 : i32
    %dma_wait3A_1017 = tpu.memref_slice %arg5[%dma_wait3A_1016] : memref<5120xi32, #tpu.memory_space<vmem>> -> memref<80xi32, #tpu.memory_space<vmem>>
    %dma_wait3A_1018 = arith.constant 0 : i32
    %dma_wait3A_1019 = arith.constant 0 : i32
    %dma_wait3A_1020 = tpu.memref_slice %arg2[%dma_wait3A_1018, %dma_wait3A_1019] : memref<160000x128xf32, #tpu.memory_space<hbm>> -> memref<160000x128xf32, #tpu.memory_space<hbm>>
    tpu.wait_indirect_dma semaphore(%arg9 : memref<!tpu.dma_semaphore, #tpu.memory_space<semaphore_mem>>) src(%dma_wait3A_1020 : memref<160000x128xf32, #tpu.memory_space<hbm>>) dst(%dma_wait3A_1015 : memref<80x128xf32, #tpu.memory_space<vmem>>)
    %dma_wait3A_1021 = arith.constant 240 : i32
    %dma_wait3A_1022 = arith.constant 0 : i32
    %dma_wait3A_1023 = tpu.memref_slice %arg6[%dma_wait3A_1021, %dma_wait3A_1022] : memref<320x128xf32, #tpu.memory_space<vmem>> -> memref<80x128xf32, #tpu.memory_space<vmem>>
    %dma_wait3A_1024 = arith.constant 5040 : i32
    %dma_wait3A_1025 = tpu.memref_slice %arg5[%dma_wait3A_1024] : memref<5120xi32, #tpu.memory_space<vmem>> -> memref<80xi32, #tpu.memory_space<vmem>>
    %dma_wait3A_1026 = arith.constant 0 : i32
    %dma_wait3A_1027 = arith.constant 0 : i32
    %dma_wait3A_1028 = tpu.memref_slice %arg2[%dma_wait3A_1026, %dma_wait3A_1027] : memref<160000x128xf32, #tpu.memory_space<hbm>> -> memref<160000x128xf32, #tpu.memory_space<hbm>>
    tpu.wait_indirect_dma semaphore(%arg10 : memref<!tpu.dma_semaphore, #tpu.memory_space<semaphore_mem>>) src(%dma_wait3A_1028 : memref<160000x128xf32, #tpu.memory_space<hbm>>) dst(%dma_wait3A_1023 : memref<80x128xf32, #tpu.memory_space<vmem>>)
    "tpu.region"() ({
      %run_scoped3A = tpu.sem_alloc : memref<!tpu.dma_semaphore, #tpu.memory_space<semaphore_mem>>
      %dma_start3A_1029 = arith.constant 0 : i32
      %dma_start3A_1030 = tpu.memref_slice %arg4[%mul3A_2, %dma_start3A_1029] : memref<10240x128xf32, #tpu.memory_space<hbm>> -> memref<320x128xf32, #tpu.memory_space<hbm>>
      %dma_start3A_1031 = arith.constant 0 : i32
      %dma_start3A_1032 = tpu.memref_slice %arg4[%mul3A_2, %dma_start3A_1031] : memref<10240x128xf32, #tpu.memory_space<hbm>> -> memref<320x128xf32, #tpu.memory_space<hbm>>
      tpu.enqueue_dma source(%arg6 : memref<320x128xf32, #tpu.memory_space<vmem>>) target(%dma_start3A_1032 : memref<320x128xf32, #tpu.memory_space<hbm>>) target_semaphore(%run_scoped3A : memref<!tpu.dma_semaphore, #tpu.memory_space<semaphore_mem>>)
      %dma_wait3A_1033 = arith.constant 0 : i32
      %dma_wait3A_1034 = tpu.memref_slice %arg4[%mul3A_2, %dma_wait3A_1033] : memref<10240x128xf32, #tpu.memory_space<hbm>> -> memref<320x128xf32, #tpu.memory_space<hbm>>
      %dma_wait3A_1035 = arith.constant 0 : i32
      %dma_wait3A_1036 = tpu.memref_slice %arg4[%mul3A_2, %dma_wait3A_1035] : memref<10240x128xf32, #tpu.memory_space<hbm>> -> memref<320x128xf32, #tpu.memory_space<hbm>>
      tpu.wait_dma2 semaphore(%run_scoped3A : memref<!tpu.dma_semaphore, #tpu.memory_space<semaphore_mem>>) src(%arg6 : memref<320x128xf32, #tpu.memory_space<vmem>>) dst(%dma_wait3A_1036 : memref<320x128xf32, #tpu.memory_space<hbm>>)
      tpu.yield
    }) : () -> ()
    return
  }
}

module attributes {stable_mosaic.version = 14 : i64} {
  func.func @_p1_body(%arg0: i32, %arg1: memref<400x128xf32, #tpu.memory_space<vmem>>, %arg2: memref<128x128xf32, #tpu.memory_space<vmem>>, %arg3: memref<128x128xf32, #tpu.memory_space<vmem>>, %arg4: memref<1x128xf32, #tpu.memory_space<vmem>>, %arg5: memref<400x128xf32, #tpu.memory_space<vmem>>, %arg6: memref<400x128xf32, #tpu.memory_space<vmem>>) attributes {dimension_semantics = [#tpu.dimension_semantics<arbitrary>], iteration_bounds = array<i64: 25>, scalar_prefetch = 0 : i64, scratch_operands = 0 : i64, tpu.core_type = #tpu.core_type<tc>, window_params = [{transform_indices = @transform_0, window_bounds = array<i64: 400, 128>}, {pipeline_mode = #tpu.pipeline_mode<synchronous>, transform_indices = @transform_1, window_bounds = array<i64: 128, 128>}, {pipeline_mode = #tpu.pipeline_mode<synchronous>, transform_indices = @transform_2, window_bounds = array<i64: 128, 128>}, {pipeline_mode = #tpu.pipeline_mode<synchronous>, transform_indices = @transform_3, window_bounds = array<i64: 1, 128>}, {transform_indices = @transform_4, window_bounds = array<i64: 400, 128>}, {transform_indices = @transform_5, window_bounds = array<i64: 400, 128>}]} {
    %get3A = arith.constant 0 : index
    %get3A_0 = arith.constant 0 : index
    %get3A_1 = vector.load %arg1[%get3A, %get3A_0] : memref<400x128xf32, #tpu.memory_space<vmem>>, vector<400x128xf32>
    %get3A_2 = arith.constant 0 : index
    %get3A_3 = arith.constant 0 : index
    %get3A_4 = vector.load %arg2[%get3A_2, %get3A_3] : memref<128x128xf32, #tpu.memory_space<vmem>>, vector<128x128xf32>
    %dot_general3A = arith.constant dense<0.000000e+00> : vector<400x128xf32>
    %dot_general3A_5 = tpu.matmul %get3A_1, %get3A_4, %dot_general3A {dimension_numbers = #tpu.dot_dimension_numbers<[1], [0], [0], [1], [0, 0, 1, 1], [], []>, transpose_lhs_hint = false} : vector<400x128xf32>, vector<128x128xf32>, vector<400x128xf32> -> vector<400x128xf32>
    %swap3A = arith.constant 0 : index
    %swap3A_6 = arith.constant 0 : index
    %swap3A_7 = vector.load %arg5[%swap3A, %swap3A_6] : memref<400x128xf32, #tpu.memory_space<vmem>>, vector<400x128xf32>
    tpu.vector_store %arg5[%swap3A, %swap3A_6], %dot_general3A_5 {strides = array<i32>} : memref<400x128xf32, #tpu.memory_space<vmem>>, vector<400x128xf32>,
    %get3A_8 = arith.constant 0 : index
    %get3A_9 = arith.constant 0 : index
    %get3A_10 = vector.load %arg3[%get3A_8, %get3A_9] : memref<128x128xf32, #tpu.memory_space<vmem>>, vector<128x128xf32>
    %dot_general3A_11 = arith.constant dense<0.000000e+00> : vector<400x128xf32>
    %dot_general3A_12 = tpu.matmul %get3A_1, %get3A_10, %dot_general3A_11 {dimension_numbers = #tpu.dot_dimension_numbers<[1], [0], [0], [1], [0, 0, 1, 1], [], []>, transpose_lhs_hint = false} : vector<400x128xf32>, vector<128x128xf32>, vector<400x128xf32> -> vector<400x128xf32>
    %get3A_13 = arith.constant 0 : index
    %get3A_14 = arith.constant 0 : index
    %get3A_15 = vector.load %arg4[%get3A_13, %get3A_14] : memref<1x128xf32, #tpu.memory_space<vmem>>, vector<1x128xf32>
    %add3A = vector.broadcast %get3A_15 : vector<1x128xf32> to vector<400x128xf32>
    %add3A_16 = arith.addf %dot_general3A_12, %add3A : vector<400x128xf32>
    %swap3A_17 = arith.constant 0 : index
    %swap3A_18 = arith.constant 0 : index
    %swap3A_19 = vector.load %arg6[%swap3A_17, %swap3A_18] : memref<400x128xf32, #tpu.memory_space<vmem>>, vector<400x128xf32>
    tpu.vector_store %arg6[%swap3A_17, %swap3A_18], %add3A_16 {strides = array<i32>} : memref<400x128xf32, #tpu.memory_space<vmem>>, vector<400x128xf32>,
    return
  }
  func.func @transform_0(%arg0: i32) -> (i32, i32) {
    %c0_i32 = arith.constant 0 : i32
    %c0_i32_0 = arith.constant 0 : i32
    return %arg0, %c0_i32 : i32, i32
  }
  func.func @transform_1(%arg0: i32) -> (i32, i32) {
    %c0_i32 = arith.constant 0 : i32
    %c0_i32_0 = arith.constant 0 : i32
    %c0_i32_1 = arith.constant 0 : i32
    return %c0_i32, %c0_i32_0 : i32, i32
  }
  func.func @transform_2(%arg0: i32) -> (i32, i32) {
    %c0_i32 = arith.constant 0 : i32
    %c0_i32_0 = arith.constant 0 : i32
    %c0_i32_1 = arith.constant 0 : i32
    return %c0_i32, %c0_i32_0 : i32, i32
  }
  func.func @transform_3(%arg0: i32) -> (i32, i32) {
    %c0_i32 = arith.constant 0 : i32
    %c0_i32_0 = arith.constant 0 : i32
    %c0_i32_1 = arith.constant 0 : i32
    return %c0_i32, %c0_i32_0 : i32, i32
  }
  func.func @transform_4(%arg0: i32) -> (i32, i32) {
    %c0_i32 = arith.constant 0 : i32
    %c0_i32_0 = arith.constant 0 : i32
    return %arg0, %c0_i32 : i32, i32
  }
  func.func @transform_5(%arg0: i32) -> (i32, i32) {
    %c0_i32 = arith.constant 0 : i32
    %c0_i32_0 = arith.constant 0 : i32
    return %arg0, %c0_i32 : i32, i32
  }
}

module attributes {stable_mosaic.version = 14 : i64} {
  func.func @_p2_body(%arg0: i32, %arg1: memref<2000x128xf32, #tpu.memory_space<vmem>>, %arg2: memref<2000x1xf32, #tpu.memory_space<vmem>>, %arg3: memref<128x128xf32, #tpu.memory_space<vmem>>, %arg4: memref<1x128xf32, #tpu.memory_space<vmem>>, %arg5: memref<2000x128xf32, #tpu.memory_space<vmem>>) attributes {dimension_semantics = [#tpu.dimension_semantics<arbitrary>], iteration_bounds = array<i64: 80>, scalar_prefetch = 0 : i64, scratch_operands = 0 : i64, tpu.core_type = #tpu.core_type<tc>, window_params = [{transform_indices = @transform_0, window_bounds = array<i64: 2000, 128>}, {transform_indices = @transform_1, window_bounds = array<i64: 2000, 1>}, {pipeline_mode = #tpu.pipeline_mode<synchronous>, transform_indices = @transform_2, window_bounds = array<i64: 128, 128>}, {pipeline_mode = #tpu.pipeline_mode<synchronous>, transform_indices = @transform_3, window_bounds = array<i64: 1, 128>}, {transform_indices = @transform_4, window_bounds = array<i64: 2000, 128>}]} {
    %get3A = arith.constant 0 : index
    %get3A_0 = arith.constant 0 : index
    %get3A_1 = vector.load %arg1[%get3A, %get3A_0] : memref<2000x128xf32, #tpu.memory_space<vmem>>, vector<2000x128xf32>
    %tanh3A = math.tanh %get3A_1 : vector<2000x128xf32>
    %get3A_2 = arith.constant 0 : index
    %get3A_3 = arith.constant 0 : index
    %get3A_4 = vector.load %arg3[%get3A_2, %get3A_3] : memref<128x128xf32, #tpu.memory_space<vmem>>, vector<128x128xf32>
    %dot_general3A = arith.constant dense<0.000000e+00> : vector<2000x128xf32>
    %dot_general3A_5 = tpu.matmul %tanh3A, %get3A_4, %dot_general3A {dimension_numbers = #tpu.dot_dimension_numbers<[1], [0], [0], [1], [0, 0, 1, 1], [], []>, transpose_lhs_hint = false} : vector<2000x128xf32>, vector<128x128xf32>, vector<2000x128xf32> -> vector<2000x128xf32>
    %get3A_6 = arith.constant 0 : index
    %get3A_7 = arith.constant 0 : index
    %get3A_8 = vector.load %arg4[%get3A_6, %get3A_7] : memref<1x128xf32, #tpu.memory_space<vmem>>, vector<1x128xf32>
    %add3A = vector.broadcast %get3A_8 : vector<1x128xf32> to vector<2000x128xf32>
    %add3A_9 = arith.addf %dot_general3A_5, %add3A : vector<2000x128xf32>
    %tanh3A_10 = math.tanh %add3A_9 : vector<2000x128xf32>
    %get3A_11 = arith.constant 0 : index
    %get3A_12 = arith.constant 0 : index
    %get3A_13 = vector.load %arg2[%get3A_11, %get3A_12] : memref<2000x1xf32, #tpu.memory_space<vmem>>, vector<2000x1xf32>
    %mul3A = vector.broadcast %get3A_13 : vector<2000x1xf32> to vector<2000x128xf32>
    %mul3A_14 = arith.mulf %tanh3A_10, %mul3A : vector<2000x128xf32>
    %swap3A = arith.constant 0 : index
    %swap3A_15 = arith.constant 0 : index
    %swap3A_16 = vector.load %arg5[%swap3A, %swap3A_15] : memref<2000x128xf32, #tpu.memory_space<vmem>>, vector<2000x128xf32>
    tpu.vector_store %arg5[%swap3A, %swap3A_15], %mul3A_14 {strides = array<i32>} : memref<2000x128xf32, #tpu.memory_space<vmem>>, vector<2000x128xf32>,
    return
  }
  func.func @transform_0(%arg0: i32) -> (i32, i32) {
    %c0_i32 = arith.constant 0 : i32
    %c0_i32_0 = arith.constant 0 : i32
    return %arg0, %c0_i32 : i32, i32
  }
  func.func @transform_1(%arg0: i32) -> (i32, i32) {
    %c0_i32 = arith.constant 0 : i32
    %c0_i32_0 = arith.constant 0 : i32
    return %arg0, %c0_i32 : i32, i32
  }
  func.func @transform_2(%arg0: i32) -> (i32, i32) {
    %c0_i32 = arith.constant 0 : i32
    %c0_i32_0 = arith.constant 0 : i32
    %c0_i32_1 = arith.constant 0 : i32
    return %c0_i32, %c0_i32_0 : i32, i32
  }
  func.func @transform_3(%arg0: i32) -> (i32, i32) {
    %c0_i32 = arith.constant 0 : i32
    %c0_i32_0 = arith.constant 0 : i32
    %c0_i32_1 = arith.constant 0 : i32
    return %c0_i32, %c0_i32_0 : i32, i32
  }
  func.func @transform_4(%arg0: i32) -> (i32, i32) {
    %c0_i32 = arith.constant 0 : i32
    %c0_i32_0 = arith.constant 0 : i32
    return %arg0, %c0_i32 : i32, i32
  }
}

module attributes {stable_mosaic.version = 14 : i64} {
  func.func @_p3_body(%arg0: i32, %arg1: memref<400x128xf32, #tpu.memory_space<vmem>>, %arg2: memref<400x128xf32, #tpu.memory_space<vmem>>, %arg3: memref<400x4xf32, #tpu.memory_space<vmem>>, %arg4: memref<4x128xf32, #tpu.memory_space<vmem>>, %arg5: memref<4x128xf32, #tpu.memory_space<vmem>>, %arg6: memref<4x128xf32, #tpu.memory_space<vmem>>, %arg7: memref<1x3x128xf32, #tpu.memory_space<vmem>>, %arg8: memref<128x128xf32, #tpu.memory_space<vmem>>, %arg9: memref<128x128xf32, #tpu.memory_space<vmem>>, %arg10: memref<128x128xf32, #tpu.memory_space<vmem>>, %arg11: memref<128x128xf32, #tpu.memory_space<vmem>>, %arg12: memref<128x128xf32, #tpu.memory_space<vmem>>, %arg13: memref<128x4xf32, #tpu.memory_space<vmem>>, %arg14: memref<1x2x128xf32, #tpu.memory_space<vmem>>, %arg15: memref<1x4xf32, #tpu.memory_space<vmem>>, %arg16: memref<400x128xf32, #tpu.memory_space<vmem>>, %arg17: memref<400x4xf32, #tpu.memory_space<vmem>>) attributes {dimension_semantics = [#tpu.dimension_semantics<arbitrary>], iteration_bounds = array<i64: 25>, scalar_prefetch = 0 : i64, scratch_operands = 0 : i64, tpu.core_type = #tpu.core_type<tc>, window_params = [{transform_indices = @transform_0, window_bounds = array<i64: 400, 128>}, {transform_indices = @transform_1, window_bounds = array<i64: 400, 128>}, {transform_indices = @transform_2, window_bounds = array<i64: 400, 4>}, {pipeline_mode = #tpu.pipeline_mode<synchronous>, transform_indices = @transform_3, window_bounds = array<i64: 4, 128>}, {pipeline_mode = #tpu.pipeline_mode<synchronous>, transform_indices = @transform_4, window_bounds = array<i64: 4, 128>}, {pipeline_mode = #tpu.pipeline_mode<synchronous>, transform_indices = @transform_5, window_bounds = array<i64: 4, 128>}, {pipeline_mode = #tpu.pipeline_mode<synchronous>, transform_indices = @transform_6, window_bounds = array<i64: 1, 3, 128>}, {pipeline_mode = #tpu.pipeline_mode<synchronous>, transform_indices = @transform_7, window_bounds = array<i64: 128, 128>}, {pipeline_mode = #tpu.pipeline_mode<synchronous>, transform_indices = @transform_8, window_bounds = array<i64: 128, 128>}, {pipeline_mode = #tpu.pipeline_mode<synchronous>, transform_indices = @transform_9, window_bounds = array<i64: 128, 128>}, {pipeline_mode = #tpu.pipeline_mode<synchronous>, transform_indices = @transform_10, window_bounds = array<i64: 128, 128>}, {pipeline_mode = #tpu.pipeline_mode<synchronous>, transform_indices = @transform_11, window_bounds = array<i64: 128, 128>}, {pipeline_mode = #tpu.pipeline_mode<synchronous>, transform_indices = @transform_12, window_bounds = array<i64: 128, 4>}, {pipeline_mode = #tpu.pipeline_mode<synchronous>, transform_indices = @transform_13, window_bounds = array<i64: 1, 2, 128>}, {pipeline_mode = #tpu.pipeline_mode<synchronous>, transform_indices = @transform_14, window_bounds = array<i64: 1, 4>}, {transform_indices = @transform_15, window_bounds = array<i64: 400, 128>}, {transform_indices = @transform_16, window_bounds = array<i64: 400, 4>}]} {
    %get3A = arith.constant 0 : index
    %get3A_0 = arith.constant 0 : index
    %get3A_1 = vector.load %arg1[%get3A, %get3A_0] : memref<400x128xf32, #tpu.memory_space<vmem>>, vector<400x128xf32>
    %mul3A = arith.constant 1.000100e-04 : f32
    %mul3A_2 = vector.broadcast %mul3A : f32 to vector<400x128xf32>
    %mul3A_3 = arith.mulf %get3A_1, %mul3A_2 : vector<400x128xf32>
    %get3A_4 = arith.constant 0 : index
    %get3A_5 = arith.constant 0 : index
    %get3A_6 = vector.load %arg3[%get3A_4, %get3A_5] : memref<400x4xf32, #tpu.memory_space<vmem>>, vector<400x4xf32>
    %get3A_7 = arith.constant 0 : index
    %get3A_8 = arith.constant 0 : index
    %get3A_9 = vector.load %arg2[%get3A_7, %get3A_8] : memref<400x128xf32, #tpu.memory_space<vmem>>, vector<400x128xf32>
    %get3A_10 = arith.constant 0 : index
    %get3A_11 = arith.constant 0 : index
    %get3A_12 = vector.load %arg4[%get3A_10, %get3A_11] : memref<4x128xf32, #tpu.memory_space<vmem>>, vector<4x128xf32>
    %dot_general3A = arith.constant dense<0.000000e+00> : vector<400x128xf32>
    %dot_general3A_13 = tpu.matmul %get3A_6, %get3A_12, %dot_general3A {dimension_numbers = #tpu.dot_dimension_numbers<[1], [0], [0], [1], [0, 0, 1, 1], [], []>, transpose_lhs_hint = false} : vector<400x4xf32>, vector<4x128xf32>, vector<400x128xf32> -> vector<400x128xf32>
    %get3A_14 = arith.constant 0 : index
    %get3A_15 = arith.constant 0 : index
    %get3A_16 = arith.constant 0 : index
    %get3A_17 = vector.load %arg7[%get3A_14, %get3A_15, %get3A_16] : memref<1x3x128xf32, #tpu.memory_space<vmem>>, vector<1x1x128xf32>
    %get3A_18 = vector.shape_cast %get3A_17 : vector<1x1x128xf32> to vector<1x128xf32>
    %add3A = vector.broadcast %get3A_18 : vector<1x128xf32> to vector<400x128xf32>
    %add3A_19 = arith.addf %dot_general3A_13, %add3A : vector<400x128xf32>
    %get3A_20 = arith.constant 0 : index
    %get3A_21 = arith.constant 0 : index
    %get3A_22 = vector.load %arg5[%get3A_20, %get3A_21] : memref<4x128xf32, #tpu.memory_space<vmem>>, vector<4x128xf32>
    %dot_general3A_23 = arith.constant dense<0.000000e+00> : vector<400x128xf32>
    %dot_general3A_24 = tpu.matmul %get3A_6, %get3A_22, %dot_general3A_23 {dimension_numbers = #tpu.dot_dimension_numbers<[1], [0], [0], [1], [0, 0, 1, 1], [], []>, transpose_lhs_hint = false} : vector<400x4xf32>, vector<4x128xf32>, vector<400x128xf32> -> vector<400x128xf32>
    %get3A_25 = arith.constant 0 : index
    %get3A_26 = arith.constant 1 : index
    %get3A_27 = arith.constant 0 : index
    %get3A_28 = vector.load %arg7[%get3A_25, %get3A_26, %get3A_27] : memref<1x3x128xf32, #tpu.memory_space<vmem>>, vector<1x1x128xf32>
    %get3A_29 = vector.shape_cast %get3A_28 : vector<1x1x128xf32> to vector<1x128xf32>
    %add3A_30 = vector.broadcast %get3A_29 : vector<1x128xf32> to vector<400x128xf32>
    %add3A_31 = arith.addf %dot_general3A_24, %add3A_30 : vector<400x128xf32>
    %get3A_32 = arith.constant 0 : index
    %get3A_33 = arith.constant 0 : index
    %get3A_34 = vector.load %arg6[%get3A_32, %get3A_33] : memref<4x128xf32, #tpu.memory_space<vmem>>, vector<4x128xf32>
    %dot_general3A_35 = arith.constant dense<0.000000e+00> : vector<400x128xf32>
    %dot_general3A_36 = tpu.matmul %get3A_6, %get3A_34, %dot_general3A_35 {dimension_numbers = #tpu.dot_dimension_numbers<[1], [0], [0], [1], [0, 0, 1, 1], [], []>, transpose_lhs_hint = false} : vector<400x4xf32>, vector<4x128xf32>, vector<400x128xf32> -> vector<400x128xf32>
    %get3A_37 = arith.constant 0 : index
    %get3A_38 = arith.constant 2 : index
    %get3A_39 = arith.constant 0 : index
    %get3A_40 = vector.load %arg7[%get3A_37, %get3A_38, %get3A_39] : memref<1x3x128xf32, #tpu.memory_space<vmem>>, vector<1x1x128xf32>
    %get3A_41 = vector.shape_cast %get3A_40 : vector<1x1x128xf32> to vector<1x128xf32>
    %add3A_42 = vector.broadcast %get3A_41 : vector<1x128xf32> to vector<400x128xf32>
    %add3A_43 = arith.addf %dot_general3A_36, %add3A_42 : vector<400x128xf32>
    %get3A_44 = arith.constant 0 : index
    %get3A_45 = arith.constant 0 : index
    %get3A_46 = vector.load %arg8[%get3A_44, %get3A_45] : memref<128x128xf32, #tpu.memory_space<vmem>>, vector<128x128xf32>
    %dot_general3A_47 = arith.constant dense<0.000000e+00> : vector<400x128xf32>
    %dot_general3A_48 = tpu.matmul %mul3A_3, %get3A_46, %dot_general3A_47 {dimension_numbers = #tpu.dot_dimension_numbers<[1], [0], [0], [1], [0, 0, 1, 1], [], []>, transpose_lhs_hint = false} : vector<400x128xf32>, vector<128x128xf32>, vector<400x128xf32> -> vector<400x128xf32>
    %add3A_49 = arith.addf %add3A_19, %dot_general3A_48 : vector<400x128xf32>
    %logistic3A = arith.negf %add3A_49 : vector<400x128xf32>
    %logistic3A_50 = math.exp %logistic3A : vector<400x128xf32>
    %logistic3A_51 = arith.constant 1.000000e+00 : f32
    %logistic3A_52 = vector.broadcast %logistic3A_51 : f32 to vector<400x128xf32>
    %logistic3A_53 = arith.addf %logistic3A_52, %logistic3A_50 : vector<400x128xf32>
    %logistic3A_54 = arith.divf %logistic3A_52, %logistic3A_53 : vector<400x128xf32>
    %get3A_55 = arith.constant 0 : index
    %get3A_56 = arith.constant 0 : index
    %get3A_57 = vector.load %arg9[%get3A_55, %get3A_56] : memref<128x128xf32, #tpu.memory_space<vmem>>, vector<128x128xf32>
    %dot_general3A_58 = arith.constant dense<0.000000e+00> : vector<400x128xf32>
    %dot_general3A_59 = tpu.matmul %mul3A_3, %get3A_57, %dot_general3A_58 {dimension_numbers = #tpu.dot_dimension_numbers<[1], [0], [0], [1], [0, 0, 1, 1], [], []>, transpose_lhs_hint = false} : vector<400x128xf32>, vector<128x128xf32>, vector<400x128xf32> -> vector<400x128xf32>
    %add3A_60 = arith.addf %add3A_31, %dot_general3A_59 : vector<400x128xf32>
    %logistic3A_61 = arith.negf %add3A_60 : vector<400x128xf32>
    %logistic3A_62 = math.exp %logistic3A_61 : vector<400x128xf32>
    %logistic3A_63 = arith.constant 1.000000e+00 : f32
    %logistic3A_64 = vector.broadcast %logistic3A_63 : f32 to vector<400x128xf32>
    %logistic3A_65 = arith.addf %logistic3A_64, %logistic3A_62 : vector<400x128xf32>
    %logistic3A_66 = arith.divf %logistic3A_64, %logistic3A_65 : vector<400x128xf32>
    %get3A_67 = arith.constant 0 : index
    %get3A_68 = arith.constant 0 : index
    %get3A_69 = vector.load %arg10[%get3A_67, %get3A_68] : memref<128x128xf32, #tpu.memory_space<vmem>>, vector<128x128xf32>
    %dot_general3A_70 = arith.constant dense<0.000000e+00> : vector<400x128xf32>
    %dot_general3A_71 = tpu.matmul %mul3A_3, %get3A_69, %dot_general3A_70 {dimension_numbers = #tpu.dot_dimension_numbers<[1], [0], [0], [1], [0, 0, 1, 1], [], []>, transpose_lhs_hint = false} : vector<400x128xf32>, vector<128x128xf32>, vector<400x128xf32> -> vector<400x128xf32>
    %mul3A_72 = arith.mulf %logistic3A_54, %dot_general3A_71 : vector<400x128xf32>
    %add3A_73 = arith.addf %add3A_43, %mul3A_72 : vector<400x128xf32>
    %tanh3A = math.tanh %add3A_73 : vector<400x128xf32>
    %sub3A = arith.constant 1.000000e+00 : f32
    %sub3A_74 = vector.broadcast %sub3A : f32 to vector<400x128xf32>
    %sub3A_75 = arith.subf %sub3A_74, %logistic3A_66 : vector<400x128xf32>
    %mul3A_76 = arith.mulf %sub3A_75, %tanh3A : vector<400x128xf32>
    %mul3A_77 = arith.mulf %logistic3A_66, %get3A_9 : vector<400x128xf32>
    %add3A_78 = arith.addf %mul3A_76, %mul3A_77 : vector<400x128xf32>
    %swap3A = arith.constant 0 : index
    %swap3A_79 = arith.constant 0 : index
    %swap3A_80 = vector.load %arg16[%swap3A, %swap3A_79] : memref<400x128xf32, #tpu.memory_space<vmem>>, vector<400x128xf32>
    tpu.vector_store %arg16[%swap3A, %swap3A_79], %add3A_78 {strides = array<i32>} : memref<400x128xf32, #tpu.memory_space<vmem>>, vector<400x128xf32>,
    %get3A_81 = arith.constant 0 : index
    %get3A_82 = arith.constant 0 : index
    %get3A_83 = vector.load %arg11[%get3A_81, %get3A_82] : memref<128x128xf32, #tpu.memory_space<vmem>>, vector<128x128xf32>
    %dot_general3A_84 = arith.constant dense<0.000000e+00> : vector<400x128xf32>
    %dot_general3A_85 = tpu.matmul %add3A_78, %get3A_83, %dot_general3A_84 {dimension_numbers = #tpu.dot_dimension_numbers<[1], [0], [0], [1], [0, 0, 1, 1], [], []>, transpose_lhs_hint = false} : vector<400x128xf32>, vector<128x128xf32>, vector<400x128xf32> -> vector<400x128xf32>
    %get3A_86 = arith.constant 0 : index
    %get3A_87 = arith.constant 0 : index
    %get3A_88 = arith.constant 0 : index
    %get3A_89 = vector.load %arg14[%get3A_86, %get3A_87, %get3A_88] : memref<1x2x128xf32, #tpu.memory_space<vmem>>, vector<1x1x128xf32>
    %get3A_90 = vector.shape_cast %get3A_89 : vector<1x1x128xf32> to vector<1x128xf32>
    %add3A_91 = vector.broadcast %get3A_90 : vector<1x128xf32> to vector<400x128xf32>
    %add3A_92 = arith.addf %dot_general3A_85, %add3A_91 : vector<400x128xf32>
    %max3A = arith.constant 0.000000e+00 : f32
    %max3A_93 = vector.broadcast %max3A : f32 to vector<400x128xf32>
    %max3A_94 = arith.maximumf %add3A_92, %max3A_93 : vector<400x128xf32>
    %get3A_95 = arith.constant 0 : index
    %get3A_96 = arith.constant 0 : index
    %get3A_97 = vector.load %arg12[%get3A_95, %get3A_96] : memref<128x128xf32, #tpu.memory_space<vmem>>, vector<128x128xf32>
    %dot_general3A_98 = arith.constant dense<0.000000e+00> : vector<400x128xf32>
    %dot_general3A_99 = tpu.matmul %max3A_94, %get3A_97, %dot_general3A_98 {dimension_numbers = #tpu.dot_dimension_numbers<[1], [0], [0], [1], [0, 0, 1, 1], [], []>, transpose_lhs_hint = false} : vector<400x128xf32>, vector<128x128xf32>, vector<400x128xf32> -> vector<400x128xf32>
    %get3A_100 = arith.constant 0 : index
    %get3A_101 = arith.constant 1 : index
    %get3A_102 = arith.constant 0 : index
    %get3A_103 = vector.load %arg14[%get3A_100, %get3A_101, %get3A_102] : memref<1x2x128xf32, #tpu.memory_space<vmem>>, vector<1x1x128xf32>
    %get3A_104 = vector.shape_cast %get3A_103 : vector<1x1x128xf32> to vector<1x128xf32>
    %add3A_105 = vector.broadcast %get3A_104 : vector<1x128xf32> to vector<400x128xf32>
    %add3A_106 = arith.addf %dot_general3A_99, %add3A_105 : vector<400x128xf32>
    %max3A_107 = arith.constant 0.000000e+00 : f32
    %max3A_108 = vector.broadcast %max3A_107 : f32 to vector<400x128xf32>
    %max3A_109 = arith.maximumf %add3A_106, %max3A_108 : vector<400x128xf32>
    %get3A_110 = arith.constant 0 : index
    %get3A_111 = arith.constant 0 : index
    %get3A_112 = vector.load %arg13[%get3A_110, %get3A_111] : memref<128x4xf32, #tpu.memory_space<vmem>>, vector<128x4xf32>
    %dot_general3A_113 = arith.constant dense<0.000000e+00> : vector<400x4xf32>
    %dot_general3A_114 = tpu.matmul %max3A_109, %get3A_112, %dot_general3A_113 {dimension_numbers = #tpu.dot_dimension_numbers<[1], [0], [0], [1], [0, 0, 1, 1], [], []>, transpose_lhs_hint = false} : vector<400x128xf32>, vector<128x4xf32>, vector<400x4xf32> -> vector<400x4xf32>
    %get3A_115 = arith.constant 0 : index
    %get3A_116 = arith.constant 0 : index
    %get3A_117 = vector.load %arg15[%get3A_115, %get3A_116] : memref<1x4xf32, #tpu.memory_space<vmem>>, vector<1x4xf32>
    %add3A_118 = vector.broadcast %get3A_117 : vector<1x4xf32> to vector<400x4xf32>
    %add3A_119 = arith.addf %dot_general3A_114, %add3A_118 : vector<400x4xf32>
    %add3A_120 = arith.addf %get3A_6, %add3A_119 : vector<400x4xf32>
    %swap3A_121 = arith.constant 0 : index
    %swap3A_122 = arith.constant 0 : index
    %swap3A_123 = vector.load %arg17[%swap3A_121, %swap3A_122] : memref<400x4xf32, #tpu.memory_space<vmem>>, vector<400x4xf32>
    tpu.vector_store %arg17[%swap3A_121, %swap3A_122], %add3A_120 {strides = array<i32>} : memref<400x4xf32, #tpu.memory_space<vmem>>, vector<400x4xf32>,
    return
  }
  func.func @transform_0(%arg0: i32) -> (i32, i32) {
    %c0_i32 = arith.constant 0 : i32
    %c0_i32_0 = arith.constant 0 : i32
    return %arg0, %c0_i32 : i32, i32
  }
  func.func @transform_1(%arg0: i32) -> (i32, i32) {
    %c0_i32 = arith.constant 0 : i32
    %c0_i32_0 = arith.constant 0 : i32
    return %arg0, %c0_i32 : i32, i32
  }
  func.func @transform_2(%arg0: i32) -> (i32, i32) {
    %c0_i32 = arith.constant 0 : i32
    %c0_i32_0 = arith.constant 0 : i32
    return %arg0, %c0_i32 : i32, i32
  }
  func.func @transform_3(%arg0: i32) -> (i32, i32) {
    %c0_i32 = arith.constant 0 : i32
    %c0_i32_0 = arith.constant 0 : i32
    %c0_i32_1 = arith.constant 0 : i32
    return %c0_i32, %c0_i32_0 : i32, i32
  }
  func.func @transform_4(%arg0: i32) -> (i32, i32) {
    %c0_i32 = arith.constant 0 : i32
    %c0_i32_0 = arith.constant 0 : i32
    %c0_i32_1 = arith.constant 0 : i32
    return %c0_i32, %c0_i32_0 : i32, i32
  }
  func.func @transform_5(%arg0: i32) -> (i32, i32) {
    %c0_i32 = arith.constant 0 : i32
    %c0_i32_0 = arith.constant 0 : i32
    %c0_i32_1 = arith.constant 0 : i32
    return %c0_i32, %c0_i32_0 : i32, i32
  }
  func.func @transform_6(%arg0: i32) -> (i32, i32, i32) {
    %c0_i32 = arith.constant 0 : i32
    %c0_i32_0 = arith.constant 0 : i32
    %c0_i32_1 = arith.constant 0 : i32
    %c0_i32_2 = arith.constant 0 : i32
    return %c0_i32, %c0_i32_0, %c0_i32_1 : i32, i32, i32
  }
  func.func @transform_7(%arg0: i32) -> (i32, i32) {
    %c0_i32 = arith.constant 0 : i32
    %c0_i32_0 = arith.constant 0 : i32
    %c0_i32_1 = arith.constant 0 : i32
    return %c0_i32, %c0_i32_0 : i32, i32
  }
  func.func @transform_8(%arg0: i32) -> (i32, i32) {
    %c0_i32 = arith.constant 0 : i32
    %c0_i32_0 = arith.constant 0 : i32
    %c0_i32_1 = arith.constant 0 : i32
    return %c0_i32, %c0_i32_0 : i32, i32
  }
  func.func @transform_9(%arg0: i32) -> (i32, i32) {
    %c0_i32 = arith.constant 0 : i32
    %c0_i32_0 = arith.constant 0 : i32
    %c0_i32_1 = arith.constant 0 : i32
    return %c0_i32, %c0_i32_0 : i32, i32
  }
  func.func @transform_10(%arg0: i32) -> (i32, i32) {
    %c0_i32 = arith.constant 0 : i32
    %c0_i32_0 = arith.constant 0 : i32
    %c0_i32_1 = arith.constant 0 : i32
    return %c0_i32, %c0_i32_0 : i32, i32
  }
  func.func @transform_11(%arg0: i32) -> (i32, i32) {
    %c0_i32 = arith.constant 0 : i32
    %c0_i32_0 = arith.constant 0 : i32
    %c0_i32_1 = arith.constant 0 : i32
    return %c0_i32, %c0_i32_0 : i32, i32
  }
  func.func @transform_12(%arg0: i32) -> (i32, i32) {
    %c0_i32 = arith.constant 0 : i32
    %c0_i32_0 = arith.constant 0 : i32
    %c0_i32_1 = arith.constant 0 : i32
    return %c0_i32, %c0_i32_0 : i32, i32
  }
  func.func @transform_13(%arg0: i32) -> (i32, i32, i32) {
    %c0_i32 = arith.constant 0 : i32
    %c0_i32_0 = arith.constant 0 : i32
    %c0_i32_1 = arith.constant 0 : i32
    %c0_i32_2 = arith.constant 0 : i32
    return %c0_i32, %c0_i32_0, %c0_i32_1 : i32, i32, i32
  }
  func.func @transform_14(%arg0: i32) -> (i32, i32) {
    %c0_i32 = arith.constant 0 : i32
    %c0_i32_0 = arith.constant 0 : i32
    %c0_i32_1 = arith.constant 0 : i32
    return %c0_i32, %c0_i32_0 : i32, i32
  }
  func.func @transform_15(%arg0: i32) -> (i32, i32) {
    %c0_i32 = arith.constant 0 : i32
    %c0_i32_0 = arith.constant 0 : i32
    return %arg0, %c0_i32 : i32, i32
  }
  func.func @transform_16(%arg0: i32) -> (i32, i32) {
    %c0_i32 = arith.constant 0 : i32
    %c0_i32_0 = arith.constant 0 : i32
    return %arg0, %c0_i32 : i32, i32
  }
}

</mosaic_0001>

<sc_bundles>
// kernel: kernel.10.cloned.1.call-start
scs
__scs_entry_jumppad:
0x0: {  	(pc) =	sbr.rel $0x88, $3  }
0x1: {  	(tag) =	ssettag $0x0;
	lr =	simm.s32 $0x1  }
0x2: {  	[smem:$0x3F88] =	sst lr;
	_ =	strace $0xD0000000  }
0x3: {  	_ = 	snop  }
0x4: {  	_ = 	snop  }
0x5: {  	_ = 	snop  }
0x6: {  	_ = 	snop  }
0x7: {  	_ = 	snop  }
__scs_overlays_trampoline_lowered:
0x8: {  	[smem:$0x3F97] =	sst s0  }
0x9: {  	[smem:$0x3F98] =	sst s1  }
0xa: {  	[smem:$0x3F99] =	sst s2  }
0xb: {  	[smem:$0x3F9A] =	sst s3  }
0xc: {  	[smem:$0x3F9B] =	sst s4  }
0xd: {  	[smem:$0x3F9C] =	sst s5  }
0xe: {  	[smem:$0x3F9D] =	sst s6  }
0xf: {  	[smem:$0x3F9E] =	sst s7  }
0x10: {  	[smem:$0x3F9F] =	sst s8  }
0x11: {  	[smem:$0x3FA0] =	sst s9;
	s0 =	simm.s32 @!p0 $0x0  }
0x12: {  	s1 =	sld [smem:$0x3F86];
	s0 =	simm.s32 @p0 $0x1  }
0x13: {  	[smem:$0x3FA1] =	sst s0;
	s0 =	simm.s32 @!p1 $0x0  }
0x14: {  	s2 =	sld [smem:$0x3F85];
	s0 =	simm.s32 @p1 $0x1  }
0x15: {  	[smem:$0x3FA2] =	sst s0;
	s0 =	simm.s32 @!p2 $0x0  }
0x16: {  	s3 =	sld [smem:$0x3FDB];
	s0 =	simm.s32 @p2 $0x1  }
0x17: {  	s4 =	simm.s32 $0x1BF5;
	[smem:$0x3FA4] =	sst s0  }
0x18: {  	s0 =	sld [smem:$0x3F87];
	_ =	swait.ge [sflag:s4], $0x0  }
0x19: {  	s7 =	sld [smem:$0x3F88]  }
0x1a: {  	s8 =	sadd.s32 $0xFFFFE003, lr  }
0x1b: {  	s9 =	sadd.s32 $0xFFFFFEF7, lr;
	s5 =	simm.s32 $0xFFFFFFFF;
	p2 =	slt.u32 s8, $0xFFFFF086  }
0x1c: {  	p1 =	slt.u32 s9, $0xF7A;
	s5 =	simm.s32 @!p2 $0x0  }
0x1d: {  	s5 =	simm.s32 @p1 $0x1;
	p0 =	seq.s32 s7, s2  }
0x1e: {  	s7 =	smul.u32 @!p0 $0xF7A, s2;
	p2 =	seq.s32 @!p0 s5, $0x0  }
0x1f: {  	s9 =	smul.u32 $0xF7A, s1;
	s8 =	simm.s32 @!p0 $0x1BF5;
	p2 =	por !p2, p0  }
0x20: {  	[sflag:s8] =	ssyncset.s32 @!p0 $0xFFFFF086;
	s6 =	sadd.s32 @!p0 s3, s7;
	s7 =	simm.s32 @!p0 $0x108  }
0x21: {  	s3 =	sadd.s32 s3, s9;
	s6 =	sadd.s32 @!p0 $0x88, s6;
	s7 =	simm.s32 @p2 $0x1082  }
0x22: {  	[simem:s7], [sflag:s8] =	dma.local @!p0 [hbm:s6], $0xF7A  }
0x23: {  	s9 =	sor.u32 $0xD0000000, s2;
	s6 =	simm.s32 $0x108;
	_ =	swait.ge @!p0 [sflag:s8], $0x0  }
0x24: {  	s3 =	sadd.s32 $0x88, s3;
	s6 =	simm.s32 @!p1 $0x1082;
	[sflag:s4] =	ssyncset.s32 $0xFFFFF086  }
0x25: {  	[simem:s6], [sflag:s4] =	dma.local [hbm:s3], $0xF7A  }
0x26: {  	[smem:$0x3F88] =	sst s1;
	(tag) =	ssettag s2;
	_ =	strace s9  }
0x27: {  	s1 =	sld [smem:$0x3F98]  }
0x28: {  	s2 =	sld [smem:$0x3F99]  }
0x29: {  	s4 =	sld [smem:$0x3F9B]  }
0x2a: {  	p0 =	seq.s32 s5, $0x0;
	s5 =	sld [smem:$0x3F9C]  }
0x2b: {  	s6 =	sld [smem:$0x3F9D]  }
0x2c: {  	s7 =	sld [smem:$0x3F9E]  }
0x2d: {  	s3 =	simm.s32 $0x108;
	s8 =	sld [smem:$0x3F9F]  }
0x2e: {  	s3 =	simm.s32 @!p0 $0x1082;
	s9 =	sld [smem:$0x3FA0]  }
0x2f: {  	lr =	sadd.s32 s0, s3;
	s0 =	sld [smem:$0x3F97]  }
0x30: {  	s3 =	sld [smem:$0x3F9A]  }
0x31: {  	[smem:$0x3FA3] =	sst s10  }
0x32: {  	s10 =	sld [smem:$0x3FA1];
	_ =	sdelay $0x3  }
0x33: {  	p0 =	seq.s32 s10, $0x1;
	s10 =	sld [smem:$0x3FA3];
	_ =	sdelay $0x3  }
0x34: {  	[smem:$0x3FA3] =	sst s10  }
0x35: {  	s10 =	sld [smem:$0x3FA2];
	_ =	sdelay $0x3  }
0x36: {  	p1 =	seq.s32 s10, $0x1;
	s10 =	sld [smem:$0x3FA3];
	_ =	sdelay $0x3  }
0x37: {  	[smem:$0x3FA3] =	sst s10  }
0x38: {  	s10 =	sld [smem:$0x3FA4]  }
0x39: {  	_ = 	snop;
	(pc) =	sbr.ind lr, $3  }
0x3a: {  	_ = 	snop  }
0x3b: {  	_ = 	snop  }
0x3c: {  	p2 =	seq.s32 s10, $0x1;
	s10 =	sld [smem:$0x3FA3]  }
0x3d: {  	_ =	shalt  }
0x3e: {  	_ =	shalt  }
0x3f: {  	_ =	shalt  }
0x40: {  	_ =	shalt  }
0x41: {  	_ =	shalt  }
0x42: {  	_ =	shalt  }
0x43: {  	_ =	shalt  }
0x44: {  	_ =	shalt  }
0x45: {  	_ =	shalt  }
0x46: {  	_ =	shalt  }
0x47: {  	_ =	shalt  }
0x48: {  	_ =	shalt  }
0x49: {  	_ =	shalt  }
0x4a: {  	_ =	shalt  }
0x4b: {  	_ =	shalt  }
0x4c: {  	_ =	shalt  }
0x4d: {  	_ =	shalt  }
0x4e: {  	_ =	shalt  }
0x4f: {  	_ =	shalt  }
0x50: {  	_ =	shalt  }
0x51: {  	_ =	shalt  }
0x52: {  	_ =	shalt  }
0x53: {  	_ =	shalt  }
0x54: {  	_ =	shalt  }
0x55: {  	_ =	shalt  }
0x56: {  	_ =	shalt  }
0x57: {  	_ =	shalt  }
0x58: {  	_ =	shalt  }
0x59: {  	_ =	shalt  }
0x5a: {  	_ =	shalt  }
0x5b: {  	_ =	shalt  }
0x5c: {  	_ =	shalt  }
0x5d: {  	_ =	shalt  }
0x5e: {  	_ =	shalt  }
0x5f: {  	_ =	shalt  }
0x60: {  	_ =	shalt  }
0x61: {  	_ =	shalt  }
0x62: {  	_ =	shalt  }
0x63: {  	_ =	shalt  }
0x64: {  	_ =	shalt  }
0x65: {  	_ =	shalt  }
0x66: {  	_ =	shalt  }
0x67: {  	_ =	shalt  }
0x68: {  	_ =	shalt  }
0x69: {  	_ =	shalt  }
0x6a: {  	_ =	shalt  }
0x6b: {  	_ =	shalt  }
0x6c: {  	_ =	shalt  }
0x6d: {  	_ =	shalt  }
0x6e: {  	_ =	shalt  }
0x6f: {  	_ =	shalt  }
0x70: {  	_ =	shalt  }
0x71: {  	_ =	shalt  }
0x72: {  	_ =	shalt  }
0x73: {  	_ =	shalt  }
0x74: {  	_ =	shalt  }
0x75: {  	_ =	shalt  }
0x76: {  	_ =	shalt  }
0x77: {  	_ =	shalt  }
0x78: {  	_ =	shalt  }
0x79: {  	_ =	shalt  }
0x7a: {  	_ =	shalt  }
0x7b: {  	_ =	shalt  }
0x7c: {  	_ =	shalt  }
0x7d: {  	_ =	shalt  }
0x7e: {  	_ =	shalt  }
0x7f: {  	_ =	shalt  }
0x80: {  	_ =	shalt  }
0x81: {  	_ =	shalt  }
0x82: {  	_ =	shalt  }
0x83: {  	_ =	shalt  }
0x84: {  	_ =	shalt  }
0x85: {  	_ =	shalt  }
0x86: {  	_ =	shalt  }
0x87: {  	_ =	shalt  }
.Lfunc_end0:
.L_simem_size_0:
called_computation.1_lowered:
.L_overlay_start_0:
0x88: {  	s2 =	sld [smem:$0x3FD9]  }
0x89: {  	s3 =	sld [smem:$0x3FFE];
	_ =	sdelay $0x1  }
0x8a: {  	s1 =	srdreg.scid  }
0x8b: {  	s0 =	sand.u32 $0x1, s1  }
0x8c: {  	s16 =	sshll.u32 s0, $0xA;
	s2 =	sadd.s32 s3, s2  }
0x8d: {  	s2 =	sadd.s32 s2, s16  }
0x8e: {  	[smem:$0x3FAF] =	sst s2  }
0x8f: {  	_ = 	snop  }
0x90: {  	(tm) =	ssettm $0x1  }
0x91: {  	s17 =	sld [smem:$0x3FFB];
	_ =	sdelay $0x3  }
0x92: {  	_ =	strace s17  }
0x93: {  	s2 =	sld [smem:$0x3FFC];
	_ =	sdelay $0x3  }
0x94: {  	_ =	strace s2  }
0x95: {  	s2 =	sld [smem:$0x3FFD];
	_ =	sdelay $0x3  }
0x96: {  	_ =	strace s2  }
0x97: {  	_ =	strace $0x8FFFFFFF  }
0x98: {  	s18 =	sld [smem:$0x3FDB];
	_ =	sdelay $0x1  }
0x99: {  	s19 =	simm.s32 $_scs_section_size  }
0x9a: {  	s4 =	simm.s32 $_size__tile_overlayer_lowered;
	s5 =	simm.s32 $_tile_overlayer_lowered  }
0x9b: {  	s22 =	simm.s32 $0x1BFF;
	s21 =	sshll.u32 s5, $0x1;
	s2 =	sadd.s32 s19, s18  }
0x9c: {  	s6 =	simm.s32 $0x0;
	s20 =	sshll.u32 s4, $0x1;
	s4 =	sadd.s32 s21, s2  }
0x9d: {  	[timem:s6], [sflag:s22] =	dma.local [hbm:s4], s20  }
0x9e: {  	_ =	swait.ge [sflag:s22], s20  }
0x9f: {  	s3 =	ssub.s32 $0x0, s20;
	[sflag:s22] =	ssyncset.done $0x0  }
0xa0: {  	[sflag:s22] =	ssyncadd.s32 s3;
	_ =	sdelay $0x1  }
0xa1: {  	s23 =	simm.s32 $0x1B8B  }
0xa2: {  	_ =	swait.ge [sflag:s23], $0x1  }
0xa3: {  	[sflag:s23] =	ssyncset.done $0x0  }
0xa4: {  	s25 =	simm.s32 $0x1B8E;
	s24 =	sld [smem:$0x3FFE];
	[sflag:s23] =	ssyncadd.s32 $0xFFFFFFFF  }
0xa5: {  	s26 =	simm.s32 $execute0_lowered;
	[smem:$0x3FD2] =	sst s25  }
0xa6: {  	s4 =	sshll.u32 s26, $0x1;
	_ =	strace $0x80000049;
	[dreg:$0x1] =	wrdreg $0xFFFFFFFF  }
0xa7: {  	s28 =	simm.s32 $_size_execute0_lowered;
	s2 =	sadd.s32 s2, s4;
	[dreg:$0x0] =	wrdreg $0x0  }
0xa8: {  	s4 =	sshll.u32 s28, $0x1;
	[dreg:$0x2] =	wrdreg s2  }
0xa9: {  	[dreg:$0x3] =	wrdreg s4  }
0xaa: {  	[dreg:$0x4] =	wrdreg $0xC0  }
0xab: {  	_ =	task [dreg:s6], $0x5FFFF  }
0xac: {  	[dreg:$0x1] =	wrdreg $0xFFFFFFFF  }
0xad: {  	[dreg:$0x0] =	wrdreg $0x60  }
0xae: {  	[dreg:$0x2] =	wrdreg s24  }
0xaf: {  	[dreg:$0x3] =	wrdreg $0x9  }
0xb0: {  	_ =	task.clear_ibuf [dreg:s6], $0x4FFFF;
	_ =	strace $0x90000049  }
0xb1: {  	s29 =	simm.s32 $0x9;
	_ =	strace $0x8000004B  }
0xb2: {  	_ =	swait.ge [sflag:s29], $0x1  }
0xb3: {  	[sflag:s29] =	ssyncadd.s32 $0xFFFFFFFF  }
0xb4: {  	_ =	strace $0x9000004B  }
0xb5: {  	_ =	sfence  }
0xb6: {  	s30 =	sld [smem:$0x0];
	_ =	sdelay $0x2  }
0xb7: {  	s31 =	sshll.u32 s1, $0xD;
	s1 =	sshrl.u32 s1, $0x2  }
0xb8: {  	s3 =	sand.u32 $0x4000, s31;
	s1 =	sadd.s32 s1, s30  }
0xb9: {  	s0 =	sor.u32 s3, s0;
	s1 =	sshll.u32 s1, $0x11  }
0xba: {  	s0 =	sor.u32 s1, s0  }
0xbb: {  	s0 =	sadd.s32 $0x8F2B, s0  }
0xbc: {  	[sflag:s0] =	ssyncadd.remote.s32 $0x1  }
0xbd: {  	_ =	sfence.sel $0xFFFF  }
0xbe: {  	[dreg:$0x0] =	wrdreg $0xFFFFFFFF;
	(pc) =	sbr.abs _section_cstart, $3  }
0xbf: {  	[dreg:$0x1] =	wrdreg $0xFFFFFFFF  }
0xc0: {  	_ =	task.clear_ibuf [dreg:s6], $0x2FFFF;
	_ =	strace $0x9FFFFFFF  }
0xc1: {  	(tm) =	ssettm $0x7FFFFFFF  }
tec
execute0_lowered:
.L_overlay_start_1:
0x0: {  	(tag) =	ssettag $0x1  }
0x1: {  	s3 =	rddreg [dreg:$0x0];
	s2 =	simm.s32 $0x0  }
0x2: {  	s25 =	simm.s32 $0xA0;
	[smem:$0x7FF] =	sst s2  }
0x3: {  	s26 =	simm.s32 $0xF0;
	_ =	strace $0x8000004A;
	[dreg:$0x4] =	wrdreg s25  }
0x4: {  	s5 =	simm.s32 $0x190;
	[dreg:$0x5] =	wrdreg s26  }
0x5: {  	s6 =	simm.s32 $0x1E0;
	[dreg:$0x7] =	wrdreg s5  }
0x6: {  	s7 =	simm.s32 $0x230;
	[dreg:$0x8] =	wrdreg s6  }
0x7: {  	s8 =	simm.s32 $0x280;
	[dreg:$0x9] =	wrdreg s7  }
0x8: {  	s9 =	simm.s32 $0x2D0;
	[dreg:$0xa] =	wrdreg s8  }
0x9: {  	s10 =	simm.s32 $0x320;
	[dreg:$0xb] =	wrdreg s9  }
0xa: {  	s11 =	simm.s32 $0x370;
	[dreg:$0xc] =	wrdreg s10  }
0xb: {  	s12 =	simm.s32 $0x3C0;
	[dreg:$0xd] =	wrdreg s11  }
0xc: {  	s13 =	simm.s32 $0x410;
	[dreg:$0xe] =	wrdreg s12  }
0xd: {  	s15 =	simm.s32 $0x460;
	[dreg:$0xf] =	wrdreg s13  }
0xe: {  	s16 =	simm.s32 $0x4B0;
	[dreg:$0x10] =	wrdreg s15  }
0xf: {  	s17 =	simm.s32 $0x500;
	[dreg:$0x11] =	wrdreg s16  }
0x10: {  	s18 =	simm.s32 $0x550;
	[dreg:$0x12] =	wrdreg s17  }
0x11: {  	s19 =	simm.s32 $0x5A0;
	[dreg:$0x13] =	wrdreg s18  }
0x12: {  	s0 =	srdreg.scid;
	s20 =	simm.s32 $0x5F0;
	[dreg:$0x14] =	wrdreg s19  }
0x13: {  	s14 =	stileid.u32;
	s21 =	simm.s32 $0x640;
	[dreg:$0x15] =	wrdreg s20  }
0x14: {  	s22 =	simm.s32 $0x690;
	s23 =	simm.s32 $0x6E0;
	[dreg:$0x16] =	wrdreg s21  }
0x15: {  	s1 =	sand.u32 $0x1, s0;
	s24 =	sshll.u32 s14, $0x1;
	[dreg:$0x17] =	wrdreg s22  }
0x16: {  	s0 =	sor.u32 s1, s24;
	[dreg:$0x18] =	wrdreg s23;
	s24 =	simm.s32 $0x730  }
0x17: {  	s25 =	simm.s32 $0x780;
	[dreg:$0x19] =	wrdreg s24  }
0x18: {  	s26 =	simm.s32 $0x7D0;
	[dreg:$0x1a] =	wrdreg s25  }
0x19: {  	s5 =	simm.s32 $0x870;
	[dreg:$0x1b] =	wrdreg s26  }
0x1a: {  	s6 =	simm.s32 $0x8C0;
	[dreg:$0x1d] =	wrdreg s5  }
0x1b: {  	s7 =	simm.s32 $0x910;
	[dreg:$0x1e] =	wrdreg s6  }
0x1c: {  	s8 =	simm.s32 $0x960;
	[dreg:$0x1f] =	wrdreg s7  }
0x1d: {  	s31 =	simm.s32 $0xF00;
	s9 =	simm.s32 $0x9B0;
	[smem:$0x7ED] =	sst s8  }
0x1e: {  	s30 =	simm.s32 $0xF50;
	s10 =	simm.s32 $0xA00;
	[smem:$0x7EE] =	sst s9  }
0x1f: {  	s29 =	simm.s32 $0xFA0;
	s11 =	simm.s32 $0xA50;
	[smem:$0x7EF] =	sst s10  }
0x20: {  	s28 =	simm.s32 $0xFF0;
	s12 =	simm.s32 $0xAA0;
	[smem:$0x7F0] =	sst s11  }
0x21: {  	p0 =	por $0x0, $0x0;
	s13 =	simm.s32 $0xAF0;
	[smem:$0x7F1] =	sst s12  }
0x22: {  	s1 =	ssub.s32 $0x2, s1;
	s16 =	simm.s32 $0xB40;
	[smem:$0x7F2] =	sst s13  }
0x23: {  	s17 =	simm.s32 $0xB90;
	s18 =	simm.s32 $0xBE0;
	[smem:$0x7F3] =	sst s16  }
0x24: {  	s19 =	simm.s32 $0xC30;
	s20 =	simm.s32 $0xC80;
	[smem:$0x7F4] =	sst s17  }
0x25: {  	s21 =	simm.s32 $0xCD0;
	s22 =	simm.s32 $0xD20;
	[smem:$0x7F5] =	sst s18  }
0x26: {  	s23 =	simm.s32 $0xD70;
	s4 =	smul.u32 $0x280, s0;
	[smem:$0x7F6] =	sst s19  }
0x27: {  	s0 =	smul.u32 $0x1400, s0;
	s15 =	sshrl.u32 s1, $0x1;
	[smem:$0x7F7] =	sst s20  }
0x28: {  	s6 =	simm.s32 $0x50;
	s5 =	simm.s32 $0x1400;
	[smem:$0x7F8] =	sst s21  }
0x29: {  	s13 =	simm.s32 $0x3C00;
	s12 =	simm.s32 $0x6400;
	[smem:$0x7F9] =	sst s22  }
0x2a: {  	s8 =	simm.s32 $0x8C00;
	[smem:$0x7FA] =	sst s23;
	s24 =	simm.s32 $0xDC0  }
0x2b: {  	s9 =	simm.s32 $0x1;
	s25 =	simm.s32 $0xE10;
	s10 =	simm.s32 $0x2  }
0x2c: {  	s26 =	simm.s32 $0xE60;
	s11 =	simm.s32 $0x3;
	s7 =	simm.s32 $0x4  }
0x2d: {  	s20 =	simm.s32 $0xEB0;
	s23 =	simm.s32 $0x1130;
	s22 =	simm.s32 $0x1180  }
0x2e: {  	s21 =	simm.s32 $0x1220;
	s19 =	simm.s32 $0x1270;
	[smem:$0x7FB] =	sst s24  }
0x2f: {  	s18 =	simm.s32 $0x12C0;
	s17 =	simm.s32 $0x1310;
	[smem:$0x7FC] =	sst s25  }
0x30: {  	s16 =	simm.s32 $0x1360;
	s1 =	ssub.s32 s1, s15;
	[smem:$0x7FD] =	sst s26  }
0x31: {  	s26 =	simm.s32 $0x1040;
	s4 =	sadd.s32 s4, s3;
	s1 =	smax.u32 s1, $0x1  }
0x32: {  	s0 =	sadd.s32 s0, s3;
	s4 =	sadd.s32 $0x50DA00, s4;
	p1 =	sne.s32 s1, $0x1  }
.Ltmp0:
0x33: {  	s0 =	sadd.s32 $0x4800, s0;
	[dreg:$0x2] =	wrdreg s4;
	(pc) =	sbr.rel @!p1 .LBB2_1-.Ltmp0, $4  }
0x34: {  	s25 =	simm.s32 $0x1090;
	[dreg:$0x3] =	wrdreg s0;
	s4 =	simm.s32 $0x140  }
0x35: {  	s24 =	simm.s32 $0x10E0;
	s15 =	simm.s32 $0x13B0;
	[dreg:$0x6] =	wrdreg s4  }
0x36: {  	s1 =	sadd.s32 $0xFFFFFFFF, s1;
	s4 =	simm.s32 $0x820;
	s0 =	rddreg [dreg:$0x2]  }
0x37: {  	[dreg:$0x1c] =	wrdreg s4;
	s4 =	sadd.s32 $0x512A00, s3;
	s3 =	simm.s32 $0x5  }
0x38: {  	[tilespmem:s2], [sflag:$0x5] =	stream.linear.gather [hbm4b:s0+s2], $0x1400, $0x38;
	[tilespmem:$0xB400] =	vst v63  }
0x39: {  	_ =	swait.ge [sflag:s3], $0x1400  }
0x3a: {  	[sflag:s3] =	ssyncset.done $0x0  }
0x3b: {  	[sflag:s3] =	ssyncadd.s32 $0xFFFFEC00  }
0x3c: {  	[tilespmem:s5], [sflag:$0x1] =	stream.indirect.gather [hbm4b:s4+s6], $0x80, s2, s6, $0xb8;
	[tilespmem:$0xB400] =	vst v63  }
0x3d: {  	_ = 	snop  }
0x3e: {  	[tilespmem:s13], [sflag:$0x2] =	stream.indirect.gather [hbm4b:s4+s6], $0x80, s6, s6, $0xb8;
	[tilespmem:$0xB400] =	vst v63  }
0x3f: {  	s0 =	rddreg [dreg:$0x4]  }
0x40: {  	[tilespmem:s12], [sflag:$0x3] =	stream.indirect.gather [hbm4b:s4+s6], $0x80, s0, s6, $0xb8;
	[tilespmem:$0xB400] =	vst v63  }
0x41: {  	s14 =	smov.u32 s1;
	s1 =	rddreg [dreg:$0x5]  }
0x42: {  	[tilespmem:s8], [sflag:$0x4] =	stream.indirect.gather [hbm4b:s4+s6], $0x80, s1, s6, $0xb8;
	[tilespmem:$0xB400] =	vst v63  }
0x43: {  	_ =	swait.ge [sflag:s9], $0x2800  }
0x44: {  	[sflag:s9] =	ssyncset.done $0x0  }
0x45: {  	s1 =	rddreg [dreg:$0x6];
	[sflag:s9] =	ssyncadd.s32 $0xFFFFD800  }
0x46: {  	[tilespmem:s5], [sflag:$0x1] =	stream.indirect.gather.add.f32 [hbm:s4], $0x80, s1, s6, $0xb8;
	[tilespmem:$0xB400] =	vst v63  }
0x47: {  	_ =	swait.ge [sflag:s10], $0x2800  }
0x48: {  	[sflag:s10] =	ssyncset.done $0x0  }
0x49: {  	s1 =	rddreg [dreg:$0x7];
	[sflag:s10] =	ssyncadd.s32 $0xFFFFD800  }
0x4a: {  	[tilespmem:s13], [sflag:$0x2] =	stream.indirect.gather.add.f32 [hbm:s4], $0x80, s1, s6, $0xb8;
	[tilespmem:$0xB400] =	vst v63  }
0x4b: {  	_ =	swait.ge [sflag:s11], $0x2800  }
0x4c: {  	[sflag:s11] =	ssyncset.done $0x0  }
0x4d: {  	s1 =	rddreg [dreg:$0x8];
	[sflag:s11] =	ssyncadd.s32 $0xFFFFD800  }
0x4e: {  	[tilespmem:s12], [sflag:$0x3] =	stream.indirect.gather.add.f32 [hbm:s4], $0x80, s1, s6, $0xb8;
	[tilespmem:$0xB400] =	vst v63  }
0x4f: {  	_ =	swait.ge [sflag:s7], $0x2800  }
0x50: {  	[sflag:s7] =	ssyncset.done $0x0  }
0x51: {  	s1 =	rddreg [dreg:$0x9];
	[sflag:s7] =	ssyncadd.s32 $0xFFFFD800  }
0x52: {  	[tilespmem:s8], [sflag:$0x4] =	stream.indirect.gather.add.f32 [hbm:s4], $0x80, s1, s6, $0xb8;
	[tilespmem:$0xB400] =	vst v63  }
0x53: {  	_ =	swait.ge [sflag:s9], $0x2800  }
0x54: {  	[sflag:s9] =	ssyncset.done $0x0  }
0x55: {  	s1 =	rddreg [dreg:$0xa];
	[sflag:s9] =	ssyncadd.s32 $0xFFFFD800  }
0x56: {  	[tilespmem:s5], [sflag:$0x1] =	stream.indirect.gather.add.f32 [hbm:s4], $0x80, s1, s6, $0xb8;
	[tilespmem:$0xB400] =	vst v63  }
0x57: {  	_ =	swait.ge [sflag:s10], $0x2800  }
0x58: {  	[sflag:s10] =	ssyncset.done $0x0  }
0x59: {  	s1 =	rddreg [dreg:$0xb];
	[sflag:s10] =	ssyncadd.s32 $0xFFFFD800  }
0x5a: {  	[tilespmem:s13], [sflag:$0x2] =	stream.indirect.gather.add.f32 [hbm:s4], $0x80, s1, s6, $0xb8;
	[tilespmem:$0xB400] =	vst v63  }
0x5b: {  	_ =	swait.ge [sflag:s11], $0x2800  }
0x5c: {  	[sflag:s11] =	ssyncset.done $0x0  }
0x5d: {  	s1 =	rddreg [dreg:$0xc];
	[sflag:s11] =	ssyncadd.s32 $0xFFFFD800  }
0x5e: {  	[tilespmem:s12], [sflag:$0x3] =	stream.indirect.gather.add.f32 [hbm:s4], $0x80, s1, s6, $0xb8;
	[tilespmem:$0xB400] =	vst v63  }
0x5f: {  	_ =	swait.ge [sflag:s7], $0x2800  }
0x60: {  	[sflag:s7] =	ssyncset.done $0x0  }
0x61: {  	s1 =	rddreg [dreg:$0xd];
	[sflag:s7] =	ssyncadd.s32 $0xFFFFD800  }
0x62: {  	[tilespmem:s8], [sflag:$0x4] =	stream.indirect.gather.add.f32 [hbm:s4], $0x80, s1, s6, $0xb8;
	[tilespmem:$0xB400] =	vst v63  }
0x63: {  	_ =	swait.ge [sflag:s9], $0x2800  }
0x64: {  	[sflag:s9] =	ssyncset.done $0x0  }
0x65: {  	s1 =	rddreg [dreg:$0xe];
	[sflag:s9] =	ssyncadd.s32 $0xFFFFD800  }
0x66: {  	[tilespmem:s5], [sflag:$0x1] =	stream.indirect.gather.add.f32 [hbm:s4], $0x80, s1, s6, $0xb8;
	[tilespmem:$0xB400] =	vst v63  }
0x67: {  	_ =	swait.ge [sflag:s10], $0x2800  }
0x68: {  	[sflag:s10] =	ssyncset.done $0x0  }
0x69: {  	s1 =	rddreg [dreg:$0xf];
	[sflag:s10] =	ssyncadd.s32 $0xFFFFD800  }
0x6a: {  	[tilespmem:s13], [sflag:$0x2] =	stream.indirect.gather.add.f32 [hbm:s4], $0x80, s1, s6, $0xb8;
	[tilespmem:$0xB400] =	vst v63  }
0x6b: {  	_ =	swait.ge [sflag:s11], $0x2800  }
0x6c: {  	[sflag:s11] =	ssyncset.done $0x0  }
0x6d: {  	s1 =	rddreg [dreg:$0x10];
	[sflag:s11] =	ssyncadd.s32 $0xFFFFD800  }
0x6e: {  	[tilespmem:s12], [sflag:$0x3] =	stream.indirect.gather.add.f32 [hbm:s4], $0x80, s1, s6, $0xb8;
	[tilespmem:$0xB400] =	vst v63  }
0x6f: {  	_ =	swait.ge [sflag:s7], $0x2800  }
0x70: {  	[sflag:s7] =	ssyncset.done $0x0  }
0x71: {  	s1 =	rddreg [dreg:$0x11];
	[sflag:s7] =	ssyncadd.s32 $0xFFFFD800  }
0x72: {  	[tilespmem:s8], [sflag:$0x4] =	stream.indirect.gather.add.f32 [hbm:s4], $0x80, s1, s6, $0xb8;
	[tilespmem:$0xB400] =	vst v63  }
0x73: {  	_ =	swait.ge [sflag:s9], $0x2800  }
0x74: {  	[sflag:s9] =	ssyncset.done $0x0  }
0x75: {  	s1 =	rddreg [dreg:$0x12];
	[sflag:s9] =	ssyncadd.s32 $0xFFFFD800  }
0x76: {  	[tilespmem:s5], [sflag:$0x1] =	stream.indirect.gather.add.f32 [hbm:s4], $0x80, s1, s6, $0xb8;
	[tilespmem:$0xB400] =	vst v63  }
0x77: {  	_ =	swait.ge [sflag:s10], $0x2800  }
0x78: {  	[sflag:s10] =	ssyncset.done $0x0  }
0x79: {  	s1 =	rddreg [dreg:$0x13];
	[sflag:s10] =	ssyncadd.s32 $0xFFFFD800  }
0x7a: {  	[tilespmem:s13], [sflag:$0x2] =	stream.indirect.gather.add.f32 [hbm:s4], $0x80, s1, s6, $0xb8;
	[tilespmem:$0xB400] =	vst v63  }
0x7b: {  	_ =	swait.ge [sflag:s11], $0x2800  }
0x7c: {  	[sflag:s11] =	ssyncset.done $0x0  }
0x7d: {  	s1 =	rddreg [dreg:$0x14];
	[sflag:s11] =	ssyncadd.s32 $0xFFFFD800  }
0x7e: {  	[tilespmem:s12], [sflag:$0x3] =	stream.indirect.gather.add.f32 [hbm:s4], $0x80, s1, s6, $0xb8;
	[tilespmem:$0xB400] =	vst v63  }
0x7f: {  	_ =	swait.ge [sflag:s7], $0x2800  }
0x80: {  	[sflag:s7] =	ssyncset.done $0x0  }
0x81: {  	s1 =	rddreg [dreg:$0x15];
	[sflag:s7] =	ssyncadd.s32 $0xFFFFD800  }
0x82: {  	[tilespmem:s8], [sflag:$0x4] =	stream.indirect.gather.add.f32 [hbm:s4], $0x80, s1, s6, $0xb8;
	[tilespmem:$0xB400] =	vst v63  }
0x83: {  	_ =	swait.ge [sflag:s9], $0x2800  }
0x84: {  	[sflag:s9] =	ssyncset.done $0x0  }
0x85: {  	s1 =	rddreg [dreg:$0x16];
	[sflag:s9] =	ssyncadd.s32 $0xFFFFD800  }
0x86: {  	[tilespmem:s5], [sflag:$0x1] =	stream.indirect.gather.add.f32 [hbm:s4], $0x80, s1, s6, $0xb8;
	[tilespmem:$0xB400] =	vst v63  }
0x87: {  	_ =	swait.ge [sflag:s10], $0x2800  }
0x88: {  	[sflag:s10] =	ssyncset.done $0x0  }
0x89: {  	s1 =	rddreg [dreg:$0x17];
	[sflag:s10] =	ssyncadd.s32 $0xFFFFD800  }
0x8a: {  	[tilespmem:s13], [sflag:$0x2] =	stream.indirect.gather.add.f32 [hbm:s4], $0x80, s1, s6, $0xb8;
	[tilespmem:$0xB400] =	vst v63  }
0x8b: {  	_ =	swait.ge [sflag:s11], $0x2800  }
0x8c: {  	[sflag:s11] =	ssyncset.done $0x0  }
0x8d: {  	s1 =	rddreg [dreg:$0x18];
	[sflag:s11] =	ssyncadd.s32 $0xFFFFD800  }
0x8e: {  	[tilespmem:s12], [sflag:$0x3] =	stream.indirect.gather.add.f32 [hbm:s4], $0x80, s1, s6, $0xb8;
	[tilespmem:$0xB400] =	vst v63  }
0x8f: {  	_ =	swait.ge [sflag:s7], $0x2800  }
0x90: {  	[sflag:s7] =	ssyncset.done $0x0  }
0x91: {  	s1 =	rddreg [dreg:$0x19];
	[sflag:s7] =	ssyncadd.s32 $0xFFFFD800  }
0x92: {  	[tilespmem:s8], [sflag:$0x4] =	stream.indirect.gather.add.f32 [hbm:s4], $0x80, s1, s6, $0xb8;
	[tilespmem:$0xB400] =	vst v63  }
0x93: {  	_ =	swait.ge [sflag:s9], $0x2800  }
0x94: {  	[sflag:s9] =	ssyncset.done $0x0  }
0x95: {  	s1 =	rddreg [dreg:$0x1a];
	[sflag:s9] =	ssyncadd.s32 $0xFFFFD800  }
0x96: {  	[tilespmem:s5], [sflag:$0x1] =	stream.indirect.gather.add.f32 [hbm:s4], $0x80, s1, s6, $0xb8;
	[tilespmem:$0xB400] =	vst v63  }
0x97: {  	_ =	swait.ge [sflag:s10], $0x2800  }
0x98: {  	[sflag:s10] =	ssyncset.done $0x0  }
0x99: {  	s1 =	rddreg [dreg:$0x1b];
	[sflag:s10] =	ssyncadd.s32 $0xFFFFD800  }
0x9a: {  	[tilespmem:s13], [sflag:$0x2] =	stream.indirect.gather.add.f32 [hbm:s4], $0x80, s1, s6, $0xb8;
	[tilespmem:$0xB400] =	vst v63  }
0x9b: {  	_ =	swait.ge [sflag:s11], $0x2800  }
0x9c: {  	[sflag:s11] =	ssyncset.done $0x0  }
0x9d: {  	s1 =	rddreg [dreg:$0x1c];
	[sflag:s11] =	ssyncadd.s32 $0xFFFFD800  }
0x9e: {  	[tilespmem:s12], [sflag:$0x3] =	stream.indirect.gather.add.f32 [hbm:s4], $0x80, s1, s6, $0xb8;
	[tilespmem:$0xB400] =	vst v63  }
0x9f: {  	_ =	swait.ge [sflag:s7], $0x2800  }
0xa0: {  	[sflag:s7] =	ssyncset.done $0x0  }
0xa1: {  	s1 =	rddreg [dreg:$0x1d];
	[sflag:s7] =	ssyncadd.s32 $0xFFFFD800  }
0xa2: {  	[tilespmem:s8], [sflag:$0x4] =	stream.indirect.gather.add.f32 [hbm:s4], $0x80, s1, s6, $0xb8;
	[tilespmem:$0xB400] =	vst v63  }
0xa3: {  	_ =	swait.ge [sflag:s9], $0x2800  }
0xa4: {  	[sflag:s9] =	ssyncset.done $0x0  }
0xa5: {  	s1 =	rddreg [dreg:$0x1e];
	[sflag:s9] =	ssyncadd.s32 $0xFFFFD800  }
0xa6: {  	[tilespmem:s5], [sflag:$0x1] =	stream.indirect.gather.add.f32 [hbm:s4], $0x80, s1, s6, $0xb8;
	[tilespmem:$0xB400] =	vst v63  }
0xa7: {  	_ =	swait.ge [sflag:s10], $0x2800  }
0xa8: {  	[sflag:s10] =	ssyncset.done $0x0  }
0xa9: {  	s1 =	rddreg [dreg:$0x1f];
	[sflag:s10] =	ssyncadd.s32 $0xFFFFD800  }
0xaa: {  	[tilespmem:s13], [sflag:$0x2] =	stream.indirect.gather.add.f32 [hbm:s4], $0x80, s1, s6, $0xb8;
	[tilespmem:$0xB400] =	vst v63  }
0xab: {  	_ =	swait.ge [sflag:s11], $0x2800  }
0xac: {  	s1 =	sld [smem:$0x7ED]  }
0xad: {  	[sflag:s11] =	ssyncset.done $0x0  }
0xae: {  	[sflag:s11] =	ssyncadd.s32 $0xFFFFD800  }
0xaf: {  	[tilespmem:s12], [sflag:$0x3] =	stream.indirect.gather.add.f32 [hbm:s4], $0x80, s1, s6, $0xb8;
	[tilespmem:$0xB400] =	vst v63  }
0xb0: {  	_ =	swait.ge [sflag:s7], $0x2800  }
0xb1: {  	s1 =	sld [smem:$0x7EE]  }
0xb2: {  	[sflag:s7] =	ssyncset.done $0x0  }
0xb3: {  	[sflag:s7] =	ssyncadd.s32 $0xFFFFD800  }
0xb4: {  	[tilespmem:s8], [sflag:$0x4] =	stream.indirect.gather.add.f32 [hbm:s4], $0x80, s1, s6, $0xb8;
	[tilespmem:$0xB400] =	vst v63  }
0xb5: {  	_ =	swait.ge [sflag:s9], $0x2800  }
0xb6: {  	s1 =	sld [smem:$0x7EF]  }
0xb7: {  	[sflag:s9] =	ssyncset.done $0x0  }
0xb8: {  	[sflag:s9] =	ssyncadd.s32 $0xFFFFD800  }
0xb9: {  	[tilespmem:s5], [sflag:$0x1] =	stream.indirect.gather.add.f32 [hbm:s4], $0x80, s1, s6, $0xb8;
	[tilespmem:$0xB400] =	vst v63  }
0xba: {  	_ =	swait.ge [sflag:s10], $0x2800  }
0xbb: {  	s1 =	sld [smem:$0x7F0]  }
0xbc: {  	[sflag:s10] =	ssyncset.done $0x0  }
0xbd: {  	[sflag:s10] =	ssyncadd.s32 $0xFFFFD800  }
0xbe: {  	[tilespmem:s13], [sflag:$0x2] =	stream.indirect.gather.add.f32 [hbm:s4], $0x80, s1, s6, $0xb8;
	[tilespmem:$0xB400] =	vst v63  }
0xbf: {  	_ =	swait.ge [sflag:s11], $0x2800  }
0xc0: {  	s1 =	sld [smem:$0x7F1]  }
0xc1: {  	[sflag:s11] =	ssyncset.done $0x0  }
0xc2: {  	[sflag:s11] =	ssyncadd.s32 $0xFFFFD800  }
0xc3: {  	[tilespmem:s12], [sflag:$0x3] =	stream.indirect.gather.add.f32 [hbm:s4], $0x80, s1, s6, $0xb8;
	[tilespmem:$0xB400] =	vst v63  }
0xc4: {  	_ =	swait.ge [sflag:s7], $0x2800  }
0xc5: {  	s1 =	sld [smem:$0x7F2]  }
0xc6: {  	[sflag:s7] =	ssyncset.done $0x0  }
0xc7: {  	[sflag:s7] =	ssyncadd.s32 $0xFFFFD800  }
0xc8: {  	[tilespmem:s8], [sflag:$0x4] =	stream.indirect.gather.add.f32 [hbm:s4], $0x80, s1, s6, $0xb8;
	[tilespmem:$0xB400] =	vst v63  }
0xc9: {  	_ =	swait.ge [sflag:s9], $0x2800  }
0xca: {  	s1 =	sld [smem:$0x7F3]  }
0xcb: {  	[sflag:s9] =	ssyncset.done $0x0  }
0xcc: {  	[sflag:s9] =	ssyncadd.s32 $0xFFFFD800  }
0xcd: {  	[tilespmem:s5], [sflag:$0x1] =	stream.indirect.gather.add.f32 [hbm:s4], $0x80, s1, s6, $0xb8;
	[tilespmem:$0xB400] =	vst v63  }
0xce: {  	_ =	swait.ge [sflag:s10], $0x2800  }
0xcf: {  	s1 =	sld [smem:$0x7F4]  }
0xd0: {  	[sflag:s10] =	ssyncset.done $0x0  }
0xd1: {  	[sflag:s10] =	ssyncadd.s32 $0xFFFFD800  }
0xd2: {  	[tilespmem:s13], [sflag:$0x2] =	stream.indirect.gather.add.f32 [hbm:s4], $0x80, s1, s6, $0xb8;
	[tilespmem:$0xB400] =	vst v63  }
0xd3: {  	_ =	swait.ge [sflag:s11], $0x2800  }
0xd4: {  	s1 =	sld [smem:$0x7F5]  }
0xd5: {  	[sflag:s11] =	ssyncset.done $0x0  }
0xd6: {  	[sflag:s11] =	ssyncadd.s32 $0xFFFFD800  }
0xd7: {  	[tilespmem:s12], [sflag:$0x3] =	stream.indirect.gather.add.f32 [hbm:s4], $0x80, s1, s6, $0xb8;
	[tilespmem:$0xB400] =	vst v63  }
0xd8: {  	_ =	swait.ge [sflag:s7], $0x2800  }
0xd9: {  	s1 =	sld [smem:$0x7F6]  }
0xda: {  	[sflag:s7] =	ssyncset.done $0x0  }
0xdb: {  	[sflag:s7] =	ssyncadd.s32 $0xFFFFD800  }
0xdc: {  	[tilespmem:s8], [sflag:$0x4] =	stream.indirect.gather.add.f32 [hbm:s4], $0x80, s1, s6, $0xb8;
	[tilespmem:$0xB400] =	vst v63  }
0xdd: {  	_ =	swait.ge [sflag:s9], $0x2800  }
0xde: {  	s1 =	sld [smem:$0x7F7]  }
0xdf: {  	[sflag:s9] =	ssyncset.done $0x0  }
0xe0: {  	[sflag:s9] =	ssyncadd.s32 $0xFFFFD800  }
0xe1: {  	[tilespmem:s5], [sflag:$0x1] =	stream.indirect.gather.add.f32 [hbm:s4], $0x80, s1, s6, $0xb8;
	[tilespmem:$0xB400] =	vst v63  }
0xe2: {  	_ =	swait.ge [sflag:s10], $0x2800  }
0xe3: {  	s1 =	sld [smem:$0x7F8]  }
0xe4: {  	[sflag:s10] =	ssyncset.done $0x0  }
0xe5: {  	[sflag:s10] =	ssyncadd.s32 $0xFFFFD800  }
0xe6: {  	[tilespmem:s13], [sflag:$0x2] =	stream.indirect.gather.add.f32 [hbm:s4], $0x80, s1, s6, $0xb8;
	[tilespmem:$0xB400] =	vst v63  }
0xe7: {  	_ =	swait.ge [sflag:s11], $0x2800  }
0xe8: {  	s1 =	sld [smem:$0x7F9]  }
0xe9: {  	[sflag:s11] =	ssyncset.done $0x0  }
0xea: {  	[sflag:s11] =	ssyncadd.s32 $0xFFFFD800  }
0xeb: {  	[tilespmem:s12], [sflag:$0x3] =	stream.indirect.gather.add.f32 [hbm:s4], $0x80, s1, s6, $0xb8;
	[tilespmem:$0xB400] =	vst v63  }
0xec: {  	_ =	swait.ge [sflag:s7], $0x2800  }
0xed: {  	s1 =	sld [smem:$0x7FA]  }
0xee: {  	[sflag:s7] =	ssyncset.done $0x0  }
0xef: {  	[sflag:s7] =	ssyncadd.s32 $0xFFFFD800  }
0xf0: {  	[tilespmem:s8], [sflag:$0x4] =	stream.indirect.gather.add.f32 [hbm:s4], $0x80, s1, s6, $0xb8;
	[tilespmem:$0xB400] =	vst v63  }
0xf1: {  	_ =	swait.ge [sflag:s9], $0x2800  }
0xf2: {  	s1 =	sld [smem:$0x7FB]  }
0xf3: {  	[sflag:s9] =	ssyncset.done $0x0  }
0xf4: {  	[sflag:s9] =	ssyncadd.s32 $0xFFFFD800  }
0xf5: {  	[tilespmem:s5], [sflag:$0x1] =	stream.indirect.gather.add.f32 [hbm:s4], $0x80, s1, s6, $0xb8;
	[tilespmem:$0xB400] =	vst v63  }
0xf6: {  	_ =	swait.ge [sflag:s10], $0x2800  }
0xf7: {  	s1 =	sld [smem:$0x7FC]  }
0xf8: {  	[sflag:s10] =	ssyncset.done $0x0  }
0xf9: {  	[sflag:s10] =	ssyncadd.s32 $0xFFFFD800  }
0xfa: {  	[tilespmem:s13], [sflag:$0x2] =	stream.indirect.gather.add.f32 [hbm:s4], $0x80, s1, s6, $0xb8;
	[tilespmem:$0xB400] =	vst v63  }
0xfb: {  	_ =	swait.ge [sflag:s11], $0x2800  }
0xfc: {  	s1 =	sld [smem:$0x7FD]  }
0xfd: {  	[sflag:s11] =	ssyncset.done $0x0  }
0xfe: {  	[sflag:s11] =	ssyncadd.s32 $0xFFFFD800  }
0xff: {  	[tilespmem:s12], [sflag:$0x3] =	stream.indirect.gather.add.f32 [hbm:s4], $0x80, s1, s6, $0xb8;
	[tilespmem:$0xB400] =	vst v63  }
0x100: {  	_ =	swait.ge [sflag:s7], $0x2800  }
0x101: {  	[sflag:s7] =	ssyncset.done $0x0  }
0x102: {  	[sflag:s7] =	ssyncadd.s32 $0xFFFFD800  }
0x103: {  	[tilespmem:s8], [sflag:$0x4] =	stream.indirect.gather.add.f32 [hbm:s4], $0x80, s20, s6, $0xb8;
	[tilespmem:$0xB400] =	vst v63  }
0x104: {  	_ =	swait.ge [sflag:s9], $0x2800  }
0x105: {  	[sflag:s9] =	ssyncset.done $0x0  }
0x106: {  	[sflag:s9] =	ssyncadd.s32 $0xFFFFD800  }
0x107: {  	[tilespmem:s5], [sflag:$0x1] =	stream.indirect.gather.add.f32 [hbm:s4], $0x80, s31, s6, $0xb8;
	[tilespmem:$0xB400] =	vst v63  }
0x108: {  	_ =	swait.ge [sflag:s10], $0x2800  }
0x109: {  	[sflag:s10] =	ssyncset.done $0x0  }
0x10a: {  	[sflag:s10] =	ssyncadd.s32 $0xFFFFD800  }
0x10b: {  	[tilespmem:s13], [sflag:$0x2] =	stream.indirect.gather.add.f32 [hbm:s4], $0x80, s30, s6, $0xb8;
	[tilespmem:$0xB400] =	vst v63  }
0x10c: {  	_ =	swait.ge [sflag:s11], $0x2800  }
0x10d: {  	[sflag:s11] =	ssyncset.done $0x0  }
0x10e: {  	[sflag:s11] =	ssyncadd.s32 $0xFFFFD800  }
0x10f: {  	[tilespmem:s12], [sflag:$0x3] =	stream.indirect.gather.add.f32 [hbm:s4], $0x80, s29, s6, $0xb8;
	[tilespmem:$0xB400] =	vst v63  }
0x110: {  	_ =	swait.ge [sflag:s7], $0x2800  }
0x111: {  	[sflag:s7] =	ssyncset.done $0x0  }
0x112: {  	[sflag:s7] =	ssyncadd.s32 $0xFFFFD800  }
0x113: {  	[tilespmem:s8], [sflag:$0x4] =	stream.indirect.gather.add.f32 [hbm:s4], $0x80, s28, s6, $0xb8;
	[tilespmem:$0xB400] =	vst v63  }
0x114: {  	_ =	swait.ge [sflag:s9], $0x2800  }
0x115: {  	[sflag:s9] =	ssyncset.done $0x0  }
0x116: {  	[sflag:s9] =	ssyncadd.s32 $0xFFFFD800  }
0x117: {  	[tilespmem:s5], [sflag:$0x1] =	stream.indirect.gather.add.f32 [hbm:s4], $0x80, s26, s6, $0xb8;
	[tilespmem:$0xB400] =	vst v63  }
0x118: {  	_ =	swait.ge [sflag:s10], $0x2800  }
0x119: {  	[sflag:s10] =	ssyncset.done $0x0  }
0x11a: {  	[sflag:s10] =	ssyncadd.s32 $0xFFFFD800  }
0x11b: {  	[tilespmem:s13], [sflag:$0x2] =	stream.indirect.gather.add.f32 [hbm:s4], $0x80, s25, s6, $0xb8;
	[tilespmem:$0xB400] =	vst v63  }
0x11c: {  	_ =	swait.ge [sflag:s11], $0x2800  }
0x11d: {  	[sflag:s11] =	ssyncset.done $0x0  }
0x11e: {  	[sflag:s11] =	ssyncadd.s32 $0xFFFFD800  }
0x11f: {  	[tilespmem:s12], [sflag:$0x3] =	stream.indirect.gather.add.f32 [hbm:s4], $0x80, s24, s6, $0xb8;
	[tilespmem:$0xB400] =	vst v63  }
0x120: {  	_ =	swait.ge [sflag:s7], $0x2800  }
0x121: {  	[sflag:s7] =	ssyncset.done $0x0  }
0x122: {  	[sflag:s7] =	ssyncadd.s32 $0xFFFFD800  }
0x123: {  	[tilespmem:s8], [sflag:$0x4] =	stream.indirect.gather.add.f32 [hbm:s4], $0x80, s23, s6, $0xb8;
	[tilespmem:$0xB400] =	vst v63  }
0x124: {  	_ =	swait.ge [sflag:s9], $0x2800  }
0x125: {  	[sflag:s9] =	ssyncset.done $0x0  }
0x126: {  	[sflag:s9] =	ssyncadd.s32 $0xFFFFD800  }
0x127: {  	[tilespmem:s5], [sflag:$0x1] =	stream.indirect.gather.add.f32 [hbm:s4], $0x80, s22, s6, $0xb8;
	[tilespmem:$0xB400] =	vst v63  }
0x128: {  	_ =	swait.ge [sflag:s10], $0x2800  }
0x129: {  	[sflag:s10] =	ssyncset.done $0x0  }
0x12a: {  	s1 =	simm.s32 $0x11D0;
	[sflag:s10] =	ssyncadd.s32 $0xFFFFD800  }
0x12b: {  	[tilespmem:s13], [sflag:$0x2] =	stream.indirect.gather.add.f32 [hbm:s4], $0x80, s1, s6, $0xb8;
	[tilespmem:$0xB400] =	vst v63  }
0x12c: {  	_ =	swait.ge [sflag:s11], $0x2800  }
0x12d: {  	[sflag:s11] =	ssyncset.done $0x0  }
0x12e: {  	[sflag:s11] =	ssyncadd.s32 $0xFFFFD800  }
0x12f: {  	[tilespmem:s12], [sflag:$0x3] =	stream.indirect.gather.add.f32 [hbm:s4], $0x80, s21, s6, $0xb8;
	[tilespmem:$0xB400] =	vst v63  }
0x130: {  	_ =	swait.ge [sflag:s7], $0x2800  }
0x131: {  	[sflag:s7] =	ssyncset.done $0x0  }
0x132: {  	[sflag:s7] =	ssyncadd.s32 $0xFFFFD800  }
0x133: {  	[tilespmem:s8], [sflag:$0x4] =	stream.indirect.gather.add.f32 [hbm:s4], $0x80, s19, s6, $0xb8;
	[tilespmem:$0xB400] =	vst v63  }
0x134: {  	_ =	swait.ge [sflag:s9], $0x2800  }
0x135: {  	[sflag:s9] =	ssyncset.done $0x0  }
0x136: {  	[sflag:s9] =	ssyncadd.s32 $0xFFFFD800  }
0x137: {  	[tilespmem:s5], [sflag:$0x1] =	stream.indirect.gather.add.f32 [hbm:s4], $0x80, s18, s6, $0xb8;
	[tilespmem:$0xB400] =	vst v63  }
0x138: {  	_ =	swait.ge [sflag:s10], $0x2800  }
0x139: {  	[sflag:s10] =	ssyncset.done $0x0  }
0x13a: {  	[sflag:s10] =	ssyncadd.s32 $0xFFFFD800  }
0x13b: {  	[tilespmem:s13], [sflag:$0x2] =	stream.indirect.gather.add.f32 [hbm:s4], $0x80, s17, s6, $0xb8;
	[tilespmem:$0xB400] =	vst v63  }
0x13c: {  	_ =	swait.ge [sflag:s11], $0x2800  }
0x13d: {  	[sflag:s11] =	ssyncset.done $0x0  }
0x13e: {  	[sflag:s11] =	ssyncadd.s32 $0xFFFFD800  }
0x13f: {  	[tilespmem:s12], [sflag:$0x3] =	stream.indirect.gather.add.f32 [hbm:s4], $0x80, s16, s6, $0xb8;
	[tilespmem:$0xB400] =	vst v63  }
0x140: {  	_ =	swait.ge [sflag:s7], $0x2800  }
0x141: {  	[sflag:s7] =	ssyncset.done $0x0  }
0x142: {  	[sflag:s7] =	ssyncadd.s32 $0xFFFFD800  }
0x143: {  	[tilespmem:s8], [sflag:$0x4] =	stream.indirect.gather.add.f32 [hbm:s4], $0x80, s15, s6, $0xb8;
	[tilespmem:$0xB400] =	vst v63  }
0x144: {  	_ =	swait.ge [sflag:s9], $0x2800  }
0x145: {  	[sflag:s9] =	ssyncset.done $0x0  }
0x146: {  	[sflag:s9] =	ssyncadd.s32 $0xFFFFD800  }
0x147: {  	_ =	swait.ge [sflag:s10], $0x2800  }
0x148: {  	[sflag:s10] =	ssyncset.done $0x0  }
0x149: {  	[sflag:s10] =	ssyncadd.s32 $0xFFFFD800  }
0x14a: {  	_ =	swait.ge [sflag:s11], $0x2800  }
0x14b: {  	[sflag:s11] =	ssyncset.done $0x0  }
0x14c: {  	[sflag:s11] =	ssyncadd.s32 $0xFFFFD800  }
0x14d: {  	p1 =	sne.s32 s14, $0x1;
	_ =	swait.ge [sflag:s7], $0x2800  }
.Ltmp1:
0x14e: {  	[sflag:s7] =	ssyncset.done $0x0;
	(pc) =	sbr.rel @!p1 .LBB2_3-.Ltmp1, $4  }
0x14f: {  	s1 =	rddreg [dreg:$0x3];
	[sflag:s7] =	ssyncadd.s32 $0xFFFFD800  }
0x150: {  	[hbm4b:s1+s2] =	stream.linear.scatter [tilespmem:s5], [sflag:$0x5], $0xA000, $0x38;
	[tilespmem:$0xB400] =	vst v63  }
0x151: {  	p0 =	por $0x1, $0x1;
	_ =	swait.ge [sflag:s3], $0xA000  }
0x152: {  	s1 =	sadd.s32 $0xFFFFFFFF, s14;
	s0 =	rddreg [dreg:$0x2];
	[sflag:s3] =	ssyncset.done $0x0  }
.LBB2_4:
0x153: {  	[sflag:s3] =	ssyncadd.s32 $0xFFFF6000  }
0x154: {  	[tilespmem:s2], [sflag:$0x5] =	stream.linear.gather [hbm4b:s0+s2], $0x1400, $0x38;
	[tilespmem:$0xB400] =	vst v63  }
0x155: {  	_ =	swait.ge [sflag:s3], $0x1400  }
0x156: {  	[sflag:s3] =	ssyncset.done $0x0  }
0x157: {  	[sflag:s3] =	ssyncadd.s32 $0xFFFFEC00  }
0x158: {  	[tilespmem:s5], [sflag:$0x1] =	stream.indirect.gather [hbm4b:s4+s6], $0x80, s2, s6, $0xb8;
	[tilespmem:$0xB400] =	vst v63  }
0x159: {  	_ = 	snop  }
0x15a: {  	[tilespmem:s13], [sflag:$0x2] =	stream.indirect.gather [hbm4b:s4+s6], $0x80, s6, s6, $0xb8;
	[tilespmem:$0xB400] =	vst v63  }
0x15b: {  	s0 =	rddreg [dreg:$0x4]  }
0x15c: {  	[tilespmem:s12], [sflag:$0x3] =	stream.indirect.gather [hbm4b:s4+s6], $0x80, s0, s6, $0xb8;
	[tilespmem:$0xB400] =	vst v63  }
0x15d: {  	s14 =	rddreg [dreg:$0x5]  }
0x15e: {  	[tilespmem:s8], [sflag:$0x4] =	stream.indirect.gather [hbm4b:s4+s6], $0x80, s14, s6, $0xb8;
	[tilespmem:$0xB400] =	vst v63  }
0x15f: {  	_ =	swait.ge [sflag:s9], $0x2800  }
0x160: {  	[sflag:s9] =	ssyncset.done $0x0  }
0x161: {  	s14 =	rddreg [dreg:$0x6];
	[sflag:s9] =	ssyncadd.s32 $0xFFFFD800  }
0x162: {  	[tilespmem:s5], [sflag:$0x1] =	stream.indirect.gather.add.f32 [hbm:s4], $0x80, s14, s6, $0xb8;
	[tilespmem:$0xB400] =	vst v63  }
0x163: {  	_ =	swait.ge [sflag:s10], $0x2800  }
0x164: {  	[sflag:s10] =	ssyncset.done $0x0  }
0x165: {  	s14 =	rddreg [dreg:$0x7];
	[sflag:s10] =	ssyncadd.s32 $0xFFFFD800  }
0x166: {  	[tilespmem:s13], [sflag:$0x2] =	stream.indirect.gather.add.f32 [hbm:s4], $0x80, s14, s6, $0xb8;
	[tilespmem:$0xB400] =	vst v63  }
0x167: {  	_ =	swait.ge [sflag:s11], $0x2800  }
0x168: {  	[sflag:s11] =	ssyncset.done $0x0  }
0x169: {  	s14 =	rddreg [dreg:$0x8];
	[sflag:s11] =	ssyncadd.s32 $0xFFFFD800  }
0x16a: {  	[tilespmem:s12], [sflag:$0x3] =	stream.indirect.gather.add.f32 [hbm:s4], $0x80, s14, s6, $0xb8;
	[tilespmem:$0xB400] =	vst v63  }
0x16b: {  	_ =	swait.ge [sflag:s7], $0x2800  }
0x16c: {  	[sflag:s7] =	ssyncset.done $0x0  }
0x16d: {  	s14 =	rddreg [dreg:$0x9];
	[sflag:s7] =	ssyncadd.s32 $0xFFFFD800  }
0x16e: {  	[tilespmem:s8], [sflag:$0x4] =	stream.indirect.gather.add.f32 [hbm:s4], $0x80, s14, s6, $0xb8;
	[tilespmem:$0xB400] =	vst v63  }
0x16f: {  	_ =	swait.ge [sflag:s9], $0x2800  }
0x170: {  	[sflag:s9] =	ssyncset.done $0x0  }
0x171: {  	s14 =	rddreg [dreg:$0xa];
	[sflag:s9] =	ssyncadd.s32 $0xFFFFD800  }
0x172: {  	[tilespmem:s5], [sflag:$0x1] =	stream.indirect.gather.add.f32 [hbm:s4], $0x80, s14, s6, $0xb8;
	[tilespmem:$0xB400] =	vst v63  }
0x173: {  	_ =	swait.ge [sflag:s10], $0x2800  }
0x174: {  	[sflag:s10] =	ssyncset.done $0x0  }
0x175: {  	s14 =	rddreg [dreg:$0xb];
	[sflag:s10] =	ssyncadd.s32 $0xFFFFD800  }
0x176: {  	[tilespmem:s13], [sflag:$0x2] =	stream.indirect.gather.add.f32 [hbm:s4], $0x80, s14, s6, $0xb8;
	[tilespmem:$0xB400] =	vst v63  }
0x177: {  	_ =	swait.ge [sflag:s11], $0x2800  }
0x178: {  	[sflag:s11] =	ssyncset.done $0x0  }
0x179: {  	s14 =	rddreg [dreg:$0xc];
	[sflag:s11] =	ssyncadd.s32 $0xFFFFD800  }
0x17a: {  	[tilespmem:s12], [sflag:$0x3] =	stream.indirect.gather.add.f32 [hbm:s4], $0x80, s14, s6, $0xb8;
	[tilespmem:$0xB400] =	vst v63  }
0x17b: {  	_ =	swait.ge [sflag:s7], $0x2800  }
0x17c: {  	[sflag:s7] =	ssyncset.done $0x0  }
0x17d: {  	s14 =	rddreg [dreg:$0xd];
	[sflag:s7] =	ssyncadd.s32 $0xFFFFD800  }
0x17e: {  	[tilespmem:s8], [sflag:$0x4] =	stream.indirect.gather.add.f32 [hbm:s4], $0x80, s14, s6, $0xb8;
	[tilespmem:$0xB400] =	vst v63  }
0x17f: {  	_ =	swait.ge [sflag:s9], $0x2800  }
0x180: {  	[sflag:s9] =	ssyncset.done $0x0  }
0x181: {  	s14 =	rddreg [dreg:$0xe];
	[sflag:s9] =	ssyncadd.s32 $0xFFFFD800  }
0x182: {  	[tilespmem:s5], [sflag:$0x1] =	stream.indirect.gather.add.f32 [hbm:s4], $0x80, s14, s6, $0xb8;
	[tilespmem:$0xB400] =	vst v63  }
0x183: {  	_ =	swait.ge [sflag:s10], $0x2800  }
0x184: {  	[sflag:s10] =	ssyncset.done $0x0  }
0x185: {  	s14 =	rddreg [dreg:$0xf];
	[sflag:s10] =	ssyncadd.s32 $0xFFFFD800  }
0x186: {  	[tilespmem:s13], [sflag:$0x2] =	stream.indirect.gather.add.f32 [hbm:s4], $0x80, s14, s6, $0xb8;
	[tilespmem:$0xB400] =	vst v63  }
0x187: {  	_ =	swait.ge [sflag:s11], $0x2800  }
0x188: {  	[sflag:s11] =	ssyncset.done $0x0  }
0x189: {  	s14 =	rddreg [dreg:$0x10];
	[sflag:s11] =	ssyncadd.s32 $0xFFFFD800  }
0x18a: {  	[tilespmem:s12], [sflag:$0x3] =	stream.indirect.gather.add.f32 [hbm:s4], $0x80, s14, s6, $0xb8;
	[tilespmem:$0xB400] =	vst v63  }
0x18b: {  	_ =	swait.ge [sflag:s7], $0x2800  }
0x18c: {  	[sflag:s7] =	ssyncset.done $0x0  }
0x18d: {  	s14 =	rddreg [dreg:$0x11];
	[sflag:s7] =	ssyncadd.s32 $0xFFFFD800  }
0x18e: {  	[tilespmem:s8], [sflag:$0x4] =	stream.indirect.gather.add.f32 [hbm:s4], $0x80, s14, s6, $0xb8;
	[tilespmem:$0xB400] =	vst v63  }
0x18f: {  	_ =	swait.ge [sflag:s9], $0x2800  }
0x190: {  	[sflag:s9] =	ssyncset.done $0x0  }
0x191: {  	s14 =	rddreg [dreg:$0x12];
	[sflag:s9] =	ssyncadd.s32 $0xFFFFD800  }
0x192: {  	[tilespmem:s5], [sflag:$0x1] =	stream.indirect.gather.add.f32 [hbm:s4], $0x80, s14, s6, $0xb8;
	[tilespmem:$0xB400] =	vst v63  }
0x193: {  	_ =	swait.ge [sflag:s10], $0x2800  }
0x194: {  	[sflag:s10] =	ssyncset.done $0x0  }
0x195: {  	s14 =	rddreg [dreg:$0x13];
	[sflag:s10] =	ssyncadd.s32 $0xFFFFD800  }
0x196: {  	[tilespmem:s13], [sflag:$0x2] =	stream.indirect.gather.add.f32 [hbm:s4], $0x80, s14, s6, $0xb8;
	[tilespmem:$0xB400] =	vst v63  }
0x197: {  	_ =	swait.ge [sflag:s11], $0x2800  }
0x198: {  	[sflag:s11] =	ssyncset.done $0x0  }
0x199: {  	s14 =	rddreg [dreg:$0x14];
	[sflag:s11] =	ssyncadd.s32 $0xFFFFD800  }
0x19a: {  	[tilespmem:s12], [sflag:$0x3] =	stream.indirect.gather.add.f32 [hbm:s4], $0x80, s14, s6, $0xb8;
	[tilespmem:$0xB400] =	vst v63  }
0x19b: {  	_ =	swait.ge [sflag:s7], $0x2800  }
0x19c: {  	[sflag:s7] =	ssyncset.done $0x0  }
0x19d: {  	s14 =	rddreg [dreg:$0x15];
	[sflag:s7] =	ssyncadd.s32 $0xFFFFD800  }
0x19e: {  	[tilespmem:s8], [sflag:$0x4] =	stream.indirect.gather.add.f32 [hbm:s4], $0x80, s14, s6, $0xb8;
	[tilespmem:$0xB400] =	vst v63  }
0x19f: {  	_ =	swait.ge [sflag:s9], $0x2800  }
0x1a0: {  	[sflag:s9] =	ssyncset.done $0x0  }
0x1a1: {  	s14 =	rddreg [dreg:$0x16];
	[sflag:s9] =	ssyncadd.s32 $0xFFFFD800  }
0x1a2: {  	[tilespmem:s5], [sflag:$0x1] =	stream.indirect.gather.add.f32 [hbm:s4], $0x80, s14, s6, $0xb8;
	[tilespmem:$0xB400] =	vst v63  }
0x1a3: {  	_ =	swait.ge [sflag:s10], $0x2800  }
0x1a4: {  	[sflag:s10] =	ssyncset.done $0x0  }
0x1a5: {  	s14 =	rddreg [dreg:$0x17];
	[sflag:s10] =	ssyncadd.s32 $0xFFFFD800  }
0x1a6: {  	[tilespmem:s13], [sflag:$0x2] =	stream.indirect.gather.add.f32 [hbm:s4], $0x80, s14, s6, $0xb8;
	[tilespmem:$0xB400] =	vst v63  }
0x1a7: {  	_ =	swait.ge [sflag:s11], $0x2800  }
0x1a8: {  	[sflag:s11] =	ssyncset.done $0x0  }
0x1a9: {  	s14 =	rddreg [dreg:$0x18];
	[sflag:s11] =	ssyncadd.s32 $0xFFFFD800  }
0x1aa: {  	[tilespmem:s12], [sflag:$0x3] =	stream.indirect.gather.add.f32 [hbm:s4], $0x80, s14, s6, $0xb8;
	[tilespmem:$0xB400] =	vst v63  }
0x1ab: {  	_ =	swait.ge [sflag:s7], $0x2800  }
0x1ac: {  	[sflag:s7] =	ssyncset.done $0x0  }
0x1ad: {  	s14 =	rddreg [dreg:$0x19];
	[sflag:s7] =	ssyncadd.s32 $0xFFFFD800  }
0x1ae: {  	[tilespmem:s8], [sflag:$0x4] =	stream.indirect.gather.add.f32 [hbm:s4], $0x80, s14, s6, $0xb8;
	[tilespmem:$0xB400] =	vst v63  }
0x1af: {  	_ =	swait.ge [sflag:s9], $0x2800  }
0x1b0: {  	[sflag:s9] =	ssyncset.done $0x0  }
0x1b1: {  	s14 =	rddreg [dreg:$0x1a];
	[sflag:s9] =	ssyncadd.s32 $0xFFFFD800  }
0x1b2: {  	[tilespmem:s5], [sflag:$0x1] =	stream.indirect.gather.add.f32 [hbm:s4], $0x80, s14, s6, $0xb8;
	[tilespmem:$0xB400] =	vst v63  }
0x1b3: {  	_ =	swait.ge [sflag:s10], $0x2800  }
0x1b4: {  	[sflag:s10] =	ssyncset.done $0x0  }
0x1b5: {  	s14 =	rddreg [dreg:$0x1b];
	[sflag:s10] =	ssyncadd.s32 $0xFFFFD800  }
0x1b6: {  	[tilespmem:s13], [sflag:$0x2] =	stream.indirect.gather.add.f32 [hbm:s4], $0x80, s14, s6, $0xb8;
	[tilespmem:$0xB400] =	vst v63  }
0x1b7: {  	_ =	swait.ge [sflag:s11], $0x2800  }
0x1b8: {  	[sflag:s11] =	ssyncset.done $0x0  }
0x1b9: {  	s14 =	rddreg [dreg:$0x1c];
	[sflag:s11] =	ssyncadd.s32 $0xFFFFD800  }
0x1ba: {  	[tilespmem:s12], [sflag:$0x3] =	stream.indirect.gather.add.f32 [hbm:s4], $0x80, s14, s6, $0xb8;
	[tilespmem:$0xB400] =	vst v63  }
0x1bb: {  	_ =	swait.ge [sflag:s7], $0x2800  }
0x1bc: {  	[sflag:s7] =	ssyncset.done $0x0  }
0x1bd: {  	s14 =	rddreg [dreg:$0x1d];
	[sflag:s7] =	ssyncadd.s32 $0xFFFFD800  }
0x1be: {  	[tilespmem:s8], [sflag:$0x4] =	stream.indirect.gather.add.f32 [hbm:s4], $0x80, s14, s6, $0xb8;
	[tilespmem:$0xB400] =	vst v63  }
0x1bf: {  	_ =	swait.ge [sflag:s9], $0x2800  }
0x1c0: {  	[sflag:s9] =	ssyncset.done $0x0  }
0x1c1: {  	s14 =	rddreg [dreg:$0x1e];
	[sflag:s9] =	ssyncadd.s32 $0xFFFFD800  }
0x1c2: {  	[tilespmem:s5], [sflag:$0x1] =	stream.indirect.gather.add.f32 [hbm:s4], $0x80, s14, s6, $0xb8;
	[tilespmem:$0xB400] =	vst v63  }
0x1c3: {  	_ =	swait.ge [sflag:s10], $0x2800  }
0x1c4: {  	[sflag:s10] =	ssyncset.done $0x0  }
0x1c5: {  	s14 =	rddreg [dreg:$0x1f];
	[sflag:s10] =	ssyncadd.s32 $0xFFFFD800  }
0x1c6: {  	[tilespmem:s13], [sflag:$0x2] =	stream.indirect.gather.add.f32 [hbm:s4], $0x80, s14, s6, $0xb8;
	[tilespmem:$0xB400] =	vst v63  }
0x1c7: {  	_ =	swait.ge [sflag:s11], $0x2800  }
0x1c8: {  	s14 =	sld [smem:$0x7ED]  }
0x1c9: {  	[sflag:s11] =	ssyncset.done $0x0  }
0x1ca: {  	[sflag:s11] =	ssyncadd.s32 $0xFFFFD800  }
0x1cb: {  	[tilespmem:s12], [sflag:$0x3] =	stream.indirect.gather.add.f32 [hbm:s4], $0x80, s14, s6, $0xb8;
	[tilespmem:$0xB400] =	vst v63  }
0x1cc: {  	_ =	swait.ge [sflag:s7], $0x2800  }
0x1cd: {  	s14 =	sld [smem:$0x7EE]  }
0x1ce: {  	[sflag:s7] =	ssyncset.done $0x0  }
0x1cf: {  	[sflag:s7] =	ssyncadd.s32 $0xFFFFD800  }
0x1d0: {  	[tilespmem:s8], [sflag:$0x4] =	stream.indirect.gather.add.f32 [hbm:s4], $0x80, s14, s6, $0xb8;
	[tilespmem:$0xB400] =	vst v63  }
0x1d1: {  	_ =	swait.ge [sflag:s9], $0x2800  }
0x1d2: {  	s14 =	sld [smem:$0x7EF]  }
0x1d3: {  	[sflag:s9] =	ssyncset.done $0x0  }
0x1d4: {  	[sflag:s9] =	ssyncadd.s32 $0xFFFFD800  }
0x1d5: {  	[tilespmem:s5], [sflag:$0x1] =	stream.indirect.gather.add.f32 [hbm:s4], $0x80, s14, s6, $0xb8;
	[tilespmem:$0xB400] =	vst v63  }
0x1d6: {  	_ =	swait.ge [sflag:s10], $0x2800  }
0x1d7: {  	s14 =	sld [smem:$0x7F0]  }
0x1d8: {  	[sflag:s10] =	ssyncset.done $0x0  }
0x1d9: {  	[sflag:s10] =	ssyncadd.s32 $0xFFFFD800  }
0x1da: {  	[tilespmem:s13], [sflag:$0x2] =	stream.indirect.gather.add.f32 [hbm:s4], $0x80, s14, s6, $0xb8;
	[tilespmem:$0xB400] =	vst v63  }
0x1db: {  	_ =	swait.ge [sflag:s11], $0x2800  }
0x1dc: {  	s14 =	sld [smem:$0x7F1]  }
0x1dd: {  	[sflag:s11] =	ssyncset.done $0x0  }
0x1de: {  	[sflag:s11] =	ssyncadd.s32 $0xFFFFD800  }
0x1df: {  	[tilespmem:s12], [sflag:$0x3] =	stream.indirect.gather.add.f32 [hbm:s4], $0x80, s14, s6, $0xb8;
	[tilespmem:$0xB400] =	vst v63  }
0x1e0: {  	_ =	swait.ge [sflag:s7], $0x2800  }
0x1e1: {  	s14 =	sld [smem:$0x7F2]  }
0x1e2: {  	[sflag:s7] =	ssyncset.done $0x0  }
0x1e3: {  	[sflag:s7] =	ssyncadd.s32 $0xFFFFD800  }
0x1e4: {  	[tilespmem:s8], [sflag:$0x4] =	stream.indirect.gather.add.f32 [hbm:s4], $0x80, s14, s6, $0xb8;
	[tilespmem:$0xB400] =	vst v63  }
0x1e5: {  	_ =	swait.ge [sflag:s9], $0x2800  }
0x1e6: {  	s14 =	sld [smem:$0x7F3]  }
0x1e7: {  	[sflag:s9] =	ssyncset.done $0x0  }
0x1e8: {  	[sflag:s9] =	ssyncadd.s32 $0xFFFFD800  }
0x1e9: {  	[tilespmem:s5], [sflag:$0x1] =	stream.indirect.gather.add.f32 [hbm:s4], $0x80, s14, s6, $0xb8;
	[tilespmem:$0xB400] =	vst v63  }
0x1ea: {  	_ =	swait.ge [sflag:s10], $0x2800  }
0x1eb: {  	s14 =	sld [smem:$0x7F4]  }
0x1ec: {  	[sflag:s10] =	ssyncset.done $0x0  }
0x1ed: {  	[sflag:s10] =	ssyncadd.s32 $0xFFFFD800  }
0x1ee: {  	[tilespmem:s13], [sflag:$0x2] =	stream.indirect.gather.add.f32 [hbm:s4], $0x80, s14, s6, $0xb8;
	[tilespmem:$0xB400] =	vst v63  }
0x1ef: {  	_ =	swait.ge [sflag:s11], $0x2800  }
0x1f0: {  	s14 =	sld [smem:$0x7F5]  }
0x1f1: {  	[sflag:s11] =	ssyncset.done $0x0  }
0x1f2: {  	[sflag:s11] =	ssyncadd.s32 $0xFFFFD800  }
0x1f3: {  	[tilespmem:s12], [sflag:$0x3] =	stream.indirect.gather.add.f32 [hbm:s4], $0x80, s14, s6, $0xb8;
	[tilespmem:$0xB400] =	vst v63  }
0x1f4: {  	_ =	swait.ge [sflag:s7], $0x2800  }
0x1f5: {  	s14 =	sld [smem:$0x7F6]  }
0x1f6: {  	[sflag:s7] =	ssyncset.done $0x0  }
0x1f7: {  	[sflag:s7] =	ssyncadd.s32 $0xFFFFD800  }
0x1f8: {  	[tilespmem:s8], [sflag:$0x4] =	stream.indirect.gather.add.f32 [hbm:s4], $0x80, s14, s6, $0xb8;
	[tilespmem:$0xB400] =	vst v63  }
0x1f9: {  	_ =	swait.ge [sflag:s9], $0x2800  }
0x1fa: {  	s14 =	sld [smem:$0x7F7]  }
0x1fb: {  	[sflag:s9] =	ssyncset.done $0x0  }
0x1fc: {  	[sflag:s9] =	ssyncadd.s32 $0xFFFFD800  }
0x1fd: {  	[tilespmem:s5], [sflag:$0x1] =	stream.indirect.gather.add.f32 [hbm:s4], $0x80, s14, s6, $0xb8;
	[tilespmem:$0xB400] =	vst v63  }
0x1fe: {  	_ =	swait.ge [sflag:s10], $0x2800  }
0x1ff: {  	s14 =	sld [smem:$0x7F8]  }
0x200: {  	[sflag:s10] =	ssyncset.done $0x0  }
0x201: {  	[sflag:s10] =	ssyncadd.s32 $0xFFFFD800  }
0x202: {  	[tilespmem:s13], [sflag:$0x2] =	stream.indirect.gather.add.f32 [hbm:s4], $0x80, s14, s6, $0xb8;
	[tilespmem:$0xB400] =	vst v63  }
0x203: {  	_ =	swait.ge [sflag:s11], $0x2800  }
0x204: {  	s14 =	sld [smem:$0x7F9]  }
0x205: {  	[sflag:s11] =	ssyncset.done $0x0  }
0x206: {  	[sflag:s11] =	ssyncadd.s32 $0xFFFFD800  }
0x207: {  	[tilespmem:s12], [sflag:$0x3] =	stream.indirect.gather.add.f32 [hbm:s4], $0x80, s14, s6, $0xb8;
	[tilespmem:$0xB400] =	vst v63  }
0x208: {  	_ =	swait.ge [sflag:s7], $0x2800  }
0x209: {  	s14 =	sld [smem:$0x7FA]  }
0x20a: {  	[sflag:s7] =	ssyncset.done $0x0  }
0x20b: {  	[sflag:s7] =	ssyncadd.s32 $0xFFFFD800  }
0x20c: {  	[tilespmem:s8], [sflag:$0x4] =	stream.indirect.gather.add.f32 [hbm:s4], $0x80, s14, s6, $0xb8;
	[tilespmem:$0xB400] =	vst v63  }
0x20d: {  	_ =	swait.ge [sflag:s9], $0x2800  }
0x20e: {  	s14 =	sld [smem:$0x7FB]  }
0x20f: {  	[sflag:s9] =	ssyncset.done $0x0  }
0x210: {  	[sflag:s9] =	ssyncadd.s32 $0xFFFFD800  }
0x211: {  	[tilespmem:s5], [sflag:$0x1] =	stream.indirect.gather.add.f32 [hbm:s4], $0x80, s14, s6, $0xb8;
	[tilespmem:$0xB400] =	vst v63  }
0x212: {  	_ =	swait.ge [sflag:s10], $0x2800  }
0x213: {  	s14 =	sld [smem:$0x7FC]  }
0x214: {  	[sflag:s10] =	ssyncset.done $0x0  }
0x215: {  	[sflag:s10] =	ssyncadd.s32 $0xFFFFD800  }
0x216: {  	[tilespmem:s13], [sflag:$0x2] =	stream.indirect.gather.add.f32 [hbm:s4], $0x80, s14, s6, $0xb8;
	[tilespmem:$0xB400] =	vst v63  }
0x217: {  	_ =	swait.ge [sflag:s11], $0x2800  }
0x218: {  	s14 =	sld [smem:$0x7FD]  }
0x219: {  	[sflag:s11] =	ssyncset.done $0x0  }
0x21a: {  	[sflag:s11] =	ssyncadd.s32 $0xFFFFD800  }
0x21b: {  	[tilespmem:s12], [sflag:$0x3] =	stream.indirect.gather.add.f32 [hbm:s4], $0x80, s14, s6, $0xb8;
	[tilespmem:$0xB400] =	vst v63  }
0x21c: {  	_ =	swait.ge [sflag:s7], $0x2800  }
0x21d: {  	[sflag:s7] =	ssyncset.done $0x0  }
0x21e: {  	[sflag:s7] =	ssyncadd.s32 $0xFFFFD800  }
0x21f: {  	[tilespmem:s8], [sflag:$0x4] =	stream.indirect.gather.add.f32 [hbm:s4], $0x80, s20, s6, $0xb8;
	[tilespmem:$0xB400] =	vst v63  }
0x220: {  	_ =	swait.ge [sflag:s9], $0x2800  }
0x221: {  	[sflag:s9] =	ssyncset.done $0x0  }
0x222: {  	[sflag:s9] =	ssyncadd.s32 $0xFFFFD800  }
0x223: {  	[tilespmem:s5], [sflag:$0x1] =	stream.indirect.gather.add.f32 [hbm:s4], $0x80, s31, s6, $0xb8;
	[tilespmem:$0xB400] =	vst v63  }
0x224: {  	_ =	swait.ge [sflag:s10], $0x2800  }
0x225: {  	[sflag:s10] =	ssyncset.done $0x0  }
0x226: {  	[sflag:s10] =	ssyncadd.s32 $0xFFFFD800  }
0x227: {  	[tilespmem:s13], [sflag:$0x2] =	stream.indirect.gather.add.f32 [hbm:s4], $0x80, s30, s6, $0xb8;
	[tilespmem:$0xB400] =	vst v63  }
0x228: {  	_ =	swait.ge [sflag:s11], $0x2800  }
0x229: {  	[sflag:s11] =	ssyncset.done $0x0  }
0x22a: {  	[sflag:s11] =	ssyncadd.s32 $0xFFFFD800  }
0x22b: {  	[tilespmem:s12], [sflag:$0x3] =	stream.indirect.gather.add.f32 [hbm:s4], $0x80, s29, s6, $0xb8;
	[tilespmem:$0xB400] =	vst v63  }
0x22c: {  	_ =	swait.ge [sflag:s7], $0x2800  }
0x22d: {  	[sflag:s7] =	ssyncset.done $0x0  }
0x22e: {  	[sflag:s7] =	ssyncadd.s32 $0xFFFFD800  }
0x22f: {  	[tilespmem:s8], [sflag:$0x4] =	stream.indirect.gather.add.f32 [hbm:s4], $0x80, s28, s6, $0xb8;
	[tilespmem:$0xB400] =	vst v63  }
0x230: {  	_ =	swait.ge [sflag:s9], $0x2800  }
0x231: {  	[sflag:s9] =	ssyncset.done $0x0  }
0x232: {  	[sflag:s9] =	ssyncadd.s32 $0xFFFFD800  }
0x233: {  	[tilespmem:s5], [sflag:$0x1] =	stream.indirect.gather.add.f32 [hbm:s4], $0x80, s26, s6, $0xb8;
	[tilespmem:$0xB400] =	vst v63  }
0x234: {  	_ =	swait.ge [sflag:s10], $0x2800  }
0x235: {  	[sflag:s10] =	ssyncset.done $0x0  }
0x236: {  	[sflag:s10] =	ssyncadd.s32 $0xFFFFD800  }
0x237: {  	[tilespmem:s13], [sflag:$0x2] =	stream.indirect.gather.add.f32 [hbm:s4], $0x80, s25, s6, $0xb8;
	[tilespmem:$0xB400] =	vst v63  }
0x238: {  	_ =	swait.ge [sflag:s11], $0x2800  }
0x239: {  	[sflag:s11] =	ssyncset.done $0x0  }
0x23a: {  	[sflag:s11] =	ssyncadd.s32 $0xFFFFD800  }
0x23b: {  	[tilespmem:s12], [sflag:$0x3] =	stream.indirect.gather.add.f32 [hbm:s4], $0x80, s24, s6, $0xb8;
	[tilespmem:$0xB400] =	vst v63  }
0x23c: {  	_ =	swait.ge [sflag:s7], $0x2800  }
0x23d: {  	[sflag:s7] =	ssyncset.done $0x0  }
0x23e: {  	[sflag:s7] =	ssyncadd.s32 $0xFFFFD800  }
0x23f: {  	[tilespmem:s8], [sflag:$0x4] =	stream.indirect.gather.add.f32 [hbm:s4], $0x80, s23, s6, $0xb8;
	[tilespmem:$0xB400] =	vst v63  }
0x240: {  	_ =	swait.ge [sflag:s9], $0x2800  }
0x241: {  	[sflag:s9] =	ssyncset.done $0x0  }
0x242: {  	[sflag:s9] =	ssyncadd.s32 $0xFFFFD800  }
0x243: {  	[tilespmem:s5], [sflag:$0x1] =	stream.indirect.gather.add.f32 [hbm:s4], $0x80, s22, s6, $0xb8;
	[tilespmem:$0xB400] =	vst v63  }
0x244: {  	_ =	swait.ge [sflag:s10], $0x2800  }
0x245: {  	[sflag:s10] =	ssyncset.done $0x0  }
0x246: {  	s14 =	simm.s32 $0x11D0;
	[sflag:s10] =	ssyncadd.s32 $0xFFFFD800  }
0x247: {  	[tilespmem:s13], [sflag:$0x2] =	stream.indirect.gather.add.f32 [hbm:s4], $0x80, s14, s6, $0xb8;
	[tilespmem:$0xB400] =	vst v63  }
0x248: {  	_ =	swait.ge [sflag:s11], $0x2800  }
0x249: {  	[sflag:s11] =	ssyncset.done $0x0  }
0x24a: {  	[sflag:s11] =	ssyncadd.s32 $0xFFFFD800  }
0x24b: {  	[tilespmem:s12], [sflag:$0x3] =	stream.indirect.gather.add.f32 [hbm:s4], $0x80, s21, s6, $0xb8;
	[tilespmem:$0xB400] =	vst v63  }
0x24c: {  	_ =	swait.ge [sflag:s7], $0x2800  }
0x24d: {  	[sflag:s7] =	ssyncset.done $0x0  }
0x24e: {  	[sflag:s7] =	ssyncadd.s32 $0xFFFFD800  }
0x24f: {  	[tilespmem:s8], [sflag:$0x4] =	stream.indirect.gather.add.f32 [hbm:s4], $0x80, s19, s6, $0xb8;
	[tilespmem:$0xB400] =	vst v63  }
0x250: {  	_ =	swait.ge [sflag:s9], $0x2800  }
0x251: {  	[sflag:s9] =	ssyncset.done $0x0  }
0x252: {  	[sflag:s9] =	ssyncadd.s32 $0xFFFFD800  }
0x253: {  	[tilespmem:s5], [sflag:$0x1] =	stream.indirect.gather.add.f32 [hbm:s4], $0x80, s18, s6, $0xb8;
	[tilespmem:$0xB400] =	vst v63  }
0x254: {  	_ =	swait.ge [sflag:s10], $0x2800  }
0x255: {  	[sflag:s10] =	ssyncset.done $0x0  }
0x256: {  	[sflag:s10] =	ssyncadd.s32 $0xFFFFD800  }
0x257: {  	[tilespmem:s13], [sflag:$0x2] =	stream.indirect.gather.add.f32 [hbm:s4], $0x80, s17, s6, $0xb8;
	[tilespmem:$0xB400] =	vst v63  }
0x258: {  	_ =	swait.ge [sflag:s11], $0x2800  }
0x259: {  	[sflag:s11] =	ssyncset.done $0x0  }
0x25a: {  	[sflag:s11] =	ssyncadd.s32 $0xFFFFD800  }
0x25b: {  	[tilespmem:s12], [sflag:$0x3] =	stream.indirect.gather.add.f32 [hbm:s4], $0x80, s16, s6, $0xb8;
	[tilespmem:$0xB400] =	vst v63  }
0x25c: {  	_ =	swait.ge [sflag:s7], $0x2800  }
0x25d: {  	[sflag:s7] =	ssyncset.done $0x0  }
0x25e: {  	[sflag:s7] =	ssyncadd.s32 $0xFFFFD800  }
0x25f: {  	[tilespmem:s8], [sflag:$0x4] =	stream.indirect.gather.add.f32 [hbm:s4], $0x80, s15, s6, $0xb8;
	[tilespmem:$0xB400] =	vst v63  }
0x260: {  	_ =	swait.ge [sflag:s9], $0x2800  }
0x261: {  	[sflag:s9] =	ssyncset.done $0x0  }
0x262: {  	[sflag:s9] =	ssyncadd.s32 $0xFFFFD800  }
0x263: {  	_ =	swait.ge [sflag:s10], $0x2800  }
0x264: {  	[sflag:s10] =	ssyncset.done $0x0  }
0x265: {  	[sflag:s10] =	ssyncadd.s32 $0xFFFFD800  }
0x266: {  	_ =	swait.ge [sflag:s11], $0x2800  }
0x267: {  	[sflag:s11] =	ssyncset.done $0x0  }
0x268: {  	[sflag:s11] =	ssyncadd.s32 $0xFFFFD800  }
0x269: {  	p1 =	sne.s32 s1, $0x1;
	_ =	swait.ge [sflag:s7], $0x2800  }
.Ltmp2:
0x26a: {  	[sflag:s7] =	ssyncset.done $0x0;
	(pc) =	sbr.rel @p1 .LBB2_4-.Ltmp2, $4  }
0x26b: {  	s14 =	rddreg [dreg:$0x3];
	[sflag:s7] =	ssyncadd.s32 $0xFFFFD800  }
0x26c: {  	[hbm4b:s14+s2] =	stream.linear.scatter [tilespmem:s5], [sflag:$0x5], $0xA000, $0x38;
	[tilespmem:$0xB400] =	vst v63  }
0x26d: {  	_ =	swait.ge [sflag:s3], $0xA000  }
0x26e: {  	s1 =	sadd.s32 $0xFFFFFFFF, s1;
	s0 =	rddreg [dreg:$0x2];
	[sflag:s3] =	ssyncset.done $0x0  }
0x26f: {  	s15 =	simm.s32 $0xEB0;
	s31 =	simm.s32 $0xF00  }
0x270: {  	s30 =	simm.s32 $0xF50;
	s29 =	simm.s32 $0xFA0;
	s28 =	simm.s32 $0xFF0  }
0x271: {  	s26 =	simm.s32 $0x1040;
	s25 =	simm.s32 $0x1090;
	s24 =	simm.s32 $0x10E0  }
0x272: {  	s23 =	simm.s32 $0x1130;
	s22 =	simm.s32 $0x1180;
	s21 =	simm.s32 $0x1220  }
0x273: {  	s20 =	simm.s32 $0x11D0;
	s19 =	simm.s32 $0x1270;
	s18 =	simm.s32 $0x12C0  }
0x274: {  	s17 =	simm.s32 $0x1310;
	s16 =	simm.s32 $0x1360;
	s14 =	stileid.u32  }
.LBB2_6:
0x275: {  	[sflag:s3] =	ssyncadd.s32 @p0 $0xFFFF6000  }
0x276: {  	[tilespmem:s2], [sflag:$0x5] =	stream.linear.gather [hbm4b:s0+s2], $0x1400, $0x38;
	[tilespmem:$0xB400] =	vst v63  }
0x277: {  	_ =	swait.ge [sflag:s3], $0x1400  }
0x278: {  	[sflag:s3] =	ssyncset.done $0x0  }
0x279: {  	[sflag:s3] =	ssyncadd.s32 $0xFFFFEC00  }
0x27a: {  	[tilespmem:s5], [sflag:$0x1] =	stream.indirect.gather [hbm4b:s4+s6], $0x80, s2, s6, $0xb8;
	[tilespmem:$0xB400] =	vst v63  }
0x27b: {  	_ = 	snop  }
0x27c: {  	[tilespmem:s13], [sflag:$0x2] =	stream.indirect.gather [hbm4b:s4+s6], $0x80, s6, s6, $0xb8;
	[tilespmem:$0xB400] =	vst v63  }
0x27d: {  	s0 =	rddreg [dreg:$0x4]  }
0x27e: {  	[tilespmem:s12], [sflag:$0x3] =	stream.indirect.gather [hbm4b:s4+s6], $0x80, s0, s6, $0xb8;
	[tilespmem:$0xB400] =	vst v63  }
0x27f: {  	s1 =	rddreg [dreg:$0x5]  }
0x280: {  	[tilespmem:s8], [sflag:$0x4] =	stream.indirect.gather [hbm4b:s4+s6], $0x80, s1, s6, $0xb8;
	[tilespmem:$0xB400] =	vst v63  }
0x281: {  	_ =	swait.ge [sflag:s9], $0x2800  }
0x282: {  	[sflag:s9] =	ssyncset.done $0x0  }
0x283: {  	s1 =	rddreg [dreg:$0x6];
	[sflag:s9] =	ssyncadd.s32 $0xFFFFD800  }
0x284: {  	[tilespmem:s5], [sflag:$0x1] =	stream.indirect.gather.add.f32 [hbm:s4], $0x80, s1, s6, $0xb8;
	[tilespmem:$0xB400] =	vst v63  }
0x285: {  	_ =	swait.ge [sflag:s10], $0x2800  }
0x286: {  	[sflag:s10] =	ssyncset.done $0x0  }
0x287: {  	s1 =	rddreg [dreg:$0x7];
	[sflag:s10] =	ssyncadd.s32 $0xFFFFD800  }
0x288: {  	[tilespmem:s13], [sflag:$0x2] =	stream.indirect.gather.add.f32 [hbm:s4], $0x80, s1, s6, $0xb8;
	[tilespmem:$0xB400] =	vst v63  }
0x289: {  	_ =	swait.ge [sflag:s11], $0x2800  }
0x28a: {  	[sflag:s11] =	ssyncset.done $0x0  }
0x28b: {  	s1 =	rddreg [dreg:$0x8];
	[sflag:s11] =	ssyncadd.s32 $0xFFFFD800  }
0x28c: {  	[tilespmem:s12], [sflag:$0x3] =	stream.indirect.gather.add.f32 [hbm:s4], $0x80, s1, s6, $0xb8;
	[tilespmem:$0xB400] =	vst v63  }
0x28d: {  	_ =	swait.ge [sflag:s7], $0x2800  }
0x28e: {  	[sflag:s7] =	ssyncset.done $0x0  }
0x28f: {  	s1 =	rddreg [dreg:$0x9];
	[sflag:s7] =	ssyncadd.s32 $0xFFFFD800  }
0x290: {  	[tilespmem:s8], [sflag:$0x4] =	stream.indirect.gather.add.f32 [hbm:s4], $0x80, s1, s6, $0xb8;
	[tilespmem:$0xB400] =	vst v63  }
0x291: {  	_ =	swait.ge [sflag:s9], $0x2800  }
0x292: {  	[sflag:s9] =	ssyncset.done $0x0  }
0x293: {  	s1 =	rddreg [dreg:$0xa];
	[sflag:s9] =	ssyncadd.s32 $0xFFFFD800  }
0x294: {  	[tilespmem:s5], [sflag:$0x1] =	stream.indirect.gather.add.f32 [hbm:s4], $0x80, s1, s6, $0xb8;
	[tilespmem:$0xB400] =	vst v63  }
0x295: {  	_ =	swait.ge [sflag:s10], $0x2800  }
0x296: {  	[sflag:s10] =	ssyncset.done $0x0  }
0x297: {  	s1 =	rddreg [dreg:$0xb];
	[sflag:s10] =	ssyncadd.s32 $0xFFFFD800  }
0x298: {  	[tilespmem:s13], [sflag:$0x2] =	stream.indirect.gather.add.f32 [hbm:s4], $0x80, s1, s6, $0xb8;
	[tilespmem:$0xB400] =	vst v63  }
0x299: {  	_ =	swait.ge [sflag:s11], $0x2800  }
0x29a: {  	[sflag:s11] =	ssyncset.done $0x0  }
0x29b: {  	s1 =	rddreg [dreg:$0xc];
	[sflag:s11] =	ssyncadd.s32 $0xFFFFD800  }
0x29c: {  	[tilespmem:s12], [sflag:$0x3] =	stream.indirect.gather.add.f32 [hbm:s4], $0x80, s1, s6, $0xb8;
	[tilespmem:$0xB400] =	vst v63  }
0x29d: {  	_ =	swait.ge [sflag:s7], $0x2800  }
0x29e: {  	[sflag:s7] =	ssyncset.done $0x0  }
0x29f: {  	s1 =	rddreg [dreg:$0xd];
	[sflag:s7] =	ssyncadd.s32 $0xFFFFD800  }
0x2a0: {  	[tilespmem:s8], [sflag:$0x4] =	stream.indirect.gather.add.f32 [hbm:s4], $0x80, s1, s6, $0xb8;
	[tilespmem:$0xB400] =	vst v63  }
0x2a1: {  	_ =	swait.ge [sflag:s9], $0x2800  }
0x2a2: {  	[sflag:s9] =	ssyncset.done $0x0  }
0x2a3: {  	s1 =	rddreg [dreg:$0xe];
	[sflag:s9] =	ssyncadd.s32 $0xFFFFD800  }
0x2a4: {  	[tilespmem:s5], [sflag:$0x1] =	stream.indirect.gather.add.f32 [hbm:s4], $0x80, s1, s6, $0xb8;
	[tilespmem:$0xB400] =	vst v63  }
0x2a5: {  	_ =	swait.ge [sflag:s10], $0x2800  }
0x2a6: {  	[sflag:s10] =	ssyncset.done $0x0  }
0x2a7: {  	s1 =	rddreg [dreg:$0xf];
	[sflag:s10] =	ssyncadd.s32 $0xFFFFD800  }
0x2a8: {  	[tilespmem:s13], [sflag:$0x2] =	stream.indirect.gather.add.f32 [hbm:s4], $0x80, s1, s6, $0xb8;
	[tilespmem:$0xB400] =	vst v63  }
0x2a9: {  	_ =	swait.ge [sflag:s11], $0x2800  }
0x2aa: {  	[sflag:s11] =	ssyncset.done $0x0  }
0x2ab: {  	s1 =	rddreg [dreg:$0x10];
	[sflag:s11] =	ssyncadd.s32 $0xFFFFD800  }
0x2ac: {  	[tilespmem:s12], [sflag:$0x3] =	stream.indirect.gather.add.f32 [hbm:s4], $0x80, s1, s6, $0xb8;
	[tilespmem:$0xB400] =	vst v63  }
0x2ad: {  	_ =	swait.ge [sflag:s7], $0x2800  }
0x2ae: {  	[sflag:s7] =	ssyncset.done $0x0  }
0x2af: {  	s1 =	rddreg [dreg:$0x11];
	[sflag:s7] =	ssyncadd.s32 $0xFFFFD800  }
0x2b0: {  	[tilespmem:s8], [sflag:$0x4] =	stream.indirect.gather.add.f32 [hbm:s4], $0x80, s1, s6, $0xb8;
	[tilespmem:$0xB400] =	vst v63  }
0x2b1: {  	_ =	swait.ge [sflag:s9], $0x2800  }
0x2b2: {  	[sflag:s9] =	ssyncset.done $0x0  }
0x2b3: {  	s1 =	rddreg [dreg:$0x12];
	[sflag:s9] =	ssyncadd.s32 $0xFFFFD800  }
0x2b4: {  	[tilespmem:s5], [sflag:$0x1] =	stream.indirect.gather.add.f32 [hbm:s4], $0x80, s1, s6, $0xb8;
	[tilespmem:$0xB400] =	vst v63  }
0x2b5: {  	_ =	swait.ge [sflag:s10], $0x2800  }
0x2b6: {  	[sflag:s10] =	ssyncset.done $0x0  }
0x2b7: {  	s1 =	rddreg [dreg:$0x13];
	[sflag:s10] =	ssyncadd.s32 $0xFFFFD800  }
0x2b8: {  	[tilespmem:s13], [sflag:$0x2] =	stream.indirect.gather.add.f32 [hbm:s4], $0x80, s1, s6, $0xb8;
	[tilespmem:$0xB400] =	vst v63  }
0x2b9: {  	_ =	swait.ge [sflag:s11], $0x2800  }
0x2ba: {  	[sflag:s11] =	ssyncset.done $0x0  }
0x2bb: {  	s1 =	rddreg [dreg:$0x14];
	[sflag:s11] =	ssyncadd.s32 $0xFFFFD800  }
0x2bc: {  	[tilespmem:s12], [sflag:$0x3] =	stream.indirect.gather.add.f32 [hbm:s4], $0x80, s1, s6, $0xb8;
	[tilespmem:$0xB400] =	vst v63  }
0x2bd: {  	_ =	swait.ge [sflag:s7], $0x2800  }
0x2be: {  	[sflag:s7] =	ssyncset.done $0x0  }
0x2bf: {  	s1 =	rddreg [dreg:$0x15];
	[sflag:s7] =	ssyncadd.s32 $0xFFFFD800  }
0x2c0: {  	[tilespmem:s8], [sflag:$0x4] =	stream.indirect.gather.add.f32 [hbm:s4], $0x80, s1, s6, $0xb8;
	[tilespmem:$0xB400] =	vst v63  }
0x2c1: {  	_ =	swait.ge [sflag:s9], $0x2800  }
0x2c2: {  	[sflag:s9] =	ssyncset.done $0x0  }
0x2c3: {  	s1 =	rddreg [dreg:$0x16];
	[sflag:s9] =	ssyncadd.s32 $0xFFFFD800  }
0x2c4: {  	[tilespmem:s5], [sflag:$0x1] =	stream.indirect.gather.add.f32 [hbm:s4], $0x80, s1, s6, $0xb8;
	[tilespmem:$0xB400] =	vst v63  }
0x2c5: {  	_ =	swait.ge [sflag:s10], $0x2800  }
0x2c6: {  	[sflag:s10] =	ssyncset.done $0x0  }
0x2c7: {  	s1 =	rddreg [dreg:$0x17];
	[sflag:s10] =	ssyncadd.s32 $0xFFFFD800  }
0x2c8: {  	[tilespmem:s13], [sflag:$0x2] =	stream.indirect.gather.add.f32 [hbm:s4], $0x80, s1, s6, $0xb8;
	[tilespmem:$0xB400] =	vst v63  }
0x2c9: {  	_ =	swait.ge [sflag:s11], $0x2800  }
0x2ca: {  	[sflag:s11] =	ssyncset.done $0x0  }
0x2cb: {  	s1 =	rddreg [dreg:$0x18];
	[sflag:s11] =	ssyncadd.s32 $0xFFFFD800  }
0x2cc: {  	[tilespmem:s12], [sflag:$0x3] =	stream.indirect.gather.add.f32 [hbm:s4], $0x80, s1, s6, $0xb8;
	[tilespmem:$0xB400] =	vst v63  }
0x2cd: {  	_ =	swait.ge [sflag:s7], $0x2800  }
0x2ce: {  	[sflag:s7] =	ssyncset.done $0x0  }
0x2cf: {  	s1 =	rddreg [dreg:$0x19];
	[sflag:s7] =	ssyncadd.s32 $0xFFFFD800  }
0x2d0: {  	[tilespmem:s8], [sflag:$0x4] =	stream.indirect.gather.add.f32 [hbm:s4], $0x80, s1, s6, $0xb8;
	[tilespmem:$0xB400] =	vst v63  }
0x2d1: {  	_ =	swait.ge [sflag:s9], $0x2800  }
0x2d2: {  	[sflag:s9] =	ssyncset.done $0x0  }
0x2d3: {  	s1 =	rddreg [dreg:$0x1a];
	[sflag:s9] =	ssyncadd.s32 $0xFFFFD800  }
0x2d4: {  	[tilespmem:s5], [sflag:$0x1] =	stream.indirect.gather.add.f32 [hbm:s4], $0x80, s1, s6, $0xb8;
	[tilespmem:$0xB400] =	vst v63  }
0x2d5: {  	_ =	swait.ge [sflag:s10], $0x2800  }
0x2d6: {  	[sflag:s10] =	ssyncset.done $0x0  }
0x2d7: {  	s1 =	rddreg [dreg:$0x1b];
	[sflag:s10] =	ssyncadd.s32 $0xFFFFD800  }
0x2d8: {  	[tilespmem:s13], [sflag:$0x2] =	stream.indirect.gather.add.f32 [hbm:s4], $0x80, s1, s6, $0xb8;
	[tilespmem:$0xB400] =	vst v63  }
0x2d9: {  	_ =	swait.ge [sflag:s11], $0x2800  }
0x2da: {  	[sflag:s11] =	ssyncset.done $0x0  }
0x2db: {  	s1 =	rddreg [dreg:$0x1c];
	[sflag:s11] =	ssyncadd.s32 $0xFFFFD800  }
0x2dc: {  	[tilespmem:s12], [sflag:$0x3] =	stream.indirect.gather.add.f32 [hbm:s4], $0x80, s1, s6, $0xb8;
	[tilespmem:$0xB400] =	vst v63  }
0x2dd: {  	_ =	swait.ge [sflag:s7], $0x2800  }
0x2de: {  	[sflag:s7] =	ssyncset.done $0x0  }
0x2df: {  	s1 =	rddreg [dreg:$0x1d];
	[sflag:s7] =	ssyncadd.s32 $0xFFFFD800  }
0x2e0: {  	[tilespmem:s8], [sflag:$0x4] =	stream.indirect.gather.add.f32 [hbm:s4], $0x80, s1, s6, $0xb8;
	[tilespmem:$0xB400] =	vst v63  }
0x2e1: {  	_ =	swait.ge [sflag:s9], $0x2800  }
0x2e2: {  	[sflag:s9] =	ssyncset.done $0x0  }
0x2e3: {  	s1 =	rddreg [dreg:$0x1e];
	[sflag:s9] =	ssyncadd.s32 $0xFFFFD800  }
0x2e4: {  	[tilespmem:s5], [sflag:$0x1] =	stream.indirect.gather.add.f32 [hbm:s4], $0x80, s1, s6, $0xb8;
	[tilespmem:$0xB400] =	vst v63  }
0x2e5: {  	_ =	swait.ge [sflag:s10], $0x2800  }
0x2e6: {  	[sflag:s10] =	ssyncset.done $0x0  }
0x2e7: {  	s1 =	rddreg [dreg:$0x1f];
	[sflag:s10] =	ssyncadd.s32 $0xFFFFD800  }
0x2e8: {  	[tilespmem:s13], [sflag:$0x2] =	stream.indirect.gather.add.f32 [hbm:s4], $0x80, s1, s6, $0xb8;
	[tilespmem:$0xB400] =	vst v63  }
0x2e9: {  	_ =	swait.ge [sflag:s11], $0x2800  }
0x2ea: {  	s1 =	sld [smem:$0x7ED]  }
0x2eb: {  	[sflag:s11] =	ssyncset.done $0x0  }
0x2ec: {  	[sflag:s11] =	ssyncadd.s32 $0xFFFFD800  }
0x2ed: {  	[tilespmem:s12], [sflag:$0x3] =	stream.indirect.gather.add.f32 [hbm:s4], $0x80, s1, s6, $0xb8;
	[tilespmem:$0xB400] =	vst v63  }
0x2ee: {  	_ =	swait.ge [sflag:s7], $0x2800  }
0x2ef: {  	s1 =	sld [smem:$0x7EE]  }
0x2f0: {  	[sflag:s7] =	ssyncset.done $0x0  }
0x2f1: {  	[sflag:s7] =	ssyncadd.s32 $0xFFFFD800  }
0x2f2: {  	[tilespmem:s8], [sflag:$0x4] =	stream.indirect.gather.add.f32 [hbm:s4], $0x80, s1, s6, $0xb8;
	[tilespmem:$0xB400] =	vst v63  }
0x2f3: {  	_ =	swait.ge [sflag:s9], $0x2800  }
0x2f4: {  	s1 =	sld [smem:$0x7EF]  }
0x2f5: {  	[sflag:s9] =	ssyncset.done $0x0  }
0x2f6: {  	[sflag:s9] =	ssyncadd.s32 $0xFFFFD800  }
0x2f7: {  	[tilespmem:s5], [sflag:$0x1] =	stream.indirect.gather.add.f32 [hbm:s4], $0x80, s1, s6, $0xb8;
	[tilespmem:$0xB400] =	vst v63  }
0x2f8: {  	_ =	swait.ge [sflag:s10], $0x2800  }
0x2f9: {  	s1 =	sld [smem:$0x7F0]  }
0x2fa: {  	[sflag:s10] =	ssyncset.done $0x0  }
0x2fb: {  	[sflag:s10] =	ssyncadd.s32 $0xFFFFD800  }
0x2fc: {  	[tilespmem:s13], [sflag:$0x2] =	stream.indirect.gather.add.f32 [hbm:s4], $0x80, s1, s6, $0xb8;
	[tilespmem:$0xB400] =	vst v63  }
0x2fd: {  	_ =	swait.ge [sflag:s11], $0x2800  }
0x2fe: {  	s1 =	sld [smem:$0x7F1]  }
0x2ff: {  	[sflag:s11] =	ssyncset.done $0x0  }
0x300: {  	[sflag:s11] =	ssyncadd.s32 $0xFFFFD800  }
0x301: {  	[tilespmem:s12], [sflag:$0x3] =	stream.indirect.gather.add.f32 [hbm:s4], $0x80, s1, s6, $0xb8;
	[tilespmem:$0xB400] =	vst v63  }
0x302: {  	_ =	swait.ge [sflag:s7], $0x2800  }
0x303: {  	s1 =	sld [smem:$0x7F2]  }
0x304: {  	[sflag:s7] =	ssyncset.done $0x0  }
0x305: {  	[sflag:s7] =	ssyncadd.s32 $0xFFFFD800  }
0x306: {  	[tilespmem:s8], [sflag:$0x4] =	stream.indirect.gather.add.f32 [hbm:s4], $0x80, s1, s6, $0xb8;
	[tilespmem:$0xB400] =	vst v63  }
0x307: {  	_ =	swait.ge [sflag:s9], $0x2800  }
0x308: {  	s1 =	sld [smem:$0x7F3]  }
0x309: {  	[sflag:s9] =	ssyncset.done $0x0  }
0x30a: {  	[sflag:s9] =	ssyncadd.s32 $0xFFFFD800  }
0x30b: {  	[tilespmem:s5], [sflag:$0x1] =	stream.indirect.gather.add.f32 [hbm:s4], $0x80, s1, s6, $0xb8;
	[tilespmem:$0xB400] =	vst v63  }
0x30c: {  	_ =	swait.ge [sflag:s10], $0x2800  }
0x30d: {  	s1 =	sld [smem:$0x7F4]  }
0x30e: {  	[sflag:s10] =	ssyncset.done $0x0  }
0x30f: {  	[sflag:s10] =	ssyncadd.s32 $0xFFFFD800  }
0x310: {  	[tilespmem:s13], [sflag:$0x2] =	stream.indirect.gather.add.f32 [hbm:s4], $0x80, s1, s6, $0xb8;
	[tilespmem:$0xB400] =	vst v63  }
0x311: {  	_ =	swait.ge [sflag:s11], $0x2800  }
0x312: {  	s1 =	sld [smem:$0x7F5]  }
0x313: {  	[sflag:s11] =	ssyncset.done $0x0  }
0x314: {  	[sflag:s11] =	ssyncadd.s32 $0xFFFFD800  }
0x315: {  	[tilespmem:s12], [sflag:$0x3] =	stream.indirect.gather.add.f32 [hbm:s4], $0x80, s1, s6, $0xb8;
	[tilespmem:$0xB400] =	vst v63  }
0x316: {  	_ =	swait.ge [sflag:s7], $0x2800  }
0x317: {  	s1 =	sld [smem:$0x7F6]  }
0x318: {  	[sflag:s7] =	ssyncset.done $0x0  }
0x319: {  	[sflag:s7] =	ssyncadd.s32 $0xFFFFD800  }
0x31a: {  	[tilespmem:s8], [sflag:$0x4] =	stream.indirect.gather.add.f32 [hbm:s4], $0x80, s1, s6, $0xb8;
	[tilespmem:$0xB400] =	vst v63  }
0x31b: {  	_ =	swait.ge [sflag:s9], $0x2800  }
0x31c: {  	s1 =	sld [smem:$0x7F7]  }
0x31d: {  	[sflag:s9] =	ssyncset.done $0x0  }
0x31e: {  	[sflag:s9] =	ssyncadd.s32 $0xFFFFD800  }
0x31f: {  	[tilespmem:s5], [sflag:$0x1] =	stream.indirect.gather.add.f32 [hbm:s4], $0x80, s1, s6, $0xb8;
	[tilespmem:$0xB400] =	vst v63  }
0x320: {  	_ =	swait.ge [sflag:s10], $0x2800  }
0x321: {  	s1 =	sld [smem:$0x7F8]  }
0x322: {  	[sflag:s10] =	ssyncset.done $0x0  }
0x323: {  	[sflag:s10] =	ssyncadd.s32 $0xFFFFD800  }
0x324: {  	[tilespmem:s13], [sflag:$0x2] =	stream.indirect.gather.add.f32 [hbm:s4], $0x80, s1, s6, $0xb8;
	[tilespmem:$0xB400] =	vst v63  }
0x325: {  	_ =	swait.ge [sflag:s11], $0x2800  }
0x326: {  	s1 =	sld [smem:$0x7F9]  }
0x327: {  	[sflag:s11] =	ssyncset.done $0x0  }
0x328: {  	[sflag:s11] =	ssyncadd.s32 $0xFFFFD800  }
0x329: {  	[tilespmem:s12], [sflag:$0x3] =	stream.indirect.gather.add.f32 [hbm:s4], $0x80, s1, s6, $0xb8;
	[tilespmem:$0xB400] =	vst v63  }
0x32a: {  	_ =	swait.ge [sflag:s7], $0x2800  }
0x32b: {  	s1 =	sld [smem:$0x7FA]  }
0x32c: {  	[sflag:s7] =	ssyncset.done $0x0  }
0x32d: {  	[sflag:s7] =	ssyncadd.s32 $0xFFFFD800  }
0x32e: {  	[tilespmem:s8], [sflag:$0x4] =	stream.indirect.gather.add.f32 [hbm:s4], $0x80, s1, s6, $0xb8;
	[tilespmem:$0xB400] =	vst v63  }
0x32f: {  	_ =	swait.ge [sflag:s9], $0x2800  }
0x330: {  	s1 =	sld [smem:$0x7FB]  }
0x331: {  	[sflag:s9] =	ssyncset.done $0x0  }
0x332: {  	[sflag:s9] =	ssyncadd.s32 $0xFFFFD800  }
0x333: {  	[tilespmem:s5], [sflag:$0x1] =	stream.indirect.gather.add.f32 [hbm:s4], $0x80, s1, s6, $0xb8;
	[tilespmem:$0xB400] =	vst v63  }
0x334: {  	_ =	swait.ge [sflag:s10], $0x2800  }
0x335: {  	s1 =	sld [smem:$0x7FC]  }
0x336: {  	[sflag:s10] =	ssyncset.done $0x0  }
0x337: {  	[sflag:s10] =	ssyncadd.s32 $0xFFFFD800  }
0x338: {  	[tilespmem:s13], [sflag:$0x2] =	stream.indirect.gather.add.f32 [hbm:s4], $0x80, s1, s6, $0xb8;
	[tilespmem:$0xB400] =	vst v63  }
0x339: {  	_ =	swait.ge [sflag:s11], $0x2800  }
0x33a: {  	s1 =	sld [smem:$0x7FD]  }
0x33b: {  	[sflag:s11] =	ssyncset.done $0x0  }
0x33c: {  	[sflag:s11] =	ssyncadd.s32 $0xFFFFD800  }
0x33d: {  	[tilespmem:s12], [sflag:$0x3] =	stream.indirect.gather.add.f32 [hbm:s4], $0x80, s1, s6, $0xb8;
	[tilespmem:$0xB400] =	vst v63  }
0x33e: {  	_ =	swait.ge [sflag:s7], $0x2800  }
0x33f: {  	[sflag:s7] =	ssyncset.done $0x0  }
0x340: {  	[sflag:s7] =	ssyncadd.s32 $0xFFFFD800  }
0x341: {  	[tilespmem:s8], [sflag:$0x4] =	stream.indirect.gather.add.f32 [hbm:s4], $0x80, s15, s6, $0xb8;
	[tilespmem:$0xB400] =	vst v63  }
0x342: {  	_ =	swait.ge [sflag:s9], $0x2800  }
0x343: {  	[sflag:s9] =	ssyncset.done $0x0  }
0x344: {  	[sflag:s9] =	ssyncadd.s32 $0xFFFFD800  }
0x345: {  	[tilespmem:s5], [sflag:$0x1] =	stream.indirect.gather.add.f32 [hbm:s4], $0x80, s31, s6, $0xb8;
	[tilespmem:$0xB400] =	vst v63  }
0x346: {  	_ =	swait.ge [sflag:s10], $0x2800  }
0x347: {  	[sflag:s10] =	ssyncset.done $0x0  }
0x348: {  	[sflag:s10] =	ssyncadd.s32 $0xFFFFD800  }
0x349: {  	[tilespmem:s13], [sflag:$0x2] =	stream.indirect.gather.add.f32 [hbm:s4], $0x80, s30, s6, $0xb8;
	[tilespmem:$0xB400] =	vst v63  }
0x34a: {  	_ =	swait.ge [sflag:s11], $0x2800  }
0x34b: {  	[sflag:s11] =	ssyncset.done $0x0  }
0x34c: {  	[sflag:s11] =	ssyncadd.s32 $0xFFFFD800  }
0x34d: {  	[tilespmem:s12], [sflag:$0x3] =	stream.indirect.gather.add.f32 [hbm:s4], $0x80, s29, s6, $0xb8;
	[tilespmem:$0xB400] =	vst v63  }
0x34e: {  	_ =	swait.ge [sflag:s7], $0x2800  }
0x34f: {  	[sflag:s7] =	ssyncset.done $0x0  }
0x350: {  	[sflag:s7] =	ssyncadd.s32 $0xFFFFD800  }
0x351: {  	[tilespmem:s8], [sflag:$0x4] =	stream.indirect.gather.add.f32 [hbm:s4], $0x80, s28, s6, $0xb8;
	[tilespmem:$0xB400] =	vst v63  }
0x352: {  	_ =	swait.ge [sflag:s9], $0x2800  }
0x353: {  	[sflag:s9] =	ssyncset.done $0x0  }
0x354: {  	[sflag:s9] =	ssyncadd.s32 $0xFFFFD800  }
0x355: {  	[tilespmem:s5], [sflag:$0x1] =	stream.indirect.gather.add.f32 [hbm:s4], $0x80, s26, s6, $0xb8;
	[tilespmem:$0xB400] =	vst v63  }
0x356: {  	_ =	swait.ge [sflag:s10], $0x2800  }
0x357: {  	[sflag:s10] =	ssyncset.done $0x0  }
0x358: {  	[sflag:s10] =	ssyncadd.s32 $0xFFFFD800  }
0x359: {  	[tilespmem:s13], [sflag:$0x2] =	stream.indirect.gather.add.f32 [hbm:s4], $0x80, s25, s6, $0xb8;
	[tilespmem:$0xB400] =	vst v63  }
0x35a: {  	_ =	swait.ge [sflag:s11], $0x2800  }
0x35b: {  	[sflag:s11] =	ssyncset.done $0x0  }
0x35c: {  	[sflag:s11] =	ssyncadd.s32 $0xFFFFD800  }
0x35d: {  	[tilespmem:s12], [sflag:$0x3] =	stream.indirect.gather.add.f32 [hbm:s4], $0x80, s24, s6, $0xb8;
	[tilespmem:$0xB400] =	vst v63  }
0x35e: {  	_ =	swait.ge [sflag:s7], $0x2800  }
0x35f: {  	[sflag:s7] =	ssyncset.done $0x0  }
0x360: {  	[sflag:s7] =	ssyncadd.s32 $0xFFFFD800  }
0x361: {  	[tilespmem:s8], [sflag:$0x4] =	stream.indirect.gather.add.f32 [hbm:s4], $0x80, s23, s6, $0xb8;
	[tilespmem:$0xB400] =	vst v63  }
0x362: {  	_ =	swait.ge [sflag:s9], $0x2800  }
0x363: {  	[sflag:s9] =	ssyncset.done $0x0  }
0x364: {  	[sflag:s9] =	ssyncadd.s32 $0xFFFFD800  }
0x365: {  	[tilespmem:s5], [sflag:$0x1] =	stream.indirect.gather.add.f32 [hbm:s4], $0x80, s22, s6, $0xb8;
	[tilespmem:$0xB400] =	vst v63  }
0x366: {  	_ =	swait.ge [sflag:s10], $0x2800  }
0x367: {  	[sflag:s10] =	ssyncset.done $0x0  }
0x368: {  	[sflag:s10] =	ssyncadd.s32 $0xFFFFD800  }
0x369: {  	[tilespmem:s13], [sflag:$0x2] =	stream.indirect.gather.add.f32 [hbm:s4], $0x80, s20, s6, $0xb8;
	[tilespmem:$0xB400] =	vst v63  }
0x36a: {  	_ =	swait.ge [sflag:s11], $0x2800  }
0x36b: {  	[sflag:s11] =	ssyncset.done $0x0  }
0x36c: {  	[sflag:s11] =	ssyncadd.s32 $0xFFFFD800  }
0x36d: {  	[tilespmem:s12], [sflag:$0x3] =	stream.indirect.gather.add.f32 [hbm:s4], $0x80, s21, s6, $0xb8;
	[tilespmem:$0xB400] =	vst v63  }
0x36e: {  	_ =	swait.ge [sflag:s7], $0x2800  }
0x36f: {  	[sflag:s7] =	ssyncset.done $0x0  }
0x370: {  	[sflag:s7] =	ssyncadd.s32 $0xFFFFD800  }
0x371: {  	[tilespmem:s8], [sflag:$0x4] =	stream.indirect.gather.add.f32 [hbm:s4], $0x80, s19, s6, $0xb8;
	[tilespmem:$0xB400] =	vst v63  }
0x372: {  	_ =	swait.ge [sflag:s9], $0x2800  }
0x373: {  	[sflag:s9] =	ssyncset.done $0x0  }
0x374: {  	[sflag:s9] =	ssyncadd.s32 $0xFFFFD800  }
0x375: {  	[tilespmem:s5], [sflag:$0x1] =	stream.indirect.gather.add.f32 [hbm:s4], $0x80, s18, s6, $0xb8;
	[tilespmem:$0xB400] =	vst v63  }
0x376: {  	_ =	swait.ge [sflag:s10], $0x2800  }
0x377: {  	[sflag:s10] =	ssyncset.done $0x0  }
0x378: {  	[sflag:s10] =	ssyncadd.s32 $0xFFFFD800  }
0x379: {  	[tilespmem:s13], [sflag:$0x2] =	stream.indirect.gather.add.f32 [hbm:s4], $0x80, s17, s6, $0xb8;
	[tilespmem:$0xB400] =	vst v63  }
0x37a: {  	_ =	swait.ge [sflag:s11], $0x2800  }
0x37b: {  	[sflag:s11] =	ssyncset.done $0x0  }
0x37c: {  	[sflag:s11] =	ssyncadd.s32 $0xFFFFD800  }
0x37d: {  	[tilespmem:s12], [sflag:$0x3] =	stream.indirect.gather.add.f32 [hbm:s4], $0x80, s16, s6, $0xb8;
	[tilespmem:$0xB400] =	vst v63  }
0x37e: {  	_ =	swait.ge [sflag:s7], $0x2800  }
0x37f: {  	[sflag:s7] =	ssyncset.done $0x0  }
0x380: {  	s30 =	simm.s32 $0x13B0;
	[sflag:s7] =	ssyncadd.s32 $0xFFFFD800  }
0x381: {  	[tilespmem:s8], [sflag:$0x4] =	stream.indirect.gather.add.f32 [hbm:s4], $0x80, s30, s6, $0xb8;
	[tilespmem:$0xB400] =	vst v63  }
0x382: {  	_ =	swait.ge [sflag:s9], $0x2800  }
0x383: {  	[sflag:s9] =	ssyncset.done $0x0  }
0x384: {  	[sflag:s9] =	ssyncadd.s32 $0xFFFFD800  }
0x385: {  	_ =	swait.ge [sflag:s10], $0x2800  }
0x386: {  	[sflag:s10] =	ssyncset.done $0x0  }
0x387: {  	[sflag:s10] =	ssyncadd.s32 $0xFFFFD800  }
0x388: {  	_ =	swait.ge [sflag:s11], $0x2800  }
0x389: {  	[sflag:s11] =	ssyncset.done $0x0  }
0x38a: {  	[sflag:s11] =	ssyncadd.s32 $0xFFFFD800  }
0x38b: {  	_ =	swait.ge [sflag:s7], $0x2800  }
0x38c: {  	[sflag:s7] =	ssyncset.done $0x0  }
0x38d: {  	s31 =	rddreg [dreg:$0x3];
	[sflag:s7] =	ssyncadd.s32 $0xFFFFD800  }
0x38e: {  	[hbm4b:s31+s2] =	stream.linear.scatter [tilespmem:s5], [sflag:$0x5], $0xA000, $0x38;
	[tilespmem:$0xB400] =	vst v63  }
0x38f: {  	_ =	swait.ge [sflag:s3], $0xA000  }
0x390: {  	[sflag:s3] =	ssyncset.done $0x0  }
0x391: {  	[sflag:s3] =	ssyncadd.s32 $0xFFFF6000  }
0x392: {  	_ =	sfence.sel $0x180000  }
0x393: {  	[bflag:$0x0] =	sbarrier.arrive $0xFFFF  }
0x394: {  	_ =	strace $0x9000004A  }
0x395: {  	[bflag:$0x2] =	sbarrier.arrive $0xFFFF  }
0x396: {  	p0 =	sne.s32 s14, $0x0;
	s0 =	rddreg [dreg:$0x1]  }
0x397: {  	s0 =	sadd.s32 @!p0 $0x100000, s0  }
0x398: {  	[sflag:s0] =	ssyncadd.tile.s32 @!p0 $0x1;
	_ =	shalt  }
.LBB2_1:
0x399: {  	s15 =	simm.s32 $0xEB0;
	s31 =	simm.s32 $0xF00  }
.Ltmp3:
0x39a: {  	s30 =	simm.s32 $0xF50;
	s29 =	simm.s32 $0xFA0;
	(pc) =	sbr.rel .LBB2_6-.Ltmp3, $4  }
0x39b: {  	s28 =	simm.s32 $0xFF0;
	s26 =	simm.s32 $0x1040;
	s25 =	simm.s32 $0x1090  }
0x39c: {  	s24 =	simm.s32 $0x10E0;
	s23 =	simm.s32 $0x1130;
	s22 =	simm.s32 $0x1180  }
0x39d: {  	s21 =	simm.s32 $0x1220;
	s20 =	simm.s32 $0x11D0;
	s19 =	simm.s32 $0x1270  }
0x39e: {  	s18 =	simm.s32 $0x12C0;
	s17 =	simm.s32 $0x1310;
	s16 =	simm.s32 $0x1360  }
.LBB2_3:
0x39f: {  	s15 =	simm.s32 $0xEB0;
	s31 =	simm.s32 $0xF00;
	s30 =	simm.s32 $0xF50  }
.Ltmp4:
0x3a0: {  	s29 =	simm.s32 $0xFA0;
	s28 =	simm.s32 $0xFF0;
	(pc) =	sbr.rel .LBB2_6-.Ltmp4, $4  }
0x3a1: {  	s26 =	simm.s32 $0x1040;
	s25 =	simm.s32 $0x1090;
	s24 =	simm.s32 $0x10E0  }
0x3a2: {  	s23 =	simm.s32 $0x1130;
	s22 =	simm.s32 $0x1180;
	s21 =	simm.s32 $0x1220  }
0x3a3: {  	s20 =	simm.s32 $0x11D0;
	s19 =	simm.s32 $0x1270;
	s18 =	simm.s32 $0x12C0  }
0x3a4: {  	s17 =	simm.s32 $0x1310;
	s16 =	simm.s32 $0x1360;
	s14 =	stileid.u32  }
.Lfunc_end2:
_tile_overlayer_lowered:
.L_overlay_start_2:
0x3a5: {  	(tag) =	ssettag $0x2  }
0x3a6: {  	s0 =	rddreg [dreg:$0x0];
	s2 =	stileid.u32  }
0x3a7: {  	s1 =	rddreg [dreg:$0x1];
	p0 =	sne.s32 s2, $0x0  }
0x3a8: {  	s3 =	rddreg [dreg:$0x2];
	[bflag:$0x3] =	sbarrier.arrive $0xFFFF;
	s2 =	simm.s32 @!p0 $0x1C05  }
0x3a9: {  	[timem:s3], [sflag:s2] =	dma.local @!p0 [hbm:s0], s1  }
0x3aa: {  	s0 =	simm.s32 @!p0 $0x5  }
0x3ab: {  	_ =	swait.ge @!p0 [sflag:s0], s1  }
0x3ac: {  	s1 =	ssub.s32 @!p0 $0x0, s1;
	[sflag:s0] =	ssyncset.done @!p0 $0x0  }
0x3ad: {  	[sflag:s0] =	ssyncadd.s32 @!p0 s1  }
0x3ae: {  	[bflag:$0x3] =	sbarrier.arrive $0xFFFF  }
0x3af: {  	_ =	shalt  }

// kernel: kernel.7.cloned.1.call-start
scs
__scs_entry_jumppad:
0x0: {  	(pc) =	sbr.rel $0x88, $3  }
0x1: {  	(tag) =	ssettag $0x0;
	lr =	simm.s32 $0x1  }
0x2: {  	[smem:$0x3F88] =	sst lr;
	_ =	strace $0xD0000000  }
0x3: {  	_ = 	snop  }
0x4: {  	_ = 	snop  }
0x5: {  	_ = 	snop  }
0x6: {  	_ = 	snop  }
0x7: {  	_ = 	snop  }
__scs_overlays_trampoline_lowered:
0x8: {  	[smem:$0x3F97] =	sst s0  }
0x9: {  	[smem:$0x3F98] =	sst s1  }
0xa: {  	[smem:$0x3F99] =	sst s2  }
0xb: {  	[smem:$0x3F9A] =	sst s3  }
0xc: {  	[smem:$0x3F9B] =	sst s4  }
0xd: {  	[smem:$0x3F9C] =	sst s5  }
0xe: {  	[smem:$0x3F9D] =	sst s6  }
0xf: {  	[smem:$0x3F9E] =	sst s7  }
0x10: {  	[smem:$0x3F9F] =	sst s8  }
0x11: {  	[smem:$0x3FA0] =	sst s9;
	s0 =	simm.s32 @!p0 $0x0  }
0x12: {  	s1 =	sld [smem:$0x3F86];
	s0 =	simm.s32 @p0 $0x1  }
0x13: {  	[smem:$0x3FA1] =	sst s0;
	s0 =	simm.s32 @!p1 $0x0  }
0x14: {  	s2 =	sld [smem:$0x3F85];
	s0 =	simm.s32 @p1 $0x1  }
0x15: {  	[smem:$0x3FA2] =	sst s0;
	s0 =	simm.s32 @!p2 $0x0  }
0x16: {  	s3 =	sld [smem:$0x3FDB];
	s0 =	simm.s32 @p2 $0x1  }
0x17: {  	s4 =	simm.s32 $0x1BF5;
	[smem:$0x3FA4] =	sst s0  }
0x18: {  	s0 =	sld [smem:$0x3F87];
	_ =	swait.ge [sflag:s4], $0x0  }
0x19: {  	s7 =	sld [smem:$0x3F88]  }
0x1a: {  	s8 =	sadd.s32 $0xFFFFE003, lr  }
0x1b: {  	s9 =	sadd.s32 $0xFFFFFEF7, lr;
	s5 =	simm.s32 $0xFFFFFFFF;
	p2 =	slt.u32 s8, $0xFFFFF086  }
0x1c: {  	p1 =	slt.u32 s9, $0xF7A;
	s5 =	simm.s32 @!p2 $0x0  }
0x1d: {  	s5 =	simm.s32 @p1 $0x1;
	p0 =	seq.s32 s7, s2  }
0x1e: {  	s7 =	smul.u32 @!p0 $0xF7A, s2;
	p2 =	seq.s32 @!p0 s5, $0x0  }
0x1f: {  	s9 =	smul.u32 $0xF7A, s1;
	s8 =	simm.s32 @!p0 $0x1BF5;
	p2 =	por !p2, p0  }
0x20: {  	[sflag:s8] =	ssyncset.s32 @!p0 $0xFFFFF086;
	s6 =	sadd.s32 @!p0 s3, s7;
	s7 =	simm.s32 @!p0 $0x108  }
0x21: {  	s3 =	sadd.s32 s3, s9;
	s6 =	sadd.s32 @!p0 $0x88, s6;
	s7 =	simm.s32 @p2 $0x1082  }
0x22: {  	[simem:s7], [sflag:s8] =	dma.local @!p0 [hbm:s6], $0xF7A  }
0x23: {  	s9 =	sor.u32 $0xD0000000, s2;
	s6 =	simm.s32 $0x108;
	_ =	swait.ge @!p0 [sflag:s8], $0x0  }
0x24: {  	s3 =	sadd.s32 $0x88, s3;
	s6 =	simm.s32 @!p1 $0x1082;
	[sflag:s4] =	ssyncset.s32 $0xFFFFF086  }
0x25: {  	[simem:s6], [sflag:s4] =	dma.local [hbm:s3], $0xF7A  }
0x26: {  	[smem:$0x3F88] =	sst s1;
	(tag) =	ssettag s2;
	_ =	strace s9  }
0x27: {  	s1 =	sld [smem:$0x3F98]  }
0x28: {  	s2 =	sld [smem:$0x3F99]  }
0x29: {  	s4 =	sld [smem:$0x3F9B]  }
0x2a: {  	p0 =	seq.s32 s5, $0x0;
	s5 =	sld [smem:$0x3F9C]  }
0x2b: {  	s6 =	sld [smem:$0x3F9D]  }
0x2c: {  	s7 =	sld [smem:$0x3F9E]  }
0x2d: {  	s3 =	simm.s32 $0x108;
	s8 =	sld [smem:$0x3F9F]  }
0x2e: {  	s3 =	simm.s32 @!p0 $0x1082;
	s9 =	sld [smem:$0x3FA0]  }
0x2f: {  	lr =	sadd.s32 s0, s3;
	s0 =	sld [smem:$0x3F97]  }
0x30: {  	s3 =	sld [smem:$0x3F9A]  }
0x31: {  	[smem:$0x3FA3] =	sst s10  }
0x32: {  	s10 =	sld [smem:$0x3FA1];
	_ =	sdelay $0x3  }
0x33: {  	p0 =	seq.s32 s10, $0x1;
	s10 =	sld [smem:$0x3FA3];
	_ =	sdelay $0x3  }
0x34: {  	[smem:$0x3FA3] =	sst s10  }
0x35: {  	s10 =	sld [smem:$0x3FA2];
	_ =	sdelay $0x3  }
0x36: {  	p1 =	seq.s32 s10, $0x1;
	s10 =	sld [smem:$0x3FA3];
	_ =	sdelay $0x3  }
0x37: {  	[smem:$0x3FA3] =	sst s10  }
0x38: {  	s10 =	sld [smem:$0x3FA4]  }
0x39: {  	_ = 	snop;
	(pc) =	sbr.ind lr, $3  }
0x3a: {  	_ = 	snop  }
0x3b: {  	_ = 	snop  }
0x3c: {  	p2 =	seq.s32 s10, $0x1;
	s10 =	sld [smem:$0x3FA3]  }
0x3d: {  	_ =	shalt  }
0x3e: {  	_ =	shalt  }
0x3f: {  	_ =	shalt  }
0x40: {  	_ =	shalt  }
0x41: {  	_ =	shalt  }
0x42: {  	_ =	shalt  }
0x43: {  	_ =	shalt  }
0x44: {  	_ =	shalt  }
0x45: {  	_ =	shalt  }
0x46: {  	_ =	shalt  }
0x47: {  	_ =	shalt  }
0x48: {  	_ =	shalt  }
0x49: {  	_ =	shalt  }
0x4a: {  	_ =	shalt  }
0x4b: {  	_ =	shalt  }
0x4c: {  	_ =	shalt  }
0x4d: {  	_ =	shalt  }
0x4e: {  	_ =	shalt  }
0x4f: {  	_ =	shalt  }
0x50: {  	_ =	shalt  }
0x51: {  	_ =	shalt  }
0x52: {  	_ =	shalt  }
0x53: {  	_ =	shalt  }
0x54: {  	_ =	shalt  }
0x55: {  	_ =	shalt  }
0x56: {  	_ =	shalt  }
0x57: {  	_ =	shalt  }
0x58: {  	_ =	shalt  }
0x59: {  	_ =	shalt  }
0x5a: {  	_ =	shalt  }
0x5b: {  	_ =	shalt  }
0x5c: {  	_ =	shalt  }
0x5d: {  	_ =	shalt  }
0x5e: {  	_ =	shalt  }
0x5f: {  	_ =	shalt  }
0x60: {  	_ =	shalt  }
0x61: {  	_ =	shalt  }
0x62: {  	_ =	shalt  }
0x63: {  	_ =	shalt  }
0x64: {  	_ =	shalt  }
0x65: {  	_ =	shalt  }
0x66: {  	_ =	shalt  }
0x67: {  	_ =	shalt  }
0x68: {  	_ =	shalt  }
0x69: {  	_ =	shalt  }
0x6a: {  	_ =	shalt  }
0x6b: {  	_ =	shalt  }
0x6c: {  	_ =	shalt  }
0x6d: {  	_ =	shalt  }
0x6e: {  	_ =	shalt  }
0x6f: {  	_ =	shalt  }
0x70: {  	_ =	shalt  }
0x71: {  	_ =	shalt  }
0x72: {  	_ =	shalt  }
0x73: {  	_ =	shalt  }
0x74: {  	_ =	shalt  }
0x75: {  	_ =	shalt  }
0x76: {  	_ =	shalt  }
0x77: {  	_ =	shalt  }
0x78: {  	_ =	shalt  }
0x79: {  	_ =	shalt  }
0x7a: {  	_ =	shalt  }
0x7b: {  	_ =	shalt  }
0x7c: {  	_ =	shalt  }
0x7d: {  	_ =	shalt  }
0x7e: {  	_ =	shalt  }
0x7f: {  	_ =	shalt  }
0x80: {  	_ =	shalt  }
0x81: {  	_ =	shalt  }
0x82: {  	_ =	shalt  }
0x83: {  	_ =	shalt  }
0x84: {  	_ =	shalt  }
0x85: {  	_ =	shalt  }
0x86: {  	_ =	shalt  }
0x87: {  	_ =	shalt  }
.Lfunc_end0:
.L_simem_size_0:
called_computation_lowered:
.L_overlay_start_0:
0x88: {  	s2 =	sld [smem:$0x3FD9]  }
0x89: {  	s3 =	sld [smem:$0x3FFE];
	_ =	sdelay $0x1  }
0x8a: {  	s1 =	srdreg.scid  }
0x8b: {  	s0 =	sand.u32 $0x1, s1  }
0x8c: {  	s14 =	sshll.u32 s0, $0xA;
	s2 =	sadd.s32 s3, s2  }
0x8d: {  	s2 =	sadd.s32 s2, s14  }
0x8e: {  	[smem:$0x3FAF] =	sst s2  }
0x8f: {  	_ = 	snop  }
0x90: {  	s2 =	sld [smem:$0x3FD0];
	_ =	sdelay $0x1  }
0x91: {  	s15 =	sld [smem:$0x3FC6]  }
0x92: {  	s5 =	simm.s32 $0xA;
	s6 =	simm.s32 $0x10;
	s4 =	sld [smem:$0x3FC5]  }
0x93: {  	[smem:s6], [sflag:s5] =	dma.local [hbm:s2], $0x1  }
0x94: {  	_ =	swait.eq [sflag:s5], $0x1  }
0x95: {  	[sflag:s5] =	ssyncset.done $0x0  }
0x96: {  	[sflag:s5] =	ssyncadd.s32 $0xFFFFFFFF  }
0x97: {  	s16 =	sld [smem:$0x11];
	(tm) =	ssettm $0x1  }
0x98: {  	s17 =	sld [smem:$0x3FFB];
	_ =	sdelay $0x3  }
0x99: {  	_ =	strace s17  }
0x9a: {  	s5 =	sld [smem:$0x3FFC];
	_ =	sdelay $0x3  }
0x9b: {  	_ =	strace s5  }
0x9c: {  	s5 =	sld [smem:$0x3FFD];
	_ =	sdelay $0x3  }
0x9d: {  	_ =	strace s5  }
0x9e: {  	_ =	strace $0x8FFFFFFF  }
0x9f: {  	s18 =	sld [smem:$0x3FDB];
	_ =	sdelay $0x1  }
0xa0: {  	s19 =	simm.s32 $_scs_section_size  }
0xa1: {  	s7 =	simm.s32 $_size__tile_overlayer_lowered;
	s8 =	simm.s32 $_tile_overlayer_lowered  }
0xa2: {  	s22 =	simm.s32 $0x1BFF;
	s21 =	sshll.u32 s8, $0x1;
	s5 =	sadd.s32 s19, s18  }
0xa3: {  	s9 =	simm.s32 $0x0;
	s20 =	sshll.u32 s7, $0x1;
	s7 =	sadd.s32 s21, s5  }
0xa4: {  	[timem:s9], [sflag:s22] =	dma.local [hbm:s7], s20  }
0xa5: {  	_ =	swait.ge [sflag:s22], s20  }
0xa6: {  	s6 =	ssub.s32 $0x0, s20;
	[sflag:s22] =	ssyncset.done $0x0  }
0xa7: {  	[sflag:s22] =	ssyncadd.s32 s6;
	_ =	sdelay $0x1  }
0xa8: {  	s23 =	simm.s32 $0x1B8B  }
0xa9: {  	_ =	swait.ge [sflag:s23], $0x1  }
0xaa: {  	[sflag:s23] =	ssyncset.done $0x0  }
0xab: {  	s25 =	simm.s32 $0x1B8E;
	s24 =	sld [smem:$0x3FFE];
	[sflag:s23] =	ssyncadd.s32 $0xFFFFFFFF  }
0xac: {  	s26 =	simm.s32 $execute0_lowered;
	[smem:$0x3FD2] =	sst s25  }
0xad: {  	s7 =	sshll.u32 s26, $0x1;
	_ =	strace $0x80000046;
	[dreg:$0x1] =	wrdreg $0xFFFFFFFF  }
0xae: {  	s28 =	simm.s32 $_size_execute0_lowered;
	s5 =	sadd.s32 s5, s7;
	[dreg:$0x0] =	wrdreg $0x0  }
0xaf: {  	s7 =	sshll.u32 s28, $0x1;
	[dreg:$0x2] =	wrdreg s5  }
0xb0: {  	[dreg:$0x3] =	wrdreg s7  }
0xb1: {  	[dreg:$0x4] =	wrdreg $0xC0  }
0xb2: {  	_ =	task [dreg:s9], $0x5FFFF  }
0xb3: {  	[dreg:$0x1] =	wrdreg $0xFFFFFFFF  }
0xb4: {  	[dreg:$0x0] =	wrdreg $0x60  }
0xb5: {  	[dreg:$0x2] =	wrdreg s16  }
0xb6: {  	[dreg:$0x3] =	wrdreg s24  }
0xb7: {  	[dreg:$0x4] =	wrdreg s4  }
0xb8: {  	[dreg:$0x5] =	wrdreg s15  }
0xb9: {  	[dreg:$0x6] =	wrdreg $0x9  }
0xba: {  	_ =	task.clear_ibuf [dreg:s9], $0x7FFFF;
	_ =	strace $0x90000046  }
0xbb: {  	s29 =	simm.s32 $0x9;
	_ =	strace $0x80000048  }
0xbc: {  	_ =	swait.ge [sflag:s29], $0x1  }
0xbd: {  	[sflag:s29] =	ssyncadd.s32 $0xFFFFFFFF  }
0xbe: {  	_ =	strace $0x90000048  }
0xbf: {  	_ =	sfence  }
0xc0: {  	s30 =	sld [smem:$0x0];
	_ =	sdelay $0x2  }
0xc1: {  	s31 =	sshll.u32 s1, $0xD;
	s1 =	sshrl.u32 s1, $0x2  }
0xc2: {  	s3 =	sand.u32 $0x4000, s31;
	s1 =	sadd.s32 s1, s30  }
0xc3: {  	s0 =	sor.u32 s3, s0;
	s1 =	sshll.u32 s1, $0x11  }
0xc4: {  	s0 =	sor.u32 s1, s0  }
0xc5: {  	s0 =	sadd.s32 $0x8F2B, s0  }
0xc6: {  	[sflag:s0] =	ssyncadd.remote.s32 $0x1  }
0xc7: {  	_ =	sfence.sel $0xFFFF  }
0xc8: {  	[dreg:$0x0] =	wrdreg $0xFFFFFFFF;
	(pc) =	sbr.abs _section_cstart, $3  }
0xc9: {  	[dreg:$0x1] =	wrdreg $0xFFFFFFFF  }
0xca: {  	_ =	task.clear_ibuf [dreg:s9], $0x2FFFF;
	_ =	strace $0x9FFFFFFF  }
0xcb: {  	(tm) =	ssettm $0x7FFFFFFF  }
tec
execute0_lowered:
.L_overlay_start_1:
0x0: {  	(tag) =	ssettag $0x1  }
0x1: {  	s3 =	rddreg [dreg:$0x0]  }
0x2: {  	s0 =	srdreg.scid;
	s2 =	stileid.u32  }
0x3: {  	s4 =	rddreg [dreg:$0x1];
	s0 =	sand.u32 $0x1, s0;
	s2 =	sshll.u32 s2, $0x1  }
0x4: {  	s1 =	rddreg [dreg:$0x2];
	s8 =	sor.u32 s0, s2  }
0x5: {  	s5 =	rddreg [dreg:$0x3];
	p0 =	por $0x0, $0x0;
	s7 =	smul.u32 $0x1388, s8  }
0x6: {  	s6 =	sadd.s32 $0x2BA00, s4;
	s2 =	simm.s32 $0x0;
	s8 =	smul.u32 $0x13880, s8  }
0x7: {  	s4 =	sadd.s32 $0x4800, s4;
	s0 =	ssub.s32 $0x2, s0;
	[smem:$0x7FF] =	sst s2  }
0x8: {  	_ =	strace $0x80000047;
	s9 =	sshrl.u32 s7, $0x3;
	s8 =	sadd.s32 s6, s8  }
0x9: {  	s11 =	sadd.s32 $0x1E8, s7;
	s10 =	sadd.s32 s1, s9;
	[dreg:$0xb] =	wrdreg s8  }
0xa: {  	s9 =	sadd.s32 s5, s9;
	s23 =	sshrl.u32 s11, $0x3;
	[dreg:$0x5] =	wrdreg s10  }
0xb: {  	s12 =	sadd.s32 $0x3D0, s7;
	[dreg:$0x6] =	wrdreg s9;
	s24 =	sadd.s32 s1, s23  }
0xc: {  	s26 =	sshrl.u32 s12, $0x3;
	s25 =	sadd.s32 s5, s23;
	[dreg:$0x7] =	wrdreg s24  }
0xd: {  	s15 =	sadd.s32 $0x5B8, s7;
	s13 =	sadd.s32 s1, s26;
	[dreg:$0x8] =	wrdreg s25  }
0xe: {  	s19 =	sshrl.u32 s15, $0x3;
	s14 =	sadd.s32 s5, s26;
	[dreg:$0x9] =	wrdreg s13  }
0xf: {  	s22 =	sshll.u32 s11, $0x4;
	s20 =	sadd.s32 s1, s19;
	[dreg:$0xa] =	wrdreg s14  }
0x10: {  	s11 =	simm.s32 $0x6;
	s21 =	sadd.s32 s5, s19;
	[dreg:$0xc] =	wrdreg s20  }
0x11: {  	s23 =	sadd.s32 $0x7A0, s7;
	s16 =	sadd.s32 s6, s22;
	[dreg:$0xd] =	wrdreg s21  }
0x12: {  	s17 =	sshrl.u32 s23, $0x3;
	[dreg:$0xe] =	wrdreg s16;
	s20 =	sshll.u32 s12, $0x4  }
0x13: {  	s21 =	sadd.s32 $0x988, s7;
	s13 =	sshll.u32 s15, $0x4;
	s14 =	sadd.s32 $0xB70, s7  }
0x14: {  	s12 =	simm.s32 $0x1;
	s18 =	sadd.s32 s1, s17;
	s19 =	sadd.s32 s5, s17  }
0x15: {  	s24 =	sadd.s32 s6, s20;
	s25 =	sshrl.u32 s21, $0x3;
	s15 =	sadd.s32 s6, s13  }
0x16: {  	s16 =	sshrl.u32 s14, $0x3;
	s20 =	sadd.s32 $0xD58, s7;
	[dreg:$0xf] =	wrdreg s18  }
0x17: {  	s13 =	sshrl.u32 s0, $0x1;
	s10 =	sshll.u32 s14, $0x4;
	[dreg:$0x10] =	wrdreg s19  }
0x18: {  	[dreg:$0x11] =	wrdreg s24;
	s26 =	sadd.s32 s1, s25;
	s9 =	sadd.s32 s5, s25  }
0x19: {  	[dreg:$0x14] =	wrdreg s15;
	s17 =	sadd.s32 s1, s16;
	s18 =	sadd.s32 s5, s16  }
0x1a: {  	s19 =	sshll.u32 s23, $0x4;
	s23 =	sshrl.u32 s20, $0x3;
	[dreg:$0x12] =	wrdreg s26  }
0x1b: {  	s0 =	ssub.s32 s0, s13;
	s25 =	sadd.s32 $0xF40, s7;
	[dreg:$0x13] =	wrdreg s9  }
0x1c: {  	s15 =	sshll.u32 s21, $0x4;
	s29 =	sadd.s32 s6, s10;
	[dreg:$0x15] =	wrdreg s17  }
0x1d: {  	s10 =	simm.s32 $0x5;
	[dreg:$0x16] =	wrdreg s18;
	s22 =	sadd.s32 s6, s19  }
0x1e: {  	s24 =	sadd.s32 s1, s23;
	s30 =	sadd.s32 s5, s23;
	s16 =	sshrl.u32 s25, $0x3  }
0x1f: {  	s31 =	sadd.s32 s6, s15;
	s17 =	sadd.s32 $0x1128, s7;
	s7 =	sadd.s32 $0x1310, s7  }
0x20: {  	s19 =	sshll.u32 s20, $0x4;
	s0 =	smax.u32 s0, $0x1;
	[dreg:$0x17] =	wrdreg s22  }
0x21: {  	s9 =	simm.s32 $0x3;
	s15 =	simm.s32 $0xFC00;
	[dreg:$0x18] =	wrdreg s24  }
0x22: {  	s26 =	sadd.s32 s1, s16;
	s28 =	sadd.s32 s5, s16;
	s18 =	sshrl.u32 s17, $0x3  }
0x23: {  	s20 =	sshrl.u32 s7, $0x3;
	s23 =	sadd.s32 s6, s19;
	s24 =	sshll.u32 s25, $0x4  }
0x24: {  	s25 =	sshll.u32 s17, $0x4;
	s7 =	sshll.u32 s7, $0x4;
	s19 =	simm.s32 $0x1E8  }
0x25: {  	p1 =	sne.s32 s0, $0x1;
	s17 =	simm.s32 $0x4;
	s16 =	simm.s32 $0x78  }
.Ltmp0:
0x26: {  	s21 =	sadd.s32 s1, s18;
	s22 =	sadd.s32 s5, s18;
	(pc) =	sbr.rel @!p1 .LBB2_3-.Ltmp0, $4  }
0x27: {  	s13 =	sadd.s32 s1, s20;
	s14 =	sadd.s32 s5, s20;
	s18 =	sadd.s32 s6, s24  }
0x28: {  	s8 =	sadd.s32 s6, s25;
	s5 =	sadd.s32 s6, s7;
	s7 =	simm.s32 $0x400  }
0x29: {  	s6 =	simm.s32 $0x800;
	s24 =	simm.s32 $0x200;
	s20 =	simm.s32 $0x600  }
0x2a: {  	s1 =	sadd.s32 $0xFFFFFFFF, s0;
	s25 =	simm.s32 $0x2;
	s0 =	rddreg [dreg:$0x5]  }
0x2b: {  	[dreg:$0x19] =	wrdreg s1  }
0x2c: {  	[tilespmem:s2], [sflag:$0x1] =	stream.linear.gather [hbm4b:s0+s2], $0x1E8, $0x38;
	[tilespmem:$0x1F000] =	vst v63  }
0x2d: {  	s1 =	rddreg [dreg:$0x6]  }
0x2e: {  	[tilespmem:s7], [sflag:$0x1] =	stream.linear.gather [hbm4b:s1+s2], $0x1E8, $0x38;
	[tilespmem:$0x1F000] =	vst v63  }
0x2f: {  	_ =	swait.ge [sflag:s12], $0x1E8  }
0x30: {  	[sflag:s12] =	ssyncset.done $0x0  }
0x31: {  	[sflag:s12] =	ssyncadd.s32 $0xFFFFFE18  }
0x32: {  	_ =	swait.ge [sflag:s12], $0x1E8  }
0x33: {  	[sflag:s12] =	ssyncset.done $0x0  }
0x34: {  	[sflag:s12] =	ssyncadd.s32 $0xFFFFFE18  }
0x35: {  	[tilespmem:s6], [sflag:$0x3] =	stream.indirect.gather [hbm4b:s3+s19], $0x80, s2, s19, $0xb8;
	[tilespmem:$0x1F000] =	vst v63  }
0x36: {  	s0 =	rddreg [dreg:$0x7]  }
0x37: {  	[tilespmem:s24], [sflag:$0x2] =	stream.linear.gather [hbm4b:s0+s2], $0x1E8, $0x38;
	[tilespmem:$0x1F000] =	vst v63  }
0x38: {  	s1 =	rddreg [dreg:$0x8]  }
0x39: {  	[tilespmem:s20], [sflag:$0x2] =	stream.linear.gather [hbm4b:s1+s2], $0x1E8, $0x38;
	[tilespmem:$0x1F000] =	vst v63  }
0x3a: {  	_ =	swait.ge [sflag:s9], $0xF400  }
0x3b: {  	[sflag:s9] =	ssyncset.done $0x0  }
0x3c: {  	[sflag:s9] =	ssyncadd.s32 $0xFFFF0C00  }
0x3d: {  	[tilespmem:s6], [sflag:$0x3] =	stream.indirect.gather.add.f32 [hbm:s4], $0x80, s7, s19, $0xb8;
	[tilespmem:$0x1F000] =	vst v63  }
0x3e: {  	_ =	swait.ge [sflag:s25], $0x1E8  }
0x3f: {  	[sflag:s25] =	ssyncset.done $0x0  }
0x40: {  	[sflag:s25] =	ssyncadd.s32 $0xFFFFFE18  }
0x41: {  	_ =	swait.ge [sflag:s25], $0x1E8  }
0x42: {  	[sflag:s25] =	ssyncset.done $0x0  }
0x43: {  	[sflag:s25] =	ssyncadd.s32 $0xFFFFFE18  }
0x44: {  	[tilespmem:s15], [sflag:$0x4] =	stream.indirect.gather [hbm4b:s3+s19], $0x80, s24, s19, $0xb8;
	[tilespmem:$0x1F000] =	vst v63  }
0x45: {  	_ =	swait.ge [sflag:s9], $0xF400  }
0x46: {  	[sflag:s9] =	ssyncset.done $0x0  }
0x47: {  	s0 =	rddreg [dreg:$0x9];
	[sflag:s9] =	ssyncadd.s32 $0xFFFF0C00  }
0x48: {  	[tilespmem:s2], [sflag:$0x1] =	stream.linear.gather [hbm4b:s0+s2], $0x1E8, $0x38;
	[tilespmem:$0x1F000] =	vst v63  }
0x49: {  	s1 =	rddreg [dreg:$0xa]  }
0x4a: {  	[tilespmem:s7], [sflag:$0x1] =	stream.linear.gather [hbm4b:s1+s2], $0x1E8, $0x38;
	[tilespmem:$0x1F000] =	vst v63  }
0x4b: {  	s0 =	rddreg [dreg:$0xb]  }
0x4c: {  	[hbm4b:s0+s2] =	stream.linear.scatter [tilespmem:s6], [sflag:$0x5], $0xF400, $0x38;
	[tilespmem:$0x1F000] =	vst v63  }
0x4d: {  	_ =	swait.ge [sflag:s17], $0xF400  }
0x4e: {  	[sflag:s17] =	ssyncset.done $0x0  }
0x4f: {  	[sflag:s17] =	ssyncadd.s32 $0xFFFF0C00  }
0x50: {  	[tilespmem:s15], [sflag:$0x4] =	stream.indirect.gather.add.f32 [hbm:s4], $0x80, s20, s19, $0xb8;
	[tilespmem:$0x1F000] =	vst v63  }
0x51: {  	_ =	swait.ge [sflag:s10], $0xF400  }
0x52: {  	[sflag:s10] =	ssyncset.done $0x0  }
0x53: {  	[sflag:s10] =	ssyncadd.s32 $0xFFFF0C00  }
0x54: {  	_ =	swait.ge [sflag:s12], $0x1E8  }
0x55: {  	[sflag:s12] =	ssyncset.done $0x0  }
0x56: {  	[sflag:s12] =	ssyncadd.s32 $0xFFFFFE18  }
0x57: {  	_ =	swait.ge [sflag:s12], $0x1E8  }
0x58: {  	[sflag:s12] =	ssyncset.done $0x0  }
0x59: {  	[sflag:s12] =	ssyncadd.s32 $0xFFFFFE18  }
0x5a: {  	[tilespmem:s6], [sflag:$0x3] =	stream.indirect.gather [hbm4b:s3+s19], $0x80, s2, s19, $0xb8;
	[tilespmem:$0x1F000] =	vst v63  }
0x5b: {  	_ =	swait.ge [sflag:s17], $0xF400  }
0x5c: {  	[sflag:s17] =	ssyncset.done $0x0  }
0x5d: {  	s0 =	rddreg [dreg:$0xc];
	[sflag:s17] =	ssyncadd.s32 $0xFFFF0C00  }
0x5e: {  	[tilespmem:s24], [sflag:$0x2] =	stream.linear.gather [hbm4b:s0+s2], $0x1E8, $0x38;
	[tilespmem:$0x1F000] =	vst v63  }
0x5f: {  	s1 =	rddreg [dreg:$0xd]  }
0x60: {  	[tilespmem:s20], [sflag:$0x2] =	stream.linear.gather [hbm4b:s1+s2], $0x1E8, $0x38;
	[tilespmem:$0x1F000] =	vst v63  }
0x61: {  	s0 =	rddreg [dreg:$0xe]  }
0x62: {  	[hbm4b:s0+s2] =	stream.linear.scatter [tilespmem:s15], [sflag:$0x6], $0xF400, $0x38;
	[tilespmem:$0x1F000] =	vst v63  }
0x63: {  	_ =	swait.ge [sflag:s9], $0xF400  }
0x64: {  	[sflag:s9] =	ssyncset.done $0x0  }
0x65: {  	[sflag:s9] =	ssyncadd.s32 $0xFFFF0C00  }
0x66: {  	[tilespmem:s6], [sflag:$0x3] =	stream.indirect.gather.add.f32 [hbm:s4], $0x80, s7, s19, $0xb8;
	[tilespmem:$0x1F000] =	vst v63  }
0x67: {  	_ =	swait.ge [sflag:s11], $0xF400  }
0x68: {  	[sflag:s11] =	ssyncset.done $0x0  }
0x69: {  	[sflag:s11] =	ssyncadd.s32 $0xFFFF0C00  }
0x6a: {  	_ =	swait.ge [sflag:s25], $0x1E8  }
0x6b: {  	[sflag:s25] =	ssyncset.done $0x0  }
0x6c: {  	[sflag:s25] =	ssyncadd.s32 $0xFFFFFE18  }
0x6d: {  	_ =	swait.ge [sflag:s25], $0x1E8  }
0x6e: {  	[sflag:s25] =	ssyncset.done $0x0  }
0x6f: {  	[sflag:s25] =	ssyncadd.s32 $0xFFFFFE18  }
0x70: {  	[tilespmem:s15], [sflag:$0x4] =	stream.indirect.gather [hbm4b:s3+s19], $0x80, s24, s19, $0xb8;
	[tilespmem:$0x1F000] =	vst v63  }
0x71: {  	_ =	swait.ge [sflag:s9], $0xF400  }
0x72: {  	[sflag:s9] =	ssyncset.done $0x0  }
0x73: {  	s0 =	rddreg [dreg:$0xf];
	[sflag:s9] =	ssyncadd.s32 $0xFFFF0C00  }
0x74: {  	[tilespmem:s2], [sflag:$0x1] =	stream.linear.gather [hbm4b:s0+s2], $0x1E8, $0x38;
	[tilespmem:$0x1F000] =	vst v63  }
0x75: {  	s1 =	rddreg [dreg:$0x10]  }
0x76: {  	[tilespmem:s7], [sflag:$0x1] =	stream.linear.gather [hbm4b:s1+s2], $0x1E8, $0x38;
	[tilespmem:$0x1F000] =	vst v63  }
0x77: {  	s0 =	rddreg [dreg:$0x11]  }
0x78: {  	[hbm4b:s0+s2] =	stream.linear.scatter [tilespmem:s6], [sflag:$0x5], $0xF400, $0x38;
	[tilespmem:$0x1F000] =	vst v63  }
0x79: {  	_ =	swait.ge [sflag:s17], $0xF400  }
0x7a: {  	[sflag:s17] =	ssyncset.done $0x0  }
0x7b: {  	[sflag:s17] =	ssyncadd.s32 $0xFFFF0C00  }
0x7c: {  	[tilespmem:s15], [sflag:$0x4] =	stream.indirect.gather.add.f32 [hbm:s4], $0x80, s20, s19, $0xb8;
	[tilespmem:$0x1F000] =	vst v63  }
0x7d: {  	_ =	swait.ge [sflag:s10], $0xF400  }
0x7e: {  	[sflag:s10] =	ssyncset.done $0x0  }
0x7f: {  	[sflag:s10] =	ssyncadd.s32 $0xFFFF0C00  }
0x80: {  	_ =	swait.ge [sflag:s12], $0x1E8  }
0x81: {  	[sflag:s12] =	ssyncset.done $0x0  }
0x82: {  	[sflag:s12] =	ssyncadd.s32 $0xFFFFFE18  }
0x83: {  	_ =	swait.ge [sflag:s12], $0x1E8  }
0x84: {  	[sflag:s12] =	ssyncset.done $0x0  }
0x85: {  	[sflag:s12] =	ssyncadd.s32 $0xFFFFFE18  }
0x86: {  	[tilespmem:s6], [sflag:$0x3] =	stream.indirect.gather [hbm4b:s3+s19], $0x80, s2, s19, $0xb8;
	[tilespmem:$0x1F000] =	vst v63  }
0x87: {  	_ =	swait.ge [sflag:s17], $0xF400  }
0x88: {  	[sflag:s17] =	ssyncset.done $0x0  }
0x89: {  	s0 =	rddreg [dreg:$0x12];
	[sflag:s17] =	ssyncadd.s32 $0xFFFF0C00  }
0x8a: {  	[tilespmem:s24], [sflag:$0x2] =	stream.linear.gather [hbm4b:s0+s2], $0x1E8, $0x38;
	[tilespmem:$0x1F000] =	vst v63  }
0x8b: {  	s1 =	rddreg [dreg:$0x13]  }
0x8c: {  	[tilespmem:s20], [sflag:$0x2] =	stream.linear.gather [hbm4b:s1+s2], $0x1E8, $0x38;
	[tilespmem:$0x1F000] =	vst v63  }
0x8d: {  	s0 =	rddreg [dreg:$0x14]  }
0x8e: {  	[hbm4b:s0+s2] =	stream.linear.scatter [tilespmem:s15], [sflag:$0x6], $0xF400, $0x38;
	[tilespmem:$0x1F000] =	vst v63  }
0x8f: {  	_ =	swait.ge [sflag:s9], $0xF400  }
0x90: {  	[sflag:s9] =	ssyncset.done $0x0  }
0x91: {  	[sflag:s9] =	ssyncadd.s32 $0xFFFF0C00  }
0x92: {  	[tilespmem:s6], [sflag:$0x3] =	stream.indirect.gather.add.f32 [hbm:s4], $0x80, s7, s19, $0xb8;
	[tilespmem:$0x1F000] =	vst v63  }
0x93: {  	_ =	swait.ge [sflag:s11], $0xF400  }
0x94: {  	[sflag:s11] =	ssyncset.done $0x0  }
0x95: {  	[sflag:s11] =	ssyncadd.s32 $0xFFFF0C00  }
0x96: {  	_ =	swait.ge [sflag:s25], $0x1E8  }
0x97: {  	[sflag:s25] =	ssyncset.done $0x0  }
0x98: {  	[sflag:s25] =	ssyncadd.s32 $0xFFFFFE18  }
0x99: {  	_ =	swait.ge [sflag:s25], $0x1E8  }
0x9a: {  	[sflag:s25] =	ssyncset.done $0x0  }
0x9b: {  	[sflag:s25] =	ssyncadd.s32 $0xFFFFFE18  }
0x9c: {  	[tilespmem:s15], [sflag:$0x4] =	stream.indirect.gather [hbm4b:s3+s19], $0x80, s24, s19, $0xb8;
	[tilespmem:$0x1F000] =	vst v63  }
0x9d: {  	_ =	swait.ge [sflag:s9], $0xF400  }
0x9e: {  	[sflag:s9] =	ssyncset.done $0x0  }
0x9f: {  	s0 =	rddreg [dreg:$0x15];
	[sflag:s9] =	ssyncadd.s32 $0xFFFF0C00  }
0xa0: {  	[tilespmem:s2], [sflag:$0x1] =	stream.linear.gather [hbm4b:s0+s2], $0x1E8, $0x38;
	[tilespmem:$0x1F000] =	vst v63  }
0xa1: {  	s1 =	rddreg [dreg:$0x16]  }
0xa2: {  	[tilespmem:s7], [sflag:$0x1] =	stream.linear.gather [hbm4b:s1+s2], $0x1E8, $0x38;
	[tilespmem:$0x1F000] =	vst v63  }
0xa3: {  	s0 =	rddreg [dreg:$0x17]  }
0xa4: {  	[hbm4b:s0+s2] =	stream.linear.scatter [tilespmem:s6], [sflag:$0x5], $0xF400, $0x38;
	[tilespmem:$0x1F000] =	vst v63  }
0xa5: {  	_ =	swait.ge [sflag:s17], $0xF400  }
0xa6: {  	[sflag:s17] =	ssyncset.done $0x0  }
0xa7: {  	[sflag:s17] =	ssyncadd.s32 $0xFFFF0C00  }
0xa8: {  	[tilespmem:s15], [sflag:$0x4] =	stream.indirect.gather.add.f32 [hbm:s4], $0x80, s20, s19, $0xb8;
	[tilespmem:$0x1F000] =	vst v63  }
0xa9: {  	_ =	swait.ge [sflag:s10], $0xF400  }
0xaa: {  	[sflag:s10] =	ssyncset.done $0x0  }
0xab: {  	[sflag:s10] =	ssyncadd.s32 $0xFFFF0C00  }
0xac: {  	_ =	swait.ge [sflag:s12], $0x1E8  }
0xad: {  	[sflag:s12] =	ssyncset.done $0x0  }
0xae: {  	[sflag:s12] =	ssyncadd.s32 $0xFFFFFE18  }
0xaf: {  	_ =	swait.ge [sflag:s12], $0x1E8  }
0xb0: {  	[sflag:s12] =	ssyncset.done $0x0  }
0xb1: {  	[sflag:s12] =	ssyncadd.s32 $0xFFFFFE18  }
0xb2: {  	[tilespmem:s6], [sflag:$0x3] =	stream.indirect.gather [hbm4b:s3+s19], $0x80, s2, s19, $0xb8;
	[tilespmem:$0x1F000] =	vst v63  }
0xb3: {  	_ =	swait.ge [sflag:s17], $0xF400  }
0xb4: {  	[sflag:s17] =	ssyncset.done $0x0  }
0xb5: {  	s1 =	rddreg [dreg:$0x18];
	[sflag:s17] =	ssyncadd.s32 $0xFFFF0C00  }
0xb6: {  	[tilespmem:s24], [sflag:$0x2] =	stream.linear.gather [hbm4b:s1+s2], $0x1E8, $0x38;
	[tilespmem:$0x1F000] =	vst v63  }
0xb7: {  	_ = 	snop  }
0xb8: {  	[tilespmem:s20], [sflag:$0x2] =	stream.linear.gather [hbm4b:s30+s2], $0x1E8, $0x38;
	[tilespmem:$0x1F000] =	vst v63  }
0xb9: {  	_ = 	snop  }
0xba: {  	[hbm4b:s31+s2] =	stream.linear.scatter [tilespmem:s15], [sflag:$0x6], $0xF400, $0x38;
	[tilespmem:$0x1F000] =	vst v63  }
0xbb: {  	_ =	swait.ge [sflag:s9], $0xF400  }
0xbc: {  	[sflag:s9] =	ssyncset.done $0x0  }
0xbd: {  	[sflag:s9] =	ssyncadd.s32 $0xFFFF0C00  }
0xbe: {  	[tilespmem:s6], [sflag:$0x3] =	stream.indirect.gather.add.f32 [hbm:s4], $0x80, s7, s19, $0xb8;
	[tilespmem:$0x1F000] =	vst v63  }
0xbf: {  	_ =	swait.ge [sflag:s11], $0xF400  }
0xc0: {  	[sflag:s11] =	ssyncset.done $0x0  }
0xc1: {  	[sflag:s11] =	ssyncadd.s32 $0xFFFF0C00  }
0xc2: {  	_ =	swait.ge [sflag:s25], $0x1E8  }
0xc3: {  	[sflag:s25] =	ssyncset.done $0x0  }
0xc4: {  	[sflag:s25] =	ssyncadd.s32 $0xFFFFFE18  }
0xc5: {  	_ =	swait.ge [sflag:s25], $0x1E8  }
0xc6: {  	[sflag:s25] =	ssyncset.done $0x0  }
0xc7: {  	[sflag:s25] =	ssyncadd.s32 $0xFFFFFE18  }
0xc8: {  	[tilespmem:s15], [sflag:$0x4] =	stream.indirect.gather [hbm4b:s3+s19], $0x80, s24, s19, $0xb8;
	[tilespmem:$0x1F000] =	vst v63  }
0xc9: {  	_ =	swait.ge [sflag:s9], $0xF400  }
0xca: {  	[sflag:s9] =	ssyncset.done $0x0  }
0xcb: {  	[sflag:s9] =	ssyncadd.s32 $0xFFFF0C00  }
0xcc: {  	[tilespmem:s2], [sflag:$0x1] =	stream.linear.gather [hbm4b:s26+s2], $0x1E8, $0x38;
	[tilespmem:$0x1F000] =	vst v63  }
0xcd: {  	_ = 	snop  }
0xce: {  	[tilespmem:s7], [sflag:$0x1] =	stream.linear.gather [hbm4b:s28+s2], $0x1E8, $0x38;
	[tilespmem:$0x1F000] =	vst v63  }
0xcf: {  	_ = 	snop  }
0xd0: {  	[hbm4b:s29+s2] =	stream.linear.scatter [tilespmem:s6], [sflag:$0x5], $0xF400, $0x38;
	[tilespmem:$0x1F000] =	vst v63  }
0xd1: {  	_ =	swait.ge [sflag:s17], $0xF400  }
0xd2: {  	[sflag:s17] =	ssyncset.done $0x0  }
0xd3: {  	[sflag:s17] =	ssyncadd.s32 $0xFFFF0C00  }
0xd4: {  	[tilespmem:s15], [sflag:$0x4] =	stream.indirect.gather.add.f32 [hbm:s4], $0x80, s20, s19, $0xb8;
	[tilespmem:$0x1F000] =	vst v63  }
0xd5: {  	_ =	swait.ge [sflag:s10], $0xF400  }
0xd6: {  	[sflag:s10] =	ssyncset.done $0x0  }
0xd7: {  	[sflag:s10] =	ssyncadd.s32 $0xFFFF0C00  }
0xd8: {  	_ =	swait.ge [sflag:s12], $0x1E8  }
0xd9: {  	[sflag:s12] =	ssyncset.done $0x0  }
0xda: {  	[sflag:s12] =	ssyncadd.s32 $0xFFFFFE18  }
0xdb: {  	_ =	swait.ge [sflag:s12], $0x1E8  }
0xdc: {  	[sflag:s12] =	ssyncset.done $0x0  }
0xdd: {  	[sflag:s12] =	ssyncadd.s32 $0xFFFFFE18  }
0xde: {  	[tilespmem:s6], [sflag:$0x3] =	stream.indirect.gather [hbm4b:s3+s19], $0x80, s2, s19, $0xb8;
	[tilespmem:$0x1F000] =	vst v63  }
0xdf: {  	_ =	swait.ge [sflag:s17], $0xF400  }
0xe0: {  	[sflag:s17] =	ssyncset.done $0x0  }
0xe1: {  	[sflag:s17] =	ssyncadd.s32 $0xFFFF0C00  }
0xe2: {  	[tilespmem:s24], [sflag:$0x2] =	stream.linear.gather [hbm4b:s21+s2], $0x1E8, $0x38;
	[tilespmem:$0x1F000] =	vst v63  }
0xe3: {  	_ = 	snop  }
0xe4: {  	[tilespmem:s20], [sflag:$0x2] =	stream.linear.gather [hbm4b:s22+s2], $0x1E8, $0x38;
	[tilespmem:$0x1F000] =	vst v63  }
0xe5: {  	_ = 	snop  }
0xe6: {  	[hbm4b:s23+s2] =	stream.linear.scatter [tilespmem:s15], [sflag:$0x6], $0xF400, $0x38;
	[tilespmem:$0x1F000] =	vst v63  }
0xe7: {  	_ =	swait.ge [sflag:s9], $0xF400  }
0xe8: {  	[sflag:s9] =	ssyncset.done $0x0  }
0xe9: {  	[sflag:s9] =	ssyncadd.s32 $0xFFFF0C00  }
0xea: {  	[tilespmem:s6], [sflag:$0x3] =	stream.indirect.gather.add.f32 [hbm:s4], $0x80, s7, s19, $0xb8;
	[tilespmem:$0x1F000] =	vst v63  }
0xeb: {  	_ =	swait.ge [sflag:s11], $0xF400  }
0xec: {  	[sflag:s11] =	ssyncset.done $0x0  }
0xed: {  	[sflag:s11] =	ssyncadd.s32 $0xFFFF0C00  }
0xee: {  	_ =	swait.ge [sflag:s25], $0x1E8  }
0xef: {  	[sflag:s25] =	ssyncset.done $0x0  }
0xf0: {  	[sflag:s25] =	ssyncadd.s32 $0xFFFFFE18  }
0xf1: {  	_ =	swait.ge [sflag:s25], $0x1E8  }
0xf2: {  	[sflag:s25] =	ssyncset.done $0x0  }
0xf3: {  	[sflag:s25] =	ssyncadd.s32 $0xFFFFFE18  }
0xf4: {  	[tilespmem:s15], [sflag:$0x4] =	stream.indirect.gather [hbm4b:s3+s19], $0x80, s24, s19, $0xb8;
	[tilespmem:$0x1F000] =	vst v63  }
0xf5: {  	_ =	swait.ge [sflag:s9], $0xF400  }
0xf6: {  	[sflag:s9] =	ssyncset.done $0x0  }
0xf7: {  	[sflag:s9] =	ssyncadd.s32 $0xFFFF0C00  }
0xf8: {  	[tilespmem:s2], [sflag:$0x1] =	stream.linear.gather [hbm4b:s13+s2], $0x78, $0x38;
	[tilespmem:$0x1F000] =	vst v63  }
0xf9: {  	_ = 	snop  }
0xfa: {  	[tilespmem:s7], [sflag:$0x1] =	stream.linear.gather [hbm4b:s14+s2], $0x78, $0x38;
	[tilespmem:$0x1F000] =	vst v63  }
0xfb: {  	_ = 	snop  }
0xfc: {  	[hbm4b:s18+s2] =	stream.linear.scatter [tilespmem:s6], [sflag:$0x5], $0xF400, $0x38;
	[tilespmem:$0x1F000] =	vst v63  }
0xfd: {  	_ =	swait.ge [sflag:s17], $0xF400  }
0xfe: {  	[sflag:s17] =	ssyncset.done $0x0  }
0xff: {  	[sflag:s17] =	ssyncadd.s32 $0xFFFF0C00  }
0x100: {  	[tilespmem:s15], [sflag:$0x4] =	stream.indirect.gather.add.f32 [hbm:s4], $0x80, s20, s19, $0xb8;
	[tilespmem:$0x1F000] =	vst v63  }
0x101: {  	_ =	swait.ge [sflag:s10], $0xF400  }
0x102: {  	[sflag:s10] =	ssyncset.done $0x0  }
0x103: {  	[sflag:s10] =	ssyncadd.s32 $0xFFFF0C00  }
0x104: {  	_ =	swait.ge [sflag:s12], $0x78  }
0x105: {  	[sflag:s12] =	ssyncset.done $0x0  }
0x106: {  	[sflag:s12] =	ssyncadd.s32 $0xFFFFFF88  }
0x107: {  	_ =	swait.ge [sflag:s12], $0x78  }
0x108: {  	[sflag:s12] =	ssyncset.done $0x0  }
0x109: {  	[sflag:s12] =	ssyncadd.s32 $0xFFFFFF88  }
0x10a: {  	[tilespmem:s6], [sflag:$0x3] =	stream.indirect.gather [hbm4b:s3+s16], $0x80, s2, s16, $0xb8;
	[tilespmem:$0x1F000] =	vst v63  }
0x10b: {  	_ =	swait.ge [sflag:s17], $0xF400  }
0x10c: {  	[sflag:s17] =	ssyncset.done $0x0  }
0x10d: {  	[sflag:s17] =	ssyncadd.s32 $0xFFFF0C00  }
0x10e: {  	[hbm4b:s8+s2] =	stream.linear.scatter [tilespmem:s15], [sflag:$0x6], $0xF400, $0x38;
	[tilespmem:$0x1F000] =	vst v63  }
0x10f: {  	_ =	swait.ge [sflag:s9], $0x3C00  }
0x110: {  	[sflag:s9] =	ssyncset.done $0x0  }
0x111: {  	[sflag:s9] =	ssyncadd.s32 $0xFFFFC400  }
0x112: {  	[tilespmem:s6], [sflag:$0x3] =	stream.indirect.gather.add.f32 [hbm:s4], $0x80, s7, s16, $0xb8;
	[tilespmem:$0x1F000] =	vst v63  }
0x113: {  	_ =	swait.ge [sflag:s9], $0x3C00  }
0x114: {  	[sflag:s9] =	ssyncset.done $0x0  }
0x115: {  	[sflag:s9] =	ssyncadd.s32 $0xFFFFC400  }
0x116: {  	[hbm4b:s5+s2] =	stream.linear.scatter [tilespmem:s6], [sflag:$0x5], $0x3C00, $0x38;
	[tilespmem:$0x1F000] =	vst v63  }
0x117: {  	_ =	swait.ge [sflag:s11], $0xF400  }
0x118: {  	s1 =	rddreg [dreg:$0x19]  }
0x119: {  	p1 =	sne.s32 s1, $0x1  }
.Ltmp1:
0x11a: {  	_ = 	snop;
	(pc) =	sbr.rel @!p1 .LBB2_3-.Ltmp1, $4  }
0x11b: {  	[sflag:s11] =	ssyncset.done $0x0  }
0x11c: {  	[sflag:s11] =	ssyncadd.s32 $0xFFFF0C00  }
0x11d: {  	p0 =	por $0x1, $0x1;
	_ =	swait.ge [sflag:s10], $0x3C00  }
0x11e: {  	s1 =	sadd.s32 $0xFFFFFFFF, s1;
	s0 =	rddreg [dreg:$0x5];
	[sflag:s10] =	ssyncset.done $0x0  }
.LBB2_2:
0x11f: {  	[sflag:s10] =	ssyncadd.s32 $0xFFFFC400  }
0x120: {  	[tilespmem:s2], [sflag:$0x1] =	stream.linear.gather [hbm4b:s0+s2], $0x1E8, $0x38;
	[tilespmem:$0x1F000] =	vst v63  }
0x121: {  	s16 =	smov.u32 s8;
	s8 =	smov.u32 s5;
	s5 =	rddreg [dreg:$0x6]  }
0x122: {  	[tilespmem:s7], [sflag:$0x1] =	stream.linear.gather [hbm4b:s5+s2], $0x1E8, $0x38;
	[tilespmem:$0x1F000] =	vst v63  }
0x123: {  	_ =	swait.ge [sflag:s12], $0x1E8  }
0x124: {  	[sflag:s12] =	ssyncset.done $0x0  }
0x125: {  	[sflag:s12] =	ssyncadd.s32 $0xFFFFFE18  }
0x126: {  	_ =	swait.ge [sflag:s12], $0x1E8  }
0x127: {  	[sflag:s12] =	ssyncset.done $0x0  }
0x128: {  	[sflag:s12] =	ssyncadd.s32 $0xFFFFFE18  }
0x129: {  	[tilespmem:s6], [sflag:$0x3] =	stream.indirect.gather [hbm4b:s3+s19], $0x80, s2, s19, $0xb8;
	[tilespmem:$0x1F000] =	vst v63  }
0x12a: {  	s0 =	rddreg [dreg:$0x7]  }
0x12b: {  	[tilespmem:s24], [sflag:$0x2] =	stream.linear.gather [hbm4b:s0+s2], $0x1E8, $0x38;
	[tilespmem:$0x1F000] =	vst v63  }
0x12c: {  	s5 =	rddreg [dreg:$0x8]  }
0x12d: {  	[tilespmem:s20], [sflag:$0x2] =	stream.linear.gather [hbm4b:s5+s2], $0x1E8, $0x38;
	[tilespmem:$0x1F000] =	vst v63  }
0x12e: {  	_ =	swait.ge [sflag:s9], $0xF400  }
0x12f: {  	[sflag:s9] =	ssyncset.done $0x0  }
0x130: {  	[sflag:s9] =	ssyncadd.s32 $0xFFFF0C00  }
0x131: {  	[tilespmem:s6], [sflag:$0x3] =	stream.indirect.gather.add.f32 [hbm:s4], $0x80, s7, s19, $0xb8;
	[tilespmem:$0x1F000] =	vst v63  }
0x132: {  	_ =	swait.ge [sflag:s25], $0x1E8  }
0x133: {  	[sflag:s25] =	ssyncset.done $0x0  }
0x134: {  	[sflag:s25] =	ssyncadd.s32 $0xFFFFFE18  }
0x135: {  	_ =	swait.ge [sflag:s25], $0x1E8  }
0x136: {  	[sflag:s25] =	ssyncset.done $0x0  }
0x137: {  	[sflag:s25] =	ssyncadd.s32 $0xFFFFFE18  }
0x138: {  	[tilespmem:s15], [sflag:$0x4] =	stream.indirect.gather [hbm4b:s3+s19], $0x80, s24, s19, $0xb8;
	[tilespmem:$0x1F000] =	vst v63  }
0x139: {  	_ =	swait.ge [sflag:s9], $0xF400  }
0x13a: {  	[sflag:s9] =	ssyncset.done $0x0  }
0x13b: {  	s0 =	rddreg [dreg:$0x9];
	[sflag:s9] =	ssyncadd.s32 $0xFFFF0C00  }
0x13c: {  	[tilespmem:s2], [sflag:$0x1] =	stream.linear.gather [hbm4b:s0+s2], $0x1E8, $0x38;
	[tilespmem:$0x1F000] =	vst v63  }
0x13d: {  	s5 =	rddreg [dreg:$0xa]  }
0x13e: {  	[tilespmem:s7], [sflag:$0x1] =	stream.linear.gather [hbm4b:s5+s2], $0x1E8, $0x38;
	[tilespmem:$0x1F000] =	vst v63  }
0x13f: {  	s0 =	rddreg [dreg:$0xb]  }
0x140: {  	[hbm4b:s0+s2] =	stream.linear.scatter [tilespmem:s6], [sflag:$0x5], $0xF400, $0x38;
	[tilespmem:$0x1F000] =	vst v63  }
0x141: {  	_ =	swait.ge [sflag:s17], $0xF400  }
0x142: {  	[sflag:s17] =	ssyncset.done $0x0  }
0x143: {  	[sflag:s17] =	ssyncadd.s32 $0xFFFF0C00  }
0x144: {  	[tilespmem:s15], [sflag:$0x4] =	stream.indirect.gather.add.f32 [hbm:s4], $0x80, s20, s19, $0xb8;
	[tilespmem:$0x1F000] =	vst v63  }
0x145: {  	_ =	swait.ge [sflag:s10], $0xF400  }
0x146: {  	[sflag:s10] =	ssyncset.done $0x0  }
0x147: {  	[sflag:s10] =	ssyncadd.s32 $0xFFFF0C00  }
0x148: {  	_ =	swait.ge [sflag:s12], $0x1E8  }
0x149: {  	[sflag:s12] =	ssyncset.done $0x0  }
0x14a: {  	[sflag:s12] =	ssyncadd.s32 $0xFFFFFE18  }
0x14b: {  	_ =	swait.ge [sflag:s12], $0x1E8  }
0x14c: {  	[sflag:s12] =	ssyncset.done $0x0  }
0x14d: {  	[sflag:s12] =	ssyncadd.s32 $0xFFFFFE18  }
0x14e: {  	[tilespmem:s6], [sflag:$0x3] =	stream.indirect.gather [hbm4b:s3+s19], $0x80, s2, s19, $0xb8;
	[tilespmem:$0x1F000] =	vst v63  }
0x14f: {  	_ =	swait.ge [sflag:s17], $0xF400  }
0x150: {  	[sflag:s17] =	ssyncset.done $0x0  }
0x151: {  	s0 =	rddreg [dreg:$0xc];
	[sflag:s17] =	ssyncadd.s32 $0xFFFF0C00  }
0x152: {  	[tilespmem:s24], [sflag:$0x2] =	stream.linear.gather [hbm4b:s0+s2], $0x1E8, $0x38;
	[tilespmem:$0x1F000] =	vst v63  }
0x153: {  	s5 =	rddreg [dreg:$0xd]  }
0x154: {  	[tilespmem:s20], [sflag:$0x2] =	stream.linear.gather [hbm4b:s5+s2], $0x1E8, $0x38;
	[tilespmem:$0x1F000] =	vst v63  }
0x155: {  	s0 =	rddreg [dreg:$0xe]  }
0x156: {  	[hbm4b:s0+s2] =	stream.linear.scatter [tilespmem:s15], [sflag:$0x6], $0xF400, $0x38;
	[tilespmem:$0x1F000] =	vst v63  }
0x157: {  	_ =	swait.ge [sflag:s9], $0xF400  }
0x158: {  	[sflag:s9] =	ssyncset.done $0x0  }
0x159: {  	[sflag:s9] =	ssyncadd.s32 $0xFFFF0C00  }
0x15a: {  	[tilespmem:s6], [sflag:$0x3] =	stream.indirect.gather.add.f32 [hbm:s4], $0x80, s7, s19, $0xb8;
	[tilespmem:$0x1F000] =	vst v63  }
0x15b: {  	_ =	swait.ge [sflag:s11], $0xF400  }
0x15c: {  	[sflag:s11] =	ssyncset.done $0x0  }
0x15d: {  	[sflag:s11] =	ssyncadd.s32 $0xFFFF0C00  }
0x15e: {  	_ =	swait.ge [sflag:s25], $0x1E8  }
0x15f: {  	[sflag:s25] =	ssyncset.done $0x0  }
0x160: {  	[sflag:s25] =	ssyncadd.s32 $0xFFFFFE18  }
0x161: {  	_ =	swait.ge [sflag:s25], $0x1E8  }
0x162: {  	[sflag:s25] =	ssyncset.done $0x0  }
0x163: {  	[sflag:s25] =	ssyncadd.s32 $0xFFFFFE18  }
0x164: {  	[tilespmem:s15], [sflag:$0x4] =	stream.indirect.gather [hbm4b:s3+s19], $0x80, s24, s19, $0xb8;
	[tilespmem:$0x1F000] =	vst v63  }
0x165: {  	_ =	swait.ge [sflag:s9], $0xF400  }
0x166: {  	[sflag:s9] =	ssyncset.done $0x0  }
0x167: {  	s0 =	rddreg [dreg:$0xf];
	[sflag:s9] =	ssyncadd.s32 $0xFFFF0C00  }
0x168: {  	[tilespmem:s2], [sflag:$0x1] =	stream.linear.gather [hbm4b:s0+s2], $0x1E8, $0x38;
	[tilespmem:$0x1F000] =	vst v63  }
0x169: {  	s5 =	rddreg [dreg:$0x10]  }
0x16a: {  	[tilespmem:s7], [sflag:$0x1] =	stream.linear.gather [hbm4b:s5+s2], $0x1E8, $0x38;
	[tilespmem:$0x1F000] =	vst v63  }
0x16b: {  	s0 =	rddreg [dreg:$0x11]  }
0x16c: {  	[hbm4b:s0+s2] =	stream.linear.scatter [tilespmem:s6], [sflag:$0x5], $0xF400, $0x38;
	[tilespmem:$0x1F000] =	vst v63  }
0x16d: {  	_ =	swait.ge [sflag:s17], $0xF400  }
0x16e: {  	[sflag:s17] =	ssyncset.done $0x0  }
0x16f: {  	[sflag:s17] =	ssyncadd.s32 $0xFFFF0C00  }
0x170: {  	[tilespmem:s15], [sflag:$0x4] =	stream.indirect.gather.add.f32 [hbm:s4], $0x80, s20, s19, $0xb8;
	[tilespmem:$0x1F000] =	vst v63  }
0x171: {  	_ =	swait.ge [sflag:s10], $0xF400  }
0x172: {  	[sflag:s10] =	ssyncset.done $0x0  }
0x173: {  	[sflag:s10] =	ssyncadd.s32 $0xFFFF0C00  }
0x174: {  	_ =	swait.ge [sflag:s12], $0x1E8  }
0x175: {  	[sflag:s12] =	ssyncset.done $0x0  }
0x176: {  	[sflag:s12] =	ssyncadd.s32 $0xFFFFFE18  }
0x177: {  	_ =	swait.ge [sflag:s12], $0x1E8  }
0x178: {  	[sflag:s12] =	ssyncset.done $0x0  }
0x179: {  	[sflag:s12] =	ssyncadd.s32 $0xFFFFFE18  }
0x17a: {  	[tilespmem:s6], [sflag:$0x3] =	stream.indirect.gather [hbm4b:s3+s19], $0x80, s2, s19, $0xb8;
	[tilespmem:$0x1F000] =	vst v63  }
0x17b: {  	_ =	swait.ge [sflag:s17], $0xF400  }
0x17c: {  	[sflag:s17] =	ssyncset.done $0x0  }
0x17d: {  	s0 =	rddreg [dreg:$0x12];
	[sflag:s17] =	ssyncadd.s32 $0xFFFF0C00  }
0x17e: {  	[tilespmem:s24], [sflag:$0x2] =	stream.linear.gather [hbm4b:s0+s2], $0x1E8, $0x38;
	[tilespmem:$0x1F000] =	vst v63  }
0x17f: {  	s5 =	rddreg [dreg:$0x13]  }
0x180: {  	[tilespmem:s20], [sflag:$0x2] =	stream.linear.gather [hbm4b:s5+s2], $0x1E8, $0x38;
	[tilespmem:$0x1F000] =	vst v63  }
0x181: {  	s0 =	rddreg [dreg:$0x14]  }
0x182: {  	[hbm4b:s0+s2] =	stream.linear.scatter [tilespmem:s15], [sflag:$0x6], $0xF400, $0x38;
	[tilespmem:$0x1F000] =	vst v63  }
0x183: {  	_ =	swait.ge [sflag:s9], $0xF400  }
0x184: {  	[sflag:s9] =	ssyncset.done $0x0  }
0x185: {  	[sflag:s9] =	ssyncadd.s32 $0xFFFF0C00  }
0x186: {  	[tilespmem:s6], [sflag:$0x3] =	stream.indirect.gather.add.f32 [hbm:s4], $0x80, s7, s19, $0xb8;
	[tilespmem:$0x1F000] =	vst v63  }
0x187: {  	_ =	swait.ge [sflag:s11], $0xF400  }
0x188: {  	[sflag:s11] =	ssyncset.done $0x0  }
0x189: {  	[sflag:s11] =	ssyncadd.s32 $0xFFFF0C00  }
0x18a: {  	_ =	swait.ge [sflag:s25], $0x1E8  }
0x18b: {  	[sflag:s25] =	ssyncset.done $0x0  }
0x18c: {  	[sflag:s25] =	ssyncadd.s32 $0xFFFFFE18  }
0x18d: {  	_ =	swait.ge [sflag:s25], $0x1E8  }
0x18e: {  	[sflag:s25] =	ssyncset.done $0x0  }
0x18f: {  	[sflag:s25] =	ssyncadd.s32 $0xFFFFFE18  }
0x190: {  	[tilespmem:s15], [sflag:$0x4] =	stream.indirect.gather [hbm4b:s3+s19], $0x80, s24, s19, $0xb8;
	[tilespmem:$0x1F000] =	vst v63  }
0x191: {  	_ =	swait.ge [sflag:s9], $0xF400  }
0x192: {  	[sflag:s9] =	ssyncset.done $0x0  }
0x193: {  	s0 =	rddreg [dreg:$0x15];
	[sflag:s9] =	ssyncadd.s32 $0xFFFF0C00  }
0x194: {  	[tilespmem:s2], [sflag:$0x1] =	stream.linear.gather [hbm4b:s0+s2], $0x1E8, $0x38;
	[tilespmem:$0x1F000] =	vst v63  }
0x195: {  	s5 =	rddreg [dreg:$0x16]  }
0x196: {  	[tilespmem:s7], [sflag:$0x1] =	stream.linear.gather [hbm4b:s5+s2], $0x1E8, $0x38;
	[tilespmem:$0x1F000] =	vst v63  }
0x197: {  	s0 =	rddreg [dreg:$0x17]  }
0x198: {  	[hbm4b:s0+s2] =	stream.linear.scatter [tilespmem:s6], [sflag:$0x5], $0xF400, $0x38;
	[tilespmem:$0x1F000] =	vst v63  }
0x199: {  	_ =	swait.ge [sflag:s17], $0xF400  }
0x19a: {  	[sflag:s17] =	ssyncset.done $0x0  }
0x19b: {  	[sflag:s17] =	ssyncadd.s32 $0xFFFF0C00  }
0x19c: {  	[tilespmem:s15], [sflag:$0x4] =	stream.indirect.gather.add.f32 [hbm:s4], $0x80, s20, s19, $0xb8;
	[tilespmem:$0x1F000] =	vst v63  }
0x19d: {  	_ =	swait.ge [sflag:s10], $0xF400  }
0x19e: {  	[sflag:s10] =	ssyncset.done $0x0  }
0x19f: {  	[sflag:s10] =	ssyncadd.s32 $0xFFFF0C00  }
0x1a0: {  	_ =	swait.ge [sflag:s12], $0x1E8  }
0x1a1: {  	[sflag:s12] =	ssyncset.done $0x0  }
0x1a2: {  	[sflag:s12] =	ssyncadd.s32 $0xFFFFFE18  }
0x1a3: {  	_ =	swait.ge [sflag:s12], $0x1E8  }
0x1a4: {  	[sflag:s12] =	ssyncset.done $0x0  }
0x1a5: {  	[sflag:s12] =	ssyncadd.s32 $0xFFFFFE18  }
0x1a6: {  	[tilespmem:s6], [sflag:$0x3] =	stream.indirect.gather [hbm4b:s3+s19], $0x80, s2, s19, $0xb8;
	[tilespmem:$0x1F000] =	vst v63  }
0x1a7: {  	_ =	swait.ge [sflag:s17], $0xF400  }
0x1a8: {  	[sflag:s17] =	ssyncset.done $0x0  }
0x1a9: {  	s0 =	rddreg [dreg:$0x18];
	[sflag:s17] =	ssyncadd.s32 $0xFFFF0C00  }
0x1aa: {  	[tilespmem:s24], [sflag:$0x2] =	stream.linear.gather [hbm4b:s0+s2], $0x1E8, $0x38;
	[tilespmem:$0x1F000] =	vst v63  }
0x1ab: {  	_ = 	snop  }
0x1ac: {  	[tilespmem:s20], [sflag:$0x2] =	stream.linear.gather [hbm4b:s30+s2], $0x1E8, $0x38;
	[tilespmem:$0x1F000] =	vst v63  }
0x1ad: {  	_ = 	snop  }
0x1ae: {  	[hbm4b:s31+s2] =	stream.linear.scatter [tilespmem:s15], [sflag:$0x6], $0xF400, $0x38;
	[tilespmem:$0x1F000] =	vst v63  }
0x1af: {  	_ =	swait.ge [sflag:s9], $0xF400  }
0x1b0: {  	[sflag:s9] =	ssyncset.done $0x0  }
0x1b1: {  	[sflag:s9] =	ssyncadd.s32 $0xFFFF0C00  }
0x1b2: {  	[tilespmem:s6], [sflag:$0x3] =	stream.indirect.gather.add.f32 [hbm:s4], $0x80, s7, s19, $0xb8;
	[tilespmem:$0x1F000] =	vst v63  }
0x1b3: {  	_ =	swait.ge [sflag:s11], $0xF400  }
0x1b4: {  	[sflag:s11] =	ssyncset.done $0x0  }
0x1b5: {  	[sflag:s11] =	ssyncadd.s32 $0xFFFF0C00  }
0x1b6: {  	_ =	swait.ge [sflag:s25], $0x1E8  }
0x1b7: {  	[sflag:s25] =	ssyncset.done $0x0  }
0x1b8: {  	[sflag:s25] =	ssyncadd.s32 $0xFFFFFE18  }
0x1b9: {  	_ =	swait.ge [sflag:s25], $0x1E8  }
0x1ba: {  	[sflag:s25] =	ssyncset.done $0x0  }
0x1bb: {  	[sflag:s25] =	ssyncadd.s32 $0xFFFFFE18  }
0x1bc: {  	[tilespmem:s15], [sflag:$0x4] =	stream.indirect.gather [hbm4b:s3+s19], $0x80, s24, s19, $0xb8;
	[tilespmem:$0x1F000] =	vst v63  }
0x1bd: {  	_ =	swait.ge [sflag:s9], $0xF400  }
0x1be: {  	[sflag:s9] =	ssyncset.done $0x0  }
0x1bf: {  	[sflag:s9] =	ssyncadd.s32 $0xFFFF0C00  }
0x1c0: {  	[tilespmem:s2], [sflag:$0x1] =	stream.linear.gather [hbm4b:s26+s2], $0x1E8, $0x38;
	[tilespmem:$0x1F000] =	vst v63  }
0x1c1: {  	_ = 	snop  }
0x1c2: {  	[tilespmem:s7], [sflag:$0x1] =	stream.linear.gather [hbm4b:s28+s2], $0x1E8, $0x38;
	[tilespmem:$0x1F000] =	vst v63  }
0x1c3: {  	_ = 	snop  }
0x1c4: {  	[hbm4b:s29+s2] =	stream.linear.scatter [tilespmem:s6], [sflag:$0x5], $0xF400, $0x38;
	[tilespmem:$0x1F000] =	vst v63  }
0x1c5: {  	_ =	swait.ge [sflag:s17], $0xF400  }
0x1c6: {  	[sflag:s17] =	ssyncset.done $0x0  }
0x1c7: {  	[sflag:s17] =	ssyncadd.s32 $0xFFFF0C00  }
0x1c8: {  	[tilespmem:s15], [sflag:$0x4] =	stream.indirect.gather.add.f32 [hbm:s4], $0x80, s20, s19, $0xb8;
	[tilespmem:$0x1F000] =	vst v63  }
0x1c9: {  	_ =	swait.ge [sflag:s10], $0xF400  }
0x1ca: {  	[sflag:s10] =	ssyncset.done $0x0  }
0x1cb: {  	[sflag:s10] =	ssyncadd.s32 $0xFFFF0C00  }
0x1cc: {  	_ =	swait.ge [sflag:s12], $0x1E8  }
0x1cd: {  	[sflag:s12] =	ssyncset.done $0x0  }
0x1ce: {  	[sflag:s12] =	ssyncadd.s32 $0xFFFFFE18  }
0x1cf: {  	_ =	swait.ge [sflag:s12], $0x1E8  }
0x1d0: {  	[sflag:s12] =	ssyncset.done $0x0  }
0x1d1: {  	[sflag:s12] =	ssyncadd.s32 $0xFFFFFE18  }
0x1d2: {  	[tilespmem:s6], [sflag:$0x3] =	stream.indirect.gather [hbm4b:s3+s19], $0x80, s2, s19, $0xb8;
	[tilespmem:$0x1F000] =	vst v63  }
0x1d3: {  	_ =	swait.ge [sflag:s17], $0xF400  }
0x1d4: {  	[sflag:s17] =	ssyncset.done $0x0  }
0x1d5: {  	[sflag:s17] =	ssyncadd.s32 $0xFFFF0C00  }
0x1d6: {  	[tilespmem:s24], [sflag:$0x2] =	stream.linear.gather [hbm4b:s21+s2], $0x1E8, $0x38;
	[tilespmem:$0x1F000] =	vst v63  }
0x1d7: {  	_ = 	snop  }
0x1d8: {  	[tilespmem:s20], [sflag:$0x2] =	stream.linear.gather [hbm4b:s22+s2], $0x1E8, $0x38;
	[tilespmem:$0x1F000] =	vst v63  }
0x1d9: {  	_ = 	snop  }
0x1da: {  	[hbm4b:s23+s2] =	stream.linear.scatter [tilespmem:s15], [sflag:$0x6], $0xF400, $0x38;
	[tilespmem:$0x1F000] =	vst v63  }
0x1db: {  	_ =	swait.ge [sflag:s9], $0xF400  }
0x1dc: {  	[sflag:s9] =	ssyncset.done $0x0  }
0x1dd: {  	[sflag:s9] =	ssyncadd.s32 $0xFFFF0C00  }
0x1de: {  	[tilespmem:s6], [sflag:$0x3] =	stream.indirect.gather.add.f32 [hbm:s4], $0x80, s7, s19, $0xb8;
	[tilespmem:$0x1F000] =	vst v63  }
0x1df: {  	_ =	swait.ge [sflag:s11], $0xF400  }
0x1e0: {  	[sflag:s11] =	ssyncset.done $0x0  }
0x1e1: {  	[sflag:s11] =	ssyncadd.s32 $0xFFFF0C00  }
0x1e2: {  	_ =	swait.ge [sflag:s25], $0x1E8  }
0x1e3: {  	[sflag:s25] =	ssyncset.done $0x0  }
0x1e4: {  	[sflag:s25] =	ssyncadd.s32 $0xFFFFFE18  }
0x1e5: {  	_ =	swait.ge [sflag:s25], $0x1E8  }
0x1e6: {  	[sflag:s25] =	ssyncset.done $0x0  }
0x1e7: {  	[sflag:s25] =	ssyncadd.s32 $0xFFFFFE18  }
0x1e8: {  	[tilespmem:s15], [sflag:$0x4] =	stream.indirect.gather [hbm4b:s3+s19], $0x80, s24, s19, $0xb8;
	[tilespmem:$0x1F000] =	vst v63  }
0x1e9: {  	_ =	swait.ge [sflag:s9], $0xF400  }
0x1ea: {  	[sflag:s9] =	ssyncset.done $0x0  }
0x1eb: {  	[sflag:s9] =	ssyncadd.s32 $0xFFFF0C00  }
0x1ec: {  	[tilespmem:s2], [sflag:$0x1] =	stream.linear.gather [hbm4b:s13+s2], $0x78, $0x38;
	[tilespmem:$0x1F000] =	vst v63  }
0x1ed: {  	_ = 	snop  }
0x1ee: {  	[tilespmem:s7], [sflag:$0x1] =	stream.linear.gather [hbm4b:s14+s2], $0x78, $0x38;
	[tilespmem:$0x1F000] =	vst v63  }
0x1ef: {  	_ = 	snop  }
0x1f0: {  	[hbm4b:s18+s2] =	stream.linear.scatter [tilespmem:s6], [sflag:$0x5], $0xF400, $0x38;
	[tilespmem:$0x1F000] =	vst v63  }
0x1f1: {  	_ =	swait.ge [sflag:s17], $0xF400  }
0x1f2: {  	[sflag:s17] =	ssyncset.done $0x0  }
0x1f3: {  	[sflag:s17] =	ssyncadd.s32 $0xFFFF0C00  }
0x1f4: {  	[tilespmem:s15], [sflag:$0x4] =	stream.indirect.gather.add.f32 [hbm:s4], $0x80, s20, s19, $0xb8;
	[tilespmem:$0x1F000] =	vst v63  }
0x1f5: {  	_ =	swait.ge [sflag:s10], $0xF400  }
0x1f6: {  	[sflag:s10] =	ssyncset.done $0x0  }
0x1f7: {  	[sflag:s10] =	ssyncadd.s32 $0xFFFF0C00  }
0x1f8: {  	_ =	swait.ge [sflag:s12], $0x78  }
0x1f9: {  	[sflag:s12] =	ssyncset.done $0x0  }
0x1fa: {  	[sflag:s12] =	ssyncadd.s32 $0xFFFFFF88  }
0x1fb: {  	_ =	swait.ge [sflag:s12], $0x78  }
0x1fc: {  	s5 =	smov.u32 s8;
	[sflag:s12] =	ssyncset.done $0x0  }
0x1fd: {  	s8 =	smov.u32 s16;
	s16 =	simm.s32 $0x78;
	[sflag:s12] =	ssyncadd.s32 $0xFFFFFF88  }
0x1fe: {  	[tilespmem:s6], [sflag:$0x3] =	stream.indirect.gather [hbm4b:s3+s16], $0x80, s2, s16, $0xb8;
	[tilespmem:$0x1F000] =	vst v63  }
0x1ff: {  	_ =	swait.ge [sflag:s17], $0xF400  }
0x200: {  	[sflag:s17] =	ssyncset.done $0x0  }
0x201: {  	[sflag:s17] =	ssyncadd.s32 $0xFFFF0C00  }
0x202: {  	[hbm4b:s8+s2] =	stream.linear.scatter [tilespmem:s15], [sflag:$0x6], $0xF400, $0x38;
	[tilespmem:$0x1F000] =	vst v63  }
0x203: {  	_ =	swait.ge [sflag:s9], $0x3C00  }
0x204: {  	[sflag:s9] =	ssyncset.done $0x0  }
0x205: {  	[sflag:s9] =	ssyncadd.s32 $0xFFFFC400  }
0x206: {  	[tilespmem:s6], [sflag:$0x3] =	stream.indirect.gather.add.f32 [hbm:s4], $0x80, s7, s16, $0xb8;
	[tilespmem:$0x1F000] =	vst v63  }
0x207: {  	_ =	swait.ge [sflag:s9], $0x3C00  }
0x208: {  	[sflag:s9] =	ssyncset.done $0x0  }
0x209: {  	p1 =	sne.s32 s1, $0x1;
	[sflag:s9] =	ssyncadd.s32 $0xFFFFC400  }
0x20a: {  	[hbm4b:s5+s2] =	stream.linear.scatter [tilespmem:s6], [sflag:$0x5], $0x3C00, $0x38;
	[tilespmem:$0x1F000] =	vst v63  }
.Ltmp2:
0x20b: {  	_ =	swait.ge [sflag:s11], $0xF400;
	(pc) =	sbr.rel @p1 .LBB2_2-.Ltmp2, $4  }
0x20c: {  	[sflag:s11] =	ssyncset.done $0x0  }
0x20d: {  	[sflag:s11] =	ssyncadd.s32 $0xFFFF0C00  }
0x20e: {  	_ =	swait.ge [sflag:s10], $0x3C00  }
0x20f: {  	s1 =	sadd.s32 $0xFFFFFFFF, s1;
	s0 =	rddreg [dreg:$0x5];
	[sflag:s10] =	ssyncset.done $0x0  }
.LBB2_3:
0x210: {  	[sflag:s10] =	ssyncadd.s32 @p0 $0xFFFFC400  }
0x211: {  	[tilespmem:s2], [sflag:$0x1] =	stream.linear.gather [hbm4b:s0+s2], $0x1E8, $0x38;
	[tilespmem:$0x1F000] =	vst v63  }
0x212: {  	s1 =	rddreg [dreg:$0x6]  }
0x213: {  	[tilespmem:s7], [sflag:$0x1] =	stream.linear.gather [hbm4b:s1+s2], $0x1E8, $0x38;
	[tilespmem:$0x1F000] =	vst v63  }
0x214: {  	_ =	swait.ge [sflag:s12], $0x1E8  }
0x215: {  	[sflag:s12] =	ssyncset.done $0x0  }
0x216: {  	[sflag:s12] =	ssyncadd.s32 $0xFFFFFE18  }
0x217: {  	_ =	swait.ge [sflag:s12], $0x1E8  }
0x218: {  	[sflag:s12] =	ssyncset.done $0x0  }
0x219: {  	[sflag:s12] =	ssyncadd.s32 $0xFFFFFE18  }
0x21a: {  	[tilespmem:s6], [sflag:$0x3] =	stream.indirect.gather [hbm4b:s3+s19], $0x80, s2, s19, $0xb8;
	[tilespmem:$0x1F000] =	vst v63  }
0x21b: {  	s0 =	rddreg [dreg:$0x7]  }
0x21c: {  	[tilespmem:s24], [sflag:$0x2] =	stream.linear.gather [hbm4b:s0+s2], $0x1E8, $0x38;
	[tilespmem:$0x1F000] =	vst v63  }
0x21d: {  	s1 =	rddreg [dreg:$0x8]  }
0x21e: {  	[tilespmem:s20], [sflag:$0x2] =	stream.linear.gather [hbm4b:s1+s2], $0x1E8, $0x38;
	[tilespmem:$0x1F000] =	vst v63  }
0x21f: {  	_ =	swait.ge [sflag:s9], $0xF400  }
0x220: {  	[sflag:s9] =	ssyncset.done $0x0  }
0x221: {  	[sflag:s9] =	ssyncadd.s32 $0xFFFF0C00  }
0x222: {  	[tilespmem:s6], [sflag:$0x3] =	stream.indirect.gather.add.f32 [hbm:s4], $0x80, s7, s19, $0xb8;
	[tilespmem:$0x1F000] =	vst v63  }
0x223: {  	_ =	swait.ge [sflag:s25], $0x1E8  }
0x224: {  	[sflag:s25] =	ssyncset.done $0x0  }
0x225: {  	[sflag:s25] =	ssyncadd.s32 $0xFFFFFE18  }
0x226: {  	_ =	swait.ge [sflag:s25], $0x1E8  }
0x227: {  	[sflag:s25] =	ssyncset.done $0x0  }
0x228: {  	[sflag:s25] =	ssyncadd.s32 $0xFFFFFE18  }
0x229: {  	[tilespmem:s15], [sflag:$0x4] =	stream.indirect.gather [hbm4b:s3+s19], $0x80, s24, s19, $0xb8;
	[tilespmem:$0x1F000] =	vst v63  }
0x22a: {  	_ =	swait.ge [sflag:s9], $0xF400  }
0x22b: {  	[sflag:s9] =	ssyncset.done $0x0  }
0x22c: {  	s0 =	rddreg [dreg:$0x9];
	[sflag:s9] =	ssyncadd.s32 $0xFFFF0C00  }
0x22d: {  	[tilespmem:s2], [sflag:$0x1] =	stream.linear.gather [hbm4b:s0+s2], $0x1E8, $0x38;
	[tilespmem:$0x1F000] =	vst v63  }
0x22e: {  	s1 =	rddreg [dreg:$0xa]  }
0x22f: {  	[tilespmem:s7], [sflag:$0x1] =	stream.linear.gather [hbm4b:s1+s2], $0x1E8, $0x38;
	[tilespmem:$0x1F000] =	vst v63  }
0x230: {  	s0 =	rddreg [dreg:$0xb]  }
0x231: {  	[hbm4b:s0+s2] =	stream.linear.scatter [tilespmem:s6], [sflag:$0x5], $0xF400, $0x38;
	[tilespmem:$0x1F000] =	vst v63  }
0x232: {  	_ =	swait.ge [sflag:s17], $0xF400  }
0x233: {  	[sflag:s17] =	ssyncset.done $0x0  }
0x234: {  	[sflag:s17] =	ssyncadd.s32 $0xFFFF0C00  }
0x235: {  	[tilespmem:s15], [sflag:$0x4] =	stream.indirect.gather.add.f32 [hbm:s4], $0x80, s20, s19, $0xb8;
	[tilespmem:$0x1F000] =	vst v63  }
0x236: {  	_ =	swait.ge [sflag:s10], $0xF400  }
0x237: {  	[sflag:s10] =	ssyncset.done $0x0  }
0x238: {  	[sflag:s10] =	ssyncadd.s32 $0xFFFF0C00  }
0x239: {  	_ =	swait.ge [sflag:s12], $0x1E8  }
0x23a: {  	[sflag:s12] =	ssyncset.done $0x0  }
0x23b: {  	[sflag:s12] =	ssyncadd.s32 $0xFFFFFE18  }
0x23c: {  	_ =	swait.ge [sflag:s12], $0x1E8  }
0x23d: {  	[sflag:s12] =	ssyncset.done $0x0  }
0x23e: {  	[sflag:s12] =	ssyncadd.s32 $0xFFFFFE18  }
0x23f: {  	[tilespmem:s6], [sflag:$0x3] =	stream.indirect.gather [hbm4b:s3+s19], $0x80, s2, s19, $0xb8;
	[tilespmem:$0x1F000] =	vst v63  }
0x240: {  	_ =	swait.ge [sflag:s17], $0xF400  }
0x241: {  	[sflag:s17] =	ssyncset.done $0x0  }
0x242: {  	s0 =	rddreg [dreg:$0xc];
	[sflag:s17] =	ssyncadd.s32 $0xFFFF0C00  }
0x243: {  	[tilespmem:s24], [sflag:$0x2] =	stream.linear.gather [hbm4b:s0+s2], $0x1E8, $0x38;
	[tilespmem:$0x1F000] =	vst v63  }
0x244: {  	s1 =	rddreg [dreg:$0xd]  }
0x245: {  	[tilespmem:s20], [sflag:$0x2] =	stream.linear.gather [hbm4b:s1+s2], $0x1E8, $0x38;
	[tilespmem:$0x1F000] =	vst v63  }
0x246: {  	s0 =	rddreg [dreg:$0xe]  }
0x247: {  	[hbm4b:s0+s2] =	stream.linear.scatter [tilespmem:s15], [sflag:$0x6], $0xF400, $0x38;
	[tilespmem:$0x1F000] =	vst v63  }
0x248: {  	_ =	swait.ge [sflag:s9], $0xF400  }
0x249: {  	[sflag:s9] =	ssyncset.done $0x0  }
0x24a: {  	[sflag:s9] =	ssyncadd.s32 $0xFFFF0C00  }
0x24b: {  	[tilespmem:s6], [sflag:$0x3] =	stream.indirect.gather.add.f32 [hbm:s4], $0x80, s7, s19, $0xb8;
	[tilespmem:$0x1F000] =	vst v63  }
0x24c: {  	_ =	swait.ge [sflag:s11], $0xF400  }
0x24d: {  	[sflag:s11] =	ssyncset.done $0x0  }
0x24e: {  	[sflag:s11] =	ssyncadd.s32 $0xFFFF0C00  }
0x24f: {  	_ =	swait.ge [sflag:s25], $0x1E8  }
0x250: {  	[sflag:s25] =	ssyncset.done $0x0  }
0x251: {  	[sflag:s25] =	ssyncadd.s32 $0xFFFFFE18  }
0x252: {  	_ =	swait.ge [sflag:s25], $0x1E8  }
0x253: {  	[sflag:s25] =	ssyncset.done $0x0  }
0x254: {  	[sflag:s25] =	ssyncadd.s32 $0xFFFFFE18  }
0x255: {  	[tilespmem:s15], [sflag:$0x4] =	stream.indirect.gather [hbm4b:s3+s19], $0x80, s24, s19, $0xb8;
	[tilespmem:$0x1F000] =	vst v63  }
0x256: {  	_ =	swait.ge [sflag:s9], $0xF400  }
0x257: {  	[sflag:s9] =	ssyncset.done $0x0  }
0x258: {  	s0 =	rddreg [dreg:$0xf];
	[sflag:s9] =	ssyncadd.s32 $0xFFFF0C00  }
0x259: {  	[tilespmem:s2], [sflag:$0x1] =	stream.linear.gather [hbm4b:s0+s2], $0x1E8, $0x38;
	[tilespmem:$0x1F000] =	vst v63  }
0x25a: {  	s1 =	rddreg [dreg:$0x10]  }
0x25b: {  	[tilespmem:s7], [sflag:$0x1] =	stream.linear.gather [hbm4b:s1+s2], $0x1E8, $0x38;
	[tilespmem:$0x1F000] =	vst v63  }
0x25c: {  	s0 =	rddreg [dreg:$0x11]  }
0x25d: {  	[hbm4b:s0+s2] =	stream.linear.scatter [tilespmem:s6], [sflag:$0x5], $0xF400, $0x38;
	[tilespmem:$0x1F000] =	vst v63  }
0x25e: {  	_ =	swait.ge [sflag:s17], $0xF400  }
0x25f: {  	[sflag:s17] =	ssyncset.done $0x0  }
0x260: {  	[sflag:s17] =	ssyncadd.s32 $0xFFFF0C00  }
0x261: {  	[tilespmem:s15], [sflag:$0x4] =	stream.indirect.gather.add.f32 [hbm:s4], $0x80, s20, s19, $0xb8;
	[tilespmem:$0x1F000] =	vst v63  }
0x262: {  	_ =	swait.ge [sflag:s10], $0xF400  }
0x263: {  	[sflag:s10] =	ssyncset.done $0x0  }
0x264: {  	[sflag:s10] =	ssyncadd.s32 $0xFFFF0C00  }
0x265: {  	_ =	swait.ge [sflag:s12], $0x1E8  }
0x266: {  	[sflag:s12] =	ssyncset.done $0x0  }
0x267: {  	[sflag:s12] =	ssyncadd.s32 $0xFFFFFE18  }
0x268: {  	_ =	swait.ge [sflag:s12], $0x1E8  }
0x269: {  	[sflag:s12] =	ssyncset.done $0x0  }
0x26a: {  	[sflag:s12] =	ssyncadd.s32 $0xFFFFFE18  }
0x26b: {  	[tilespmem:s6], [sflag:$0x3] =	stream.indirect.gather [hbm4b:s3+s19], $0x80, s2, s19, $0xb8;
	[tilespmem:$0x1F000] =	vst v63  }
0x26c: {  	_ =	swait.ge [sflag:s17], $0xF400  }
0x26d: {  	[sflag:s17] =	ssyncset.done $0x0  }
0x26e: {  	s0 =	rddreg [dreg:$0x12];
	[sflag:s17] =	ssyncadd.s32 $0xFFFF0C00  }
0x26f: {  	[tilespmem:s24], [sflag:$0x2] =	stream.linear.gather [hbm4b:s0+s2], $0x1E8, $0x38;
	[tilespmem:$0x1F000] =	vst v63  }
0x270: {  	s1 =	rddreg [dreg:$0x13]  }
0x271: {  	[tilespmem:s20], [sflag:$0x2] =	stream.linear.gather [hbm4b:s1+s2], $0x1E8, $0x38;
	[tilespmem:$0x1F000] =	vst v63  }
0x272: {  	s0 =	rddreg [dreg:$0x14]  }
0x273: {  	[hbm4b:s0+s2] =	stream.linear.scatter [tilespmem:s15], [sflag:$0x6], $0xF400, $0x38;
	[tilespmem:$0x1F000] =	vst v63  }
0x274: {  	_ =	swait.ge [sflag:s9], $0xF400  }
0x275: {  	[sflag:s9] =	ssyncset.done $0x0  }
0x276: {  	[sflag:s9] =	ssyncadd.s32 $0xFFFF0C00  }
0x277: {  	[tilespmem:s6], [sflag:$0x3] =	stream.indirect.gather.add.f32 [hbm:s4], $0x80, s7, s19, $0xb8;
	[tilespmem:$0x1F000] =	vst v63  }
0x278: {  	_ =	swait.ge [sflag:s11], $0xF400  }
0x279: {  	[sflag:s11] =	ssyncset.done $0x0  }
0x27a: {  	[sflag:s11] =	ssyncadd.s32 $0xFFFF0C00  }
0x27b: {  	_ =	swait.ge [sflag:s25], $0x1E8  }
0x27c: {  	[sflag:s25] =	ssyncset.done $0x0  }
0x27d: {  	[sflag:s25] =	ssyncadd.s32 $0xFFFFFE18  }
0x27e: {  	_ =	swait.ge [sflag:s25], $0x1E8  }
0x27f: {  	[sflag:s25] =	ssyncset.done $0x0  }
0x280: {  	[sflag:s25] =	ssyncadd.s32 $0xFFFFFE18  }
0x281: {  	[tilespmem:s15], [sflag:$0x4] =	stream.indirect.gather [hbm4b:s3+s19], $0x80, s24, s19, $0xb8;
	[tilespmem:$0x1F000] =	vst v63  }
0x282: {  	_ =	swait.ge [sflag:s9], $0xF400  }
0x283: {  	[sflag:s9] =	ssyncset.done $0x0  }
0x284: {  	s0 =	rddreg [dreg:$0x15];
	[sflag:s9] =	ssyncadd.s32 $0xFFFF0C00  }
0x285: {  	[tilespmem:s2], [sflag:$0x1] =	stream.linear.gather [hbm4b:s0+s2], $0x1E8, $0x38;
	[tilespmem:$0x1F000] =	vst v63  }
0x286: {  	s1 =	rddreg [dreg:$0x16]  }
0x287: {  	[tilespmem:s7], [sflag:$0x1] =	stream.linear.gather [hbm4b:s1+s2], $0x1E8, $0x38;
	[tilespmem:$0x1F000] =	vst v63  }
0x288: {  	s0 =	rddreg [dreg:$0x17]  }
0x289: {  	[hbm4b:s0+s2] =	stream.linear.scatter [tilespmem:s6], [sflag:$0x5], $0xF400, $0x38;
	[tilespmem:$0x1F000] =	vst v63  }
0x28a: {  	_ =	swait.ge [sflag:s17], $0xF400  }
0x28b: {  	[sflag:s17] =	ssyncset.done $0x0  }
0x28c: {  	[sflag:s17] =	ssyncadd.s32 $0xFFFF0C00  }
0x28d: {  	[tilespmem:s15], [sflag:$0x4] =	stream.indirect.gather.add.f32 [hbm:s4], $0x80, s20, s19, $0xb8;
	[tilespmem:$0x1F000] =	vst v63  }
0x28e: {  	_ =	swait.ge [sflag:s10], $0xF400  }
0x28f: {  	[sflag:s10] =	ssyncset.done $0x0  }
0x290: {  	[sflag:s10] =	ssyncadd.s32 $0xFFFF0C00  }
0x291: {  	_ =	swait.ge [sflag:s12], $0x1E8  }
0x292: {  	[sflag:s12] =	ssyncset.done $0x0  }
0x293: {  	[sflag:s12] =	ssyncadd.s32 $0xFFFFFE18  }
0x294: {  	_ =	swait.ge [sflag:s12], $0x1E8  }
0x295: {  	[sflag:s12] =	ssyncset.done $0x0  }
0x296: {  	[sflag:s12] =	ssyncadd.s32 $0xFFFFFE18  }
0x297: {  	[tilespmem:s6], [sflag:$0x3] =	stream.indirect.gather [hbm4b:s3+s19], $0x80, s2, s19, $0xb8;
	[tilespmem:$0x1F000] =	vst v63  }
0x298: {  	_ =	swait.ge [sflag:s17], $0xF400  }
0x299: {  	[sflag:s17] =	ssyncset.done $0x0  }
0x29a: {  	s1 =	rddreg [dreg:$0x18];
	[sflag:s17] =	ssyncadd.s32 $0xFFFF0C00  }
0x29b: {  	[tilespmem:s24], [sflag:$0x2] =	stream.linear.gather [hbm4b:s1+s2], $0x1E8, $0x38;
	[tilespmem:$0x1F000] =	vst v63  }
0x29c: {  	_ = 	snop  }
0x29d: {  	[tilespmem:s20], [sflag:$0x2] =	stream.linear.gather [hbm4b:s30+s2], $0x1E8, $0x38;
	[tilespmem:$0x1F000] =	vst v63  }
0x29e: {  	_ = 	snop  }
0x29f: {  	[hbm4b:s31+s2] =	stream.linear.scatter [tilespmem:s15], [sflag:$0x6], $0xF400, $0x38;
	[tilespmem:$0x1F000] =	vst v63  }
0x2a0: {  	_ =	swait.ge [sflag:s9], $0xF400  }
0x2a1: {  	[sflag:s9] =	ssyncset.done $0x0  }
0x2a2: {  	[sflag:s9] =	ssyncadd.s32 $0xFFFF0C00  }
0x2a3: {  	[tilespmem:s6], [sflag:$0x3] =	stream.indirect.gather.add.f32 [hbm:s4], $0x80, s7, s19, $0xb8;
	[tilespmem:$0x1F000] =	vst v63  }
0x2a4: {  	_ =	swait.ge [sflag:s11], $0xF400  }
0x2a5: {  	[sflag:s11] =	ssyncset.done $0x0  }
0x2a6: {  	[sflag:s11] =	ssyncadd.s32 $0xFFFF0C00  }
0x2a7: {  	_ =	swait.ge [sflag:s25], $0x1E8  }
0x2a8: {  	[sflag:s25] =	ssyncset.done $0x0  }
0x2a9: {  	[sflag:s25] =	ssyncadd.s32 $0xFFFFFE18  }
0x2aa: {  	_ =	swait.ge [sflag:s25], $0x1E8  }
0x2ab: {  	[sflag:s25] =	ssyncset.done $0x0  }
0x2ac: {  	[sflag:s25] =	ssyncadd.s32 $0xFFFFFE18  }
0x2ad: {  	[tilespmem:s15], [sflag:$0x4] =	stream.indirect.gather [hbm4b:s3+s19], $0x80, s24, s19, $0xb8;
	[tilespmem:$0x1F000] =	vst v63  }
0x2ae: {  	_ =	swait.ge [sflag:s9], $0xF400  }
0x2af: {  	[sflag:s9] =	ssyncset.done $0x0  }
0x2b0: {  	[sflag:s9] =	ssyncadd.s32 $0xFFFF0C00  }
0x2b1: {  	[tilespmem:s2], [sflag:$0x1] =	stream.linear.gather [hbm4b:s26+s2], $0x1E8, $0x38;
	[tilespmem:$0x1F000] =	vst v63  }
0x2b2: {  	_ = 	snop  }
0x2b3: {  	[tilespmem:s7], [sflag:$0x1] =	stream.linear.gather [hbm4b:s28+s2], $0x1E8, $0x38;
	[tilespmem:$0x1F000] =	vst v63  }
0x2b4: {  	_ = 	snop  }
0x2b5: {  	[hbm4b:s29+s2] =	stream.linear.scatter [tilespmem:s6], [sflag:$0x5], $0xF400, $0x38;
	[tilespmem:$0x1F000] =	vst v63  }
0x2b6: {  	_ =	swait.ge [sflag:s17], $0xF400  }
0x2b7: {  	[sflag:s17] =	ssyncset.done $0x0  }
0x2b8: {  	[sflag:s17] =	ssyncadd.s32 $0xFFFF0C00  }
0x2b9: {  	[tilespmem:s15], [sflag:$0x4] =	stream.indirect.gather.add.f32 [hbm:s4], $0x80, s20, s19, $0xb8;
	[tilespmem:$0x1F000] =	vst v63  }
0x2ba: {  	_ =	swait.ge [sflag:s10], $0xF400  }
0x2bb: {  	[sflag:s10] =	ssyncset.done $0x0  }
0x2bc: {  	[sflag:s10] =	ssyncadd.s32 $0xFFFF0C00  }
0x2bd: {  	_ =	swait.ge [sflag:s12], $0x1E8  }
0x2be: {  	[sflag:s12] =	ssyncset.done $0x0  }
0x2bf: {  	[sflag:s12] =	ssyncadd.s32 $0xFFFFFE18  }
0x2c0: {  	_ =	swait.ge [sflag:s12], $0x1E8  }
0x2c1: {  	[sflag:s12] =	ssyncset.done $0x0  }
0x2c2: {  	[sflag:s12] =	ssyncadd.s32 $0xFFFFFE18  }
0x2c3: {  	[tilespmem:s6], [sflag:$0x3] =	stream.indirect.gather [hbm4b:s3+s19], $0x80, s2, s19, $0xb8;
	[tilespmem:$0x1F000] =	vst v63  }
0x2c4: {  	_ =	swait.ge [sflag:s17], $0xF400  }
0x2c5: {  	[sflag:s17] =	ssyncset.done $0x0  }
0x2c6: {  	[sflag:s17] =	ssyncadd.s32 $0xFFFF0C00  }
0x2c7: {  	[tilespmem:s24], [sflag:$0x2] =	stream.linear.gather [hbm4b:s21+s2], $0x1E8, $0x38;
	[tilespmem:$0x1F000] =	vst v63  }
0x2c8: {  	_ = 	snop  }
0x2c9: {  	[tilespmem:s20], [sflag:$0x2] =	stream.linear.gather [hbm4b:s22+s2], $0x1E8, $0x38;
	[tilespmem:$0x1F000] =	vst v63  }
0x2ca: {  	_ = 	snop  }
0x2cb: {  	[hbm4b:s23+s2] =	stream.linear.scatter [tilespmem:s15], [sflag:$0x6], $0xF400, $0x38;
	[tilespmem:$0x1F000] =	vst v63  }
0x2cc: {  	_ =	swait.ge [sflag:s9], $0xF400  }
0x2cd: {  	[sflag:s9] =	ssyncset.done $0x0  }
0x2ce: {  	[sflag:s9] =	ssyncadd.s32 $0xFFFF0C00  }
0x2cf: {  	[tilespmem:s6], [sflag:$0x3] =	stream.indirect.gather.add.f32 [hbm:s4], $0x80, s7, s19, $0xb8;
	[tilespmem:$0x1F000] =	vst v63  }
0x2d0: {  	_ =	swait.ge [sflag:s11], $0xF400  }
0x2d1: {  	[sflag:s11] =	ssyncset.done $0x0  }
0x2d2: {  	[sflag:s11] =	ssyncadd.s32 $0xFFFF0C00  }
0x2d3: {  	_ =	swait.ge [sflag:s25], $0x1E8  }
0x2d4: {  	[sflag:s25] =	ssyncset.done $0x0  }
0x2d5: {  	[sflag:s25] =	ssyncadd.s32 $0xFFFFFE18  }
0x2d6: {  	_ =	swait.ge [sflag:s25], $0x1E8  }
0x2d7: {  	[sflag:s25] =	ssyncset.done $0x0  }
0x2d8: {  	[sflag:s25] =	ssyncadd.s32 $0xFFFFFE18  }
0x2d9: {  	[tilespmem:s15], [sflag:$0x4] =	stream.indirect.gather [hbm4b:s3+s19], $0x80, s24, s19, $0xb8;
	[tilespmem:$0x1F000] =	vst v63  }
0x2da: {  	_ =	swait.ge [sflag:s9], $0xF400  }
0x2db: {  	[sflag:s9] =	ssyncset.done $0x0  }
0x2dc: {  	[sflag:s9] =	ssyncadd.s32 $0xFFFF0C00  }
0x2dd: {  	[tilespmem:s2], [sflag:$0x1] =	stream.linear.gather [hbm4b:s13+s2], $0x78, $0x38;
	[tilespmem:$0x1F000] =	vst v63  }
0x2de: {  	_ = 	snop  }
0x2df: {  	[tilespmem:s7], [sflag:$0x1] =	stream.linear.gather [hbm4b:s14+s2], $0x78, $0x38;
	[tilespmem:$0x1F000] =	vst v63  }
0x2e0: {  	_ = 	snop  }
0x2e1: {  	[hbm4b:s18+s2] =	stream.linear.scatter [tilespmem:s6], [sflag:$0x5], $0xF400, $0x38;
	[tilespmem:$0x1F000] =	vst v63  }
0x2e2: {  	_ =	swait.ge [sflag:s17], $0xF400  }
0x2e3: {  	[sflag:s17] =	ssyncset.done $0x0  }
0x2e4: {  	[sflag:s17] =	ssyncadd.s32 $0xFFFF0C00  }
0x2e5: {  	[tilespmem:s15], [sflag:$0x4] =	stream.indirect.gather.add.f32 [hbm:s4], $0x80, s20, s19, $0xb8;
	[tilespmem:$0x1F000] =	vst v63  }
0x2e6: {  	_ =	swait.ge [sflag:s10], $0xF400  }
0x2e7: {  	[sflag:s10] =	ssyncset.done $0x0  }
0x2e8: {  	[sflag:s10] =	ssyncadd.s32 $0xFFFF0C00  }
0x2e9: {  	_ =	swait.ge [sflag:s12], $0x78  }
0x2ea: {  	[sflag:s12] =	ssyncset.done $0x0  }
0x2eb: {  	[sflag:s12] =	ssyncadd.s32 $0xFFFFFF88  }
0x2ec: {  	_ =	swait.ge [sflag:s12], $0x78  }
0x2ed: {  	[sflag:s12] =	ssyncset.done $0x0  }
0x2ee: {  	[sflag:s12] =	ssyncadd.s32 $0xFFFFFF88  }
0x2ef: {  	[tilespmem:s6], [sflag:$0x3] =	stream.indirect.gather [hbm4b:s3+s16], $0x80, s2, s16, $0xb8;
	[tilespmem:$0x1F000] =	vst v63  }
0x2f0: {  	_ =	swait.ge [sflag:s17], $0xF400  }
0x2f1: {  	[sflag:s17] =	ssyncset.done $0x0  }
0x2f2: {  	[sflag:s17] =	ssyncadd.s32 $0xFFFF0C00  }
0x2f3: {  	[hbm4b:s8+s2] =	stream.linear.scatter [tilespmem:s15], [sflag:$0x6], $0xF400, $0x38;
	[tilespmem:$0x1F000] =	vst v63  }
0x2f4: {  	_ =	swait.ge [sflag:s9], $0x3C00  }
0x2f5: {  	[sflag:s9] =	ssyncset.done $0x0  }
0x2f6: {  	[sflag:s9] =	ssyncadd.s32 $0xFFFFC400  }
0x2f7: {  	[tilespmem:s6], [sflag:$0x3] =	stream.indirect.gather.add.f32 [hbm:s4], $0x80, s7, s16, $0xb8;
	[tilespmem:$0x1F000] =	vst v63  }
0x2f8: {  	_ =	swait.ge [sflag:s9], $0x3C00  }
0x2f9: {  	[sflag:s9] =	ssyncset.done $0x0  }
0x2fa: {  	[sflag:s9] =	ssyncadd.s32 $0xFFFFC400  }
0x2fb: {  	[hbm4b:s5+s2] =	stream.linear.scatter [tilespmem:s6], [sflag:$0x5], $0x3C00, $0x38;
	[tilespmem:$0x1F000] =	vst v63  }
0x2fc: {  	_ =	swait.ge [sflag:s11], $0xF400  }
0x2fd: {  	[sflag:s11] =	ssyncset.done $0x0  }
0x2fe: {  	[sflag:s11] =	ssyncadd.s32 $0xFFFF0C00  }
0x2ff: {  	_ =	swait.ge [sflag:s10], $0x3C00  }
0x300: {  	[sflag:s10] =	ssyncset.done $0x0  }
0x301: {  	[sflag:s10] =	ssyncadd.s32 $0xFFFFC400  }
0x302: {  	_ =	sfence.sel $0x180000  }
0x303: {  	[bflag:$0x0] =	sbarrier.arrive $0xFFFF  }
0x304: {  	_ =	strace $0x90000047  }
0x305: {  	s31 =	stileid.u32;
	[bflag:$0x2] =	sbarrier.arrive $0xFFFF  }
0x306: {  	p0 =	sne.s32 s31, $0x0;
	s0 =	rddreg [dreg:$0x4]  }
0x307: {  	s0 =	sadd.s32 @!p0 $0x100000, s0  }
0x308: {  	[sflag:s0] =	ssyncadd.tile.s32 @!p0 $0x1;
	_ =	shalt  }
.Lfunc_end2:
_tile_overlayer_lowered:
.L_overlay_start_2:
0x309: {  	(tag) =	ssettag $0x2  }
0x30a: {  	s0 =	rddreg [dreg:$0x0];
	s2 =	stileid.u32  }
0x30b: {  	s1 =	rddreg [dreg:$0x1];
	p0 =	sne.s32 s2, $0x0  }
0x30c: {  	s3 =	rddreg [dreg:$0x2];
	[bflag:$0x3] =	sbarrier.arrive $0xFFFF;
	s2 =	simm.s32 @!p0 $0x1C07  }
0x30d: {  	[timem:s3], [sflag:s2] =	dma.local @!p0 [hbm:s0], s1  }
0x30e: {  	s0 =	simm.s32 @!p0 $0x7  }
0x30f: {  	_ =	swait.ge @!p0 [sflag:s0], s1  }
0x310: {  	s1 =	ssub.s32 @!p0 $0x0, s1;
	[sflag:s0] =	ssyncset.done @!p0 $0x0  }
0x311: {  	[sflag:s0] =	ssyncadd.s32 @!p0 s1  }
0x312: {  	[bflag:$0x3] =	sbarrier.arrive $0xFFFF  }
0x313: {  	_ =	shalt  }

</sc_bundles>
